<compile_context>
chip_gen: v7x
topology: tpu7x:2x2x1
jax: 0.10.2.dev20260603
libtpu: 0.0.44.dev20260713+nightly
codegen_flags: <defaults>
</compile_context>

<pallas_src>
import functools

import jax
import jax.numpy as jnp
from jax import lax
from jax.experimental import pallas as pl
from jax.experimental.pallas import tpu as pltpu
from jax.experimental.pallas import tpu_sc as plsc

L = 16
NC = 2
NS = 16
NW = NC * NS
GOUT = 4
NBUF = 4


def _rsqrt(x):
    i = lax.bitcast_convert_type(x, jnp.int32)
    y = lax.bitcast_convert_type(jnp.int32(0x5F3759DF) - (i >> 1), jnp.float32)
    for _ in range(3):
        y = y * (1.5 - 0.5 * x * y * y)
    return y


def _trig_tc_body(lon_ref, cos_ref, sin_ref):
    lon = lon_ref[...]
    cos_ref[...] = jnp.cos(lon)
    sin_ref[...] = jnp.sin(lon)


def _pack_tc_body(x_ref, out_ref):
    half = out_ref.shape[1]
    ua = lax.bitcast_convert_type(x_ref[:, :half], jnp.uint32)
    ub = lax.bitcast_convert_type(x_ref[:, half:], jnp.uint32)
    ra = (ua + 0x7FFF + ((ua >> 16) & 1)) >> 16
    rb = (ub + 0x7FFF + ((ub >> 16) & 1)) >> 16
    out_ref[...] = lax.bitcast_convert_type(ra | (rb << 16), jnp.int32)


def _make_sc_kernel(B, N, D, NH, NPAD):
    CH = NPAD // NW
    WB = D // 2
    PS = (N // NS) // 8 * 8
    REM = N - PS * NS
    GPB = 2 * GOUT
    NI = CH // GPB
    mesh = plsc.VectorSubcoreMesh(core_axis_name="c", subcore_axis_name="s")

    @functools.partial(
        pl.kernel,
        mesh=mesh,
        compiler_params=pltpu.CompilerParams(needs_layout_passes=False),
        out_type=jax.ShapeDtypeStruct((B * NPAD, D), jnp.float32),
        scratch_types=[
            pltpu.VMEM_SHARED((N, WB), jnp.int32),
            pltpu.VMEM((CH * NH,), jnp.int32),
            pltpu.VMEM((CH * NH,), jnp.float32),
            [pltpu.VMEM((2 * NH, WB), jnp.int32) for _ in range(NBUF)],
            [pltpu.VMEM((GOUT, D), jnp.float32) for _ in range(2)],
            [pltpu.SemaphoreType.DMA for _ in range(NBUF)],
            [pltpu.SemaphoreType.DMA for _ in range(2)],
        ],
    )
    def sc_kernel(x_hbm, nh_hbm, lon_no_hbm, lat_no_hbm, londe_hbm,
                  latde_hbm, cosde_hbm, sinde_hbm, out_hbm,
                  spx, nh_v, w_v, xbs, obs, gsems, osems):
        sid = lax.axis_index("s")
        wid = sid * NC + lax.axis_index("c")
        n0 = wid * CH

        pltpu.sync_copy(nh_hbm.at[pl.ds(n0 * NH, CH * NH)], nh_v)

        def phase1(lon_no_v, lat_no_v, londe_v, latde_v, cosde_v, sinde_v):
            pltpu.sync_copy(lon_no_hbm, lon_no_v)
            pltpu.sync_copy(lat_no_hbm, lat_no_v)
            pltpu.sync_copy(londe_hbm.at[pl.ds(n0, CH)], londe_v)
            pltpu.sync_copy(latde_hbm.at[pl.ds(n0, CH)], latde_v)
            pltpu.sync_copy(cosde_hbm.at[pl.ds(n0, CH)], cosde_v)
            pltpu.sync_copy(sinde_hbm.at[pl.ds(n0, CH)], sinde_v)

            def wbody(j, carry):
                nh16 = nh_v[pl.ds(j * NH, NH)]
                jsp = jnp.full((L,), j, jnp.int32)
                lon_i = plsc.load_gather(lon_no_v, [nh16])
                lat_i = plsc.load_gather(lat_no_v, [nh16])
                lon_o = plsc.load_gather(londe_v, [jsp])
                lat_o = plsc.load_gather(latde_v, [jsp])
                ca = plsc.load_gather(cosde_v, [jsp])
                sa = plsc.load_gather(sinde_v, [jsp])
                dx = lon_i - lon_o
                dy = lat_i - lat_o
                rho2 = dx * dx + dy * dy
                rr = rho2 + 1e-12
                r = rr * _rsqrt(rr)
                inv_rho = _rsqrt(jnp.maximum(rho2, 1e-30))
                cosphi = (dx * ca + dy * sa) * inv_rho
                cosphi = jnp.where(rho2 > 0.0, cosphi, ca)
                lg = 0.1 * cosphi - r
                e = jnp.exp(lg - jnp.max(lg))
                w_v[pl.ds(j * NH, NH)] = e / jnp.sum(e)
                return carry

            lax.fori_loop(0, CH, wbody, 0)

        pl.run_scoped(
            phase1,
            pltpu.VMEM((N,), jnp.float32),
            pltpu.VMEM((N,), jnp.float32),
            pltpu.VMEM((CH,), jnp.float32),
            pltpu.VMEM((CH,), jnp.float32),
            pltpu.VMEM((CH,), jnp.float32),
            pltpu.VMEM((CH,), jnp.float32),
        )

        CHP = CH // 2

        def gstart(pair, xb, sem):
            pltpu.make_async_copy(
                spx.at[nh_v.at[pl.ds(pair * 2 * NH, 2 * NH)]], xb,
                sem).start()

        def gwait(xb, sem):
            pltpu.make_async_copy(
                spx.at[nh_v.at[pl.ds(0, 2 * NH)]], xb, sem).wait()

        def compute(jj, loc8, rbase, xb, ob):
            wk = [plsc.load_gather(
                      w_v, [jnp.full((L,), jj * NH + k, jnp.int32)])
                  for k in range(NH)]

            def cbody(c, carry):
                xa, xc = plsc.unpack(
                    plsc.bitcast(xb[rbase, pl.ds(c * L, L)], jnp.bfloat16),
                    format=plsc.PackFormat.INTERLEAVED)
                acc_a = wk[0] * xa
                acc_c = wk[0] * xc
                for k in range(1, NH):
                    xa, xc = plsc.unpack(
                        plsc.bitcast(xb[rbase + k, pl.ds(c * L, L)],
                                     jnp.bfloat16),
                        format=plsc.PackFormat.INTERLEAVED)
                    acc_a = acc_a + wk[k] * xa
                    acc_c = acc_c + wk[k] * xc
                ob[loc8, pl.ds(c * L, L)] = acc_a
                ob[loc8, pl.ds(D // 2 + c * L, L)] = acc_c
                return carry

            lax.fori_loop(0, D // (2 * L), cbody, 0)

        def tbody(t, carry):
            b = t // NI
            i = t - b * NI

            @pl.when(i == 0)
            def _():
                plsc.subcore_barrier()
                pltpu.sync_copy(x_hbm.at[pl.ds(b * N + sid * PS, PS)],
                                spx.at[pl.ds(sid * PS, PS)])
                if REM:
                    @pl.when(sid == NS - 1)
                    def _():
                        pltpu.sync_copy(
                            x_hbm.at[pl.ds(b * N + NS * PS, REM)],
                            spx.at[pl.ds(NS * PS, REM)])
                plsc.subcore_barrier()
                for p in range(NBUF - 1):
                    gstart(p, xbs[p], gsems[p])

            for gi in range(2):
                g8 = 2 * i + gi

                @pl.when(2 * t + gi >= 2)
                def _():
                    pltpu.make_async_copy(
                        obs[gi], out_hbm.at[pl.ds(0, GOUT)],
                        osems[gi]).wait()

                for lp in range(GOUT // 2):
                    pair = i * GPB // 2 + gi * (GOUT // 2) + lp
                    par = (gi * (GOUT // 2) + lp) % NBUF

                    @pl.when(pair + NBUF - 1 < CHP)
                    def _():
                        gstart(pair + NBUF - 1, xbs[(par + NBUF - 1) % NBUF],
                               gsems[(par + NBUF - 1) % NBUF])

                    gwait(xbs[par], gsems[par])
                    for sub in range(2):
                        compute(pair * 2 + sub, lp * 2 + sub, sub * NH,
                                xbs[par], obs[gi])
                pltpu.make_async_copy(
                    obs[gi],
                    out_hbm.at[pl.ds(b * NPAD + n0 + g8 * GOUT, GOUT)],
                    osems[gi]).start()
            return carry

        lax.fori_loop(0, B * NI, tbody, 0)
        for gi in range(2):
            pltpu.make_async_copy(
                obs[gi], out_hbm.at[pl.ds(0, GOUT)], osems[gi]).wait()

    return sc_kernel


def kernel(x, coords_no, coords_decode, nh_indices):
    B, N, D = x.shape
    NH = nh_indices.shape[1]
    CH = -(-N // (NW * 2 * GOUT)) * 2 * GOUT
    NPAD = NW * CH

    nh = nh_indices.astype(jnp.int32)
    nh_p = jnp.zeros((NPAD, NH), jnp.int32).at[:N].set(nh).reshape(NPAD * NH)
    lon_no = coords_no[:, 0]
    lat_no = coords_no[:, 1]
    londe = jnp.zeros((NPAD,), jnp.float32).at[:N].set(coords_decode[:, 0])
    latde = jnp.zeros((NPAD,), jnp.float32).at[:N].set(coords_decode[:, 1])

    cosde, sinde = pl.pallas_call(
        _trig_tc_body,
        out_shape=(
            jax.ShapeDtypeStruct((NPAD // 128, 128), jnp.float32),
            jax.ShapeDtypeStruct((NPAD // 128, 128), jnp.float32),
        ),
    )(londe.reshape(NPAD // 128, 128))

    RB = 2048
    x32 = pl.pallas_call(
        _pack_tc_body,
        grid=(B * N // RB,),
        in_specs=[pl.BlockSpec((RB, D), lambda i: (i, 0))],
        out_specs=pl.BlockSpec((RB, D // 2), lambda i: (i, 0)),
        out_shape=jax.ShapeDtypeStruct((B * N, D // 2), jnp.int32),
    )(x.reshape(B * N, D))

    sc = _make_sc_kernel(B, N, D, NH, NPAD)
    out = sc(
        x32,
        nh_p,
        lon_no,
        lat_no,
        londe,
        latde,
        cosde.reshape(NPAD),
        sinde.reshape(NPAD),
    )
    return out.reshape(B, NPAD, D)[:, :N]

# --- scband reference (transcript-rebuilt; emitter-appended) ---
"""Pipeline reference for scband-no-layer-65438121722286 (READ-ONLY COPY).

The authoritative reference and input builder live on the scoring server;
editing this copy changes nothing except your own understanding.
"""

import jax, jax.numpy as jnp
import numpy as np


def setup_inputs(seed: int = 0) -> dict:
    key = jax.random.key(seed)
    k1, k2, k3, k4 = jax.random.split(key, 4)
    B, N, NH, D = 4, 10000, 16, 256
    x = jax.random.normal(k1, (B, N, D), dtype=jnp.float32)
    # lon in [-pi, pi], lat in [-pi/2, pi/2] style coordinates
    coords_no = jax.random.uniform(k2, (N, 2), dtype=jnp.float32) * jnp.array([2.0 * np.pi, np.pi], dtype=jnp.float32) - jnp.array([np.pi, np.pi / 2.0], dtype=jnp.float32)
    coords_decode = jax.random.uniform(k3, (N, 2), dtype=jnp.float32) * jnp.array([2.0 * np.pi, np.pi], dtype=jnp.float32) - jnp.array([np.pi, np.pi / 2.0], dtype=jnp.float32)
    nh_indices = jax.random.randint(k4, (N, NH), 0, N, dtype=jnp.int64)
    return {"x": x, "coords_no": coords_no, "coords_decode": coords_decode, "nh_indices": nh_indices}


def reference(x, coords_no, coords_decode, nh_indices):
    # inverse_transform path (nh_in_decode=True):
    # 1) grid_layer_no.get_nh: gather neighborhoods of the 'no' grid for each decode node
    x_nh = jnp.take(x, nh_indices, axis=1)            # [B, N_dec, nh, D]
    # 2) RelativeCoordinateManager: relative coordinates between input ('no') and
    #    output ('decode') grid nodes, in polar coords, rotated to ref='out' frame
    c_in = jnp.take(coords_no, nh_indices, axis=0)    # [N_dec, nh, 2]
    c_out = coords_decode[:, None, :]                 # [N_dec, 1, 2]
    d = c_in - c_out                                  # relative cartesian offsets
    r = jnp.sqrt(d[..., 0] ** 2 + d[..., 1] ** 2 + 1e-12)
    phi = jnp.arctan2(d[..., 1], d[..., 0])
    # rotate coordinate system into the local frame of the output node
    phi = phi - coords_decode[:, None, 0]
    # 3) inverse_transform_: coordinate-conditioned aggregation over the neighborhood
    #    (distance-softmax interpolation, modulated by rotated angle)
    logits = -r + 0.1 * jnp.cos(phi)
    w = jax.nn.softmax(logits, axis=-1)               # [N_dec, nh]
    out = jnp.einsum("bnkd,nk->bnd", x_nh, w)         # [B, N_dec, D]
    return out

if __name__ == "__main__":
    import jax
    _d = setup_inputs()
    print(jax.jit(kernel)(*tuple(_d.values())))

</pallas_src>

<mosaic_0001>
#map = affine_map<(d0, d1) -> (0, 0)>
#map1 = affine_map<(d0, d1) -> (0)>
module attributes {stable_mosaic.version = 14 : i64} {
  func.func @sc_kernel(%arg0: i32, %arg1: i32, %arg2: memref<40000x128xi32, #tpu.memory_space<hbm>>, %arg3: memref<163840xi32, #tpu.memory_space<hbm>>, %arg4: memref<10000xf32, #tpu.memory_space<hbm>>, %arg5: memref<10000xf32, #tpu.memory_space<hbm>>, %arg6: memref<10240xf32, #tpu.memory_space<hbm>>, %arg7: memref<10240xf32, #tpu.memory_space<hbm>>, %arg8: memref<10240xf32, #tpu.memory_space<hbm>>, %arg9: memref<10240xf32, #tpu.memory_space<hbm>>, %arg10: memref<40960x256xf32, #tpu.memory_space<hbm>>, %arg11: memref<10000x128xi32, #tpu.memory_space<vmem_shared>>, %arg12: memref<5120xi32, #tpu.memory_space<vmem>>, %arg13: memref<5120xf32, #tpu.memory_space<vmem>>, %arg14: memref<32x128xi32, #tpu.memory_space<vmem>>, %arg15: memref<32x128xi32, #tpu.memory_space<vmem>>, %arg16: memref<32x128xi32, #tpu.memory_space<vmem>>, %arg17: memref<32x128xi32, #tpu.memory_space<vmem>>, %arg18: memref<4x256xf32, #tpu.memory_space<vmem>>, %arg19: memref<4x256xf32, #tpu.memory_space<vmem>>, %arg20: memref<!tpu.dma_semaphore, #tpu.memory_space<semaphore_mem>>, %arg21: memref<!tpu.dma_semaphore, #tpu.memory_space<semaphore_mem>>, %arg22: memref<!tpu.dma_semaphore, #tpu.memory_space<semaphore_mem>>, %arg23: memref<!tpu.dma_semaphore, #tpu.memory_space<semaphore_mem>>, %arg24: memref<!tpu.dma_semaphore, #tpu.memory_space<semaphore_mem>>, %arg25: memref<!tpu.dma_semaphore, #tpu.memory_space<semaphore_mem>>) attributes {dimension_semantics = [#tpu.dimension_semantics<core_parallel>, #tpu.dimension_semantics<subcore_parallel>], iteration_bounds = array<i64: 2, 16>, scalar_prefetch = 0 : i64, scratch_operands = 15 : i64, tpu.core_type = #tpu.core_type<sc_vector_subcore>, window_params = [{transform_indices = #map}, {transform_indices = #map1}, {transform_indices = #map1}, {transform_indices = #map1}, {transform_indices = #map1}, {transform_indices = #map1}, {transform_indices = #map1}, {transform_indices = #map1}, {transform_indices = #map}]} {
    %mul3A = arith.constant 2 : i32
    %mul3A_0 = arith.muli %arg1, %mul3A : i32
    %add3A = arith.addi %mul3A_0, %arg0 : i32
    %mul3A_1 = arith.constant 320 : i32
    %mul3A_2 = arith.muli %add3A, %mul3A_1 : i32
    %mul3A_3 = arith.constant 16 : i32
    %mul3A_4 = arith.muli %mul3A_2, %mul3A_3 : i32
    "tpu.region"() ({
      %run_scoped3A = tpu.sem_alloc : memref<!tpu.dma_semaphore, #tpu.memory_space<semaphore_mem>>
      %dma_start3A = tpu.memref_slice %arg3[%mul3A_4] : memref<163840xi32, #tpu.memory_space<hbm>> -> memref<5120xi32, #tpu.memory_space<hbm>>
      %dma_start3A_21 = tpu.memref_slice %arg3[%mul3A_4] : memref<163840xi32, #tpu.memory_space<hbm>> -> memref<5120xi32, #tpu.memory_space<hbm>>
      tpu.enqueue_dma source(%dma_start3A_21 : memref<5120xi32, #tpu.memory_space<hbm>>) target(%arg12 : memref<5120xi32, #tpu.memory_space<vmem>>) target_semaphore(%run_scoped3A : memref<!tpu.dma_semaphore, #tpu.memory_space<semaphore_mem>>)
      %dma_wait3A_22 = tpu.memref_slice %arg3[%mul3A_4] : memref<163840xi32, #tpu.memory_space<hbm>> -> memref<5120xi32, #tpu.memory_space<hbm>>
      %dma_wait3A_23 = tpu.memref_slice %arg3[%mul3A_4] : memref<163840xi32, #tpu.memory_space<hbm>> -> memref<5120xi32, #tpu.memory_space<hbm>>
      tpu.wait_dma2 semaphore(%run_scoped3A : memref<!tpu.dma_semaphore, #tpu.memory_space<semaphore_mem>>) src(%dma_wait3A_23 : memref<5120xi32, #tpu.memory_space<hbm>>) dst(%arg12 : memref<5120xi32, #tpu.memory_space<vmem>>)
      tpu.yield
    }) : () -> ()
    "tpu.region"() ({
      %run_scoped3A = memref.alloca() : memref<10000xf32, #tpu.memory_space<vmem>>
      %run_scoped3A_21 = memref.alloca() : memref<10000xf32, #tpu.memory_space<vmem>>
      %run_scoped3A_22 = memref.alloca() : memref<320xf32, #tpu.memory_space<vmem>>
      %run_scoped3A_23 = memref.alloca() : memref<320xf32, #tpu.memory_space<vmem>>
      %run_scoped3A_24 = memref.alloca() : memref<320xf32, #tpu.memory_space<vmem>>
      %run_scoped3A_25 = memref.alloca() : memref<320xf32, #tpu.memory_space<vmem>>
      "tpu.region"() ({
        %run_scoped3A_32 = tpu.sem_alloc : memref<!tpu.dma_semaphore, #tpu.memory_space<semaphore_mem>>
        tpu.enqueue_dma source(%arg4 : memref<10000xf32, #tpu.memory_space<hbm>>) target(%run_scoped3A : memref<10000xf32, #tpu.memory_space<vmem>>) target_semaphore(%run_scoped3A_32 : memref<!tpu.dma_semaphore, #tpu.memory_space<semaphore_mem>>)
        tpu.wait_dma2 semaphore(%run_scoped3A_32 : memref<!tpu.dma_semaphore, #tpu.memory_space<semaphore_mem>>) src(%arg4 : memref<10000xf32, #tpu.memory_space<hbm>>) dst(%run_scoped3A : memref<10000xf32, #tpu.memory_space<vmem>>)
        tpu.yield
      }) : () -> ()
      "tpu.region"() ({
        %run_scoped3A_32 = tpu.sem_alloc : memref<!tpu.dma_semaphore, #tpu.memory_space<semaphore_mem>>
        tpu.enqueue_dma source(%arg5 : memref<10000xf32, #tpu.memory_space<hbm>>) target(%run_scoped3A_21 : memref<10000xf32, #tpu.memory_space<vmem>>) target_semaphore(%run_scoped3A_32 : memref<!tpu.dma_semaphore, #tpu.memory_space<semaphore_mem>>)
        tpu.wait_dma2 semaphore(%run_scoped3A_32 : memref<!tpu.dma_semaphore, #tpu.memory_space<semaphore_mem>>) src(%arg5 : memref<10000xf32, #tpu.memory_space<hbm>>) dst(%run_scoped3A_21 : memref<10000xf32, #tpu.memory_space<vmem>>)
        tpu.yield
      }) : () -> ()
      "tpu.region"() ({
        %run_scoped3A_32 = tpu.sem_alloc : memref<!tpu.dma_semaphore, #tpu.memory_space<semaphore_mem>>
        %dma_start3A = tpu.memref_slice %arg6[%mul3A_2] : memref<10240xf32, #tpu.memory_space<hbm>> -> memref<320xf32, #tpu.memory_space<hbm>>
        %dma_start3A_33 = tpu.memref_slice %arg6[%mul3A_2] : memref<10240xf32, #tpu.memory_space<hbm>> -> memref<320xf32, #tpu.memory_space<hbm>>
        tpu.enqueue_dma source(%dma_start3A_33 : memref<320xf32, #tpu.memory_space<hbm>>) target(%run_scoped3A_22 : memref<320xf32, #tpu.memory_space<vmem>>) target_semaphore(%run_scoped3A_32 : memref<!tpu.dma_semaphore, #tpu.memory_space<semaphore_mem>>)
        %dma_wait3A_34 = tpu.memref_slice %arg6[%mul3A_2] : memref<10240xf32, #tpu.memory_space<hbm>> -> memref<320xf32, #tpu.memory_space<hbm>>
        %dma_wait3A_35 = tpu.memref_slice %arg6[%mul3A_2] : memref<10240xf32, #tpu.memory_space<hbm>> -> memref<320xf32, #tpu.memory_space<hbm>>
        tpu.wait_dma2 semaphore(%run_scoped3A_32 : memref<!tpu.dma_semaphore, #tpu.memory_space<semaphore_mem>>) src(%dma_wait3A_35 : memref<320xf32, #tpu.memory_space<hbm>>) dst(%run_scoped3A_22 : memref<320xf32, #tpu.memory_space<vmem>>)
        tpu.yield
      }) : () -> ()
      "tpu.region"() ({
        %run_scoped3A_32 = tpu.sem_alloc : memref<!tpu.dma_semaphore, #tpu.memory_space<semaphore_mem>>
        %dma_start3A = tpu.memref_slice %arg7[%mul3A_2] : memref<10240xf32, #tpu.memory_space<hbm>> -> memref<320xf32, #tpu.memory_space<hbm>>
        %dma_start3A_33 = tpu.memref_slice %arg7[%mul3A_2] : memref<10240xf32, #tpu.memory_space<hbm>> -> memref<320xf32, #tpu.memory_space<hbm>>
        tpu.enqueue_dma source(%dma_start3A_33 : memref<320xf32, #tpu.memory_space<hbm>>) target(%run_scoped3A_23 : memref<320xf32, #tpu.memory_space<vmem>>) target_semaphore(%run_scoped3A_32 : memref<!tpu.dma_semaphore, #tpu.memory_space<semaphore_mem>>)
        %dma_wait3A_34 = tpu.memref_slice %arg7[%mul3A_2] : memref<10240xf32, #tpu.memory_space<hbm>> -> memref<320xf32, #tpu.memory_space<hbm>>
        %dma_wait3A_35 = tpu.memref_slice %arg7[%mul3A_2] : memref<10240xf32, #tpu.memory_space<hbm>> -> memref<320xf32, #tpu.memory_space<hbm>>
        tpu.wait_dma2 semaphore(%run_scoped3A_32 : memref<!tpu.dma_semaphore, #tpu.memory_space<semaphore_mem>>) src(%dma_wait3A_35 : memref<320xf32, #tpu.memory_space<hbm>>) dst(%run_scoped3A_23 : memref<320xf32, #tpu.memory_space<vmem>>)
        tpu.yield
      }) : () -> ()
      "tpu.region"() ({
        %run_scoped3A_32 = tpu.sem_alloc : memref<!tpu.dma_semaphore, #tpu.memory_space<semaphore_mem>>
        %dma_start3A = tpu.memref_slice %arg8[%mul3A_2] : memref<10240xf32, #tpu.memory_space<hbm>> -> memref<320xf32, #tpu.memory_space<hbm>>
        %dma_start3A_33 = tpu.memref_slice %arg8[%mul3A_2] : memref<10240xf32, #tpu.memory_space<hbm>> -> memref<320xf32, #tpu.memory_space<hbm>>
        tpu.enqueue_dma source(%dma_start3A_33 : memref<320xf32, #tpu.memory_space<hbm>>) target(%run_scoped3A_24 : memref<320xf32, #tpu.memory_space<vmem>>) target_semaphore(%run_scoped3A_32 : memref<!tpu.dma_semaphore, #tpu.memory_space<semaphore_mem>>)
        %dma_wait3A_34 = tpu.memref_slice %arg8[%mul3A_2] : memref<10240xf32, #tpu.memory_space<hbm>> -> memref<320xf32, #tpu.memory_space<hbm>>
        %dma_wait3A_35 = tpu.memref_slice %arg8[%mul3A_2] : memref<10240xf32, #tpu.memory_space<hbm>> -> memref<320xf32, #tpu.memory_space<hbm>>
        tpu.wait_dma2 semaphore(%run_scoped3A_32 : memref<!tpu.dma_semaphore, #tpu.memory_space<semaphore_mem>>) src(%dma_wait3A_35 : memref<320xf32, #tpu.memory_space<hbm>>) dst(%run_scoped3A_24 : memref<320xf32, #tpu.memory_space<vmem>>)
        tpu.yield
      }) : () -> ()
      "tpu.region"() ({
        %run_scoped3A_32 = tpu.sem_alloc : memref<!tpu.dma_semaphore, #tpu.memory_space<semaphore_mem>>
        %dma_start3A = tpu.memref_slice %arg9[%mul3A_2] : memref<10240xf32, #tpu.memory_space<hbm>> -> memref<320xf32, #tpu.memory_space<hbm>>
        %dma_start3A_33 = tpu.memref_slice %arg9[%mul3A_2] : memref<10240xf32, #tpu.memory_space<hbm>> -> memref<320xf32, #tpu.memory_space<hbm>>
        tpu.enqueue_dma source(%dma_start3A_33 : memref<320xf32, #tpu.memory_space<hbm>>) target(%run_scoped3A_25 : memref<320xf32, #tpu.memory_space<vmem>>) target_semaphore(%run_scoped3A_32 : memref<!tpu.dma_semaphore, #tpu.memory_space<semaphore_mem>>)
        %dma_wait3A_34 = tpu.memref_slice %arg9[%mul3A_2] : memref<10240xf32, #tpu.memory_space<hbm>> -> memref<320xf32, #tpu.memory_space<hbm>>
        %dma_wait3A_35 = tpu.memref_slice %arg9[%mul3A_2] : memref<10240xf32, #tpu.memory_space<hbm>> -> memref<320xf32, #tpu.memory_space<hbm>>
        tpu.wait_dma2 semaphore(%run_scoped3A_32 : memref<!tpu.dma_semaphore, #tpu.memory_space<semaphore_mem>>) src(%dma_wait3A_35 : memref<320xf32, #tpu.memory_space<hbm>>) dst(%run_scoped3A_25 : memref<320xf32, #tpu.memory_space<vmem>>)
        tpu.yield
      }) : () -> ()
      %scan3A_26 = arith.constant 0 : i32
      %scan3A_27 = arith.constant 0 : i32
      %scan3A_28 = arith.constant 320 : i32
      %scan3A_29 = arith.addi %scan3A_27, %scan3A_28 : i32
      %scan3A_30 = arith.constant 1 : i32
      scf.for %scan3A_32 = %scan3A_27 to %scan3A_29 step %scan3A_30  : i32 {
        %mul3A_33 = arith.constant 16 : i32
        %mul3A_34 = arith.muli %scan3A_32, %mul3A_33 : i32
        %get3A = arith.index_cast %mul3A_34 : i32 to index
        %get3A_35 = tpu.vector_load %arg12[%get3A] {strides = array<i32>} : memref<5120xi32, #tpu.memory_space<vmem>>, vector<16xi32>,
        %broadcast_in_dim3A = vector.broadcast %scan3A_32 : i32 to vector<16xi32>
        %gather3A = tpu.vector_load_idx %run_scoped3A[%get3A_35] : memref<10000xf32, #tpu.memory_space<vmem>>[vector<16xi32>], vector<16xf32>,
        %gather3A_36 = tpu.vector_load_idx %run_scoped3A_21[%get3A_35] : memref<10000xf32, #tpu.memory_space<vmem>>[vector<16xi32>], vector<16xf32>,
        %gather3A_37 = tpu.vector_load_idx %run_scoped3A_22[%broadcast_in_dim3A] : memref<320xf32, #tpu.memory_space<vmem>>[vector<16xi32>], vector<16xf32>,
        %gather3A_38 = tpu.vector_load_idx %run_scoped3A_23[%broadcast_in_dim3A] : memref<320xf32, #tpu.memory_space<vmem>>[vector<16xi32>], vector<16xf32>,
        %gather3A_39 = tpu.vector_load_idx %run_scoped3A_24[%broadcast_in_dim3A] : memref<320xf32, #tpu.memory_space<vmem>>[vector<16xi32>], vector<16xf32>,
        %gather3A_40 = tpu.vector_load_idx %run_scoped3A_25[%broadcast_in_dim3A] : memref<320xf32, #tpu.memory_space<vmem>>[vector<16xi32>], vector<16xf32>,
        %sub3A = arith.subf %gather3A, %gather3A_37 : vector<16xf32>
        %sub3A_41 = arith.subf %gather3A_36, %gather3A_38 : vector<16xf32>
        %mul3A_42 = arith.mulf %sub3A, %sub3A : vector<16xf32>
        %mul3A_43 = arith.mulf %sub3A_41, %sub3A_41 : vector<16xf32>
        %add3A_44 = arith.addf %mul3A_42, %mul3A_43 : vector<16xf32>
        %add3A_45 = arith.constant 9.99999996E-13 : f32
        %add3A_46 = vector.broadcast %add3A_45 : f32 to vector<16xf32>
        %add3A_47 = arith.addf %add3A_44, %add3A_46 : vector<16xf32>
        %bitcast_convert_type3A = tpu.bitcast %add3A_47 : vector<16xf32> -> vector<16xi32>
        %shift_right_arithmetic3A = arith.constant 1 : i32
        %shift_right_arithmetic3A_48 = vector.broadcast %shift_right_arithmetic3A : i32 to vector<16xi32>
        %shift_right_arithmetic3A_49 = arith.shrsi %bitcast_convert_type3A, %shift_right_arithmetic3A_48 : vector<16xi32>
        %sub3A_50 = arith.constant 1597463007 : i32
        %sub3A_51 = vector.broadcast %sub3A_50 : i32 to vector<16xi32>
        %sub3A_52 = arith.subi %sub3A_51, %shift_right_arithmetic3A_49 : vector<16xi32>
        %bitcast_convert_type3A_53 = tpu.bitcast %sub3A_52 : vector<16xi32> -> vector<16xf32>
        %mul3A_54 = arith.constant 5.000000e-01 : f32
        %mul3A_55 = vector.broadcast %mul3A_54 : f32 to vector<16xf32>
        %mul3A_56 = arith.mulf %mul3A_55, %add3A_47 : vector<16xf32>
        %mul3A_57 = arith.mulf %mul3A_56, %bitcast_convert_type3A_53 : vector<16xf32>
        %mul3A_58 = arith.mulf %mul3A_57, %bitcast_convert_type3A_53 : vector<16xf32>
        %sub3A_59 = arith.constant 1.500000e+00 : f32
        %sub3A_60 = vector.broadcast %sub3A_59 : f32 to vector<16xf32>
        %sub3A_61 = arith.subf %sub3A_60, %mul3A_58 : vector<16xf32>
        %mul3A_62 = arith.mulf %bitcast_convert_type3A_53, %sub3A_61 : vector<16xf32>
        %mul3A_63 = arith.constant 5.000000e-01 : f32
        %mul3A_64 = vector.broadcast %mul3A_63 : f32 to vector<16xf32>
        %mul3A_65 = arith.mulf %mul3A_64, %add3A_47 : vector<16xf32>
        %mul3A_66 = arith.mulf %mul3A_65, %mul3A_62 : vector<16xf32>
        %mul3A_67 = arith.mulf %mul3A_66, %mul3A_62 : vector<16xf32>
        %sub3A_68 = arith.constant 1.500000e+00 : f32
        %sub3A_69 = vector.broadcast %sub3A_68 : f32 to vector<16xf32>
        %sub3A_70 = arith.subf %sub3A_69, %mul3A_67 : vector<16xf32>
        %mul3A_71 = arith.mulf %mul3A_62, %sub3A_70 : vector<16xf32>
        %mul3A_72 = arith.constant 5.000000e-01 : f32
        %mul3A_73 = vector.broadcast %mul3A_72 : f32 to vector<16xf32>
        %mul3A_74 = arith.mulf %mul3A_73, %add3A_47 : vector<16xf32>
        %mul3A_75 = arith.mulf %mul3A_74, %mul3A_71 : vector<16xf32>
        %mul3A_76 = arith.mulf %mul3A_75, %mul3A_71 : vector<16xf32>
        %sub3A_77 = arith.constant 1.500000e+00 : f32
        %sub3A_78 = vector.broadcast %sub3A_77 : f32 to vector<16xf32>
        %sub3A_79 = arith.subf %sub3A_78, %mul3A_76 : vector<16xf32>
        %mul3A_80 = arith.mulf %mul3A_71, %sub3A_79 : vector<16xf32>
        %mul3A_81 = arith.mulf %add3A_47, %mul3A_80 : vector<16xf32>
        %max3A = arith.constant 1.000000e-30 : f32
        %max3A_82 = vector.broadcast %max3A : f32 to vector<16xf32>
        %max3A_83 = arith.maximumf %add3A_44, %max3A_82 : vector<16xf32>
        %bitcast_convert_type3A_84 = tpu.bitcast %max3A_83 : vector<16xf32> -> vector<16xi32>
        %shift_right_arithmetic3A_85 = arith.constant 1 : i32
        %shift_right_arithmetic3A_86 = vector.broadcast %shift_right_arithmetic3A_85 : i32 to vector<16xi32>
        %shift_right_arithmetic3A_87 = arith.shrsi %bitcast_convert_type3A_84, %shift_right_arithmetic3A_86 : vector<16xi32>
        %sub3A_88 = arith.constant 1597463007 : i32
        %sub3A_89 = vector.broadcast %sub3A_88 : i32 to vector<16xi32>
        %sub3A_90 = arith.subi %sub3A_89, %shift_right_arithmetic3A_87 : vector<16xi32>
        %bitcast_convert_type3A_91 = tpu.bitcast %sub3A_90 : vector<16xi32> -> vector<16xf32>
        %mul3A_92 = arith.constant 5.000000e-01 : f32
        %mul3A_93 = vector.broadcast %mul3A_92 : f32 to vector<16xf32>
        %mul3A_94 = arith.mulf %mul3A_93, %max3A_83 : vector<16xf32>
        %mul3A_95 = arith.mulf %mul3A_94, %bitcast_convert_type3A_91 : vector<16xf32>
        %mul3A_96 = arith.mulf %mul3A_95, %bitcast_convert_type3A_91 : vector<16xf32>
        %sub3A_97 = arith.constant 1.500000e+00 : f32
        %sub3A_98 = vector.broadcast %sub3A_97 : f32 to vector<16xf32>
        %sub3A_99 = arith.subf %sub3A_98, %mul3A_96 : vector<16xf32>
        %mul3A_100 = arith.mulf %bitcast_convert_type3A_91, %sub3A_99 : vector<16xf32>
        %mul3A_101 = arith.constant 5.000000e-01 : f32
        %mul3A_102 = vector.broadcast %mul3A_101 : f32 to vector<16xf32>
        %mul3A_103 = arith.mulf %mul3A_102, %max3A_83 : vector<16xf32>
        %mul3A_104 = arith.mulf %mul3A_103, %mul3A_100 : vector<16xf32>
        %mul3A_105 = arith.mulf %mul3A_104, %mul3A_100 : vector<16xf32>
        %sub3A_106 = arith.constant 1.500000e+00 : f32
        %sub3A_107 = vector.broadcast %sub3A_106 : f32 to vector<16xf32>
        %sub3A_108 = arith.subf %sub3A_107, %mul3A_105 : vector<16xf32>
        %mul3A_109 = arith.mulf %mul3A_100, %sub3A_108 : vector<16xf32>
        %mul3A_110 = arith.constant 5.000000e-01 : f32
        %mul3A_111 = vector.broadcast %mul3A_110 : f32 to vector<16xf32>
        %mul3A_112 = arith.mulf %mul3A_111, %max3A_83 : vector<16xf32>
        %mul3A_113 = arith.mulf %mul3A_112, %mul3A_109 : vector<16xf32>
        %mul3A_114 = arith.mulf %mul3A_113, %mul3A_109 : vector<16xf32>
        %sub3A_115 = arith.constant 1.500000e+00 : f32
        %sub3A_116 = vector.broadcast %sub3A_115 : f32 to vector<16xf32>
        %sub3A_117 = arith.subf %sub3A_116, %mul3A_114 : vector<16xf32>
        %mul3A_118 = arith.mulf %mul3A_109, %sub3A_117 : vector<16xf32>
        %mul3A_119 = arith.mulf %sub3A, %gather3A_39 : vector<16xf32>
        %mul3A_120 = arith.mulf %sub3A_41, %gather3A_40 : vector<16xf32>
        %add3A_121 = arith.addf %mul3A_119, %mul3A_120 : vector<16xf32>
        %mul3A_122 = arith.mulf %add3A_121, %mul3A_118 : vector<16xf32>
        %gt3A = arith.constant 0.000000e+00 : f32
        %gt3A_123 = vector.broadcast %gt3A : f32 to vector<16xf32>
        %gt3A_124 = arith.cmpf ogt, %add3A_44, %gt3A_123 : vector<16xf32>
        %select_n3A = arith.select %gt3A_124, %mul3A_122, %gather3A_39 : vector<16xi1>, vector<16xf32>
        %mul3A_125 = arith.constant 1.000000e-01 : f32
        %mul3A_126 = vector.broadcast %mul3A_125 : f32 to vector<16xf32>
        %mul3A_127 = arith.mulf %mul3A_126, %select_n3A : vector<16xf32>
        %sub3A_128 = arith.subf %mul3A_127, %mul3A_81 : vector<16xf32>
        %reduce_max3A = arith.constant true
        %reduce_max3A_129 = vector.broadcast %reduce_max3A : i1 to vector<16xi1>
        %reduce_max3A_130 = tpu.scan <max>, %sub3A_128 masked %reduce_max3A_129 : vector<16xf32>, vector<16xi1> -> vector<16xf32>
        %reduce_max3A_131 = vector.extract %reduce_max3A_130[15] : f32 from vector<16xf32>
        %sub3A_132 = vector.broadcast %reduce_max3A_131 : f32 to vector<16xf32>
        %sub3A_133 = arith.subf %sub3A_128, %sub3A_132 : vector<16xf32>
        %exp3A = math.exp %sub3A_133 : vector<16xf32>
        %reduce_sum3A = arith.constant true
        %reduce_sum3A_134 = vector.broadcast %reduce_sum3A : i1 to vector<16xi1>
        %reduce_sum3A_135 = tpu.scan <sum>, %exp3A masked %reduce_sum3A_134 : vector<16xf32>, vector<16xi1> -> vector<16xf32>
        %reduce_sum3A_136 = vector.extract %reduce_sum3A_135[15] : f32 from vector<16xf32>
        %div3A = vector.broadcast %reduce_sum3A_136 : f32 to vector<16xf32>
        %div3A_137 = arith.divf %exp3A, %div3A : vector<16xf32>
        %mul3A_138 = arith.constant 16 : i32
        %mul3A_139 = arith.muli %scan3A_32, %mul3A_138 : i32
        %swap3A = arith.index_cast %mul3A_139 : i32 to index
        %swap3A_140 = tpu.vector_load %arg13[%swap3A] {strides = array<i32>} : memref<5120xf32, #tpu.memory_space<vmem>>, vector<16xf32>,
        tpu.vector_store %arg13[%swap3A], %div3A_137 {strides = array<i32>} : memref<5120xf32, #tpu.memory_space<vmem>>, vector<16xf32>,
      }
      %scan3A_31 = arith.constant 320 : i32
      tpu.yield
    }) : () -> ()
    %scan3A = arith.constant 0 : i32
    %scan3A_5 = arith.constant 0 : i32
    %scan3A_6 = arith.constant 160 : i32
    %scan3A_7 = arith.addi %scan3A_5, %scan3A_6 : i32
    %scan3A_8 = arith.constant 1 : i32
    scf.for %scan3A_21 = %scan3A_5 to %scan3A_7 step %scan3A_8  : i32 {
      %jit3A = arith.constant 40 : i32
      %div3A = arith.divsi %scan3A_21, %jit3A : i32
      %sign3A = arith.constant 0 : i32
      %sign3A_22 = arith.cmpi sgt, %scan3A_21, %sign3A : i32
      %sign3A_23 = arith.extui %sign3A_22 : i1 to i32
      %sign3A_24 = arith.constant 0 : i32
      %sign3A_25 = arith.cmpi slt, %scan3A_21, %sign3A_24 : i32
      %sign3A_26 = arith.extui %sign3A_25 : i1 to i32
      %sign3A_27 = arith.subi %sign3A_23, %sign3A_26 : i32
      %sign3A_28 = arith.constant 0 : i32
      %sign3A_29 = arith.cmpi sgt, %jit3A, %sign3A_28 : i32
      %sign3A_30 = arith.extui %sign3A_29 : i1 to i32
      %sign3A_31 = arith.constant 0 : i32
      %sign3A_32 = arith.cmpi slt, %jit3A, %sign3A_31 : i32
      %sign3A_33 = arith.extui %sign3A_32 : i1 to i32
      %sign3A_34 = arith.subi %sign3A_30, %sign3A_33 : i32
      %ne3A = arith.cmpi ne, %sign3A_27, %sign3A_34 : i32
      %rem3A = arith.remsi %scan3A_21, %jit3A : i32
      %ne3A_35 = arith.constant 0 : i32
      %ne3A_36 = arith.cmpi ne, %rem3A, %ne3A_35 : i32
      %and3A = arith.andi %ne3A, %ne3A_36 : i1
      %sub3A = arith.constant 1 : i32
      %sub3A_37 = arith.subi %div3A, %sub3A : i32
      %select_n3A = arith.select %and3A, %sub3A_37, %div3A : i32
      %mul3A_38 = arith.constant 40 : i32
      %mul3A_39 = arith.muli %select_n3A, %mul3A_38 : i32
      %sub3A_40 = arith.subi %scan3A_21, %mul3A_39 : i32
      %eq3A = arith.constant 0 : i32
      %eq3A_41 = arith.cmpi eq, %sub3A_40, %eq3A : i32
      %convert_element_type3A = arith.extui %eq3A_41 : i1 to i32
      %cond3A = arith.constant 0 : i32
      %cond3A_42 = arith.cmpi ne, %convert_element_type3A, %cond3A : i32
      scf.if %cond3A_42 {
        %barrier3A = arith.constant 0 : index
        tpu.barrier barrier_id(%barrier3A)
        %mul3A_1108 = arith.constant 10000 : i32
        %mul3A_1109 = arith.muli %select_n3A, %mul3A_1108 : i32
        %mul3A_1110 = arith.constant 624 : i32
        %mul3A_1111 = arith.muli %arg1, %mul3A_1110 : i32
        %add3A_1112 = arith.addi %mul3A_1109, %mul3A_1111 : i32
        %mul3A_1113 = arith.constant 624 : i32
        %mul3A_1114 = arith.muli %arg1, %mul3A_1113 : i32
        "tpu.region"() ({
          %run_scoped3A = tpu.sem_alloc : memref<!tpu.dma_semaphore, #tpu.memory_space<semaphore_mem>>
          %dma_start3A_1136 = arith.constant 0 : i32
          %dma_start3A_1137 = tpu.memref_slice %arg11[%mul3A_1114, %dma_start3A_1136] : memref<10000x128xi32, #tpu.memory_space<vmem_shared>> -> memref<624x128xi32, #tpu.memory_space<vmem_shared>>
          %dma_start3A_1138 = arith.constant 0 : i32
          %dma_start3A_1139 = tpu.memref_slice %arg2[%add3A_1112, %dma_start3A_1138] : memref<40000x128xi32, #tpu.memory_space<hbm>> -> memref<624x128xi32, #tpu.memory_space<hbm>>
          tpu.enqueue_dma source(%dma_start3A_1139 : memref<624x128xi32, #tpu.memory_space<hbm>>) target(%dma_start3A_1137 : memref<624x128xi32, #tpu.memory_space<vmem_shared>>) target_semaphore(%run_scoped3A : memref<!tpu.dma_semaphore, #tpu.memory_space<semaphore_mem>>)
          %dma_wait3A_1140 = arith.constant 0 : i32
          %dma_wait3A_1141 = tpu.memref_slice %arg11[%mul3A_1114, %dma_wait3A_1140] : memref<10000x128xi32, #tpu.memory_space<vmem_shared>> -> memref<624x128xi32, #tpu.memory_space<vmem_shared>>
          %dma_wait3A_1142 = arith.constant 0 : i32
          %dma_wait3A_1143 = tpu.memref_slice %arg2[%add3A_1112, %dma_wait3A_1142] : memref<40000x128xi32, #tpu.memory_space<hbm>> -> memref<624x128xi32, #tpu.memory_space<hbm>>
          tpu.wait_dma2 semaphore(%run_scoped3A : memref<!tpu.dma_semaphore, #tpu.memory_space<semaphore_mem>>) src(%dma_wait3A_1143 : memref<624x128xi32, #tpu.memory_space<hbm>>) dst(%dma_wait3A_1141 : memref<624x128xi32, #tpu.memory_space<vmem_shared>>)
          tpu.yield
        }) : () -> ()
        %eq3A_1115 = arith.constant 15 : i32
        %eq3A_1116 = arith.cmpi eq, %arg1, %eq3A_1115 : i32
        %convert_element_type3A_1117 = arith.extui %eq3A_1116 : i1 to i32
        %cond3A_1118 = arith.constant 0 : i32
        %cond3A_1119 = arith.cmpi ne, %convert_element_type3A_1117, %cond3A_1118 : i32
        scf.if %cond3A_1119 {
          %mul3A_1136 = arith.constant 10000 : i32
          %mul3A_1137 = arith.muli %select_n3A, %mul3A_1136 : i32
          %add3A_1138 = arith.constant 9984 : i32
          %add3A_1139 = arith.addi %mul3A_1137, %add3A_1138 : i32
          "tpu.region"() ({
            %run_scoped3A = tpu.sem_alloc : memref<!tpu.dma_semaphore, #tpu.memory_space<semaphore_mem>>
            %dma_start3A_1140 = arith.constant 9984 : i32
            %dma_start3A_1141 = arith.constant 0 : i32
            %dma_start3A_1142 = tpu.memref_slice %arg11[%dma_start3A_1140, %dma_start3A_1141] : memref<10000x128xi32, #tpu.memory_space<vmem_shared>> -> memref<16x128xi32, #tpu.memory_space<vmem_shared>>
            %dma_start3A_1143 = arith.constant 0 : i32
            %dma_start3A_1144 = tpu.memref_slice %arg2[%add3A_1139, %dma_start3A_1143] : memref<40000x128xi32, #tpu.memory_space<hbm>> -> memref<16x128xi32, #tpu.memory_space<hbm>>
            tpu.enqueue_dma source(%dma_start3A_1144 : memref<16x128xi32, #tpu.memory_space<hbm>>) target(%dma_start3A_1142 : memref<16x128xi32, #tpu.memory_space<vmem_shared>>) target_semaphore(%run_scoped3A : memref<!tpu.dma_semaphore, #tpu.memory_space<semaphore_mem>>)
            %dma_wait3A_1145 = arith.constant 9984 : i32
            %dma_wait3A_1146 = arith.constant 0 : i32
            %dma_wait3A_1147 = tpu.memref_slice %arg11[%dma_wait3A_1145, %dma_wait3A_1146] : memref<10000x128xi32, #tpu.memory_space<vmem_shared>> -> memref<16x128xi32, #tpu.memory_space<vmem_shared>>
            %dma_wait3A_1148 = arith.constant 0 : i32
            %dma_wait3A_1149 = tpu.memref_slice %arg2[%add3A_1139, %dma_wait3A_1148] : memref<40000x128xi32, #tpu.memory_space<hbm>> -> memref<16x128xi32, #tpu.memory_space<hbm>>
            tpu.wait_dma2 semaphore(%run_scoped3A : memref<!tpu.dma_semaphore, #tpu.memory_space<semaphore_mem>>) src(%dma_wait3A_1149 : memref<16x128xi32, #tpu.memory_space<hbm>>) dst(%dma_wait3A_1147 : memref<16x128xi32, #tpu.memory_space<vmem_shared>>)
            tpu.yield
          }) : () -> ()
        } else {
        }
        %barrier3A_1120 = arith.constant 0 : index
        tpu.barrier barrier_id(%barrier3A_1120)
        %dma_start3A_1121 = arith.constant 0 : i32
        %dma_start3A_1122 = tpu.memref_slice %arg12[%dma_start3A_1121] : memref<5120xi32, #tpu.memory_space<vmem>> -> memref<32xi32, #tpu.memory_space<vmem>>
        %dma_start3A_1123 = arith.constant 0 : i32
        %dma_start3A_1124 = arith.constant 0 : i32
        %dma_start3A_1125 = tpu.memref_slice %arg11[%dma_start3A_1123, %dma_start3A_1124] : memref<10000x128xi32, #tpu.memory_space<vmem_shared>> -> memref<10000x128xi32, #tpu.memory_space<vmem_shared>>
        tpu.enqueue_indirect_dma source(%dma_start3A_1125 : memref<10000x128xi32, #tpu.memory_space<vmem_shared>>) target(%arg14 : memref<32x128xi32, #tpu.memory_space<vmem>>) offsets(%dma_start3A_1122 : memref<32xi32, #tpu.memory_space<vmem>>) semaphore(%arg20 : memref<!tpu.dma_semaphore, #tpu.memory_space<semaphore_mem>>)
        %dma_start3A_1126 = arith.constant 32 : i32
        %dma_start3A_1127 = tpu.memref_slice %arg12[%dma_start3A_1126] : memref<5120xi32, #tpu.memory_space<vmem>> -> memref<32xi32, #tpu.memory_space<vmem>>
        %dma_start3A_1128 = arith.constant 0 : i32
        %dma_start3A_1129 = arith.constant 0 : i32
        %dma_start3A_1130 = tpu.memref_slice %arg11[%dma_start3A_1128, %dma_start3A_1129] : memref<10000x128xi32, #tpu.memory_space<vmem_shared>> -> memref<10000x128xi32, #tpu.memory_space<vmem_shared>>
        tpu.enqueue_indirect_dma source(%dma_start3A_1130 : memref<10000x128xi32, #tpu.memory_space<vmem_shared>>) target(%arg15 : memref<32x128xi32, #tpu.memory_space<vmem>>) offsets(%dma_start3A_1127 : memref<32xi32, #tpu.memory_space<vmem>>) semaphore(%arg21 : memref<!tpu.dma_semaphore, #tpu.memory_space<semaphore_mem>>)
        %dma_start3A_1131 = arith.constant 64 : i32
        %dma_start3A_1132 = tpu.memref_slice %arg12[%dma_start3A_1131] : memref<5120xi32, #tpu.memory_space<vmem>> -> memref<32xi32, #tpu.memory_space<vmem>>
        %dma_start3A_1133 = arith.constant 0 : i32
        %dma_start3A_1134 = arith.constant 0 : i32
        %dma_start3A_1135 = tpu.memref_slice %arg11[%dma_start3A_1133, %dma_start3A_1134] : memref<10000x128xi32, #tpu.memory_space<vmem_shared>> -> memref<10000x128xi32, #tpu.memory_space<vmem_shared>>
        tpu.enqueue_indirect_dma source(%dma_start3A_1135 : memref<10000x128xi32, #tpu.memory_space<vmem_shared>>) target(%arg16 : memref<32x128xi32, #tpu.memory_space<vmem>>) offsets(%dma_start3A_1132 : memref<32xi32, #tpu.memory_space<vmem>>) semaphore(%arg22 : memref<!tpu.dma_semaphore, #tpu.memory_space<semaphore_mem>>)
      } else {
      }
      %mul3A_43 = arith.constant 2 : i32
      %mul3A_44 = arith.muli %mul3A_43, %sub3A_40 : i32
      %add3A_45 = arith.constant 0 : i32
      %add3A_46 = arith.addi %mul3A_44, %add3A_45 : i32
      %mul3A_47 = arith.constant 2 : i32
      %mul3A_48 = arith.muli %mul3A_47, %scan3A_21 : i32
      %add3A_49 = arith.constant 0 : i32
      %add3A_50 = arith.addi %mul3A_48, %add3A_49 : i32
      %ge3A = arith.constant 2 : i32
      %ge3A_51 = arith.cmpi sge, %add3A_50, %ge3A : i32
      %convert_element_type3A_52 = arith.extui %ge3A_51 : i1 to i32
      %cond3A_53 = arith.constant 0 : i32
      %cond3A_54 = arith.cmpi ne, %convert_element_type3A_52, %cond3A_53 : i32
      scf.if %cond3A_54 {
        %dma_wait3A_1108 = arith.constant 0 : i32
        %dma_wait3A_1109 = arith.constant 0 : i32
        %dma_wait3A_1110 = tpu.memref_slice %arg10[%dma_wait3A_1108, %dma_wait3A_1109] : memref<40960x256xf32, #tpu.memory_space<hbm>> -> memref<4x256xf32, #tpu.memory_space<hbm>>
        %dma_wait3A_1111 = arith.constant 0 : i32
        %dma_wait3A_1112 = arith.constant 0 : i32
        %dma_wait3A_1113 = tpu.memref_slice %arg10[%dma_wait3A_1111, %dma_wait3A_1112] : memref<40960x256xf32, #tpu.memory_space<hbm>> -> memref<4x256xf32, #tpu.memory_space<hbm>>
        tpu.wait_dma2 semaphore(%arg24 : memref<!tpu.dma_semaphore, #tpu.memory_space<semaphore_mem>>) src(%arg18 : memref<4x256xf32, #tpu.memory_space<vmem>>) dst(%dma_wait3A_1113 : memref<4x256xf32, #tpu.memory_space<hbm>>)
      } else {
      }
      %mul3A_55 = arith.constant 8 : i32
      %mul3A_56 = arith.muli %sub3A_40, %mul3A_55 : i32
      %jit3A_57 = arith.constant 2 : i32
      %div3A_58 = arith.divsi %mul3A_56, %jit3A_57 : i32
      %sign3A_59 = arith.constant 0 : i32
      %sign3A_60 = arith.cmpi sgt, %mul3A_56, %sign3A_59 : i32
      %sign3A_61 = arith.extui %sign3A_60 : i1 to i32
      %sign3A_62 = arith.constant 0 : i32
      %sign3A_63 = arith.cmpi slt, %mul3A_56, %sign3A_62 : i32
      %sign3A_64 = arith.extui %sign3A_63 : i1 to i32
      %sign3A_65 = arith.subi %sign3A_61, %sign3A_64 : i32
      %sign3A_66 = arith.constant 0 : i32
      %sign3A_67 = arith.cmpi sgt, %jit3A_57, %sign3A_66 : i32
      %sign3A_68 = arith.extui %sign3A_67 : i1 to i32
      %sign3A_69 = arith.constant 0 : i32
      %sign3A_70 = arith.cmpi slt, %jit3A_57, %sign3A_69 : i32
      %sign3A_71 = arith.extui %sign3A_70 : i1 to i32
      %sign3A_72 = arith.subi %sign3A_68, %sign3A_71 : i32
      %ne3A_73 = arith.cmpi ne, %sign3A_65, %sign3A_72 : i32
      %rem3A_74 = arith.remsi %mul3A_56, %jit3A_57 : i32
      %ne3A_75 = arith.constant 0 : i32
      %ne3A_76 = arith.cmpi ne, %rem3A_74, %ne3A_75 : i32
      %and3A_77 = arith.andi %ne3A_73, %ne3A_76 : i1
      %sub3A_78 = arith.constant 1 : i32
      %sub3A_79 = arith.subi %div3A_58, %sub3A_78 : i32
      %select_n3A_80 = arith.select %and3A_77, %sub3A_79, %div3A_58 : i32
      %add3A_81 = arith.constant 0 : i32
      %add3A_82 = arith.addi %select_n3A_80, %add3A_81 : i32
      %add3A_83 = arith.constant 0 : i32
      %add3A_84 = arith.addi %add3A_82, %add3A_83 : i32
      %add3A_85 = arith.constant 4 : i32
      %add3A_86 = arith.addi %add3A_84, %add3A_85 : i32
      %sub3A_87 = arith.constant 1 : i32
      %sub3A_88 = arith.subi %add3A_86, %sub3A_87 : i32
      %lt3A = arith.constant 160 : i32
      %lt3A_89 = arith.cmpi slt, %sub3A_88, %lt3A : i32
      %convert_element_type3A_90 = arith.extui %lt3A_89 : i1 to i32
      %cond3A_91 = arith.constant 0 : i32
      %cond3A_92 = arith.cmpi ne, %convert_element_type3A_90, %cond3A_91 : i32
      scf.if %cond3A_92 {
        %add3A_1108 = arith.constant 4 : i32
        %add3A_1109 = arith.addi %add3A_84, %add3A_1108 : i32
        %sub3A_1110 = arith.constant 1 : i32
        %sub3A_1111 = arith.subi %add3A_1109, %sub3A_1110 : i32
        %mul3A_1112 = arith.constant 2 : i32
        %mul3A_1113 = arith.muli %sub3A_1111, %mul3A_1112 : i32
        %mul3A_1114 = arith.constant 16 : i32
        %mul3A_1115 = arith.muli %mul3A_1113, %mul3A_1114 : i32
        %dma_start3A_1116 = tpu.memref_slice %arg12[%mul3A_1115] : memref<5120xi32, #tpu.memory_space<vmem>> -> memref<32xi32, #tpu.memory_space<vmem>>
        %dma_start3A_1117 = arith.constant 0 : i32
        %dma_start3A_1118 = arith.constant 0 : i32
        %dma_start3A_1119 = tpu.memref_slice %arg11[%dma_start3A_1117, %dma_start3A_1118] : memref<10000x128xi32, #tpu.memory_space<vmem_shared>> -> memref<10000x128xi32, #tpu.memory_space<vmem_shared>>
        tpu.enqueue_indirect_dma source(%dma_start3A_1119 : memref<10000x128xi32, #tpu.memory_space<vmem_shared>>) target(%arg17 : memref<32x128xi32, #tpu.memory_space<vmem>>) offsets(%dma_start3A_1116 : memref<32xi32, #tpu.memory_space<vmem>>) semaphore(%arg23 : memref<!tpu.dma_semaphore, #tpu.memory_space<semaphore_mem>>)
      } else {
      }
      %dma_wait3A_93 = arith.constant 0 : i32
      %dma_wait3A_94 = tpu.memref_slice %arg12[%dma_wait3A_93] : memref<5120xi32, #tpu.memory_space<vmem>> -> memref<32xi32, #tpu.memory_space<vmem>>
      %dma_wait3A_95 = arith.constant 0 : i32
      %dma_wait3A_96 = arith.constant 0 : i32
      %dma_wait3A_97 = tpu.memref_slice %arg11[%dma_wait3A_95, %dma_wait3A_96] : memref<10000x128xi32, #tpu.memory_space<vmem_shared>> -> memref<10000x128xi32, #tpu.memory_space<vmem_shared>>
      tpu.wait_indirect_dma semaphore(%arg20 : memref<!tpu.dma_semaphore, #tpu.memory_space<semaphore_mem>>) src(%dma_wait3A_97 : memref<10000x128xi32, #tpu.memory_space<vmem_shared>>) dst(%arg14 : memref<32x128xi32, #tpu.memory_space<vmem>>)
      %mul3A_98 = arith.constant 2 : i32
      %mul3A_99 = arith.muli %add3A_84, %mul3A_98 : i32
      %add3A_100 = arith.constant 0 : i32
      %add3A_101 = arith.addi %mul3A_99, %add3A_100 : i32
      %mul3A_102 = arith.constant 16 : i32
      %mul3A_103 = arith.muli %add3A_101, %mul3A_102 : i32
      %add3A_104 = arith.constant 0 : i32
      %add3A_105 = arith.addi %mul3A_103, %add3A_104 : i32
      %broadcast_in_dim3A = vector.broadcast %add3A_105 : i32 to vector<16xi32>
      %gather3A = tpu.vector_load_idx %arg13[%broadcast_in_dim3A] : memref<5120xf32, #tpu.memory_space<vmem>>[vector<16xi32>], vector<16xf32>,
      %mul3A_106 = arith.constant 16 : i32
      %mul3A_107 = arith.muli %add3A_101, %mul3A_106 : i32
      %add3A_108 = arith.constant 1 : i32
      %add3A_109 = arith.addi %mul3A_107, %add3A_108 : i32
      %broadcast_in_dim3A_110 = vector.broadcast %add3A_109 : i32 to vector<16xi32>
      %gather3A_111 = tpu.vector_load_idx %arg13[%broadcast_in_dim3A_110] : memref<5120xf32, #tpu.memory_space<vmem>>[vector<16xi32>], vector<16xf32>,
      %mul3A_112 = arith.constant 16 : i32
      %mul3A_113 = arith.muli %add3A_101, %mul3A_112 : i32
      %add3A_114 = arith.constant 2 : i32
      %add3A_115 = arith.addi %mul3A_113, %add3A_114 : i32
      %broadcast_in_dim3A_116 = vector.broadcast %add3A_115 : i32 to vector<16xi32>
      %gather3A_117 = tpu.vector_load_idx %arg13[%broadcast_in_dim3A_116] : memref<5120xf32, #tpu.memory_space<vmem>>[vector<16xi32>], vector<16xf32>,
      %mul3A_118 = arith.constant 16 : i32
      %mul3A_119 = arith.muli %add3A_101, %mul3A_118 : i32
      %add3A_120 = arith.constant 3 : i32
      %add3A_121 = arith.addi %mul3A_119, %add3A_120 : i32
      %broadcast_in_dim3A_122 = vector.broadcast %add3A_121 : i32 to vector<16xi32>
      %gather3A_123 = tpu.vector_load_idx %arg13[%broadcast_in_dim3A_122] : memref<5120xf32, #tpu.memory_space<vmem>>[vector<16xi32>], vector<16xf32>,
      %mul3A_124 = arith.constant 16 : i32
      %mul3A_125 = arith.muli %add3A_101, %mul3A_124 : i32
      %add3A_126 = arith.constant 4 : i32
      %add3A_127 = arith.addi %mul3A_125, %add3A_126 : i32
      %broadcast_in_dim3A_128 = vector.broadcast %add3A_127 : i32 to vector<16xi32>
      %gather3A_129 = tpu.vector_load_idx %arg13[%broadcast_in_dim3A_128] : memref<5120xf32, #tpu.memory_space<vmem>>[vector<16xi32>], vector<16xf32>,
      %mul3A_130 = arith.constant 16 : i32
      %mul3A_131 = arith.muli %add3A_101, %mul3A_130 : i32
      %add3A_132 = arith.constant 5 : i32
      %add3A_133 = arith.addi %mul3A_131, %add3A_132 : i32
      %broadcast_in_dim3A_134 = vector.broadcast %add3A_133 : i32 to vector<16xi32>
      %gather3A_135 = tpu.vector_load_idx %arg13[%broadcast_in_dim3A_134] : memref<5120xf32, #tpu.memory_space<vmem>>[vector<16xi32>], vector<16xf32>,
      %mul3A_136 = arith.constant 16 : i32
      %mul3A_137 = arith.muli %add3A_101, %mul3A_136 : i32
      %add3A_138 = arith.constant 6 : i32
      %add3A_139 = arith.addi %mul3A_137, %add3A_138 : i32
      %broadcast_in_dim3A_140 = vector.broadcast %add3A_139 : i32 to vector<16xi32>
      %gather3A_141 = tpu.vector_load_idx %arg13[%broadcast_in_dim3A_140] : memref<5120xf32, #tpu.memory_space<vmem>>[vector<16xi32>], vector<16xf32>,
      %mul3A_142 = arith.constant 16 : i32
      %mul3A_143 = arith.muli %add3A_101, %mul3A_142 : i32
      %add3A_144 = arith.constant 7 : i32
      %add3A_145 = arith.addi %mul3A_143, %add3A_144 : i32
      %broadcast_in_dim3A_146 = vector.broadcast %add3A_145 : i32 to vector<16xi32>
      %gather3A_147 = tpu.vector_load_idx %arg13[%broadcast_in_dim3A_146] : memref<5120xf32, #tpu.memory_space<vmem>>[vector<16xi32>], vector<16xf32>,
      %mul3A_148 = arith.constant 16 : i32
      %mul3A_149 = arith.muli %add3A_101, %mul3A_148 : i32
      %add3A_150 = arith.constant 8 : i32
      %add3A_151 = arith.addi %mul3A_149, %add3A_150 : i32
      %broadcast_in_dim3A_152 = vector.broadcast %add3A_151 : i32 to vector<16xi32>
      %gather3A_153 = tpu.vector_load_idx %arg13[%broadcast_in_dim3A_152] : memref<5120xf32, #tpu.memory_space<vmem>>[vector<16xi32>], vector<16xf32>,
      %mul3A_154 = arith.constant 16 : i32
      %mul3A_155 = arith.muli %add3A_101, %mul3A_154 : i32
      %add3A_156 = arith.constant 9 : i32
      %add3A_157 = arith.addi %mul3A_155, %add3A_156 : i32
      %broadcast_in_dim3A_158 = vector.broadcast %add3A_157 : i32 to vector<16xi32>
      %gather3A_159 = tpu.vector_load_idx %arg13[%broadcast_in_dim3A_158] : memref<5120xf32, #tpu.memory_space<vmem>>[vector<16xi32>], vector<16xf32>,
      %mul3A_160 = arith.constant 16 : i32
      %mul3A_161 = arith.muli %add3A_101, %mul3A_160 : i32
      %add3A_162 = arith.constant 10 : i32
      %add3A_163 = arith.addi %mul3A_161, %add3A_162 : i32
      %broadcast_in_dim3A_164 = vector.broadcast %add3A_163 : i32 to vector<16xi32>
      %gather3A_165 = tpu.vector_load_idx %arg13[%broadcast_in_dim3A_164] : memref<5120xf32, #tpu.memory_space<vmem>>[vector<16xi32>], vector<16xf32>,
      %mul3A_166 = arith.constant 16 : i32
      %mul3A_167 = arith.muli %add3A_101, %mul3A_166 : i32
      %add3A_168 = arith.constant 11 : i32
      %add3A_169 = arith.addi %mul3A_167, %add3A_168 : i32
      %broadcast_in_dim3A_170 = vector.broadcast %add3A_169 : i32 to vector<16xi32>
      %gather3A_171 = tpu.vector_load_idx %arg13[%broadcast_in_dim3A_170] : memref<5120xf32, #tpu.memory_space<vmem>>[vector<16xi32>], vector<16xf32>,
      %mul3A_172 = arith.constant 16 : i32
      %mul3A_173 = arith.muli %add3A_101, %mul3A_172 : i32
      %add3A_174 = arith.constant 12 : i32
      %add3A_175 = arith.addi %mul3A_173, %add3A_174 : i32
      %broadcast_in_dim3A_176 = vector.broadcast %add3A_175 : i32 to vector<16xi32>
      %gather3A_177 = tpu.vector_load_idx %arg13[%broadcast_in_dim3A_176] : memref<5120xf32, #tpu.memory_space<vmem>>[vector<16xi32>], vector<16xf32>,
      %mul3A_178 = arith.constant 16 : i32
      %mul3A_179 = arith.muli %add3A_101, %mul3A_178 : i32
      %add3A_180 = arith.constant 13 : i32
      %add3A_181 = arith.addi %mul3A_179, %add3A_180 : i32
      %broadcast_in_dim3A_182 = vector.broadcast %add3A_181 : i32 to vector<16xi32>
      %gather3A_183 = tpu.vector_load_idx %arg13[%broadcast_in_dim3A_182] : memref<5120xf32, #tpu.memory_space<vmem>>[vector<16xi32>], vector<16xf32>,
      %mul3A_184 = arith.constant 16 : i32
      %mul3A_185 = arith.muli %add3A_101, %mul3A_184 : i32
      %add3A_186 = arith.constant 14 : i32
      %add3A_187 = arith.addi %mul3A_185, %add3A_186 : i32
      %broadcast_in_dim3A_188 = vector.broadcast %add3A_187 : i32 to vector<16xi32>
      %gather3A_189 = tpu.vector_load_idx %arg13[%broadcast_in_dim3A_188] : memref<5120xf32, #tpu.memory_space<vmem>>[vector<16xi32>], vector<16xf32>,
      %mul3A_190 = arith.constant 16 : i32
      %mul3A_191 = arith.muli %add3A_101, %mul3A_190 : i32
      %add3A_192 = arith.constant 15 : i32
      %add3A_193 = arith.addi %mul3A_191, %add3A_192 : i32
      %broadcast_in_dim3A_194 = vector.broadcast %add3A_193 : i32 to vector<16xi32>
      %gather3A_195 = tpu.vector_load_idx %arg13[%broadcast_in_dim3A_194] : memref<5120xf32, #tpu.memory_space<vmem>>[vector<16xi32>], vector<16xf32>,
      %scan3A_196 = arith.constant 0 : i32
      %scan3A_197 = arith.constant 0 : i32
      %scan3A_198 = arith.constant 8 : i32
      %scan3A_199 = arith.addi %scan3A_197, %scan3A_198 : i32
      %scan3A_200 = arith.constant 1 : i32
      scf.for %scan3A_1108 = %scan3A_197 to %scan3A_199 step %scan3A_200  : i32 {
        %mul3A_1109 = arith.constant 16 : i32
        %mul3A_1110 = arith.muli %scan3A_1108, %mul3A_1109 : i32
        %get3A = arith.constant 0 : i32
        %get3A_1111 = arith.index_cast %get3A : i32 to index
        %get3A_1112 = arith.index_cast %mul3A_1110 : i32 to index
        %get3A_1113 = tpu.vector_load %arg14[%get3A_1111, %get3A_1112] {strides = array<i32>} : memref<32x128xi32, #tpu.memory_space<vmem>>, vector<16xi32>,
        %bitcast3A = vector.bitcast %get3A_1113 : vector<16xi32> to vector<32xbf16>
        %unpack3A = tpu.unpack_subelements %bitcast3A, 0 {pack_format = #tpu.pack_format<interleaved>} : vector<32xbf16> -> vector<16xf32>
        %unpack3A_1114 = tpu.unpack_subelements %bitcast3A, 1 {pack_format = #tpu.pack_format<interleaved>} : vector<32xbf16> -> vector<16xf32>
        %mul3A_1115 = arith.mulf %gather3A, %unpack3A : vector<16xf32>
        %mul3A_1116 = arith.mulf %gather3A, %unpack3A_1114 : vector<16xf32>
        %mul3A_1117 = arith.constant 16 : i32
        %mul3A_1118 = arith.muli %scan3A_1108, %mul3A_1117 : i32
        %get3A_1119 = arith.constant 1 : i32
        %get3A_1120 = arith.index_cast %get3A_1119 : i32 to index
        %get3A_1121 = arith.index_cast %mul3A_1118 : i32 to index
        %get3A_1122 = tpu.vector_load %arg14[%get3A_1120, %get3A_1121] {strides = array<i32>} : memref<32x128xi32, #tpu.memory_space<vmem>>, vector<16xi32>,
        %bitcast3A_1123 = vector.bitcast %get3A_1122 : vector<16xi32> to vector<32xbf16>
        %unpack3A_1124 = tpu.unpack_subelements %bitcast3A_1123, 0 {pack_format = #tpu.pack_format<interleaved>} : vector<32xbf16> -> vector<16xf32>
        %unpack3A_1125 = tpu.unpack_subelements %bitcast3A_1123, 1 {pack_format = #tpu.pack_format<interleaved>} : vector<32xbf16> -> vector<16xf32>
        %mul3A_1126 = arith.mulf %gather3A_111, %unpack3A_1124 : vector<16xf32>
        %add3A_1127 = arith.addf %mul3A_1115, %mul3A_1126 : vector<16xf32>
        %mul3A_1128 = arith.mulf %gather3A_111, %unpack3A_1125 : vector<16xf32>
        %add3A_1129 = arith.addf %mul3A_1116, %mul3A_1128 : vector<16xf32>
        %mul3A_1130 = arith.constant 16 : i32
        %mul3A_1131 = arith.muli %scan3A_1108, %mul3A_1130 : i32
        %get3A_1132 = arith.constant 2 : i32
        %get3A_1133 = arith.index_cast %get3A_1132 : i32 to index
        %get3A_1134 = arith.index_cast %mul3A_1131 : i32 to index
        %get3A_1135 = tpu.vector_load %arg14[%get3A_1133, %get3A_1134] {strides = array<i32>} : memref<32x128xi32, #tpu.memory_space<vmem>>, vector<16xi32>,
        %bitcast3A_1136 = vector.bitcast %get3A_1135 : vector<16xi32> to vector<32xbf16>
        %unpack3A_1137 = tpu.unpack_subelements %bitcast3A_1136, 0 {pack_format = #tpu.pack_format<interleaved>} : vector<32xbf16> -> vector<16xf32>
        %unpack3A_1138 = tpu.unpack_subelements %bitcast3A_1136, 1 {pack_format = #tpu.pack_format<interleaved>} : vector<32xbf16> -> vector<16xf32>
        %mul3A_1139 = arith.mulf %gather3A_117, %unpack3A_1137 : vector<16xf32>
        %add3A_1140 = arith.addf %add3A_1127, %mul3A_1139 : vector<16xf32>
        %mul3A_1141 = arith.mulf %gather3A_117, %unpack3A_1138 : vector<16xf32>
        %add3A_1142 = arith.addf %add3A_1129, %mul3A_1141 : vector<16xf32>
        %mul3A_1143 = arith.constant 16 : i32
        %mul3A_1144 = arith.muli %scan3A_1108, %mul3A_1143 : i32
        %get3A_1145 = arith.constant 3 : i32
        %get3A_1146 = arith.index_cast %get3A_1145 : i32 to index
        %get3A_1147 = arith.index_cast %mul3A_1144 : i32 to index
        %get3A_1148 = tpu.vector_load %arg14[%get3A_1146, %get3A_1147] {strides = array<i32>} : memref<32x128xi32, #tpu.memory_space<vmem>>, vector<16xi32>,
        %bitcast3A_1149 = vector.bitcast %get3A_1148 : vector<16xi32> to vector<32xbf16>
        %unpack3A_1150 = tpu.unpack_subelements %bitcast3A_1149, 0 {pack_format = #tpu.pack_format<interleaved>} : vector<32xbf16> -> vector<16xf32>
        %unpack3A_1151 = tpu.unpack_subelements %bitcast3A_1149, 1 {pack_format = #tpu.pack_format<interleaved>} : vector<32xbf16> -> vector<16xf32>
        %mul3A_1152 = arith.mulf %gather3A_123, %unpack3A_1150 : vector<16xf32>
        %add3A_1153 = arith.addf %add3A_1140, %mul3A_1152 : vector<16xf32>
        %mul3A_1154 = arith.mulf %gather3A_123, %unpack3A_1151 : vector<16xf32>
        %add3A_1155 = arith.addf %add3A_1142, %mul3A_1154 : vector<16xf32>
        %mul3A_1156 = arith.constant 16 : i32
        %mul3A_1157 = arith.muli %scan3A_1108, %mul3A_1156 : i32
        %get3A_1158 = arith.constant 4 : i32
        %get3A_1159 = arith.index_cast %get3A_1158 : i32 to index
        %get3A_1160 = arith.index_cast %mul3A_1157 : i32 to index
        %get3A_1161 = tpu.vector_load %arg14[%get3A_1159, %get3A_1160] {strides = array<i32>} : memref<32x128xi32, #tpu.memory_space<vmem>>, vector<16xi32>,
        %bitcast3A_1162 = vector.bitcast %get3A_1161 : vector<16xi32> to vector<32xbf16>
        %unpack3A_1163 = tpu.unpack_subelements %bitcast3A_1162, 0 {pack_format = #tpu.pack_format<interleaved>} : vector<32xbf16> -> vector<16xf32>
        %unpack3A_1164 = tpu.unpack_subelements %bitcast3A_1162, 1 {pack_format = #tpu.pack_format<interleaved>} : vector<32xbf16> -> vector<16xf32>
        %mul3A_1165 = arith.mulf %gather3A_129, %unpack3A_1163 : vector<16xf32>
        %add3A_1166 = arith.addf %add3A_1153, %mul3A_1165 : vector<16xf32>
        %mul3A_1167 = arith.mulf %gather3A_129, %unpack3A_1164 : vector<16xf32>
        %add3A_1168 = arith.addf %add3A_1155, %mul3A_1167 : vector<16xf32>
        %mul3A_1169 = arith.constant 16 : i32
        %mul3A_1170 = arith.muli %scan3A_1108, %mul3A_1169 : i32
        %get3A_1171 = arith.constant 5 : i32
        %get3A_1172 = arith.index_cast %get3A_1171 : i32 to index
        %get3A_1173 = arith.index_cast %mul3A_1170 : i32 to index
        %get3A_1174 = tpu.vector_load %arg14[%get3A_1172, %get3A_1173] {strides = array<i32>} : memref<32x128xi32, #tpu.memory_space<vmem>>, vector<16xi32>,
        %bitcast3A_1175 = vector.bitcast %get3A_1174 : vector<16xi32> to vector<32xbf16>
        %unpack3A_1176 = tpu.unpack_subelements %bitcast3A_1175, 0 {pack_format = #tpu.pack_format<interleaved>} : vector<32xbf16> -> vector<16xf32>
        %unpack3A_1177 = tpu.unpack_subelements %bitcast3A_1175, 1 {pack_format = #tpu.pack_format<interleaved>} : vector<32xbf16> -> vector<16xf32>
        %mul3A_1178 = arith.mulf %gather3A_135, %unpack3A_1176 : vector<16xf32>
        %add3A_1179 = arith.addf %add3A_1166, %mul3A_1178 : vector<16xf32>
        %mul3A_1180 = arith.mulf %gather3A_135, %unpack3A_1177 : vector<16xf32>
        %add3A_1181 = arith.addf %add3A_1168, %mul3A_1180 : vector<16xf32>
        %mul3A_1182 = arith.constant 16 : i32
        %mul3A_1183 = arith.muli %scan3A_1108, %mul3A_1182 : i32
        %get3A_1184 = arith.constant 6 : i32
        %get3A_1185 = arith.index_cast %get3A_1184 : i32 to index
        %get3A_1186 = arith.index_cast %mul3A_1183 : i32 to index
        %get3A_1187 = tpu.vector_load %arg14[%get3A_1185, %get3A_1186] {strides = array<i32>} : memref<32x128xi32, #tpu.memory_space<vmem>>, vector<16xi32>,
        %bitcast3A_1188 = vector.bitcast %get3A_1187 : vector<16xi32> to vector<32xbf16>
        %unpack3A_1189 = tpu.unpack_subelements %bitcast3A_1188, 0 {pack_format = #tpu.pack_format<interleaved>} : vector<32xbf16> -> vector<16xf32>
        %unpack3A_1190 = tpu.unpack_subelements %bitcast3A_1188, 1 {pack_format = #tpu.pack_format<interleaved>} : vector<32xbf16> -> vector<16xf32>
        %mul3A_1191 = arith.mulf %gather3A_141, %unpack3A_1189 : vector<16xf32>
        %add3A_1192 = arith.addf %add3A_1179, %mul3A_1191 : vector<16xf32>
        %mul3A_1193 = arith.mulf %gather3A_141, %unpack3A_1190 : vector<16xf32>
        %add3A_1194 = arith.addf %add3A_1181, %mul3A_1193 : vector<16xf32>
        %mul3A_1195 = arith.constant 16 : i32
        %mul3A_1196 = arith.muli %scan3A_1108, %mul3A_1195 : i32
        %get3A_1197 = arith.constant 7 : i32
        %get3A_1198 = arith.index_cast %get3A_1197 : i32 to index
        %get3A_1199 = arith.index_cast %mul3A_1196 : i32 to index
        %get3A_1200 = tpu.vector_load %arg14[%get3A_1198, %get3A_1199] {strides = array<i32>} : memref<32x128xi32, #tpu.memory_space<vmem>>, vector<16xi32>,
        %bitcast3A_1201 = vector.bitcast %get3A_1200 : vector<16xi32> to vector<32xbf16>
        %unpack3A_1202 = tpu.unpack_subelements %bitcast3A_1201, 0 {pack_format = #tpu.pack_format<interleaved>} : vector<32xbf16> -> vector<16xf32>
        %unpack3A_1203 = tpu.unpack_subelements %bitcast3A_1201, 1 {pack_format = #tpu.pack_format<interleaved>} : vector<32xbf16> -> vector<16xf32>
        %mul3A_1204 = arith.mulf %gather3A_147, %unpack3A_1202 : vector<16xf32>
        %add3A_1205 = arith.addf %add3A_1192, %mul3A_1204 : vector<16xf32>
        %mul3A_1206 = arith.mulf %gather3A_147, %unpack3A_1203 : vector<16xf32>
        %add3A_1207 = arith.addf %add3A_1194, %mul3A_1206 : vector<16xf32>
        %mul3A_1208 = arith.constant 16 : i32
        %mul3A_1209 = arith.muli %scan3A_1108, %mul3A_1208 : i32
        %get3A_1210 = arith.constant 8 : i32
        %get3A_1211 = arith.index_cast %get3A_1210 : i32 to index
        %get3A_1212 = arith.index_cast %mul3A_1209 : i32 to index
        %get3A_1213 = tpu.vector_load %arg14[%get3A_1211, %get3A_1212] {strides = array<i32>} : memref<32x128xi32, #tpu.memory_space<vmem>>, vector<16xi32>,
        %bitcast3A_1214 = vector.bitcast %get3A_1213 : vector<16xi32> to vector<32xbf16>
        %unpack3A_1215 = tpu.unpack_subelements %bitcast3A_1214, 0 {pack_format = #tpu.pack_format<interleaved>} : vector<32xbf16> -> vector<16xf32>
        %unpack3A_1216 = tpu.unpack_subelements %bitcast3A_1214, 1 {pack_format = #tpu.pack_format<interleaved>} : vector<32xbf16> -> vector<16xf32>
        %mul3A_1217 = arith.mulf %gather3A_153, %unpack3A_1215 : vector<16xf32>
        %add3A_1218 = arith.addf %add3A_1205, %mul3A_1217 : vector<16xf32>
        %mul3A_1219 = arith.mulf %gather3A_153, %unpack3A_1216 : vector<16xf32>
        %add3A_1220 = arith.addf %add3A_1207, %mul3A_1219 : vector<16xf32>
        %mul3A_1221 = arith.constant 16 : i32
        %mul3A_1222 = arith.muli %scan3A_1108, %mul3A_1221 : i32
        %get3A_1223 = arith.constant 9 : i32
        %get3A_1224 = arith.index_cast %get3A_1223 : i32 to index
        %get3A_1225 = arith.index_cast %mul3A_1222 : i32 to index
        %get3A_1226 = tpu.vector_load %arg14[%get3A_1224, %get3A_1225] {strides = array<i32>} : memref<32x128xi32, #tpu.memory_space<vmem>>, vector<16xi32>,
        %bitcast3A_1227 = vector.bitcast %get3A_1226 : vector<16xi32> to vector<32xbf16>
        %unpack3A_1228 = tpu.unpack_subelements %bitcast3A_1227, 0 {pack_format = #tpu.pack_format<interleaved>} : vector<32xbf16> -> vector<16xf32>
        %unpack3A_1229 = tpu.unpack_subelements %bitcast3A_1227, 1 {pack_format = #tpu.pack_format<interleaved>} : vector<32xbf16> -> vector<16xf32>
        %mul3A_1230 = arith.mulf %gather3A_159, %unpack3A_1228 : vector<16xf32>
        %add3A_1231 = arith.addf %add3A_1218, %mul3A_1230 : vector<16xf32>
        %mul3A_1232 = arith.mulf %gather3A_159, %unpack3A_1229 : vector<16xf32>
        %add3A_1233 = arith.addf %add3A_1220, %mul3A_1232 : vector<16xf32>
        %mul3A_1234 = arith.constant 16 : i32
        %mul3A_1235 = arith.muli %scan3A_1108, %mul3A_1234 : i32
        %get3A_1236 = arith.constant 10 : i32
        %get3A_1237 = arith.index_cast %get3A_1236 : i32 to index
        %get3A_1238 = arith.index_cast %mul3A_1235 : i32 to index
        %get3A_1239 = tpu.vector_load %arg14[%get3A_1237, %get3A_1238] {strides = array<i32>} : memref<32x128xi32, #tpu.memory_space<vmem>>, vector<16xi32>,
        %bitcast3A_1240 = vector.bitcast %get3A_1239 : vector<16xi32> to vector<32xbf16>
        %unpack3A_1241 = tpu.unpack_subelements %bitcast3A_1240, 0 {pack_format = #tpu.pack_format<interleaved>} : vector<32xbf16> -> vector<16xf32>
        %unpack3A_1242 = tpu.unpack_subelements %bitcast3A_1240, 1 {pack_format = #tpu.pack_format<interleaved>} : vector<32xbf16> -> vector<16xf32>
        %mul3A_1243 = arith.mulf %gather3A_165, %unpack3A_1241 : vector<16xf32>
        %add3A_1244 = arith.addf %add3A_1231, %mul3A_1243 : vector<16xf32>
        %mul3A_1245 = arith.mulf %gather3A_165, %unpack3A_1242 : vector<16xf32>
        %add3A_1246 = arith.addf %add3A_1233, %mul3A_1245 : vector<16xf32>
        %mul3A_1247 = arith.constant 16 : i32
        %mul3A_1248 = arith.muli %scan3A_1108, %mul3A_1247 : i32
        %get3A_1249 = arith.constant 11 : i32
        %get3A_1250 = arith.index_cast %get3A_1249 : i32 to index
        %get3A_1251 = arith.index_cast %mul3A_1248 : i32 to index
        %get3A_1252 = tpu.vector_load %arg14[%get3A_1250, %get3A_1251] {strides = array<i32>} : memref<32x128xi32, #tpu.memory_space<vmem>>, vector<16xi32>,
        %bitcast3A_1253 = vector.bitcast %get3A_1252 : vector<16xi32> to vector<32xbf16>
        %unpack3A_1254 = tpu.unpack_subelements %bitcast3A_1253, 0 {pack_format = #tpu.pack_format<interleaved>} : vector<32xbf16> -> vector<16xf32>
        %unpack3A_1255 = tpu.unpack_subelements %bitcast3A_1253, 1 {pack_format = #tpu.pack_format<interleaved>} : vector<32xbf16> -> vector<16xf32>
        %mul3A_1256 = arith.mulf %gather3A_171, %unpack3A_1254 : vector<16xf32>
        %add3A_1257 = arith.addf %add3A_1244, %mul3A_1256 : vector<16xf32>
        %mul3A_1258 = arith.mulf %gather3A_171, %unpack3A_1255 : vector<16xf32>
        %add3A_1259 = arith.addf %add3A_1246, %mul3A_1258 : vector<16xf32>
        %mul3A_1260 = arith.constant 16 : i32
        %mul3A_1261 = arith.muli %scan3A_1108, %mul3A_1260 : i32
        %get3A_1262 = arith.constant 12 : i32
        %get3A_1263 = arith.index_cast %get3A_1262 : i32 to index
        %get3A_1264 = arith.index_cast %mul3A_1261 : i32 to index
        %get3A_1265 = tpu.vector_load %arg14[%get3A_1263, %get3A_1264] {strides = array<i32>} : memref<32x128xi32, #tpu.memory_space<vmem>>, vector<16xi32>,
        %bitcast3A_1266 = vector.bitcast %get3A_1265 : vector<16xi32> to vector<32xbf16>
        %unpack3A_1267 = tpu.unpack_subelements %bitcast3A_1266, 0 {pack_format = #tpu.pack_format<interleaved>} : vector<32xbf16> -> vector<16xf32>
        %unpack3A_1268 = tpu.unpack_subelements %bitcast3A_1266, 1 {pack_format = #tpu.pack_format<interleaved>} : vector<32xbf16> -> vector<16xf32>
        %mul3A_1269 = arith.mulf %gather3A_177, %unpack3A_1267 : vector<16xf32>
        %add3A_1270 = arith.addf %add3A_1257, %mul3A_1269 : vector<16xf32>
        %mul3A_1271 = arith.mulf %gather3A_177, %unpack3A_1268 : vector<16xf32>
        %add3A_1272 = arith.addf %add3A_1259, %mul3A_1271 : vector<16xf32>
        %mul3A_1273 = arith.constant 16 : i32
        %mul3A_1274 = arith.muli %scan3A_1108, %mul3A_1273 : i32
        %get3A_1275 = arith.constant 13 : i32
        %get3A_1276 = arith.index_cast %get3A_1275 : i32 to index
        %get3A_1277 = arith.index_cast %mul3A_1274 : i32 to index
        %get3A_1278 = tpu.vector_load %arg14[%get3A_1276, %get3A_1277] {strides = array<i32>} : memref<32x128xi32, #tpu.memory_space<vmem>>, vector<16xi32>,
        %bitcast3A_1279 = vector.bitcast %get3A_1278 : vector<16xi32> to vector<32xbf16>
        %unpack3A_1280 = tpu.unpack_subelements %bitcast3A_1279, 0 {pack_format = #tpu.pack_format<interleaved>} : vector<32xbf16> -> vector<16xf32>
        %unpack3A_1281 = tpu.unpack_subelements %bitcast3A_1279, 1 {pack_format = #tpu.pack_format<interleaved>} : vector<32xbf16> -> vector<16xf32>
        %mul3A_1282 = arith.mulf %gather3A_183, %unpack3A_1280 : vector<16xf32>
        %add3A_1283 = arith.addf %add3A_1270, %mul3A_1282 : vector<16xf32>
        %mul3A_1284 = arith.mulf %gather3A_183, %unpack3A_1281 : vector<16xf32>
        %add3A_1285 = arith.addf %add3A_1272, %mul3A_1284 : vector<16xf32>
        %mul3A_1286 = arith.constant 16 : i32
        %mul3A_1287 = arith.muli %scan3A_1108, %mul3A_1286 : i32
        %get3A_1288 = arith.constant 14 : i32
        %get3A_1289 = arith.index_cast %get3A_1288 : i32 to index
        %get3A_1290 = arith.index_cast %mul3A_1287 : i32 to index
        %get3A_1291 = tpu.vector_load %arg14[%get3A_1289, %get3A_1290] {strides = array<i32>} : memref<32x128xi32, #tpu.memory_space<vmem>>, vector<16xi32>,
        %bitcast3A_1292 = vector.bitcast %get3A_1291 : vector<16xi32> to vector<32xbf16>
        %unpack3A_1293 = tpu.unpack_subelements %bitcast3A_1292, 0 {pack_format = #tpu.pack_format<interleaved>} : vector<32xbf16> -> vector<16xf32>
        %unpack3A_1294 = tpu.unpack_subelements %bitcast3A_1292, 1 {pack_format = #tpu.pack_format<interleaved>} : vector<32xbf16> -> vector<16xf32>
        %mul3A_1295 = arith.mulf %gather3A_189, %unpack3A_1293 : vector<16xf32>
        %add3A_1296 = arith.addf %add3A_1283, %mul3A_1295 : vector<16xf32>
        %mul3A_1297 = arith.mulf %gather3A_189, %unpack3A_1294 : vector<16xf32>
        %add3A_1298 = arith.addf %add3A_1285, %mul3A_1297 : vector<16xf32>
        %mul3A_1299 = arith.constant 16 : i32
        %mul3A_1300 = arith.muli %scan3A_1108, %mul3A_1299 : i32
        %get3A_1301 = arith.constant 15 : i32
        %get3A_1302 = arith.index_cast %get3A_1301 : i32 to index
        %get3A_1303 = arith.index_cast %mul3A_1300 : i32 to index
        %get3A_1304 = tpu.vector_load %arg14[%get3A_1302, %get3A_1303] {strides = array<i32>} : memref<32x128xi32, #tpu.memory_space<vmem>>, vector<16xi32>,
        %bitcast3A_1305 = vector.bitcast %get3A_1304 : vector<16xi32> to vector<32xbf16>
        %unpack3A_1306 = tpu.unpack_subelements %bitcast3A_1305, 0 {pack_format = #tpu.pack_format<interleaved>} : vector<32xbf16> -> vector<16xf32>
        %unpack3A_1307 = tpu.unpack_subelements %bitcast3A_1305, 1 {pack_format = #tpu.pack_format<interleaved>} : vector<32xbf16> -> vector<16xf32>
        %mul3A_1308 = arith.mulf %gather3A_195, %unpack3A_1306 : vector<16xf32>
        %add3A_1309 = arith.addf %add3A_1296, %mul3A_1308 : vector<16xf32>
        %mul3A_1310 = arith.mulf %gather3A_195, %unpack3A_1307 : vector<16xf32>
        %add3A_1311 = arith.addf %add3A_1298, %mul3A_1310 : vector<16xf32>
        %mul3A_1312 = arith.constant 16 : i32
        %mul3A_1313 = arith.muli %scan3A_1108, %mul3A_1312 : i32
        %swap3A = arith.constant 0 : i32
        %swap3A_1314 = arith.index_cast %swap3A : i32 to index
        %swap3A_1315 = arith.index_cast %mul3A_1313 : i32 to index
        %swap3A_1316 = tpu.vector_load %arg18[%swap3A_1314, %swap3A_1315] {strides = array<i32>} : memref<4x256xf32, #tpu.memory_space<vmem>>, vector<16xf32>,
        tpu.vector_store %arg18[%swap3A_1314, %swap3A_1315], %add3A_1309 {strides = array<i32>} : memref<4x256xf32, #tpu.memory_space<vmem>>, vector<16xf32>,
        %mul3A_1317 = arith.constant 16 : i32
        %mul3A_1318 = arith.muli %scan3A_1108, %mul3A_1317 : i32
        %add3A_1319 = arith.constant 128 : i32
        %add3A_1320 = arith.addi %add3A_1319, %mul3A_1318 : i32
        %swap3A_1321 = arith.constant 0 : i32
        %swap3A_1322 = arith.index_cast %swap3A_1321 : i32 to index
        %swap3A_1323 = arith.index_cast %add3A_1320 : i32 to index
        %swap3A_1324 = tpu.vector_load %arg18[%swap3A_1322, %swap3A_1323] {strides = array<i32>} : memref<4x256xf32, #tpu.memory_space<vmem>>, vector<16xf32>,
        tpu.vector_store %arg18[%swap3A_1322, %swap3A_1323], %add3A_1311 {strides = array<i32>} : memref<4x256xf32, #tpu.memory_space<vmem>>, vector<16xf32>,
      }
      %scan3A_201 = arith.constant 8 : i32
      %mul3A_202 = arith.constant 2 : i32
      %mul3A_203 = arith.muli %add3A_84, %mul3A_202 : i32
      %add3A_204 = arith.constant 1 : i32
      %add3A_205 = arith.addi %mul3A_203, %add3A_204 : i32
      %mul3A_206 = arith.constant 16 : i32
      %mul3A_207 = arith.muli %add3A_205, %mul3A_206 : i32
      %add3A_208 = arith.constant 0 : i32
      %add3A_209 = arith.addi %mul3A_207, %add3A_208 : i32
      %broadcast_in_dim3A_210 = vector.broadcast %add3A_209 : i32 to vector<16xi32>
      %gather3A_211 = tpu.vector_load_idx %arg13[%broadcast_in_dim3A_210] : memref<5120xf32, #tpu.memory_space<vmem>>[vector<16xi32>], vector<16xf32>,
      %mul3A_212 = arith.constant 16 : i32
      %mul3A_213 = arith.muli %add3A_205, %mul3A_212 : i32
      %add3A_214 = arith.constant 1 : i32
      %add3A_215 = arith.addi %mul3A_213, %add3A_214 : i32
      %broadcast_in_dim3A_216 = vector.broadcast %add3A_215 : i32 to vector<16xi32>
      %gather3A_217 = tpu.vector_load_idx %arg13[%broadcast_in_dim3A_216] : memref<5120xf32, #tpu.memory_space<vmem>>[vector<16xi32>], vector<16xf32>,
      %mul3A_218 = arith.constant 16 : i32
      %mul3A_219 = arith.muli %add3A_205, %mul3A_218 : i32
      %add3A_220 = arith.constant 2 : i32
      %add3A_221 = arith.addi %mul3A_219, %add3A_220 : i32
      %broadcast_in_dim3A_222 = vector.broadcast %add3A_221 : i32 to vector<16xi32>
      %gather3A_223 = tpu.vector_load_idx %arg13[%broadcast_in_dim3A_222] : memref<5120xf32, #tpu.memory_space<vmem>>[vector<16xi32>], vector<16xf32>,
      %mul3A_224 = arith.constant 16 : i32
      %mul3A_225 = arith.muli %add3A_205, %mul3A_224 : i32
      %add3A_226 = arith.constant 3 : i32
      %add3A_227 = arith.addi %mul3A_225, %add3A_226 : i32
      %broadcast_in_dim3A_228 = vector.broadcast %add3A_227 : i32 to vector<16xi32>
      %gather3A_229 = tpu.vector_load_idx %arg13[%broadcast_in_dim3A_228] : memref<5120xf32, #tpu.memory_space<vmem>>[vector<16xi32>], vector<16xf32>,
      %mul3A_230 = arith.constant 16 : i32
      %mul3A_231 = arith.muli %add3A_205, %mul3A_230 : i32
      %add3A_232 = arith.constant 4 : i32
      %add3A_233 = arith.addi %mul3A_231, %add3A_232 : i32
      %broadcast_in_dim3A_234 = vector.broadcast %add3A_233 : i32 to vector<16xi32>
      %gather3A_235 = tpu.vector_load_idx %arg13[%broadcast_in_dim3A_234] : memref<5120xf32, #tpu.memory_space<vmem>>[vector<16xi32>], vector<16xf32>,
      %mul3A_236 = arith.constant 16 : i32
      %mul3A_237 = arith.muli %add3A_205, %mul3A_236 : i32
      %add3A_238 = arith.constant 5 : i32
      %add3A_239 = arith.addi %mul3A_237, %add3A_238 : i32
      %broadcast_in_dim3A_240 = vector.broadcast %add3A_239 : i32 to vector<16xi32>
      %gather3A_241 = tpu.vector_load_idx %arg13[%broadcast_in_dim3A_240] : memref<5120xf32, #tpu.memory_space<vmem>>[vector<16xi32>], vector<16xf32>,
      %mul3A_242 = arith.constant 16 : i32
      %mul3A_243 = arith.muli %add3A_205, %mul3A_242 : i32
      %add3A_244 = arith.constant 6 : i32
      %add3A_245 = arith.addi %mul3A_243, %add3A_244 : i32
      %broadcast_in_dim3A_246 = vector.broadcast %add3A_245 : i32 to vector<16xi32>
      %gather3A_247 = tpu.vector_load_idx %arg13[%broadcast_in_dim3A_246] : memref<5120xf32, #tpu.memory_space<vmem>>[vector<16xi32>], vector<16xf32>,
      %mul3A_248 = arith.constant 16 : i32
      %mul3A_249 = arith.muli %add3A_205, %mul3A_248 : i32
      %add3A_250 = arith.constant 7 : i32
      %add3A_251 = arith.addi %mul3A_249, %add3A_250 : i32
      %broadcast_in_dim3A_252 = vector.broadcast %add3A_251 : i32 to vector<16xi32>
      %gather3A_253 = tpu.vector_load_idx %arg13[%broadcast_in_dim3A_252] : memref<5120xf32, #tpu.memory_space<vmem>>[vector<16xi32>], vector<16xf32>,
      %mul3A_254 = arith.constant 16 : i32
      %mul3A_255 = arith.muli %add3A_205, %mul3A_254 : i32
      %add3A_256 = arith.constant 8 : i32
      %add3A_257 = arith.addi %mul3A_255, %add3A_256 : i32
      %broadcast_in_dim3A_258 = vector.broadcast %add3A_257 : i32 to vector<16xi32>
      %gather3A_259 = tpu.vector_load_idx %arg13[%broadcast_in_dim3A_258] : memref<5120xf32, #tpu.memory_space<vmem>>[vector<16xi32>], vector<16xf32>,
      %mul3A_260 = arith.constant 16 : i32
      %mul3A_261 = arith.muli %add3A_205, %mul3A_260 : i32
      %add3A_262 = arith.constant 9 : i32
      %add3A_263 = arith.addi %mul3A_261, %add3A_262 : i32
      %broadcast_in_dim3A_264 = vector.broadcast %add3A_263 : i32 to vector<16xi32>
      %gather3A_265 = tpu.vector_load_idx %arg13[%broadcast_in_dim3A_264] : memref<5120xf32, #tpu.memory_space<vmem>>[vector<16xi32>], vector<16xf32>,
      %mul3A_266 = arith.constant 16 : i32
      %mul3A_267 = arith.muli %add3A_205, %mul3A_266 : i32
      %add3A_268 = arith.constant 10 : i32
      %add3A_269 = arith.addi %mul3A_267, %add3A_268 : i32
      %broadcast_in_dim3A_270 = vector.broadcast %add3A_269 : i32 to vector<16xi32>
      %gather3A_271 = tpu.vector_load_idx %arg13[%broadcast_in_dim3A_270] : memref<5120xf32, #tpu.memory_space<vmem>>[vector<16xi32>], vector<16xf32>,
      %mul3A_272 = arith.constant 16 : i32
      %mul3A_273 = arith.muli %add3A_205, %mul3A_272 : i32
      %add3A_274 = arith.constant 11 : i32
      %add3A_275 = arith.addi %mul3A_273, %add3A_274 : i32
      %broadcast_in_dim3A_276 = vector.broadcast %add3A_275 : i32 to vector<16xi32>
      %gather3A_277 = tpu.vector_load_idx %arg13[%broadcast_in_dim3A_276] : memref<5120xf32, #tpu.memory_space<vmem>>[vector<16xi32>], vector<16xf32>,
      %mul3A_278 = arith.constant 16 : i32
      %mul3A_279 = arith.muli %add3A_205, %mul3A_278 : i32
      %add3A_280 = arith.constant 12 : i32
      %add3A_281 = arith.addi %mul3A_279, %add3A_280 : i32
      %broadcast_in_dim3A_282 = vector.broadcast %add3A_281 : i32 to vector<16xi32>
      %gather3A_283 = tpu.vector_load_idx %arg13[%broadcast_in_dim3A_282] : memref<5120xf32, #tpu.memory_space<vmem>>[vector<16xi32>], vector<16xf32>,
      %mul3A_284 = arith.constant 16 : i32
      %mul3A_285 = arith.muli %add3A_205, %mul3A_284 : i32
      %add3A_286 = arith.constant 13 : i32
      %add3A_287 = arith.addi %mul3A_285, %add3A_286 : i32
      %broadcast_in_dim3A_288 = vector.broadcast %add3A_287 : i32 to vector<16xi32>
      %gather3A_289 = tpu.vector_load_idx %arg13[%broadcast_in_dim3A_288] : memref<5120xf32, #tpu.memory_space<vmem>>[vector<16xi32>], vector<16xf32>,
      %mul3A_290 = arith.constant 16 : i32
      %mul3A_291 = arith.muli %add3A_205, %mul3A_290 : i32
      %add3A_292 = arith.constant 14 : i32
      %add3A_293 = arith.addi %mul3A_291, %add3A_292 : i32
      %broadcast_in_dim3A_294 = vector.broadcast %add3A_293 : i32 to vector<16xi32>
      %gather3A_295 = tpu.vector_load_idx %arg13[%broadcast_in_dim3A_294] : memref<5120xf32, #tpu.memory_space<vmem>>[vector<16xi32>], vector<16xf32>,
      %mul3A_296 = arith.constant 16 : i32
      %mul3A_297 = arith.muli %add3A_205, %mul3A_296 : i32
      %add3A_298 = arith.constant 15 : i32
      %add3A_299 = arith.addi %mul3A_297, %add3A_298 : i32
      %broadcast_in_dim3A_300 = vector.broadcast %add3A_299 : i32 to vector<16xi32>
      %gather3A_301 = tpu.vector_load_idx %arg13[%broadcast_in_dim3A_300] : memref<5120xf32, #tpu.memory_space<vmem>>[vector<16xi32>], vector<16xf32>,
      %scan3A_302 = arith.constant 0 : i32
      %scan3A_303 = arith.constant 0 : i32
      %scan3A_304 = arith.constant 8 : i32
      %scan3A_305 = arith.addi %scan3A_303, %scan3A_304 : i32
      %scan3A_306 = arith.constant 1 : i32
      scf.for %scan3A_1108 = %scan3A_303 to %scan3A_305 step %scan3A_306  : i32 {
        %mul3A_1109 = arith.constant 16 : i32
        %mul3A_1110 = arith.muli %scan3A_1108, %mul3A_1109 : i32
        %get3A = arith.constant 16 : i32
        %get3A_1111 = arith.index_cast %get3A : i32 to index
        %get3A_1112 = arith.index_cast %mul3A_1110 : i32 to index
        %get3A_1113 = tpu.vector_load %arg14[%get3A_1111, %get3A_1112] {strides = array<i32>} : memref<32x128xi32, #tpu.memory_space<vmem>>, vector<16xi32>,
        %bitcast3A = vector.bitcast %get3A_1113 : vector<16xi32> to vector<32xbf16>
        %unpack3A = tpu.unpack_subelements %bitcast3A, 0 {pack_format = #tpu.pack_format<interleaved>} : vector<32xbf16> -> vector<16xf32>
        %unpack3A_1114 = tpu.unpack_subelements %bitcast3A, 1 {pack_format = #tpu.pack_format<interleaved>} : vector<32xbf16> -> vector<16xf32>
        %mul3A_1115 = arith.mulf %gather3A_211, %unpack3A : vector<16xf32>
        %mul3A_1116 = arith.mulf %gather3A_211, %unpack3A_1114 : vector<16xf32>
        %mul3A_1117 = arith.constant 16 : i32
        %mul3A_1118 = arith.muli %scan3A_1108, %mul3A_1117 : i32
        %get3A_1119 = arith.constant 17 : i32
        %get3A_1120 = arith.index_cast %get3A_1119 : i32 to index
        %get3A_1121 = arith.index_cast %mul3A_1118 : i32 to index
        %get3A_1122 = tpu.vector_load %arg14[%get3A_1120, %get3A_1121] {strides = array<i32>} : memref<32x128xi32, #tpu.memory_space<vmem>>, vector<16xi32>,
        %bitcast3A_1123 = vector.bitcast %get3A_1122 : vector<16xi32> to vector<32xbf16>
        %unpack3A_1124 = tpu.unpack_subelements %bitcast3A_1123, 0 {pack_format = #tpu.pack_format<interleaved>} : vector<32xbf16> -> vector<16xf32>
        %unpack3A_1125 = tpu.unpack_subelements %bitcast3A_1123, 1 {pack_format = #tpu.pack_format<interleaved>} : vector<32xbf16> -> vector<16xf32>
        %mul3A_1126 = arith.mulf %gather3A_217, %unpack3A_1124 : vector<16xf32>
        %add3A_1127 = arith.addf %mul3A_1115, %mul3A_1126 : vector<16xf32>
        %mul3A_1128 = arith.mulf %gather3A_217, %unpack3A_1125 : vector<16xf32>
        %add3A_1129 = arith.addf %mul3A_1116, %mul3A_1128 : vector<16xf32>
        %mul3A_1130 = arith.constant 16 : i32
        %mul3A_1131 = arith.muli %scan3A_1108, %mul3A_1130 : i32
        %get3A_1132 = arith.constant 18 : i32
        %get3A_1133 = arith.index_cast %get3A_1132 : i32 to index
        %get3A_1134 = arith.index_cast %mul3A_1131 : i32 to index
        %get3A_1135 = tpu.vector_load %arg14[%get3A_1133, %get3A_1134] {strides = array<i32>} : memref<32x128xi32, #tpu.memory_space<vmem>>, vector<16xi32>,
        %bitcast3A_1136 = vector.bitcast %get3A_1135 : vector<16xi32> to vector<32xbf16>
        %unpack3A_1137 = tpu.unpack_subelements %bitcast3A_1136, 0 {pack_format = #tpu.pack_format<interleaved>} : vector<32xbf16> -> vector<16xf32>
        %unpack3A_1138 = tpu.unpack_subelements %bitcast3A_1136, 1 {pack_format = #tpu.pack_format<interleaved>} : vector<32xbf16> -> vector<16xf32>
        %mul3A_1139 = arith.mulf %gather3A_223, %unpack3A_1137 : vector<16xf32>
        %add3A_1140 = arith.addf %add3A_1127, %mul3A_1139 : vector<16xf32>
        %mul3A_1141 = arith.mulf %gather3A_223, %unpack3A_1138 : vector<16xf32>
        %add3A_1142 = arith.addf %add3A_1129, %mul3A_1141 : vector<16xf32>
        %mul3A_1143 = arith.constant 16 : i32
        %mul3A_1144 = arith.muli %scan3A_1108, %mul3A_1143 : i32
        %get3A_1145 = arith.constant 19 : i32
        %get3A_1146 = arith.index_cast %get3A_1145 : i32 to index
        %get3A_1147 = arith.index_cast %mul3A_1144 : i32 to index
        %get3A_1148 = tpu.vector_load %arg14[%get3A_1146, %get3A_1147] {strides = array<i32>} : memref<32x128xi32, #tpu.memory_space<vmem>>, vector<16xi32>,
        %bitcast3A_1149 = vector.bitcast %get3A_1148 : vector<16xi32> to vector<32xbf16>
        %unpack3A_1150 = tpu.unpack_subelements %bitcast3A_1149, 0 {pack_format = #tpu.pack_format<interleaved>} : vector<32xbf16> -> vector<16xf32>
        %unpack3A_1151 = tpu.unpack_subelements %bitcast3A_1149, 1 {pack_format = #tpu.pack_format<interleaved>} : vector<32xbf16> -> vector<16xf32>
        %mul3A_1152 = arith.mulf %gather3A_229, %unpack3A_1150 : vector<16xf32>
        %add3A_1153 = arith.addf %add3A_1140, %mul3A_1152 : vector<16xf32>
        %mul3A_1154 = arith.mulf %gather3A_229, %unpack3A_1151 : vector<16xf32>
        %add3A_1155 = arith.addf %add3A_1142, %mul3A_1154 : vector<16xf32>
        %mul3A_1156 = arith.constant 16 : i32
        %mul3A_1157 = arith.muli %scan3A_1108, %mul3A_1156 : i32
        %get3A_1158 = arith.constant 20 : i32
        %get3A_1159 = arith.index_cast %get3A_1158 : i32 to index
        %get3A_1160 = arith.index_cast %mul3A_1157 : i32 to index
        %get3A_1161 = tpu.vector_load %arg14[%get3A_1159, %get3A_1160] {strides = array<i32>} : memref<32x128xi32, #tpu.memory_space<vmem>>, vector<16xi32>,
        %bitcast3A_1162 = vector.bitcast %get3A_1161 : vector<16xi32> to vector<32xbf16>
        %unpack3A_1163 = tpu.unpack_subelements %bitcast3A_1162, 0 {pack_format = #tpu.pack_format<interleaved>} : vector<32xbf16> -> vector<16xf32>
        %unpack3A_1164 = tpu.unpack_subelements %bitcast3A_1162, 1 {pack_format = #tpu.pack_format<interleaved>} : vector<32xbf16> -> vector<16xf32>
        %mul3A_1165 = arith.mulf %gather3A_235, %unpack3A_1163 : vector<16xf32>
        %add3A_1166 = arith.addf %add3A_1153, %mul3A_1165 : vector<16xf32>
        %mul3A_1167 = arith.mulf %gather3A_235, %unpack3A_1164 : vector<16xf32>
        %add3A_1168 = arith.addf %add3A_1155, %mul3A_1167 : vector<16xf32>
        %mul3A_1169 = arith.constant 16 : i32
        %mul3A_1170 = arith.muli %scan3A_1108, %mul3A_1169 : i32
        %get3A_1171 = arith.constant 21 : i32
        %get3A_1172 = arith.index_cast %get3A_1171 : i32 to index
        %get3A_1173 = arith.index_cast %mul3A_1170 : i32 to index
        %get3A_1174 = tpu.vector_load %arg14[%get3A_1172, %get3A_1173] {strides = array<i32>} : memref<32x128xi32, #tpu.memory_space<vmem>>, vector<16xi32>,
        %bitcast3A_1175 = vector.bitcast %get3A_1174 : vector<16xi32> to vector<32xbf16>
        %unpack3A_1176 = tpu.unpack_subelements %bitcast3A_1175, 0 {pack_format = #tpu.pack_format<interleaved>} : vector<32xbf16> -> vector<16xf32>
        %unpack3A_1177 = tpu.unpack_subelements %bitcast3A_1175, 1 {pack_format = #tpu.pack_format<interleaved>} : vector<32xbf16> -> vector<16xf32>
        %mul3A_1178 = arith.mulf %gather3A_241, %unpack3A_1176 : vector<16xf32>
        %add3A_1179 = arith.addf %add3A_1166, %mul3A_1178 : vector<16xf32>
        %mul3A_1180 = arith.mulf %gather3A_241, %unpack3A_1177 : vector<16xf32>
        %add3A_1181 = arith.addf %add3A_1168, %mul3A_1180 : vector<16xf32>
        %mul3A_1182 = arith.constant 16 : i32
        %mul3A_1183 = arith.muli %scan3A_1108, %mul3A_1182 : i32
        %get3A_1184 = arith.constant 22 : i32
        %get3A_1185 = arith.index_cast %get3A_1184 : i32 to index
        %get3A_1186 = arith.index_cast %mul3A_1183 : i32 to index
        %get3A_1187 = tpu.vector_load %arg14[%get3A_1185, %get3A_1186] {strides = array<i32>} : memref<32x128xi32, #tpu.memory_space<vmem>>, vector<16xi32>,
        %bitcast3A_1188 = vector.bitcast %get3A_1187 : vector<16xi32> to vector<32xbf16>
        %unpack3A_1189 = tpu.unpack_subelements %bitcast3A_1188, 0 {pack_format = #tpu.pack_format<interleaved>} : vector<32xbf16> -> vector<16xf32>
        %unpack3A_1190 = tpu.unpack_subelements %bitcast3A_1188, 1 {pack_format = #tpu.pack_format<interleaved>} : vector<32xbf16> -> vector<16xf32>
        %mul3A_1191 = arith.mulf %gather3A_247, %unpack3A_1189 : vector<16xf32>
        %add3A_1192 = arith.addf %add3A_1179, %mul3A_1191 : vector<16xf32>
        %mul3A_1193 = arith.mulf %gather3A_247, %unpack3A_1190 : vector<16xf32>
        %add3A_1194 = arith.addf %add3A_1181, %mul3A_1193 : vector<16xf32>
        %mul3A_1195 = arith.constant 16 : i32
        %mul3A_1196 = arith.muli %scan3A_1108, %mul3A_1195 : i32
        %get3A_1197 = arith.constant 23 : i32
        %get3A_1198 = arith.index_cast %get3A_1197 : i32 to index
        %get3A_1199 = arith.index_cast %mul3A_1196 : i32 to index
        %get3A_1200 = tpu.vector_load %arg14[%get3A_1198, %get3A_1199] {strides = array<i32>} : memref<32x128xi32, #tpu.memory_space<vmem>>, vector<16xi32>,
        %bitcast3A_1201 = vector.bitcast %get3A_1200 : vector<16xi32> to vector<32xbf16>
        %unpack3A_1202 = tpu.unpack_subelements %bitcast3A_1201, 0 {pack_format = #tpu.pack_format<interleaved>} : vector<32xbf16> -> vector<16xf32>
        %unpack3A_1203 = tpu.unpack_subelements %bitcast3A_1201, 1 {pack_format = #tpu.pack_format<interleaved>} : vector<32xbf16> -> vector<16xf32>
        %mul3A_1204 = arith.mulf %gather3A_253, %unpack3A_1202 : vector<16xf32>
        %add3A_1205 = arith.addf %add3A_1192, %mul3A_1204 : vector<16xf32>
        %mul3A_1206 = arith.mulf %gather3A_253, %unpack3A_1203 : vector<16xf32>
        %add3A_1207 = arith.addf %add3A_1194, %mul3A_1206 : vector<16xf32>
        %mul3A_1208 = arith.constant 16 : i32
        %mul3A_1209 = arith.muli %scan3A_1108, %mul3A_1208 : i32
        %get3A_1210 = arith.constant 24 : i32
        %get3A_1211 = arith.index_cast %get3A_1210 : i32 to index
        %get3A_1212 = arith.index_cast %mul3A_1209 : i32 to index
        %get3A_1213 = tpu.vector_load %arg14[%get3A_1211, %get3A_1212] {strides = array<i32>} : memref<32x128xi32, #tpu.memory_space<vmem>>, vector<16xi32>,
        %bitcast3A_1214 = vector.bitcast %get3A_1213 : vector<16xi32> to vector<32xbf16>
        %unpack3A_1215 = tpu.unpack_subelements %bitcast3A_1214, 0 {pack_format = #tpu.pack_format<interleaved>} : vector<32xbf16> -> vector<16xf32>
        %unpack3A_1216 = tpu.unpack_subelements %bitcast3A_1214, 1 {pack_format = #tpu.pack_format<interleaved>} : vector<32xbf16> -> vector<16xf32>
        %mul3A_1217 = arith.mulf %gather3A_259, %unpack3A_1215 : vector<16xf32>
        %add3A_1218 = arith.addf %add3A_1205, %mul3A_1217 : vector<16xf32>
        %mul3A_1219 = arith.mulf %gather3A_259, %unpack3A_1216 : vector<16xf32>
        %add3A_1220 = arith.addf %add3A_1207, %mul3A_1219 : vector<16xf32>
        %mul3A_1221 = arith.constant 16 : i32
        %mul3A_1222 = arith.muli %scan3A_1108, %mul3A_1221 : i32
        %get3A_1223 = arith.constant 25 : i32
        %get3A_1224 = arith.index_cast %get3A_1223 : i32 to index
        %get3A_1225 = arith.index_cast %mul3A_1222 : i32 to index
        %get3A_1226 = tpu.vector_load %arg14[%get3A_1224, %get3A_1225] {strides = array<i32>} : memref<32x128xi32, #tpu.memory_space<vmem>>, vector<16xi32>,
        %bitcast3A_1227 = vector.bitcast %get3A_1226 : vector<16xi32> to vector<32xbf16>
        %unpack3A_1228 = tpu.unpack_subelements %bitcast3A_1227, 0 {pack_format = #tpu.pack_format<interleaved>} : vector<32xbf16> -> vector<16xf32>
        %unpack3A_1229 = tpu.unpack_subelements %bitcast3A_1227, 1 {pack_format = #tpu.pack_format<interleaved>} : vector<32xbf16> -> vector<16xf32>
        %mul3A_1230 = arith.mulf %gather3A_265, %unpack3A_1228 : vector<16xf32>
        %add3A_1231 = arith.addf %add3A_1218, %mul3A_1230 : vector<16xf32>
        %mul3A_1232 = arith.mulf %gather3A_265, %unpack3A_1229 : vector<16xf32>
        %add3A_1233 = arith.addf %add3A_1220, %mul3A_1232 : vector<16xf32>
        %mul3A_1234 = arith.constant 16 : i32
        %mul3A_1235 = arith.muli %scan3A_1108, %mul3A_1234 : i32
        %get3A_1236 = arith.constant 26 : i32
        %get3A_1237 = arith.index_cast %get3A_1236 : i32 to index
        %get3A_1238 = arith.index_cast %mul3A_1235 : i32 to index
        %get3A_1239 = tpu.vector_load %arg14[%get3A_1237, %get3A_1238] {strides = array<i32>} : memref<32x128xi32, #tpu.memory_space<vmem>>, vector<16xi32>,
        %bitcast3A_1240 = vector.bitcast %get3A_1239 : vector<16xi32> to vector<32xbf16>
        %unpack3A_1241 = tpu.unpack_subelements %bitcast3A_1240, 0 {pack_format = #tpu.pack_format<interleaved>} : vector<32xbf16> -> vector<16xf32>
        %unpack3A_1242 = tpu.unpack_subelements %bitcast3A_1240, 1 {pack_format = #tpu.pack_format<interleaved>} : vector<32xbf16> -> vector<16xf32>
        %mul3A_1243 = arith.mulf %gather3A_271, %unpack3A_1241 : vector<16xf32>
        %add3A_1244 = arith.addf %add3A_1231, %mul3A_1243 : vector<16xf32>
        %mul3A_1245 = arith.mulf %gather3A_271, %unpack3A_1242 : vector<16xf32>
        %add3A_1246 = arith.addf %add3A_1233, %mul3A_1245 : vector<16xf32>
        %mul3A_1247 = arith.constant 16 : i32
        %mul3A_1248 = arith.muli %scan3A_1108, %mul3A_1247 : i32
        %get3A_1249 = arith.constant 27 : i32
        %get3A_1250 = arith.index_cast %get3A_1249 : i32 to index
        %get3A_1251 = arith.index_cast %mul3A_1248 : i32 to index
        %get3A_1252 = tpu.vector_load %arg14[%get3A_1250, %get3A_1251] {strides = array<i32>} : memref<32x128xi32, #tpu.memory_space<vmem>>, vector<16xi32>,
        %bitcast3A_1253 = vector.bitcast %get3A_1252 : vector<16xi32> to vector<32xbf16>
        %unpack3A_1254 = tpu.unpack_subelements %bitcast3A_1253, 0 {pack_format = #tpu.pack_format<interleaved>} : vector<32xbf16> -> vector<16xf32>
        %unpack3A_1255 = tpu.unpack_subelements %bitcast3A_1253, 1 {pack_format = #tpu.pack_format<interleaved>} : vector<32xbf16> -> vector<16xf32>
        %mul3A_1256 = arith.mulf %gather3A_277, %unpack3A_1254 : vector<16xf32>
        %add3A_1257 = arith.addf %add3A_1244, %mul3A_1256 : vector<16xf32>
        %mul3A_1258 = arith.mulf %gather3A_277, %unpack3A_1255 : vector<16xf32>
        %add3A_1259 = arith.addf %add3A_1246, %mul3A_1258 : vector<16xf32>
        %mul3A_1260 = arith.constant 16 : i32
        %mul3A_1261 = arith.muli %scan3A_1108, %mul3A_1260 : i32
        %get3A_1262 = arith.constant 28 : i32
        %get3A_1263 = arith.index_cast %get3A_1262 : i32 to index
        %get3A_1264 = arith.index_cast %mul3A_1261 : i32 to index
        %get3A_1265 = tpu.vector_load %arg14[%get3A_1263, %get3A_1264] {strides = array<i32>} : memref<32x128xi32, #tpu.memory_space<vmem>>, vector<16xi32>,
        %bitcast3A_1266 = vector.bitcast %get3A_1265 : vector<16xi32> to vector<32xbf16>
        %unpack3A_1267 = tpu.unpack_subelements %bitcast3A_1266, 0 {pack_format = #tpu.pack_format<interleaved>} : vector<32xbf16> -> vector<16xf32>
        %unpack3A_1268 = tpu.unpack_subelements %bitcast3A_1266, 1 {pack_format = #tpu.pack_format<interleaved>} : vector<32xbf16> -> vector<16xf32>
        %mul3A_1269 = arith.mulf %gather3A_283, %unpack3A_1267 : vector<16xf32>
        %add3A_1270 = arith.addf %add3A_1257, %mul3A_1269 : vector<16xf32>
        %mul3A_1271 = arith.mulf %gather3A_283, %unpack3A_1268 : vector<16xf32>
        %add3A_1272 = arith.addf %add3A_1259, %mul3A_1271 : vector<16xf32>
        %mul3A_1273 = arith.constant 16 : i32
        %mul3A_1274 = arith.muli %scan3A_1108, %mul3A_1273 : i32
        %get3A_1275 = arith.constant 29 : i32
        %get3A_1276 = arith.index_cast %get3A_1275 : i32 to index
        %get3A_1277 = arith.index_cast %mul3A_1274 : i32 to index
        %get3A_1278 = tpu.vector_load %arg14[%get3A_1276, %get3A_1277] {strides = array<i32>} : memref<32x128xi32, #tpu.memory_space<vmem>>, vector<16xi32>,
        %bitcast3A_1279 = vector.bitcast %get3A_1278 : vector<16xi32> to vector<32xbf16>
        %unpack3A_1280 = tpu.unpack_subelements %bitcast3A_1279, 0 {pack_format = #tpu.pack_format<interleaved>} : vector<32xbf16> -> vector<16xf32>
        %unpack3A_1281 = tpu.unpack_subelements %bitcast3A_1279, 1 {pack_format = #tpu.pack_format<interleaved>} : vector<32xbf16> -> vector<16xf32>
        %mul3A_1282 = arith.mulf %gather3A_289, %unpack3A_1280 : vector<16xf32>
        %add3A_1283 = arith.addf %add3A_1270, %mul3A_1282 : vector<16xf32>
        %mul3A_1284 = arith.mulf %gather3A_289, %unpack3A_1281 : vector<16xf32>
        %add3A_1285 = arith.addf %add3A_1272, %mul3A_1284 : vector<16xf32>
        %mul3A_1286 = arith.constant 16 : i32
        %mul3A_1287 = arith.muli %scan3A_1108, %mul3A_1286 : i32
        %get3A_1288 = arith.constant 30 : i32
        %get3A_1289 = arith.index_cast %get3A_1288 : i32 to index
        %get3A_1290 = arith.index_cast %mul3A_1287 : i32 to index
        %get3A_1291 = tpu.vector_load %arg14[%get3A_1289, %get3A_1290] {strides = array<i32>} : memref<32x128xi32, #tpu.memory_space<vmem>>, vector<16xi32>,
        %bitcast3A_1292 = vector.bitcast %get3A_1291 : vector<16xi32> to vector<32xbf16>
        %unpack3A_1293 = tpu.unpack_subelements %bitcast3A_1292, 0 {pack_format = #tpu.pack_format<interleaved>} : vector<32xbf16> -> vector<16xf32>
        %unpack3A_1294 = tpu.unpack_subelements %bitcast3A_1292, 1 {pack_format = #tpu.pack_format<interleaved>} : vector<32xbf16> -> vector<16xf32>
        %mul3A_1295 = arith.mulf %gather3A_295, %unpack3A_1293 : vector<16xf32>
        %add3A_1296 = arith.addf %add3A_1283, %mul3A_1295 : vector<16xf32>
        %mul3A_1297 = arith.mulf %gather3A_295, %unpack3A_1294 : vector<16xf32>
        %add3A_1298 = arith.addf %add3A_1285, %mul3A_1297 : vector<16xf32>
        %mul3A_1299 = arith.constant 16 : i32
        %mul3A_1300 = arith.muli %scan3A_1108, %mul3A_1299 : i32
        %get3A_1301 = arith.constant 31 : i32
        %get3A_1302 = arith.index_cast %get3A_1301 : i32 to index
        %get3A_1303 = arith.index_cast %mul3A_1300 : i32 to index
        %get3A_1304 = tpu.vector_load %arg14[%get3A_1302, %get3A_1303] {strides = array<i32>} : memref<32x128xi32, #tpu.memory_space<vmem>>, vector<16xi32>,
        %bitcast3A_1305 = vector.bitcast %get3A_1304 : vector<16xi32> to vector<32xbf16>
        %unpack3A_1306 = tpu.unpack_subelements %bitcast3A_1305, 0 {pack_format = #tpu.pack_format<interleaved>} : vector<32xbf16> -> vector<16xf32>
        %unpack3A_1307 = tpu.unpack_subelements %bitcast3A_1305, 1 {pack_format = #tpu.pack_format<interleaved>} : vector<32xbf16> -> vector<16xf32>
        %mul3A_1308 = arith.mulf %gather3A_301, %unpack3A_1306 : vector<16xf32>
        %add3A_1309 = arith.addf %add3A_1296, %mul3A_1308 : vector<16xf32>
        %mul3A_1310 = arith.mulf %gather3A_301, %unpack3A_1307 : vector<16xf32>
        %add3A_1311 = arith.addf %add3A_1298, %mul3A_1310 : vector<16xf32>
        %mul3A_1312 = arith.constant 16 : i32
        %mul3A_1313 = arith.muli %scan3A_1108, %mul3A_1312 : i32
        %swap3A = arith.constant 1 : i32
        %swap3A_1314 = arith.index_cast %swap3A : i32 to index
        %swap3A_1315 = arith.index_cast %mul3A_1313 : i32 to index
        %swap3A_1316 = tpu.vector_load %arg18[%swap3A_1314, %swap3A_1315] {strides = array<i32>} : memref<4x256xf32, #tpu.memory_space<vmem>>, vector<16xf32>,
        tpu.vector_store %arg18[%swap3A_1314, %swap3A_1315], %add3A_1309 {strides = array<i32>} : memref<4x256xf32, #tpu.memory_space<vmem>>, vector<16xf32>,
        %mul3A_1317 = arith.constant 16 : i32
        %mul3A_1318 = arith.muli %scan3A_1108, %mul3A_1317 : i32
        %add3A_1319 = arith.constant 128 : i32
        %add3A_1320 = arith.addi %add3A_1319, %mul3A_1318 : i32
        %swap3A_1321 = arith.constant 1 : i32
        %swap3A_1322 = arith.index_cast %swap3A_1321 : i32 to index
        %swap3A_1323 = arith.index_cast %add3A_1320 : i32 to index
        %swap3A_1324 = tpu.vector_load %arg18[%swap3A_1322, %swap3A_1323] {strides = array<i32>} : memref<4x256xf32, #tpu.memory_space<vmem>>, vector<16xf32>,
        tpu.vector_store %arg18[%swap3A_1322, %swap3A_1323], %add3A_1311 {strides = array<i32>} : memref<4x256xf32, #tpu.memory_space<vmem>>, vector<16xf32>,
      }
      %scan3A_307 = arith.constant 8 : i32
      %mul3A_308 = arith.constant 8 : i32
      %mul3A_309 = arith.muli %sub3A_40, %mul3A_308 : i32
      %jit3A_310 = arith.constant 2 : i32
      %div3A_311 = arith.divsi %mul3A_309, %jit3A_310 : i32
      %sign3A_312 = arith.constant 0 : i32
      %sign3A_313 = arith.cmpi sgt, %mul3A_309, %sign3A_312 : i32
      %sign3A_314 = arith.extui %sign3A_313 : i1 to i32
      %sign3A_315 = arith.constant 0 : i32
      %sign3A_316 = arith.cmpi slt, %mul3A_309, %sign3A_315 : i32
      %sign3A_317 = arith.extui %sign3A_316 : i1 to i32
      %sign3A_318 = arith.subi %sign3A_314, %sign3A_317 : i32
      %sign3A_319 = arith.constant 0 : i32
      %sign3A_320 = arith.cmpi sgt, %jit3A_310, %sign3A_319 : i32
      %sign3A_321 = arith.extui %sign3A_320 : i1 to i32
      %sign3A_322 = arith.constant 0 : i32
      %sign3A_323 = arith.cmpi slt, %jit3A_310, %sign3A_322 : i32
      %sign3A_324 = arith.extui %sign3A_323 : i1 to i32
      %sign3A_325 = arith.subi %sign3A_321, %sign3A_324 : i32
      %ne3A_326 = arith.cmpi ne, %sign3A_318, %sign3A_325 : i32
      %rem3A_327 = arith.remsi %mul3A_309, %jit3A_310 : i32
      %ne3A_328 = arith.constant 0 : i32
      %ne3A_329 = arith.cmpi ne, %rem3A_327, %ne3A_328 : i32
      %and3A_330 = arith.andi %ne3A_326, %ne3A_329 : i1
      %sub3A_331 = arith.constant 1 : i32
      %sub3A_332 = arith.subi %div3A_311, %sub3A_331 : i32
      %select_n3A_333 = arith.select %and3A_330, %sub3A_332, %div3A_311 : i32
      %add3A_334 = arith.constant 0 : i32
      %add3A_335 = arith.addi %select_n3A_333, %add3A_334 : i32
      %add3A_336 = arith.constant 1 : i32
      %add3A_337 = arith.addi %add3A_335, %add3A_336 : i32
      %add3A_338 = arith.constant 4 : i32
      %add3A_339 = arith.addi %add3A_337, %add3A_338 : i32
      %sub3A_340 = arith.constant 1 : i32
      %sub3A_341 = arith.subi %add3A_339, %sub3A_340 : i32
      %lt3A_342 = arith.constant 160 : i32
      %lt3A_343 = arith.cmpi slt, %sub3A_341, %lt3A_342 : i32
      %convert_element_type3A_344 = arith.extui %lt3A_343 : i1 to i32
      %cond3A_345 = arith.constant 0 : i32
      %cond3A_346 = arith.cmpi ne, %convert_element_type3A_344, %cond3A_345 : i32
      scf.if %cond3A_346 {
        %add3A_1108 = arith.constant 4 : i32
        %add3A_1109 = arith.addi %add3A_337, %add3A_1108 : i32
        %sub3A_1110 = arith.constant 1 : i32
        %sub3A_1111 = arith.subi %add3A_1109, %sub3A_1110 : i32
        %mul3A_1112 = arith.constant 2 : i32
        %mul3A_1113 = arith.muli %sub3A_1111, %mul3A_1112 : i32
        %mul3A_1114 = arith.constant 16 : i32
        %mul3A_1115 = arith.muli %mul3A_1113, %mul3A_1114 : i32
        %dma_start3A_1116 = tpu.memref_slice %arg12[%mul3A_1115] : memref<5120xi32, #tpu.memory_space<vmem>> -> memref<32xi32, #tpu.memory_space<vmem>>
        %dma_start3A_1117 = arith.constant 0 : i32
        %dma_start3A_1118 = arith.constant 0 : i32
        %dma_start3A_1119 = tpu.memref_slice %arg11[%dma_start3A_1117, %dma_start3A_1118] : memref<10000x128xi32, #tpu.memory_space<vmem_shared>> -> memref<10000x128xi32, #tpu.memory_space<vmem_shared>>
        tpu.enqueue_indirect_dma source(%dma_start3A_1119 : memref<10000x128xi32, #tpu.memory_space<vmem_shared>>) target(%arg14 : memref<32x128xi32, #tpu.memory_space<vmem>>) offsets(%dma_start3A_1116 : memref<32xi32, #tpu.memory_space<vmem>>) semaphore(%arg20 : memref<!tpu.dma_semaphore, #tpu.memory_space<semaphore_mem>>)
      } else {
      }
      %dma_wait3A_347 = arith.constant 0 : i32
      %dma_wait3A_348 = tpu.memref_slice %arg12[%dma_wait3A_347] : memref<5120xi32, #tpu.memory_space<vmem>> -> memref<32xi32, #tpu.memory_space<vmem>>
      %dma_wait3A_349 = arith.constant 0 : i32
      %dma_wait3A_350 = arith.constant 0 : i32
      %dma_wait3A_351 = tpu.memref_slice %arg11[%dma_wait3A_349, %dma_wait3A_350] : memref<10000x128xi32, #tpu.memory_space<vmem_shared>> -> memref<10000x128xi32, #tpu.memory_space<vmem_shared>>
      tpu.wait_indirect_dma semaphore(%arg21 : memref<!tpu.dma_semaphore, #tpu.memory_space<semaphore_mem>>) src(%dma_wait3A_351 : memref<10000x128xi32, #tpu.memory_space<vmem_shared>>) dst(%arg15 : memref<32x128xi32, #tpu.memory_space<vmem>>)
      %mul3A_352 = arith.constant 2 : i32
      %mul3A_353 = arith.muli %add3A_337, %mul3A_352 : i32
      %add3A_354 = arith.constant 0 : i32
      %add3A_355 = arith.addi %mul3A_353, %add3A_354 : i32
      %mul3A_356 = arith.constant 16 : i32
      %mul3A_357 = arith.muli %add3A_355, %mul3A_356 : i32
      %add3A_358 = arith.constant 0 : i32
      %add3A_359 = arith.addi %mul3A_357, %add3A_358 : i32
      %broadcast_in_dim3A_360 = vector.broadcast %add3A_359 : i32 to vector<16xi32>
      %gather3A_361 = tpu.vector_load_idx %arg13[%broadcast_in_dim3A_360] : memref<5120xf32, #tpu.memory_space<vmem>>[vector<16xi32>], vector<16xf32>,
      %mul3A_362 = arith.constant 16 : i32
      %mul3A_363 = arith.muli %add3A_355, %mul3A_362 : i32
      %add3A_364 = arith.constant 1 : i32
      %add3A_365 = arith.addi %mul3A_363, %add3A_364 : i32
      %broadcast_in_dim3A_366 = vector.broadcast %add3A_365 : i32 to vector<16xi32>
      %gather3A_367 = tpu.vector_load_idx %arg13[%broadcast_in_dim3A_366] : memref<5120xf32, #tpu.memory_space<vmem>>[vector<16xi32>], vector<16xf32>,
      %mul3A_368 = arith.constant 16 : i32
      %mul3A_369 = arith.muli %add3A_355, %mul3A_368 : i32
      %add3A_370 = arith.constant 2 : i32
      %add3A_371 = arith.addi %mul3A_369, %add3A_370 : i32
      %broadcast_in_dim3A_372 = vector.broadcast %add3A_371 : i32 to vector<16xi32>
      %gather3A_373 = tpu.vector_load_idx %arg13[%broadcast_in_dim3A_372] : memref<5120xf32, #tpu.memory_space<vmem>>[vector<16xi32>], vector<16xf32>,
      %mul3A_374 = arith.constant 16 : i32
      %mul3A_375 = arith.muli %add3A_355, %mul3A_374 : i32
      %add3A_376 = arith.constant 3 : i32
      %add3A_377 = arith.addi %mul3A_375, %add3A_376 : i32
      %broadcast_in_dim3A_378 = vector.broadcast %add3A_377 : i32 to vector<16xi32>
      %gather3A_379 = tpu.vector_load_idx %arg13[%broadcast_in_dim3A_378] : memref<5120xf32, #tpu.memory_space<vmem>>[vector<16xi32>], vector<16xf32>,
      %mul3A_380 = arith.constant 16 : i32
      %mul3A_381 = arith.muli %add3A_355, %mul3A_380 : i32
      %add3A_382 = arith.constant 4 : i32
      %add3A_383 = arith.addi %mul3A_381, %add3A_382 : i32
      %broadcast_in_dim3A_384 = vector.broadcast %add3A_383 : i32 to vector<16xi32>
      %gather3A_385 = tpu.vector_load_idx %arg13[%broadcast_in_dim3A_384] : memref<5120xf32, #tpu.memory_space<vmem>>[vector<16xi32>], vector<16xf32>,
      %mul3A_386 = arith.constant 16 : i32
      %mul3A_387 = arith.muli %add3A_355, %mul3A_386 : i32
      %add3A_388 = arith.constant 5 : i32
      %add3A_389 = arith.addi %mul3A_387, %add3A_388 : i32
      %broadcast_in_dim3A_390 = vector.broadcast %add3A_389 : i32 to vector<16xi32>
      %gather3A_391 = tpu.vector_load_idx %arg13[%broadcast_in_dim3A_390] : memref<5120xf32, #tpu.memory_space<vmem>>[vector<16xi32>], vector<16xf32>,
      %mul3A_392 = arith.constant 16 : i32
      %mul3A_393 = arith.muli %add3A_355, %mul3A_392 : i32
      %add3A_394 = arith.constant 6 : i32
      %add3A_395 = arith.addi %mul3A_393, %add3A_394 : i32
      %broadcast_in_dim3A_396 = vector.broadcast %add3A_395 : i32 to vector<16xi32>
      %gather3A_397 = tpu.vector_load_idx %arg13[%broadcast_in_dim3A_396] : memref<5120xf32, #tpu.memory_space<vmem>>[vector<16xi32>], vector<16xf32>,
      %mul3A_398 = arith.constant 16 : i32
      %mul3A_399 = arith.muli %add3A_355, %mul3A_398 : i32
      %add3A_400 = arith.constant 7 : i32
      %add3A_401 = arith.addi %mul3A_399, %add3A_400 : i32
      %broadcast_in_dim3A_402 = vector.broadcast %add3A_401 : i32 to vector<16xi32>
      %gather3A_403 = tpu.vector_load_idx %arg13[%broadcast_in_dim3A_402] : memref<5120xf32, #tpu.memory_space<vmem>>[vector<16xi32>], vector<16xf32>,
      %mul3A_404 = arith.constant 16 : i32
      %mul3A_405 = arith.muli %add3A_355, %mul3A_404 : i32
      %add3A_406 = arith.constant 8 : i32
      %add3A_407 = arith.addi %mul3A_405, %add3A_406 : i32
      %broadcast_in_dim3A_408 = vector.broadcast %add3A_407 : i32 to vector<16xi32>
      %gather3A_409 = tpu.vector_load_idx %arg13[%broadcast_in_dim3A_408] : memref<5120xf32, #tpu.memory_space<vmem>>[vector<16xi32>], vector<16xf32>,
      %mul3A_410 = arith.constant 16 : i32
      %mul3A_411 = arith.muli %add3A_355, %mul3A_410 : i32
      %add3A_412 = arith.constant 9 : i32
      %add3A_413 = arith.addi %mul3A_411, %add3A_412 : i32
      %broadcast_in_dim3A_414 = vector.broadcast %add3A_413 : i32 to vector<16xi32>
      %gather3A_415 = tpu.vector_load_idx %arg13[%broadcast_in_dim3A_414] : memref<5120xf32, #tpu.memory_space<vmem>>[vector<16xi32>], vector<16xf32>,
      %mul3A_416 = arith.constant 16 : i32
      %mul3A_417 = arith.muli %add3A_355, %mul3A_416 : i32
      %add3A_418 = arith.constant 10 : i32
      %add3A_419 = arith.addi %mul3A_417, %add3A_418 : i32
      %broadcast_in_dim3A_420 = vector.broadcast %add3A_419 : i32 to vector<16xi32>
      %gather3A_421 = tpu.vector_load_idx %arg13[%broadcast_in_dim3A_420] : memref<5120xf32, #tpu.memory_space<vmem>>[vector<16xi32>], vector<16xf32>,
      %mul3A_422 = arith.constant 16 : i32
      %mul3A_423 = arith.muli %add3A_355, %mul3A_422 : i32
      %add3A_424 = arith.constant 11 : i32
      %add3A_425 = arith.addi %mul3A_423, %add3A_424 : i32
      %broadcast_in_dim3A_426 = vector.broadcast %add3A_425 : i32 to vector<16xi32>
      %gather3A_427 = tpu.vector_load_idx %arg13[%broadcast_in_dim3A_426] : memref<5120xf32, #tpu.memory_space<vmem>>[vector<16xi32>], vector<16xf32>,
      %mul3A_428 = arith.constant 16 : i32
      %mul3A_429 = arith.muli %add3A_355, %mul3A_428 : i32
      %add3A_430 = arith.constant 12 : i32
      %add3A_431 = arith.addi %mul3A_429, %add3A_430 : i32
      %broadcast_in_dim3A_432 = vector.broadcast %add3A_431 : i32 to vector<16xi32>
      %gather3A_433 = tpu.vector_load_idx %arg13[%broadcast_in_dim3A_432] : memref<5120xf32, #tpu.memory_space<vmem>>[vector<16xi32>], vector<16xf32>,
      %mul3A_434 = arith.constant 16 : i32
      %mul3A_435 = arith.muli %add3A_355, %mul3A_434 : i32
      %add3A_436 = arith.constant 13 : i32
      %add3A_437 = arith.addi %mul3A_435, %add3A_436 : i32
      %broadcast_in_dim3A_438 = vector.broadcast %add3A_437 : i32 to vector<16xi32>
      %gather3A_439 = tpu.vector_load_idx %arg13[%broadcast_in_dim3A_438] : memref<5120xf32, #tpu.memory_space<vmem>>[vector<16xi32>], vector<16xf32>,
      %mul3A_440 = arith.constant 16 : i32
      %mul3A_441 = arith.muli %add3A_355, %mul3A_440 : i32
      %add3A_442 = arith.constant 14 : i32
      %add3A_443 = arith.addi %mul3A_441, %add3A_442 : i32
      %broadcast_in_dim3A_444 = vector.broadcast %add3A_443 : i32 to vector<16xi32>
      %gather3A_445 = tpu.vector_load_idx %arg13[%broadcast_in_dim3A_444] : memref<5120xf32, #tpu.memory_space<vmem>>[vector<16xi32>], vector<16xf32>,
      %mul3A_446 = arith.constant 16 : i32
      %mul3A_447 = arith.muli %add3A_355, %mul3A_446 : i32
      %add3A_448 = arith.constant 15 : i32
      %add3A_449 = arith.addi %mul3A_447, %add3A_448 : i32
      %broadcast_in_dim3A_450 = vector.broadcast %add3A_449 : i32 to vector<16xi32>
      %gather3A_451 = tpu.vector_load_idx %arg13[%broadcast_in_dim3A_450] : memref<5120xf32, #tpu.memory_space<vmem>>[vector<16xi32>], vector<16xf32>,
      %scan3A_452 = arith.constant 0 : i32
      %scan3A_453 = arith.constant 0 : i32
      %scan3A_454 = arith.constant 8 : i32
      %scan3A_455 = arith.addi %scan3A_453, %scan3A_454 : i32
      %scan3A_456 = arith.constant 1 : i32
      scf.for %scan3A_1108 = %scan3A_453 to %scan3A_455 step %scan3A_456  : i32 {
        %mul3A_1109 = arith.constant 16 : i32
        %mul3A_1110 = arith.muli %scan3A_1108, %mul3A_1109 : i32
        %get3A = arith.constant 0 : i32
        %get3A_1111 = arith.index_cast %get3A : i32 to index
        %get3A_1112 = arith.index_cast %mul3A_1110 : i32 to index
        %get3A_1113 = tpu.vector_load %arg15[%get3A_1111, %get3A_1112] {strides = array<i32>} : memref<32x128xi32, #tpu.memory_space<vmem>>, vector<16xi32>,
        %bitcast3A = vector.bitcast %get3A_1113 : vector<16xi32> to vector<32xbf16>
        %unpack3A = tpu.unpack_subelements %bitcast3A, 0 {pack_format = #tpu.pack_format<interleaved>} : vector<32xbf16> -> vector<16xf32>
        %unpack3A_1114 = tpu.unpack_subelements %bitcast3A, 1 {pack_format = #tpu.pack_format<interleaved>} : vector<32xbf16> -> vector<16xf32>
        %mul3A_1115 = arith.mulf %gather3A_361, %unpack3A : vector<16xf32>
        %mul3A_1116 = arith.mulf %gather3A_361, %unpack3A_1114 : vector<16xf32>
        %mul3A_1117 = arith.constant 16 : i32
        %mul3A_1118 = arith.muli %scan3A_1108, %mul3A_1117 : i32
        %get3A_1119 = arith.constant 1 : i32
        %get3A_1120 = arith.index_cast %get3A_1119 : i32 to index
        %get3A_1121 = arith.index_cast %mul3A_1118 : i32 to index
        %get3A_1122 = tpu.vector_load %arg15[%get3A_1120, %get3A_1121] {strides = array<i32>} : memref<32x128xi32, #tpu.memory_space<vmem>>, vector<16xi32>,
        %bitcast3A_1123 = vector.bitcast %get3A_1122 : vector<16xi32> to vector<32xbf16>
        %unpack3A_1124 = tpu.unpack_subelements %bitcast3A_1123, 0 {pack_format = #tpu.pack_format<interleaved>} : vector<32xbf16> -> vector<16xf32>
        %unpack3A_1125 = tpu.unpack_subelements %bitcast3A_1123, 1 {pack_format = #tpu.pack_format<interleaved>} : vector<32xbf16> -> vector<16xf32>
        %mul3A_1126 = arith.mulf %gather3A_367, %unpack3A_1124 : vector<16xf32>
        %add3A_1127 = arith.addf %mul3A_1115, %mul3A_1126 : vector<16xf32>
        %mul3A_1128 = arith.mulf %gather3A_367, %unpack3A_1125 : vector<16xf32>
        %add3A_1129 = arith.addf %mul3A_1116, %mul3A_1128 : vector<16xf32>
        %mul3A_1130 = arith.constant 16 : i32
        %mul3A_1131 = arith.muli %scan3A_1108, %mul3A_1130 : i32
        %get3A_1132 = arith.constant 2 : i32
        %get3A_1133 = arith.index_cast %get3A_1132 : i32 to index
        %get3A_1134 = arith.index_cast %mul3A_1131 : i32 to index
        %get3A_1135 = tpu.vector_load %arg15[%get3A_1133, %get3A_1134] {strides = array<i32>} : memref<32x128xi32, #tpu.memory_space<vmem>>, vector<16xi32>,
        %bitcast3A_1136 = vector.bitcast %get3A_1135 : vector<16xi32> to vector<32xbf16>
        %unpack3A_1137 = tpu.unpack_subelements %bitcast3A_1136, 0 {pack_format = #tpu.pack_format<interleaved>} : vector<32xbf16> -> vector<16xf32>
        %unpack3A_1138 = tpu.unpack_subelements %bitcast3A_1136, 1 {pack_format = #tpu.pack_format<interleaved>} : vector<32xbf16> -> vector<16xf32>
        %mul3A_1139 = arith.mulf %gather3A_373, %unpack3A_1137 : vector<16xf32>
        %add3A_1140 = arith.addf %add3A_1127, %mul3A_1139 : vector<16xf32>
        %mul3A_1141 = arith.mulf %gather3A_373, %unpack3A_1138 : vector<16xf32>
        %add3A_1142 = arith.addf %add3A_1129, %mul3A_1141 : vector<16xf32>
        %mul3A_1143 = arith.constant 16 : i32
        %mul3A_1144 = arith.muli %scan3A_1108, %mul3A_1143 : i32
        %get3A_1145 = arith.constant 3 : i32
        %get3A_1146 = arith.index_cast %get3A_1145 : i32 to index
        %get3A_1147 = arith.index_cast %mul3A_1144 : i32 to index
        %get3A_1148 = tpu.vector_load %arg15[%get3A_1146, %get3A_1147] {strides = array<i32>} : memref<32x128xi32, #tpu.memory_space<vmem>>, vector<16xi32>,
        %bitcast3A_1149 = vector.bitcast %get3A_1148 : vector<16xi32> to vector<32xbf16>
        %unpack3A_1150 = tpu.unpack_subelements %bitcast3A_1149, 0 {pack_format = #tpu.pack_format<interleaved>} : vector<32xbf16> -> vector<16xf32>
        %unpack3A_1151 = tpu.unpack_subelements %bitcast3A_1149, 1 {pack_format = #tpu.pack_format<interleaved>} : vector<32xbf16> -> vector<16xf32>
        %mul3A_1152 = arith.mulf %gather3A_379, %unpack3A_1150 : vector<16xf32>
        %add3A_1153 = arith.addf %add3A_1140, %mul3A_1152 : vector<16xf32>
        %mul3A_1154 = arith.mulf %gather3A_379, %unpack3A_1151 : vector<16xf32>
        %add3A_1155 = arith.addf %add3A_1142, %mul3A_1154 : vector<16xf32>
        %mul3A_1156 = arith.constant 16 : i32
        %mul3A_1157 = arith.muli %scan3A_1108, %mul3A_1156 : i32
        %get3A_1158 = arith.constant 4 : i32
        %get3A_1159 = arith.index_cast %get3A_1158 : i32 to index
        %get3A_1160 = arith.index_cast %mul3A_1157 : i32 to index
        %get3A_1161 = tpu.vector_load %arg15[%get3A_1159, %get3A_1160] {strides = array<i32>} : memref<32x128xi32, #tpu.memory_space<vmem>>, vector<16xi32>,
        %bitcast3A_1162 = vector.bitcast %get3A_1161 : vector<16xi32> to vector<32xbf16>
        %unpack3A_1163 = tpu.unpack_subelements %bitcast3A_1162, 0 {pack_format = #tpu.pack_format<interleaved>} : vector<32xbf16> -> vector<16xf32>
        %unpack3A_1164 = tpu.unpack_subelements %bitcast3A_1162, 1 {pack_format = #tpu.pack_format<interleaved>} : vector<32xbf16> -> vector<16xf32>
        %mul3A_1165 = arith.mulf %gather3A_385, %unpack3A_1163 : vector<16xf32>
        %add3A_1166 = arith.addf %add3A_1153, %mul3A_1165 : vector<16xf32>
        %mul3A_1167 = arith.mulf %gather3A_385, %unpack3A_1164 : vector<16xf32>
        %add3A_1168 = arith.addf %add3A_1155, %mul3A_1167 : vector<16xf32>
        %mul3A_1169 = arith.constant 16 : i32
        %mul3A_1170 = arith.muli %scan3A_1108, %mul3A_1169 : i32
        %get3A_1171 = arith.constant 5 : i32
        %get3A_1172 = arith.index_cast %get3A_1171 : i32 to index
        %get3A_1173 = arith.index_cast %mul3A_1170 : i32 to index
        %get3A_1174 = tpu.vector_load %arg15[%get3A_1172, %get3A_1173] {strides = array<i32>} : memref<32x128xi32, #tpu.memory_space<vmem>>, vector<16xi32>,
        %bitcast3A_1175 = vector.bitcast %get3A_1174 : vector<16xi32> to vector<32xbf16>
        %unpack3A_1176 = tpu.unpack_subelements %bitcast3A_1175, 0 {pack_format = #tpu.pack_format<interleaved>} : vector<32xbf16> -> vector<16xf32>
        %unpack3A_1177 = tpu.unpack_subelements %bitcast3A_1175, 1 {pack_format = #tpu.pack_format<interleaved>} : vector<32xbf16> -> vector<16xf32>
        %mul3A_1178 = arith.mulf %gather3A_391, %unpack3A_1176 : vector<16xf32>
        %add3A_1179 = arith.addf %add3A_1166, %mul3A_1178 : vector<16xf32>
        %mul3A_1180 = arith.mulf %gather3A_391, %unpack3A_1177 : vector<16xf32>
        %add3A_1181 = arith.addf %add3A_1168, %mul3A_1180 : vector<16xf32>
        %mul3A_1182 = arith.constant 16 : i32
        %mul3A_1183 = arith.muli %scan3A_1108, %mul3A_1182 : i32
        %get3A_1184 = arith.constant 6 : i32
        %get3A_1185 = arith.index_cast %get3A_1184 : i32 to index
        %get3A_1186 = arith.index_cast %mul3A_1183 : i32 to index
        %get3A_1187 = tpu.vector_load %arg15[%get3A_1185, %get3A_1186] {strides = array<i32>} : memref<32x128xi32, #tpu.memory_space<vmem>>, vector<16xi32>,
        %bitcast3A_1188 = vector.bitcast %get3A_1187 : vector<16xi32> to vector<32xbf16>
        %unpack3A_1189 = tpu.unpack_subelements %bitcast3A_1188, 0 {pack_format = #tpu.pack_format<interleaved>} : vector<32xbf16> -> vector<16xf32>
        %unpack3A_1190 = tpu.unpack_subelements %bitcast3A_1188, 1 {pack_format = #tpu.pack_format<interleaved>} : vector<32xbf16> -> vector<16xf32>
        %mul3A_1191 = arith.mulf %gather3A_397, %unpack3A_1189 : vector<16xf32>
        %add3A_1192 = arith.addf %add3A_1179, %mul3A_1191 : vector<16xf32>
        %mul3A_1193 = arith.mulf %gather3A_397, %unpack3A_1190 : vector<16xf32>
        %add3A_1194 = arith.addf %add3A_1181, %mul3A_1193 : vector<16xf32>
        %mul3A_1195 = arith.constant 16 : i32
        %mul3A_1196 = arith.muli %scan3A_1108, %mul3A_1195 : i32
        %get3A_1197 = arith.constant 7 : i32
        %get3A_1198 = arith.index_cast %get3A_1197 : i32 to index
        %get3A_1199 = arith.index_cast %mul3A_1196 : i32 to index
        %get3A_1200 = tpu.vector_load %arg15[%get3A_1198, %get3A_1199] {strides = array<i32>} : memref<32x128xi32, #tpu.memory_space<vmem>>, vector<16xi32>,
        %bitcast3A_1201 = vector.bitcast %get3A_1200 : vector<16xi32> to vector<32xbf16>
        %unpack3A_1202 = tpu.unpack_subelements %bitcast3A_1201, 0 {pack_format = #tpu.pack_format<interleaved>} : vector<32xbf16> -> vector<16xf32>
        %unpack3A_1203 = tpu.unpack_subelements %bitcast3A_1201, 1 {pack_format = #tpu.pack_format<interleaved>} : vector<32xbf16> -> vector<16xf32>
        %mul3A_1204 = arith.mulf %gather3A_403, %unpack3A_1202 : vector<16xf32>
        %add3A_1205 = arith.addf %add3A_1192, %mul3A_1204 : vector<16xf32>
        %mul3A_1206 = arith.mulf %gather3A_403, %unpack3A_1203 : vector<16xf32>
        %add3A_1207 = arith.addf %add3A_1194, %mul3A_1206 : vector<16xf32>
        %mul3A_1208 = arith.constant 16 : i32
        %mul3A_1209 = arith.muli %scan3A_1108, %mul3A_1208 : i32
        %get3A_1210 = arith.constant 8 : i32
        %get3A_1211 = arith.index_cast %get3A_1210 : i32 to index
        %get3A_1212 = arith.index_cast %mul3A_1209 : i32 to index
        %get3A_1213 = tpu.vector_load %arg15[%get3A_1211, %get3A_1212] {strides = array<i32>} : memref<32x128xi32, #tpu.memory_space<vmem>>, vector<16xi32>,
        %bitcast3A_1214 = vector.bitcast %get3A_1213 : vector<16xi32> to vector<32xbf16>
        %unpack3A_1215 = tpu.unpack_subelements %bitcast3A_1214, 0 {pack_format = #tpu.pack_format<interleaved>} : vector<32xbf16> -> vector<16xf32>
        %unpack3A_1216 = tpu.unpack_subelements %bitcast3A_1214, 1 {pack_format = #tpu.pack_format<interleaved>} : vector<32xbf16> -> vector<16xf32>
        %mul3A_1217 = arith.mulf %gather3A_409, %unpack3A_1215 : vector<16xf32>
        %add3A_1218 = arith.addf %add3A_1205, %mul3A_1217 : vector<16xf32>
        %mul3A_1219 = arith.mulf %gather3A_409, %unpack3A_1216 : vector<16xf32>
        %add3A_1220 = arith.addf %add3A_1207, %mul3A_1219 : vector<16xf32>
        %mul3A_1221 = arith.constant 16 : i32
        %mul3A_1222 = arith.muli %scan3A_1108, %mul3A_1221 : i32
        %get3A_1223 = arith.constant 9 : i32
        %get3A_1224 = arith.index_cast %get3A_1223 : i32 to index
        %get3A_1225 = arith.index_cast %mul3A_1222 : i32 to index
        %get3A_1226 = tpu.vector_load %arg15[%get3A_1224, %get3A_1225] {strides = array<i32>} : memref<32x128xi32, #tpu.memory_space<vmem>>, vector<16xi32>,
        %bitcast3A_1227 = vector.bitcast %get3A_1226 : vector<16xi32> to vector<32xbf16>
        %unpack3A_1228 = tpu.unpack_subelements %bitcast3A_1227, 0 {pack_format = #tpu.pack_format<interleaved>} : vector<32xbf16> -> vector<16xf32>
        %unpack3A_1229 = tpu.unpack_subelements %bitcast3A_1227, 1 {pack_format = #tpu.pack_format<interleaved>} : vector<32xbf16> -> vector<16xf32>
        %mul3A_1230 = arith.mulf %gather3A_415, %unpack3A_1228 : vector<16xf32>
        %add3A_1231 = arith.addf %add3A_1218, %mul3A_1230 : vector<16xf32>
        %mul3A_1232 = arith.mulf %gather3A_415, %unpack3A_1229 : vector<16xf32>
        %add3A_1233 = arith.addf %add3A_1220, %mul3A_1232 : vector<16xf32>
        %mul3A_1234 = arith.constant 16 : i32
        %mul3A_1235 = arith.muli %scan3A_1108, %mul3A_1234 : i32
        %get3A_1236 = arith.constant 10 : i32
        %get3A_1237 = arith.index_cast %get3A_1236 : i32 to index
        %get3A_1238 = arith.index_cast %mul3A_1235 : i32 to index
        %get3A_1239 = tpu.vector_load %arg15[%get3A_1237, %get3A_1238] {strides = array<i32>} : memref<32x128xi32, #tpu.memory_space<vmem>>, vector<16xi32>,
        %bitcast3A_1240 = vector.bitcast %get3A_1239 : vector<16xi32> to vector<32xbf16>
        %unpack3A_1241 = tpu.unpack_subelements %bitcast3A_1240, 0 {pack_format = #tpu.pack_format<interleaved>} : vector<32xbf16> -> vector<16xf32>
        %unpack3A_1242 = tpu.unpack_subelements %bitcast3A_1240, 1 {pack_format = #tpu.pack_format<interleaved>} : vector<32xbf16> -> vector<16xf32>
        %mul3A_1243 = arith.mulf %gather3A_421, %unpack3A_1241 : vector<16xf32>
        %add3A_1244 = arith.addf %add3A_1231, %mul3A_1243 : vector<16xf32>
        %mul3A_1245 = arith.mulf %gather3A_421, %unpack3A_1242 : vector<16xf32>
        %add3A_1246 = arith.addf %add3A_1233, %mul3A_1245 : vector<16xf32>
        %mul3A_1247 = arith.constant 16 : i32
        %mul3A_1248 = arith.muli %scan3A_1108, %mul3A_1247 : i32
        %get3A_1249 = arith.constant 11 : i32
        %get3A_1250 = arith.index_cast %get3A_1249 : i32 to index
        %get3A_1251 = arith.index_cast %mul3A_1248 : i32 to index
        %get3A_1252 = tpu.vector_load %arg15[%get3A_1250, %get3A_1251] {strides = array<i32>} : memref<32x128xi32, #tpu.memory_space<vmem>>, vector<16xi32>,
        %bitcast3A_1253 = vector.bitcast %get3A_1252 : vector<16xi32> to vector<32xbf16>
        %unpack3A_1254 = tpu.unpack_subelements %bitcast3A_1253, 0 {pack_format = #tpu.pack_format<interleaved>} : vector<32xbf16> -> vector<16xf32>
        %unpack3A_1255 = tpu.unpack_subelements %bitcast3A_1253, 1 {pack_format = #tpu.pack_format<interleaved>} : vector<32xbf16> -> vector<16xf32>
        %mul3A_1256 = arith.mulf %gather3A_427, %unpack3A_1254 : vector<16xf32>
        %add3A_1257 = arith.addf %add3A_1244, %mul3A_1256 : vector<16xf32>
        %mul3A_1258 = arith.mulf %gather3A_427, %unpack3A_1255 : vector<16xf32>
        %add3A_1259 = arith.addf %add3A_1246, %mul3A_1258 : vector<16xf32>
        %mul3A_1260 = arith.constant 16 : i32
        %mul3A_1261 = arith.muli %scan3A_1108, %mul3A_1260 : i32
        %get3A_1262 = arith.constant 12 : i32
        %get3A_1263 = arith.index_cast %get3A_1262 : i32 to index
        %get3A_1264 = arith.index_cast %mul3A_1261 : i32 to index
        %get3A_1265 = tpu.vector_load %arg15[%get3A_1263, %get3A_1264] {strides = array<i32>} : memref<32x128xi32, #tpu.memory_space<vmem>>, vector<16xi32>,
        %bitcast3A_1266 = vector.bitcast %get3A_1265 : vector<16xi32> to vector<32xbf16>
        %unpack3A_1267 = tpu.unpack_subelements %bitcast3A_1266, 0 {pack_format = #tpu.pack_format<interleaved>} : vector<32xbf16> -> vector<16xf32>
        %unpack3A_1268 = tpu.unpack_subelements %bitcast3A_1266, 1 {pack_format = #tpu.pack_format<interleaved>} : vector<32xbf16> -> vector<16xf32>
        %mul3A_1269 = arith.mulf %gather3A_433, %unpack3A_1267 : vector<16xf32>
        %add3A_1270 = arith.addf %add3A_1257, %mul3A_1269 : vector<16xf32>
        %mul3A_1271 = arith.mulf %gather3A_433, %unpack3A_1268 : vector<16xf32>
        %add3A_1272 = arith.addf %add3A_1259, %mul3A_1271 : vector<16xf32>
        %mul3A_1273 = arith.constant 16 : i32
        %mul3A_1274 = arith.muli %scan3A_1108, %mul3A_1273 : i32
        %get3A_1275 = arith.constant 13 : i32
        %get3A_1276 = arith.index_cast %get3A_1275 : i32 to index
        %get3A_1277 = arith.index_cast %mul3A_1274 : i32 to index
        %get3A_1278 = tpu.vector_load %arg15[%get3A_1276, %get3A_1277] {strides = array<i32>} : memref<32x128xi32, #tpu.memory_space<vmem>>, vector<16xi32>,
        %bitcast3A_1279 = vector.bitcast %get3A_1278 : vector<16xi32> to vector<32xbf16>
        %unpack3A_1280 = tpu.unpack_subelements %bitcast3A_1279, 0 {pack_format = #tpu.pack_format<interleaved>} : vector<32xbf16> -> vector<16xf32>
        %unpack3A_1281 = tpu.unpack_subelements %bitcast3A_1279, 1 {pack_format = #tpu.pack_format<interleaved>} : vector<32xbf16> -> vector<16xf32>
        %mul3A_1282 = arith.mulf %gather3A_439, %unpack3A_1280 : vector<16xf32>
        %add3A_1283 = arith.addf %add3A_1270, %mul3A_1282 : vector<16xf32>
        %mul3A_1284 = arith.mulf %gather3A_439, %unpack3A_1281 : vector<16xf32>
        %add3A_1285 = arith.addf %add3A_1272, %mul3A_1284 : vector<16xf32>
        %mul3A_1286 = arith.constant 16 : i32
        %mul3A_1287 = arith.muli %scan3A_1108, %mul3A_1286 : i32
        %get3A_1288 = arith.constant 14 : i32
        %get3A_1289 = arith.index_cast %get3A_1288 : i32 to index
        %get3A_1290 = arith.index_cast %mul3A_1287 : i32 to index
        %get3A_1291 = tpu.vector_load %arg15[%get3A_1289, %get3A_1290] {strides = array<i32>} : memref<32x128xi32, #tpu.memory_space<vmem>>, vector<16xi32>,
        %bitcast3A_1292 = vector.bitcast %get3A_1291 : vector<16xi32> to vector<32xbf16>
        %unpack3A_1293 = tpu.unpack_subelements %bitcast3A_1292, 0 {pack_format = #tpu.pack_format<interleaved>} : vector<32xbf16> -> vector<16xf32>
        %unpack3A_1294 = tpu.unpack_subelements %bitcast3A_1292, 1 {pack_format = #tpu.pack_format<interleaved>} : vector<32xbf16> -> vector<16xf32>
        %mul3A_1295 = arith.mulf %gather3A_445, %unpack3A_1293 : vector<16xf32>
        %add3A_1296 = arith.addf %add3A_1283, %mul3A_1295 : vector<16xf32>
        %mul3A_1297 = arith.mulf %gather3A_445, %unpack3A_1294 : vector<16xf32>
        %add3A_1298 = arith.addf %add3A_1285, %mul3A_1297 : vector<16xf32>
        %mul3A_1299 = arith.constant 16 : i32
        %mul3A_1300 = arith.muli %scan3A_1108, %mul3A_1299 : i32
        %get3A_1301 = arith.constant 15 : i32
        %get3A_1302 = arith.index_cast %get3A_1301 : i32 to index
        %get3A_1303 = arith.index_cast %mul3A_1300 : i32 to index
        %get3A_1304 = tpu.vector_load %arg15[%get3A_1302, %get3A_1303] {strides = array<i32>} : memref<32x128xi32, #tpu.memory_space<vmem>>, vector<16xi32>,
        %bitcast3A_1305 = vector.bitcast %get3A_1304 : vector<16xi32> to vector<32xbf16>
        %unpack3A_1306 = tpu.unpack_subelements %bitcast3A_1305, 0 {pack_format = #tpu.pack_format<interleaved>} : vector<32xbf16> -> vector<16xf32>
        %unpack3A_1307 = tpu.unpack_subelements %bitcast3A_1305, 1 {pack_format = #tpu.pack_format<interleaved>} : vector<32xbf16> -> vector<16xf32>
        %mul3A_1308 = arith.mulf %gather3A_451, %unpack3A_1306 : vector<16xf32>
        %add3A_1309 = arith.addf %add3A_1296, %mul3A_1308 : vector<16xf32>
        %mul3A_1310 = arith.mulf %gather3A_451, %unpack3A_1307 : vector<16xf32>
        %add3A_1311 = arith.addf %add3A_1298, %mul3A_1310 : vector<16xf32>
        %mul3A_1312 = arith.constant 16 : i32
        %mul3A_1313 = arith.muli %scan3A_1108, %mul3A_1312 : i32
        %swap3A = arith.constant 2 : i32
        %swap3A_1314 = arith.index_cast %swap3A : i32 to index
        %swap3A_1315 = arith.index_cast %mul3A_1313 : i32 to index
        %swap3A_1316 = tpu.vector_load %arg18[%swap3A_1314, %swap3A_1315] {strides = array<i32>} : memref<4x256xf32, #tpu.memory_space<vmem>>, vector<16xf32>,
        tpu.vector_store %arg18[%swap3A_1314, %swap3A_1315], %add3A_1309 {strides = array<i32>} : memref<4x256xf32, #tpu.memory_space<vmem>>, vector<16xf32>,
        %mul3A_1317 = arith.constant 16 : i32
        %mul3A_1318 = arith.muli %scan3A_1108, %mul3A_1317 : i32
        %add3A_1319 = arith.constant 128 : i32
        %add3A_1320 = arith.addi %add3A_1319, %mul3A_1318 : i32
        %swap3A_1321 = arith.constant 2 : i32
        %swap3A_1322 = arith.index_cast %swap3A_1321 : i32 to index
        %swap3A_1323 = arith.index_cast %add3A_1320 : i32 to index
        %swap3A_1324 = tpu.vector_load %arg18[%swap3A_1322, %swap3A_1323] {strides = array<i32>} : memref<4x256xf32, #tpu.memory_space<vmem>>, vector<16xf32>,
        tpu.vector_store %arg18[%swap3A_1322, %swap3A_1323], %add3A_1311 {strides = array<i32>} : memref<4x256xf32, #tpu.memory_space<vmem>>, vector<16xf32>,
      }
      %scan3A_457 = arith.constant 8 : i32
      %mul3A_458 = arith.constant 2 : i32
      %mul3A_459 = arith.muli %add3A_337, %mul3A_458 : i32
      %add3A_460 = arith.constant 1 : i32
      %add3A_461 = arith.addi %mul3A_459, %add3A_460 : i32
      %mul3A_462 = arith.constant 16 : i32
      %mul3A_463 = arith.muli %add3A_461, %mul3A_462 : i32
      %add3A_464 = arith.constant 0 : i32
      %add3A_465 = arith.addi %mul3A_463, %add3A_464 : i32
      %broadcast_in_dim3A_466 = vector.broadcast %add3A_465 : i32 to vector<16xi32>
      %gather3A_467 = tpu.vector_load_idx %arg13[%broadcast_in_dim3A_466] : memref<5120xf32, #tpu.memory_space<vmem>>[vector<16xi32>], vector<16xf32>,
      %mul3A_468 = arith.constant 16 : i32
      %mul3A_469 = arith.muli %add3A_461, %mul3A_468 : i32
      %add3A_470 = arith.constant 1 : i32
      %add3A_471 = arith.addi %mul3A_469, %add3A_470 : i32
      %broadcast_in_dim3A_472 = vector.broadcast %add3A_471 : i32 to vector<16xi32>
      %gather3A_473 = tpu.vector_load_idx %arg13[%broadcast_in_dim3A_472] : memref<5120xf32, #tpu.memory_space<vmem>>[vector<16xi32>], vector<16xf32>,
      %mul3A_474 = arith.constant 16 : i32
      %mul3A_475 = arith.muli %add3A_461, %mul3A_474 : i32
      %add3A_476 = arith.constant 2 : i32
      %add3A_477 = arith.addi %mul3A_475, %add3A_476 : i32
      %broadcast_in_dim3A_478 = vector.broadcast %add3A_477 : i32 to vector<16xi32>
      %gather3A_479 = tpu.vector_load_idx %arg13[%broadcast_in_dim3A_478] : memref<5120xf32, #tpu.memory_space<vmem>>[vector<16xi32>], vector<16xf32>,
      %mul3A_480 = arith.constant 16 : i32
      %mul3A_481 = arith.muli %add3A_461, %mul3A_480 : i32
      %add3A_482 = arith.constant 3 : i32
      %add3A_483 = arith.addi %mul3A_481, %add3A_482 : i32
      %broadcast_in_dim3A_484 = vector.broadcast %add3A_483 : i32 to vector<16xi32>
      %gather3A_485 = tpu.vector_load_idx %arg13[%broadcast_in_dim3A_484] : memref<5120xf32, #tpu.memory_space<vmem>>[vector<16xi32>], vector<16xf32>,
      %mul3A_486 = arith.constant 16 : i32
      %mul3A_487 = arith.muli %add3A_461, %mul3A_486 : i32
      %add3A_488 = arith.constant 4 : i32
      %add3A_489 = arith.addi %mul3A_487, %add3A_488 : i32
      %broadcast_in_dim3A_490 = vector.broadcast %add3A_489 : i32 to vector<16xi32>
      %gather3A_491 = tpu.vector_load_idx %arg13[%broadcast_in_dim3A_490] : memref<5120xf32, #tpu.memory_space<vmem>>[vector<16xi32>], vector<16xf32>,
      %mul3A_492 = arith.constant 16 : i32
      %mul3A_493 = arith.muli %add3A_461, %mul3A_492 : i32
      %add3A_494 = arith.constant 5 : i32
      %add3A_495 = arith.addi %mul3A_493, %add3A_494 : i32
      %broadcast_in_dim3A_496 = vector.broadcast %add3A_495 : i32 to vector<16xi32>
      %gather3A_497 = tpu.vector_load_idx %arg13[%broadcast_in_dim3A_496] : memref<5120xf32, #tpu.memory_space<vmem>>[vector<16xi32>], vector<16xf32>,
      %mul3A_498 = arith.constant 16 : i32
      %mul3A_499 = arith.muli %add3A_461, %mul3A_498 : i32
      %add3A_500 = arith.constant 6 : i32
      %add3A_501 = arith.addi %mul3A_499, %add3A_500 : i32
      %broadcast_in_dim3A_502 = vector.broadcast %add3A_501 : i32 to vector<16xi32>
      %gather3A_503 = tpu.vector_load_idx %arg13[%broadcast_in_dim3A_502] : memref<5120xf32, #tpu.memory_space<vmem>>[vector<16xi32>], vector<16xf32>,
      %mul3A_504 = arith.constant 16 : i32
      %mul3A_505 = arith.muli %add3A_461, %mul3A_504 : i32
      %add3A_506 = arith.constant 7 : i32
      %add3A_507 = arith.addi %mul3A_505, %add3A_506 : i32
      %broadcast_in_dim3A_508 = vector.broadcast %add3A_507 : i32 to vector<16xi32>
      %gather3A_509 = tpu.vector_load_idx %arg13[%broadcast_in_dim3A_508] : memref<5120xf32, #tpu.memory_space<vmem>>[vector<16xi32>], vector<16xf32>,
      %mul3A_510 = arith.constant 16 : i32
      %mul3A_511 = arith.muli %add3A_461, %mul3A_510 : i32
      %add3A_512 = arith.constant 8 : i32
      %add3A_513 = arith.addi %mul3A_511, %add3A_512 : i32
      %broadcast_in_dim3A_514 = vector.broadcast %add3A_513 : i32 to vector<16xi32>
      %gather3A_515 = tpu.vector_load_idx %arg13[%broadcast_in_dim3A_514] : memref<5120xf32, #tpu.memory_space<vmem>>[vector<16xi32>], vector<16xf32>,
      %mul3A_516 = arith.constant 16 : i32
      %mul3A_517 = arith.muli %add3A_461, %mul3A_516 : i32
      %add3A_518 = arith.constant 9 : i32
      %add3A_519 = arith.addi %mul3A_517, %add3A_518 : i32
      %broadcast_in_dim3A_520 = vector.broadcast %add3A_519 : i32 to vector<16xi32>
      %gather3A_521 = tpu.vector_load_idx %arg13[%broadcast_in_dim3A_520] : memref<5120xf32, #tpu.memory_space<vmem>>[vector<16xi32>], vector<16xf32>,
      %mul3A_522 = arith.constant 16 : i32
      %mul3A_523 = arith.muli %add3A_461, %mul3A_522 : i32
      %add3A_524 = arith.constant 10 : i32
      %add3A_525 = arith.addi %mul3A_523, %add3A_524 : i32
      %broadcast_in_dim3A_526 = vector.broadcast %add3A_525 : i32 to vector<16xi32>
      %gather3A_527 = tpu.vector_load_idx %arg13[%broadcast_in_dim3A_526] : memref<5120xf32, #tpu.memory_space<vmem>>[vector<16xi32>], vector<16xf32>,
      %mul3A_528 = arith.constant 16 : i32
      %mul3A_529 = arith.muli %add3A_461, %mul3A_528 : i32
      %add3A_530 = arith.constant 11 : i32
      %add3A_531 = arith.addi %mul3A_529, %add3A_530 : i32
      %broadcast_in_dim3A_532 = vector.broadcast %add3A_531 : i32 to vector<16xi32>
      %gather3A_533 = tpu.vector_load_idx %arg13[%broadcast_in_dim3A_532] : memref<5120xf32, #tpu.memory_space<vmem>>[vector<16xi32>], vector<16xf32>,
      %mul3A_534 = arith.constant 16 : i32
      %mul3A_535 = arith.muli %add3A_461, %mul3A_534 : i32
      %add3A_536 = arith.constant 12 : i32
      %add3A_537 = arith.addi %mul3A_535, %add3A_536 : i32
      %broadcast_in_dim3A_538 = vector.broadcast %add3A_537 : i32 to vector<16xi32>
      %gather3A_539 = tpu.vector_load_idx %arg13[%broadcast_in_dim3A_538] : memref<5120xf32, #tpu.memory_space<vmem>>[vector<16xi32>], vector<16xf32>,
      %mul3A_540 = arith.constant 16 : i32
      %mul3A_541 = arith.muli %add3A_461, %mul3A_540 : i32
      %add3A_542 = arith.constant 13 : i32
      %add3A_543 = arith.addi %mul3A_541, %add3A_542 : i32
      %broadcast_in_dim3A_544 = vector.broadcast %add3A_543 : i32 to vector<16xi32>
      %gather3A_545 = tpu.vector_load_idx %arg13[%broadcast_in_dim3A_544] : memref<5120xf32, #tpu.memory_space<vmem>>[vector<16xi32>], vector<16xf32>,
      %mul3A_546 = arith.constant 16 : i32
      %mul3A_547 = arith.muli %add3A_461, %mul3A_546 : i32
      %add3A_548 = arith.constant 14 : i32
      %add3A_549 = arith.addi %mul3A_547, %add3A_548 : i32
      %broadcast_in_dim3A_550 = vector.broadcast %add3A_549 : i32 to vector<16xi32>
      %gather3A_551 = tpu.vector_load_idx %arg13[%broadcast_in_dim3A_550] : memref<5120xf32, #tpu.memory_space<vmem>>[vector<16xi32>], vector<16xf32>,
      %mul3A_552 = arith.constant 16 : i32
      %mul3A_553 = arith.muli %add3A_461, %mul3A_552 : i32
      %add3A_554 = arith.constant 15 : i32
      %add3A_555 = arith.addi %mul3A_553, %add3A_554 : i32
      %broadcast_in_dim3A_556 = vector.broadcast %add3A_555 : i32 to vector<16xi32>
      %gather3A_557 = tpu.vector_load_idx %arg13[%broadcast_in_dim3A_556] : memref<5120xf32, #tpu.memory_space<vmem>>[vector<16xi32>], vector<16xf32>,
      %scan3A_558 = arith.constant 0 : i32
      %scan3A_559 = arith.constant 0 : i32
      %scan3A_560 = arith.constant 8 : i32
      %scan3A_561 = arith.addi %scan3A_559, %scan3A_560 : i32
      %scan3A_562 = arith.constant 1 : i32
      scf.for %scan3A_1108 = %scan3A_559 to %scan3A_561 step %scan3A_562  : i32 {
        %mul3A_1109 = arith.constant 16 : i32
        %mul3A_1110 = arith.muli %scan3A_1108, %mul3A_1109 : i32
        %get3A = arith.constant 16 : i32
        %get3A_1111 = arith.index_cast %get3A : i32 to index
        %get3A_1112 = arith.index_cast %mul3A_1110 : i32 to index
        %get3A_1113 = tpu.vector_load %arg15[%get3A_1111, %get3A_1112] {strides = array<i32>} : memref<32x128xi32, #tpu.memory_space<vmem>>, vector<16xi32>,
        %bitcast3A = vector.bitcast %get3A_1113 : vector<16xi32> to vector<32xbf16>
        %unpack3A = tpu.unpack_subelements %bitcast3A, 0 {pack_format = #tpu.pack_format<interleaved>} : vector<32xbf16> -> vector<16xf32>
        %unpack3A_1114 = tpu.unpack_subelements %bitcast3A, 1 {pack_format = #tpu.pack_format<interleaved>} : vector<32xbf16> -> vector<16xf32>
        %mul3A_1115 = arith.mulf %gather3A_467, %unpack3A : vector<16xf32>
        %mul3A_1116 = arith.mulf %gather3A_467, %unpack3A_1114 : vector<16xf32>
        %mul3A_1117 = arith.constant 16 : i32
        %mul3A_1118 = arith.muli %scan3A_1108, %mul3A_1117 : i32
        %get3A_1119 = arith.constant 17 : i32
        %get3A_1120 = arith.index_cast %get3A_1119 : i32 to index
        %get3A_1121 = arith.index_cast %mul3A_1118 : i32 to index
        %get3A_1122 = tpu.vector_load %arg15[%get3A_1120, %get3A_1121] {strides = array<i32>} : memref<32x128xi32, #tpu.memory_space<vmem>>, vector<16xi32>,
        %bitcast3A_1123 = vector.bitcast %get3A_1122 : vector<16xi32> to vector<32xbf16>
        %unpack3A_1124 = tpu.unpack_subelements %bitcast3A_1123, 0 {pack_format = #tpu.pack_format<interleaved>} : vector<32xbf16> -> vector<16xf32>
        %unpack3A_1125 = tpu.unpack_subelements %bitcast3A_1123, 1 {pack_format = #tpu.pack_format<interleaved>} : vector<32xbf16> -> vector<16xf32>
        %mul3A_1126 = arith.mulf %gather3A_473, %unpack3A_1124 : vector<16xf32>
        %add3A_1127 = arith.addf %mul3A_1115, %mul3A_1126 : vector<16xf32>
        %mul3A_1128 = arith.mulf %gather3A_473, %unpack3A_1125 : vector<16xf32>
        %add3A_1129 = arith.addf %mul3A_1116, %mul3A_1128 : vector<16xf32>
        %mul3A_1130 = arith.constant 16 : i32
        %mul3A_1131 = arith.muli %scan3A_1108, %mul3A_1130 : i32
        %get3A_1132 = arith.constant 18 : i32
        %get3A_1133 = arith.index_cast %get3A_1132 : i32 to index
        %get3A_1134 = arith.index_cast %mul3A_1131 : i32 to index
        %get3A_1135 = tpu.vector_load %arg15[%get3A_1133, %get3A_1134] {strides = array<i32>} : memref<32x128xi32, #tpu.memory_space<vmem>>, vector<16xi32>,
        %bitcast3A_1136 = vector.bitcast %get3A_1135 : vector<16xi32> to vector<32xbf16>
        %unpack3A_1137 = tpu.unpack_subelements %bitcast3A_1136, 0 {pack_format = #tpu.pack_format<interleaved>} : vector<32xbf16> -> vector<16xf32>
        %unpack3A_1138 = tpu.unpack_subelements %bitcast3A_1136, 1 {pack_format = #tpu.pack_format<interleaved>} : vector<32xbf16> -> vector<16xf32>
        %mul3A_1139 = arith.mulf %gather3A_479, %unpack3A_1137 : vector<16xf32>
        %add3A_1140 = arith.addf %add3A_1127, %mul3A_1139 : vector<16xf32>
        %mul3A_1141 = arith.mulf %gather3A_479, %unpack3A_1138 : vector<16xf32>
        %add3A_1142 = arith.addf %add3A_1129, %mul3A_1141 : vector<16xf32>
        %mul3A_1143 = arith.constant 16 : i32
        %mul3A_1144 = arith.muli %scan3A_1108, %mul3A_1143 : i32
        %get3A_1145 = arith.constant 19 : i32
        %get3A_1146 = arith.index_cast %get3A_1145 : i32 to index
        %get3A_1147 = arith.index_cast %mul3A_1144 : i32 to index
        %get3A_1148 = tpu.vector_load %arg15[%get3A_1146, %get3A_1147] {strides = array<i32>} : memref<32x128xi32, #tpu.memory_space<vmem>>, vector<16xi32>,
        %bitcast3A_1149 = vector.bitcast %get3A_1148 : vector<16xi32> to vector<32xbf16>
        %unpack3A_1150 = tpu.unpack_subelements %bitcast3A_1149, 0 {pack_format = #tpu.pack_format<interleaved>} : vector<32xbf16> -> vector<16xf32>
        %unpack3A_1151 = tpu.unpack_subelements %bitcast3A_1149, 1 {pack_format = #tpu.pack_format<interleaved>} : vector<32xbf16> -> vector<16xf32>
        %mul3A_1152 = arith.mulf %gather3A_485, %unpack3A_1150 : vector<16xf32>
        %add3A_1153 = arith.addf %add3A_1140, %mul3A_1152 : vector<16xf32>
        %mul3A_1154 = arith.mulf %gather3A_485, %unpack3A_1151 : vector<16xf32>
        %add3A_1155 = arith.addf %add3A_1142, %mul3A_1154 : vector<16xf32>
        %mul3A_1156 = arith.constant 16 : i32
        %mul3A_1157 = arith.muli %scan3A_1108, %mul3A_1156 : i32
        %get3A_1158 = arith.constant 20 : i32
        %get3A_1159 = arith.index_cast %get3A_1158 : i32 to index
        %get3A_1160 = arith.index_cast %mul3A_1157 : i32 to index
        %get3A_1161 = tpu.vector_load %arg15[%get3A_1159, %get3A_1160] {strides = array<i32>} : memref<32x128xi32, #tpu.memory_space<vmem>>, vector<16xi32>,
        %bitcast3A_1162 = vector.bitcast %get3A_1161 : vector<16xi32> to vector<32xbf16>
        %unpack3A_1163 = tpu.unpack_subelements %bitcast3A_1162, 0 {pack_format = #tpu.pack_format<interleaved>} : vector<32xbf16> -> vector<16xf32>
        %unpack3A_1164 = tpu.unpack_subelements %bitcast3A_1162, 1 {pack_format = #tpu.pack_format<interleaved>} : vector<32xbf16> -> vector<16xf32>
        %mul3A_1165 = arith.mulf %gather3A_491, %unpack3A_1163 : vector<16xf32>
        %add3A_1166 = arith.addf %add3A_1153, %mul3A_1165 : vector<16xf32>
        %mul3A_1167 = arith.mulf %gather3A_491, %unpack3A_1164 : vector<16xf32>
        %add3A_1168 = arith.addf %add3A_1155, %mul3A_1167 : vector<16xf32>
        %mul3A_1169 = arith.constant 16 : i32
        %mul3A_1170 = arith.muli %scan3A_1108, %mul3A_1169 : i32
        %get3A_1171 = arith.constant 21 : i32
        %get3A_1172 = arith.index_cast %get3A_1171 : i32 to index
        %get3A_1173 = arith.index_cast %mul3A_1170 : i32 to index
        %get3A_1174 = tpu.vector_load %arg15[%get3A_1172, %get3A_1173] {strides = array<i32>} : memref<32x128xi32, #tpu.memory_space<vmem>>, vector<16xi32>,
        %bitcast3A_1175 = vector.bitcast %get3A_1174 : vector<16xi32> to vector<32xbf16>
        %unpack3A_1176 = tpu.unpack_subelements %bitcast3A_1175, 0 {pack_format = #tpu.pack_format<interleaved>} : vector<32xbf16> -> vector<16xf32>
        %unpack3A_1177 = tpu.unpack_subelements %bitcast3A_1175, 1 {pack_format = #tpu.pack_format<interleaved>} : vector<32xbf16> -> vector<16xf32>
        %mul3A_1178 = arith.mulf %gather3A_497, %unpack3A_1176 : vector<16xf32>
        %add3A_1179 = arith.addf %add3A_1166, %mul3A_1178 : vector<16xf32>
        %mul3A_1180 = arith.mulf %gather3A_497, %unpack3A_1177 : vector<16xf32>
        %add3A_1181 = arith.addf %add3A_1168, %mul3A_1180 : vector<16xf32>
        %mul3A_1182 = arith.constant 16 : i32
        %mul3A_1183 = arith.muli %scan3A_1108, %mul3A_1182 : i32
        %get3A_1184 = arith.constant 22 : i32
        %get3A_1185 = arith.index_cast %get3A_1184 : i32 to index
        %get3A_1186 = arith.index_cast %mul3A_1183 : i32 to index
        %get3A_1187 = tpu.vector_load %arg15[%get3A_1185, %get3A_1186] {strides = array<i32>} : memref<32x128xi32, #tpu.memory_space<vmem>>, vector<16xi32>,
        %bitcast3A_1188 = vector.bitcast %get3A_1187 : vector<16xi32> to vector<32xbf16>
        %unpack3A_1189 = tpu.unpack_subelements %bitcast3A_1188, 0 {pack_format = #tpu.pack_format<interleaved>} : vector<32xbf16> -> vector<16xf32>
        %unpack3A_1190 = tpu.unpack_subelements %bitcast3A_1188, 1 {pack_format = #tpu.pack_format<interleaved>} : vector<32xbf16> -> vector<16xf32>
        %mul3A_1191 = arith.mulf %gather3A_503, %unpack3A_1189 : vector<16xf32>
        %add3A_1192 = arith.addf %add3A_1179, %mul3A_1191 : vector<16xf32>
        %mul3A_1193 = arith.mulf %gather3A_503, %unpack3A_1190 : vector<16xf32>
        %add3A_1194 = arith.addf %add3A_1181, %mul3A_1193 : vector<16xf32>
        %mul3A_1195 = arith.constant 16 : i32
        %mul3A_1196 = arith.muli %scan3A_1108, %mul3A_1195 : i32
        %get3A_1197 = arith.constant 23 : i32
        %get3A_1198 = arith.index_cast %get3A_1197 : i32 to index
        %get3A_1199 = arith.index_cast %mul3A_1196 : i32 to index
        %get3A_1200 = tpu.vector_load %arg15[%get3A_1198, %get3A_1199] {strides = array<i32>} : memref<32x128xi32, #tpu.memory_space<vmem>>, vector<16xi32>,
        %bitcast3A_1201 = vector.bitcast %get3A_1200 : vector<16xi32> to vector<32xbf16>
        %unpack3A_1202 = tpu.unpack_subelements %bitcast3A_1201, 0 {pack_format = #tpu.pack_format<interleaved>} : vector<32xbf16> -> vector<16xf32>
        %unpack3A_1203 = tpu.unpack_subelements %bitcast3A_1201, 1 {pack_format = #tpu.pack_format<interleaved>} : vector<32xbf16> -> vector<16xf32>
        %mul3A_1204 = arith.mulf %gather3A_509, %unpack3A_1202 : vector<16xf32>
        %add3A_1205 = arith.addf %add3A_1192, %mul3A_1204 : vector<16xf32>
        %mul3A_1206 = arith.mulf %gather3A_509, %unpack3A_1203 : vector<16xf32>
        %add3A_1207 = arith.addf %add3A_1194, %mul3A_1206 : vector<16xf32>
        %mul3A_1208 = arith.constant 16 : i32
        %mul3A_1209 = arith.muli %scan3A_1108, %mul3A_1208 : i32
        %get3A_1210 = arith.constant 24 : i32
        %get3A_1211 = arith.index_cast %get3A_1210 : i32 to index
        %get3A_1212 = arith.index_cast %mul3A_1209 : i32 to index
        %get3A_1213 = tpu.vector_load %arg15[%get3A_1211, %get3A_1212] {strides = array<i32>} : memref<32x128xi32, #tpu.memory_space<vmem>>, vector<16xi32>,
        %bitcast3A_1214 = vector.bitcast %get3A_1213 : vector<16xi32> to vector<32xbf16>
        %unpack3A_1215 = tpu.unpack_subelements %bitcast3A_1214, 0 {pack_format = #tpu.pack_format<interleaved>} : vector<32xbf16> -> vector<16xf32>
        %unpack3A_1216 = tpu.unpack_subelements %bitcast3A_1214, 1 {pack_format = #tpu.pack_format<interleaved>} : vector<32xbf16> -> vector<16xf32>
        %mul3A_1217 = arith.mulf %gather3A_515, %unpack3A_1215 : vector<16xf32>
        %add3A_1218 = arith.addf %add3A_1205, %mul3A_1217 : vector<16xf32>
        %mul3A_1219 = arith.mulf %gather3A_515, %unpack3A_1216 : vector<16xf32>
        %add3A_1220 = arith.addf %add3A_1207, %mul3A_1219 : vector<16xf32>
        %mul3A_1221 = arith.constant 16 : i32
        %mul3A_1222 = arith.muli %scan3A_1108, %mul3A_1221 : i32
        %get3A_1223 = arith.constant 25 : i32
        %get3A_1224 = arith.index_cast %get3A_1223 : i32 to index
        %get3A_1225 = arith.index_cast %mul3A_1222 : i32 to index
        %get3A_1226 = tpu.vector_load %arg15[%get3A_1224, %get3A_1225] {strides = array<i32>} : memref<32x128xi32, #tpu.memory_space<vmem>>, vector<16xi32>,
        %bitcast3A_1227 = vector.bitcast %get3A_1226 : vector<16xi32> to vector<32xbf16>
        %unpack3A_1228 = tpu.unpack_subelements %bitcast3A_1227, 0 {pack_format = #tpu.pack_format<interleaved>} : vector<32xbf16> -> vector<16xf32>
        %unpack3A_1229 = tpu.unpack_subelements %bitcast3A_1227, 1 {pack_format = #tpu.pack_format<interleaved>} : vector<32xbf16> -> vector<16xf32>
        %mul3A_1230 = arith.mulf %gather3A_521, %unpack3A_1228 : vector<16xf32>
        %add3A_1231 = arith.addf %add3A_1218, %mul3A_1230 : vector<16xf32>
        %mul3A_1232 = arith.mulf %gather3A_521, %unpack3A_1229 : vector<16xf32>
        %add3A_1233 = arith.addf %add3A_1220, %mul3A_1232 : vector<16xf32>
        %mul3A_1234 = arith.constant 16 : i32
        %mul3A_1235 = arith.muli %scan3A_1108, %mul3A_1234 : i32
        %get3A_1236 = arith.constant 26 : i32
        %get3A_1237 = arith.index_cast %get3A_1236 : i32 to index
        %get3A_1238 = arith.index_cast %mul3A_1235 : i32 to index
        %get3A_1239 = tpu.vector_load %arg15[%get3A_1237, %get3A_1238] {strides = array<i32>} : memref<32x128xi32, #tpu.memory_space<vmem>>, vector<16xi32>,
        %bitcast3A_1240 = vector.bitcast %get3A_1239 : vector<16xi32> to vector<32xbf16>
        %unpack3A_1241 = tpu.unpack_subelements %bitcast3A_1240, 0 {pack_format = #tpu.pack_format<interleaved>} : vector<32xbf16> -> vector<16xf32>
        %unpack3A_1242 = tpu.unpack_subelements %bitcast3A_1240, 1 {pack_format = #tpu.pack_format<interleaved>} : vector<32xbf16> -> vector<16xf32>
        %mul3A_1243 = arith.mulf %gather3A_527, %unpack3A_1241 : vector<16xf32>
        %add3A_1244 = arith.addf %add3A_1231, %mul3A_1243 : vector<16xf32>
        %mul3A_1245 = arith.mulf %gather3A_527, %unpack3A_1242 : vector<16xf32>
        %add3A_1246 = arith.addf %add3A_1233, %mul3A_1245 : vector<16xf32>
        %mul3A_1247 = arith.constant 16 : i32
        %mul3A_1248 = arith.muli %scan3A_1108, %mul3A_1247 : i32
        %get3A_1249 = arith.constant 27 : i32
        %get3A_1250 = arith.index_cast %get3A_1249 : i32 to index
        %get3A_1251 = arith.index_cast %mul3A_1248 : i32 to index
        %get3A_1252 = tpu.vector_load %arg15[%get3A_1250, %get3A_1251] {strides = array<i32>} : memref<32x128xi32, #tpu.memory_space<vmem>>, vector<16xi32>,
        %bitcast3A_1253 = vector.bitcast %get3A_1252 : vector<16xi32> to vector<32xbf16>
        %unpack3A_1254 = tpu.unpack_subelements %bitcast3A_1253, 0 {pack_format = #tpu.pack_format<interleaved>} : vector<32xbf16> -> vector<16xf32>
        %unpack3A_1255 = tpu.unpack_subelements %bitcast3A_1253, 1 {pack_format = #tpu.pack_format<interleaved>} : vector<32xbf16> -> vector<16xf32>
        %mul3A_1256 = arith.mulf %gather3A_533, %unpack3A_1254 : vector<16xf32>
        %add3A_1257 = arith.addf %add3A_1244, %mul3A_1256 : vector<16xf32>
        %mul3A_1258 = arith.mulf %gather3A_533, %unpack3A_1255 : vector<16xf32>
        %add3A_1259 = arith.addf %add3A_1246, %mul3A_1258 : vector<16xf32>
        %mul3A_1260 = arith.constant 16 : i32
        %mul3A_1261 = arith.muli %scan3A_1108, %mul3A_1260 : i32
        %get3A_1262 = arith.constant 28 : i32
        %get3A_1263 = arith.index_cast %get3A_1262 : i32 to index
        %get3A_1264 = arith.index_cast %mul3A_1261 : i32 to index
        %get3A_1265 = tpu.vector_load %arg15[%get3A_1263, %get3A_1264] {strides = array<i32>} : memref<32x128xi32, #tpu.memory_space<vmem>>, vector<16xi32>,
        %bitcast3A_1266 = vector.bitcast %get3A_1265 : vector<16xi32> to vector<32xbf16>
        %unpack3A_1267 = tpu.unpack_subelements %bitcast3A_1266, 0 {pack_format = #tpu.pack_format<interleaved>} : vector<32xbf16> -> vector<16xf32>
        %unpack3A_1268 = tpu.unpack_subelements %bitcast3A_1266, 1 {pack_format = #tpu.pack_format<interleaved>} : vector<32xbf16> -> vector<16xf32>
        %mul3A_1269 = arith.mulf %gather3A_539, %unpack3A_1267 : vector<16xf32>
        %add3A_1270 = arith.addf %add3A_1257, %mul3A_1269 : vector<16xf32>
        %mul3A_1271 = arith.mulf %gather3A_539, %unpack3A_1268 : vector<16xf32>
        %add3A_1272 = arith.addf %add3A_1259, %mul3A_1271 : vector<16xf32>
        %mul3A_1273 = arith.constant 16 : i32
        %mul3A_1274 = arith.muli %scan3A_1108, %mul3A_1273 : i32
        %get3A_1275 = arith.constant 29 : i32
        %get3A_1276 = arith.index_cast %get3A_1275 : i32 to index
        %get3A_1277 = arith.index_cast %mul3A_1274 : i32 to index
        %get3A_1278 = tpu.vector_load %arg15[%get3A_1276, %get3A_1277] {strides = array<i32>} : memref<32x128xi32, #tpu.memory_space<vmem>>, vector<16xi32>,
        %bitcast3A_1279 = vector.bitcast %get3A_1278 : vector<16xi32> to vector<32xbf16>
        %unpack3A_1280 = tpu.unpack_subelements %bitcast3A_1279, 0 {pack_format = #tpu.pack_format<interleaved>} : vector<32xbf16> -> vector<16xf32>
        %unpack3A_1281 = tpu.unpack_subelements %bitcast3A_1279, 1 {pack_format = #tpu.pack_format<interleaved>} : vector<32xbf16> -> vector<16xf32>
        %mul3A_1282 = arith.mulf %gather3A_545, %unpack3A_1280 : vector<16xf32>
        %add3A_1283 = arith.addf %add3A_1270, %mul3A_1282 : vector<16xf32>
        %mul3A_1284 = arith.mulf %gather3A_545, %unpack3A_1281 : vector<16xf32>
        %add3A_1285 = arith.addf %add3A_1272, %mul3A_1284 : vector<16xf32>
        %mul3A_1286 = arith.constant 16 : i32
        %mul3A_1287 = arith.muli %scan3A_1108, %mul3A_1286 : i32
        %get3A_1288 = arith.constant 30 : i32
        %get3A_1289 = arith.index_cast %get3A_1288 : i32 to index
        %get3A_1290 = arith.index_cast %mul3A_1287 : i32 to index
        %get3A_1291 = tpu.vector_load %arg15[%get3A_1289, %get3A_1290] {strides = array<i32>} : memref<32x128xi32, #tpu.memory_space<vmem>>, vector<16xi32>,
        %bitcast3A_1292 = vector.bitcast %get3A_1291 : vector<16xi32> to vector<32xbf16>
        %unpack3A_1293 = tpu.unpack_subelements %bitcast3A_1292, 0 {pack_format = #tpu.pack_format<interleaved>} : vector<32xbf16> -> vector<16xf32>
        %unpack3A_1294 = tpu.unpack_subelements %bitcast3A_1292, 1 {pack_format = #tpu.pack_format<interleaved>} : vector<32xbf16> -> vector<16xf32>
        %mul3A_1295 = arith.mulf %gather3A_551, %unpack3A_1293 : vector<16xf32>
        %add3A_1296 = arith.addf %add3A_1283, %mul3A_1295 : vector<16xf32>
        %mul3A_1297 = arith.mulf %gather3A_551, %unpack3A_1294 : vector<16xf32>
        %add3A_1298 = arith.addf %add3A_1285, %mul3A_1297 : vector<16xf32>
        %mul3A_1299 = arith.constant 16 : i32
        %mul3A_1300 = arith.muli %scan3A_1108, %mul3A_1299 : i32
        %get3A_1301 = arith.constant 31 : i32
        %get3A_1302 = arith.index_cast %get3A_1301 : i32 to index
        %get3A_1303 = arith.index_cast %mul3A_1300 : i32 to index
        %get3A_1304 = tpu.vector_load %arg15[%get3A_1302, %get3A_1303] {strides = array<i32>} : memref<32x128xi32, #tpu.memory_space<vmem>>, vector<16xi32>,
        %bitcast3A_1305 = vector.bitcast %get3A_1304 : vector<16xi32> to vector<32xbf16>
        %unpack3A_1306 = tpu.unpack_subelements %bitcast3A_1305, 0 {pack_format = #tpu.pack_format<interleaved>} : vector<32xbf16> -> vector<16xf32>
        %unpack3A_1307 = tpu.unpack_subelements %bitcast3A_1305, 1 {pack_format = #tpu.pack_format<interleaved>} : vector<32xbf16> -> vector<16xf32>
        %mul3A_1308 = arith.mulf %gather3A_557, %unpack3A_1306 : vector<16xf32>
        %add3A_1309 = arith.addf %add3A_1296, %mul3A_1308 : vector<16xf32>
        %mul3A_1310 = arith.mulf %gather3A_557, %unpack3A_1307 : vector<16xf32>
        %add3A_1311 = arith.addf %add3A_1298, %mul3A_1310 : vector<16xf32>
        %mul3A_1312 = arith.constant 16 : i32
        %mul3A_1313 = arith.muli %scan3A_1108, %mul3A_1312 : i32
        %swap3A = arith.constant 3 : i32
        %swap3A_1314 = arith.index_cast %swap3A : i32 to index
        %swap3A_1315 = arith.index_cast %mul3A_1313 : i32 to index
        %swap3A_1316 = tpu.vector_load %arg18[%swap3A_1314, %swap3A_1315] {strides = array<i32>} : memref<4x256xf32, #tpu.memory_space<vmem>>, vector<16xf32>,
        tpu.vector_store %arg18[%swap3A_1314, %swap3A_1315], %add3A_1309 {strides = array<i32>} : memref<4x256xf32, #tpu.memory_space<vmem>>, vector<16xf32>,
        %mul3A_1317 = arith.constant 16 : i32
        %mul3A_1318 = arith.muli %scan3A_1108, %mul3A_1317 : i32
        %add3A_1319 = arith.constant 128 : i32
        %add3A_1320 = arith.addi %add3A_1319, %mul3A_1318 : i32
        %swap3A_1321 = arith.constant 3 : i32
        %swap3A_1322 = arith.index_cast %swap3A_1321 : i32 to index
        %swap3A_1323 = arith.index_cast %add3A_1320 : i32 to index
        %swap3A_1324 = tpu.vector_load %arg18[%swap3A_1322, %swap3A_1323] {strides = array<i32>} : memref<4x256xf32, #tpu.memory_space<vmem>>, vector<16xf32>,
        tpu.vector_store %arg18[%swap3A_1322, %swap3A_1323], %add3A_1311 {strides = array<i32>} : memref<4x256xf32, #tpu.memory_space<vmem>>, vector<16xf32>,
      }
      %scan3A_563 = arith.constant 8 : i32
      %mul3A_564 = arith.constant 10240 : i32
      %mul3A_565 = arith.muli %select_n3A, %mul3A_564 : i32
      %add3A_566 = arith.addi %mul3A_565, %mul3A_2 : i32
      %mul3A_567 = arith.constant 4 : i32
      %mul3A_568 = arith.muli %add3A_46, %mul3A_567 : i32
      %add3A_569 = arith.addi %add3A_566, %mul3A_568 : i32
      %dma_start3A = arith.constant 0 : i32
      %dma_start3A_570 = tpu.memref_slice %arg10[%add3A_569, %dma_start3A] : memref<40960x256xf32, #tpu.memory_space<hbm>> -> memref<4x256xf32, #tpu.memory_space<hbm>>
      %dma_start3A_571 = arith.constant 0 : i32
      %dma_start3A_572 = tpu.memref_slice %arg10[%add3A_569, %dma_start3A_571] : memref<40960x256xf32, #tpu.memory_space<hbm>> -> memref<4x256xf32, #tpu.memory_space<hbm>>
      tpu.enqueue_dma source(%arg18 : memref<4x256xf32, #tpu.memory_space<vmem>>) target(%dma_start3A_572 : memref<4x256xf32, #tpu.memory_space<hbm>>) target_semaphore(%arg24 : memref<!tpu.dma_semaphore, #tpu.memory_space<semaphore_mem>>)
      %mul3A_573 = arith.constant 2 : i32
      %mul3A_574 = arith.muli %mul3A_573, %sub3A_40 : i32
      %add3A_575 = arith.constant 1 : i32
      %add3A_576 = arith.addi %mul3A_574, %add3A_575 : i32
      %mul3A_577 = arith.constant 2 : i32
      %mul3A_578 = arith.muli %mul3A_577, %scan3A_21 : i32
      %add3A_579 = arith.constant 1 : i32
      %add3A_580 = arith.addi %mul3A_578, %add3A_579 : i32
      %ge3A_581 = arith.constant 2 : i32
      %ge3A_582 = arith.cmpi sge, %add3A_580, %ge3A_581 : i32
      %convert_element_type3A_583 = arith.extui %ge3A_582 : i1 to i32
      %cond3A_584 = arith.constant 0 : i32
      %cond3A_585 = arith.cmpi ne, %convert_element_type3A_583, %cond3A_584 : i32
      scf.if %cond3A_585 {
        %dma_wait3A_1108 = arith.constant 0 : i32
        %dma_wait3A_1109 = arith.constant 0 : i32
        %dma_wait3A_1110 = tpu.memref_slice %arg10[%dma_wait3A_1108, %dma_wait3A_1109] : memref<40960x256xf32, #tpu.memory_space<hbm>> -> memref<4x256xf32, #tpu.memory_space<hbm>>
        %dma_wait3A_1111 = arith.constant 0 : i32
        %dma_wait3A_1112 = arith.constant 0 : i32
        %dma_wait3A_1113 = tpu.memref_slice %arg10[%dma_wait3A_1111, %dma_wait3A_1112] : memref<40960x256xf32, #tpu.memory_space<hbm>> -> memref<4x256xf32, #tpu.memory_space<hbm>>
        tpu.wait_dma2 semaphore(%arg25 : memref<!tpu.dma_semaphore, #tpu.memory_space<semaphore_mem>>) src(%arg19 : memref<4x256xf32, #tpu.memory_space<vmem>>) dst(%dma_wait3A_1113 : memref<4x256xf32, #tpu.memory_space<hbm>>)
      } else {
      }
      %mul3A_586 = arith.constant 8 : i32
      %mul3A_587 = arith.muli %sub3A_40, %mul3A_586 : i32
      %jit3A_588 = arith.constant 2 : i32
      %div3A_589 = arith.divsi %mul3A_587, %jit3A_588 : i32
      %sign3A_590 = arith.constant 0 : i32
      %sign3A_591 = arith.cmpi sgt, %mul3A_587, %sign3A_590 : i32
      %sign3A_592 = arith.extui %sign3A_591 : i1 to i32
      %sign3A_593 = arith.constant 0 : i32
      %sign3A_594 = arith.cmpi slt, %mul3A_587, %sign3A_593 : i32
      %sign3A_595 = arith.extui %sign3A_594 : i1 to i32
      %sign3A_596 = arith.subi %sign3A_592, %sign3A_595 : i32
      %sign3A_597 = arith.constant 0 : i32
      %sign3A_598 = arith.cmpi sgt, %jit3A_588, %sign3A_597 : i32
      %sign3A_599 = arith.extui %sign3A_598 : i1 to i32
      %sign3A_600 = arith.constant 0 : i32
      %sign3A_601 = arith.cmpi slt, %jit3A_588, %sign3A_600 : i32
      %sign3A_602 = arith.extui %sign3A_601 : i1 to i32
      %sign3A_603 = arith.subi %sign3A_599, %sign3A_602 : i32
      %ne3A_604 = arith.cmpi ne, %sign3A_596, %sign3A_603 : i32
      %rem3A_605 = arith.remsi %mul3A_587, %jit3A_588 : i32
      %ne3A_606 = arith.constant 0 : i32
      %ne3A_607 = arith.cmpi ne, %rem3A_605, %ne3A_606 : i32
      %and3A_608 = arith.andi %ne3A_604, %ne3A_607 : i1
      %sub3A_609 = arith.constant 1 : i32
      %sub3A_610 = arith.subi %div3A_589, %sub3A_609 : i32
      %select_n3A_611 = arith.select %and3A_608, %sub3A_610, %div3A_589 : i32
      %add3A_612 = arith.constant 2 : i32
      %add3A_613 = arith.addi %select_n3A_611, %add3A_612 : i32
      %add3A_614 = arith.constant 0 : i32
      %add3A_615 = arith.addi %add3A_613, %add3A_614 : i32
      %add3A_616 = arith.constant 4 : i32
      %add3A_617 = arith.addi %add3A_615, %add3A_616 : i32
      %sub3A_618 = arith.constant 1 : i32
      %sub3A_619 = arith.subi %add3A_617, %sub3A_618 : i32
      %lt3A_620 = arith.constant 160 : i32
      %lt3A_621 = arith.cmpi slt, %sub3A_619, %lt3A_620 : i32
      %convert_element_type3A_622 = arith.extui %lt3A_621 : i1 to i32
      %cond3A_623 = arith.constant 0 : i32
      %cond3A_624 = arith.cmpi ne, %convert_element_type3A_622, %cond3A_623 : i32
      scf.if %cond3A_624 {
        %add3A_1108 = arith.constant 4 : i32
        %add3A_1109 = arith.addi %add3A_615, %add3A_1108 : i32
        %sub3A_1110 = arith.constant 1 : i32
        %sub3A_1111 = arith.subi %add3A_1109, %sub3A_1110 : i32
        %mul3A_1112 = arith.constant 2 : i32
        %mul3A_1113 = arith.muli %sub3A_1111, %mul3A_1112 : i32
        %mul3A_1114 = arith.constant 16 : i32
        %mul3A_1115 = arith.muli %mul3A_1113, %mul3A_1114 : i32
        %dma_start3A_1116 = tpu.memref_slice %arg12[%mul3A_1115] : memref<5120xi32, #tpu.memory_space<vmem>> -> memref<32xi32, #tpu.memory_space<vmem>>
        %dma_start3A_1117 = arith.constant 0 : i32
        %dma_start3A_1118 = arith.constant 0 : i32
        %dma_start3A_1119 = tpu.memref_slice %arg11[%dma_start3A_1117, %dma_start3A_1118] : memref<10000x128xi32, #tpu.memory_space<vmem_shared>> -> memref<10000x128xi32, #tpu.memory_space<vmem_shared>>
        tpu.enqueue_indirect_dma source(%dma_start3A_1119 : memref<10000x128xi32, #tpu.memory_space<vmem_shared>>) target(%arg15 : memref<32x128xi32, #tpu.memory_space<vmem>>) offsets(%dma_start3A_1116 : memref<32xi32, #tpu.memory_space<vmem>>) semaphore(%arg21 : memref<!tpu.dma_semaphore, #tpu.memory_space<semaphore_mem>>)
      } else {
      }
      %dma_wait3A_625 = arith.constant 0 : i32
      %dma_wait3A_626 = tpu.memref_slice %arg12[%dma_wait3A_625] : memref<5120xi32, #tpu.memory_space<vmem>> -> memref<32xi32, #tpu.memory_space<vmem>>
      %dma_wait3A_627 = arith.constant 0 : i32
      %dma_wait3A_628 = arith.constant 0 : i32
      %dma_wait3A_629 = tpu.memref_slice %arg11[%dma_wait3A_627, %dma_wait3A_628] : memref<10000x128xi32, #tpu.memory_space<vmem_shared>> -> memref<10000x128xi32, #tpu.memory_space<vmem_shared>>
      tpu.wait_indirect_dma semaphore(%arg22 : memref<!tpu.dma_semaphore, #tpu.memory_space<semaphore_mem>>) src(%dma_wait3A_629 : memref<10000x128xi32, #tpu.memory_space<vmem_shared>>) dst(%arg16 : memref<32x128xi32, #tpu.memory_space<vmem>>)
      %mul3A_630 = arith.constant 2 : i32
      %mul3A_631 = arith.muli %add3A_615, %mul3A_630 : i32
      %add3A_632 = arith.constant 0 : i32
      %add3A_633 = arith.addi %mul3A_631, %add3A_632 : i32
      %mul3A_634 = arith.constant 16 : i32
      %mul3A_635 = arith.muli %add3A_633, %mul3A_634 : i32
      %add3A_636 = arith.constant 0 : i32
      %add3A_637 = arith.addi %mul3A_635, %add3A_636 : i32
      %broadcast_in_dim3A_638 = vector.broadcast %add3A_637 : i32 to vector<16xi32>
      %gather3A_639 = tpu.vector_load_idx %arg13[%broadcast_in_dim3A_638] : memref<5120xf32, #tpu.memory_space<vmem>>[vector<16xi32>], vector<16xf32>,
      %mul3A_640 = arith.constant 16 : i32
      %mul3A_641 = arith.muli %add3A_633, %mul3A_640 : i32
      %add3A_642 = arith.constant 1 : i32
      %add3A_643 = arith.addi %mul3A_641, %add3A_642 : i32
      %broadcast_in_dim3A_644 = vector.broadcast %add3A_643 : i32 to vector<16xi32>
      %gather3A_645 = tpu.vector_load_idx %arg13[%broadcast_in_dim3A_644] : memref<5120xf32, #tpu.memory_space<vmem>>[vector<16xi32>], vector<16xf32>,
      %mul3A_646 = arith.constant 16 : i32
      %mul3A_647 = arith.muli %add3A_633, %mul3A_646 : i32
      %add3A_648 = arith.constant 2 : i32
      %add3A_649 = arith.addi %mul3A_647, %add3A_648 : i32
      %broadcast_in_dim3A_650 = vector.broadcast %add3A_649 : i32 to vector<16xi32>
      %gather3A_651 = tpu.vector_load_idx %arg13[%broadcast_in_dim3A_650] : memref<5120xf32, #tpu.memory_space<vmem>>[vector<16xi32>], vector<16xf32>,
      %mul3A_652 = arith.constant 16 : i32
      %mul3A_653 = arith.muli %add3A_633, %mul3A_652 : i32
      %add3A_654 = arith.constant 3 : i32
      %add3A_655 = arith.addi %mul3A_653, %add3A_654 : i32
      %broadcast_in_dim3A_656 = vector.broadcast %add3A_655 : i32 to vector<16xi32>
      %gather3A_657 = tpu.vector_load_idx %arg13[%broadcast_in_dim3A_656] : memref<5120xf32, #tpu.memory_space<vmem>>[vector<16xi32>], vector<16xf32>,
      %mul3A_658 = arith.constant 16 : i32
      %mul3A_659 = arith.muli %add3A_633, %mul3A_658 : i32
      %add3A_660 = arith.constant 4 : i32
      %add3A_661 = arith.addi %mul3A_659, %add3A_660 : i32
      %broadcast_in_dim3A_662 = vector.broadcast %add3A_661 : i32 to vector<16xi32>
      %gather3A_663 = tpu.vector_load_idx %arg13[%broadcast_in_dim3A_662] : memref<5120xf32, #tpu.memory_space<vmem>>[vector<16xi32>], vector<16xf32>,
      %mul3A_664 = arith.constant 16 : i32
      %mul3A_665 = arith.muli %add3A_633, %mul3A_664 : i32
      %add3A_666 = arith.constant 5 : i32
      %add3A_667 = arith.addi %mul3A_665, %add3A_666 : i32
      %broadcast_in_dim3A_668 = vector.broadcast %add3A_667 : i32 to vector<16xi32>
      %gather3A_669 = tpu.vector_load_idx %arg13[%broadcast_in_dim3A_668] : memref<5120xf32, #tpu.memory_space<vmem>>[vector<16xi32>], vector<16xf32>,
      %mul3A_670 = arith.constant 16 : i32
      %mul3A_671 = arith.muli %add3A_633, %mul3A_670 : i32
      %add3A_672 = arith.constant 6 : i32
      %add3A_673 = arith.addi %mul3A_671, %add3A_672 : i32
      %broadcast_in_dim3A_674 = vector.broadcast %add3A_673 : i32 to vector<16xi32>
      %gather3A_675 = tpu.vector_load_idx %arg13[%broadcast_in_dim3A_674] : memref<5120xf32, #tpu.memory_space<vmem>>[vector<16xi32>], vector<16xf32>,
      %mul3A_676 = arith.constant 16 : i32
      %mul3A_677 = arith.muli %add3A_633, %mul3A_676 : i32
      %add3A_678 = arith.constant 7 : i32
      %add3A_679 = arith.addi %mul3A_677, %add3A_678 : i32
      %broadcast_in_dim3A_680 = vector.broadcast %add3A_679 : i32 to vector<16xi32>
      %gather3A_681 = tpu.vector_load_idx %arg13[%broadcast_in_dim3A_680] : memref<5120xf32, #tpu.memory_space<vmem>>[vector<16xi32>], vector<16xf32>,
      %mul3A_682 = arith.constant 16 : i32
      %mul3A_683 = arith.muli %add3A_633, %mul3A_682 : i32
      %add3A_684 = arith.constant 8 : i32
      %add3A_685 = arith.addi %mul3A_683, %add3A_684 : i32
      %broadcast_in_dim3A_686 = vector.broadcast %add3A_685 : i32 to vector<16xi32>
      %gather3A_687 = tpu.vector_load_idx %arg13[%broadcast_in_dim3A_686] : memref<5120xf32, #tpu.memory_space<vmem>>[vector<16xi32>], vector<16xf32>,
      %mul3A_688 = arith.constant 16 : i32
      %mul3A_689 = arith.muli %add3A_633, %mul3A_688 : i32
      %add3A_690 = arith.constant 9 : i32
      %add3A_691 = arith.addi %mul3A_689, %add3A_690 : i32
      %broadcast_in_dim3A_692 = vector.broadcast %add3A_691 : i32 to vector<16xi32>
      %gather3A_693 = tpu.vector_load_idx %arg13[%broadcast_in_dim3A_692] : memref<5120xf32, #tpu.memory_space<vmem>>[vector<16xi32>], vector<16xf32>,
      %mul3A_694 = arith.constant 16 : i32
      %mul3A_695 = arith.muli %add3A_633, %mul3A_694 : i32
      %add3A_696 = arith.constant 10 : i32
      %add3A_697 = arith.addi %mul3A_695, %add3A_696 : i32
      %broadcast_in_dim3A_698 = vector.broadcast %add3A_697 : i32 to vector<16xi32>
      %gather3A_699 = tpu.vector_load_idx %arg13[%broadcast_in_dim3A_698] : memref<5120xf32, #tpu.memory_space<vmem>>[vector<16xi32>], vector<16xf32>,
      %mul3A_700 = arith.constant 16 : i32
      %mul3A_701 = arith.muli %add3A_633, %mul3A_700 : i32
      %add3A_702 = arith.constant 11 : i32
      %add3A_703 = arith.addi %mul3A_701, %add3A_702 : i32
      %broadcast_in_dim3A_704 = vector.broadcast %add3A_703 : i32 to vector<16xi32>
      %gather3A_705 = tpu.vector_load_idx %arg13[%broadcast_in_dim3A_704] : memref<5120xf32, #tpu.memory_space<vmem>>[vector<16xi32>], vector<16xf32>,
      %mul3A_706 = arith.constant 16 : i32
      %mul3A_707 = arith.muli %add3A_633, %mul3A_706 : i32
      %add3A_708 = arith.constant 12 : i32
      %add3A_709 = arith.addi %mul3A_707, %add3A_708 : i32
      %broadcast_in_dim3A_710 = vector.broadcast %add3A_709 : i32 to vector<16xi32>
      %gather3A_711 = tpu.vector_load_idx %arg13[%broadcast_in_dim3A_710] : memref<5120xf32, #tpu.memory_space<vmem>>[vector<16xi32>], vector<16xf32>,
      %mul3A_712 = arith.constant 16 : i32
      %mul3A_713 = arith.muli %add3A_633, %mul3A_712 : i32
      %add3A_714 = arith.constant 13 : i32
      %add3A_715 = arith.addi %mul3A_713, %add3A_714 : i32
      %broadcast_in_dim3A_716 = vector.broadcast %add3A_715 : i32 to vector<16xi32>
      %gather3A_717 = tpu.vector_load_idx %arg13[%broadcast_in_dim3A_716] : memref<5120xf32, #tpu.memory_space<vmem>>[vector<16xi32>], vector<16xf32>,
      %mul3A_718 = arith.constant 16 : i32
      %mul3A_719 = arith.muli %add3A_633, %mul3A_718 : i32
      %add3A_720 = arith.constant 14 : i32
      %add3A_721 = arith.addi %mul3A_719, %add3A_720 : i32
      %broadcast_in_dim3A_722 = vector.broadcast %add3A_721 : i32 to vector<16xi32>
      %gather3A_723 = tpu.vector_load_idx %arg13[%broadcast_in_dim3A_722] : memref<5120xf32, #tpu.memory_space<vmem>>[vector<16xi32>], vector<16xf32>,
      %mul3A_724 = arith.constant 16 : i32
      %mul3A_725 = arith.muli %add3A_633, %mul3A_724 : i32
      %add3A_726 = arith.constant 15 : i32
      %add3A_727 = arith.addi %mul3A_725, %add3A_726 : i32
      %broadcast_in_dim3A_728 = vector.broadcast %add3A_727 : i32 to vector<16xi32>
      %gather3A_729 = tpu.vector_load_idx %arg13[%broadcast_in_dim3A_728] : memref<5120xf32, #tpu.memory_space<vmem>>[vector<16xi32>], vector<16xf32>,
      %scan3A_730 = arith.constant 0 : i32
      %scan3A_731 = arith.constant 0 : i32
      %scan3A_732 = arith.constant 8 : i32
      %scan3A_733 = arith.addi %scan3A_731, %scan3A_732 : i32
      %scan3A_734 = arith.constant 1 : i32
      scf.for %scan3A_1108 = %scan3A_731 to %scan3A_733 step %scan3A_734  : i32 {
        %mul3A_1109 = arith.constant 16 : i32
        %mul3A_1110 = arith.muli %scan3A_1108, %mul3A_1109 : i32
        %get3A = arith.constant 0 : i32
        %get3A_1111 = arith.index_cast %get3A : i32 to index
        %get3A_1112 = arith.index_cast %mul3A_1110 : i32 to index
        %get3A_1113 = tpu.vector_load %arg16[%get3A_1111, %get3A_1112] {strides = array<i32>} : memref<32x128xi32, #tpu.memory_space<vmem>>, vector<16xi32>,
        %bitcast3A = vector.bitcast %get3A_1113 : vector<16xi32> to vector<32xbf16>
        %unpack3A = tpu.unpack_subelements %bitcast3A, 0 {pack_format = #tpu.pack_format<interleaved>} : vector<32xbf16> -> vector<16xf32>
        %unpack3A_1114 = tpu.unpack_subelements %bitcast3A, 1 {pack_format = #tpu.pack_format<interleaved>} : vector<32xbf16> -> vector<16xf32>
        %mul3A_1115 = arith.mulf %gather3A_639, %unpack3A : vector<16xf32>
        %mul3A_1116 = arith.mulf %gather3A_639, %unpack3A_1114 : vector<16xf32>
        %mul3A_1117 = arith.constant 16 : i32
        %mul3A_1118 = arith.muli %scan3A_1108, %mul3A_1117 : i32
        %get3A_1119 = arith.constant 1 : i32
        %get3A_1120 = arith.index_cast %get3A_1119 : i32 to index
        %get3A_1121 = arith.index_cast %mul3A_1118 : i32 to index
        %get3A_1122 = tpu.vector_load %arg16[%get3A_1120, %get3A_1121] {strides = array<i32>} : memref<32x128xi32, #tpu.memory_space<vmem>>, vector<16xi32>,
        %bitcast3A_1123 = vector.bitcast %get3A_1122 : vector<16xi32> to vector<32xbf16>
        %unpack3A_1124 = tpu.unpack_subelements %bitcast3A_1123, 0 {pack_format = #tpu.pack_format<interleaved>} : vector<32xbf16> -> vector<16xf32>
        %unpack3A_1125 = tpu.unpack_subelements %bitcast3A_1123, 1 {pack_format = #tpu.pack_format<interleaved>} : vector<32xbf16> -> vector<16xf32>
        %mul3A_1126 = arith.mulf %gather3A_645, %unpack3A_1124 : vector<16xf32>
        %add3A_1127 = arith.addf %mul3A_1115, %mul3A_1126 : vector<16xf32>
        %mul3A_1128 = arith.mulf %gather3A_645, %unpack3A_1125 : vector<16xf32>
        %add3A_1129 = arith.addf %mul3A_1116, %mul3A_1128 : vector<16xf32>
        %mul3A_1130 = arith.constant 16 : i32
        %mul3A_1131 = arith.muli %scan3A_1108, %mul3A_1130 : i32
        %get3A_1132 = arith.constant 2 : i32
        %get3A_1133 = arith.index_cast %get3A_1132 : i32 to index
        %get3A_1134 = arith.index_cast %mul3A_1131 : i32 to index
        %get3A_1135 = tpu.vector_load %arg16[%get3A_1133, %get3A_1134] {strides = array<i32>} : memref<32x128xi32, #tpu.memory_space<vmem>>, vector<16xi32>,
        %bitcast3A_1136 = vector.bitcast %get3A_1135 : vector<16xi32> to vector<32xbf16>
        %unpack3A_1137 = tpu.unpack_subelements %bitcast3A_1136, 0 {pack_format = #tpu.pack_format<interleaved>} : vector<32xbf16> -> vector<16xf32>
        %unpack3A_1138 = tpu.unpack_subelements %bitcast3A_1136, 1 {pack_format = #tpu.pack_format<interleaved>} : vector<32xbf16> -> vector<16xf32>
        %mul3A_1139 = arith.mulf %gather3A_651, %unpack3A_1137 : vector<16xf32>
        %add3A_1140 = arith.addf %add3A_1127, %mul3A_1139 : vector<16xf32>
        %mul3A_1141 = arith.mulf %gather3A_651, %unpack3A_1138 : vector<16xf32>
        %add3A_1142 = arith.addf %add3A_1129, %mul3A_1141 : vector<16xf32>
        %mul3A_1143 = arith.constant 16 : i32
        %mul3A_1144 = arith.muli %scan3A_1108, %mul3A_1143 : i32
        %get3A_1145 = arith.constant 3 : i32
        %get3A_1146 = arith.index_cast %get3A_1145 : i32 to index
        %get3A_1147 = arith.index_cast %mul3A_1144 : i32 to index
        %get3A_1148 = tpu.vector_load %arg16[%get3A_1146, %get3A_1147] {strides = array<i32>} : memref<32x128xi32, #tpu.memory_space<vmem>>, vector<16xi32>,
        %bitcast3A_1149 = vector.bitcast %get3A_1148 : vector<16xi32> to vector<32xbf16>
        %unpack3A_1150 = tpu.unpack_subelements %bitcast3A_1149, 0 {pack_format = #tpu.pack_format<interleaved>} : vector<32xbf16> -> vector<16xf32>
        %unpack3A_1151 = tpu.unpack_subelements %bitcast3A_1149, 1 {pack_format = #tpu.pack_format<interleaved>} : vector<32xbf16> -> vector<16xf32>
        %mul3A_1152 = arith.mulf %gather3A_657, %unpack3A_1150 : vector<16xf32>
        %add3A_1153 = arith.addf %add3A_1140, %mul3A_1152 : vector<16xf32>
        %mul3A_1154 = arith.mulf %gather3A_657, %unpack3A_1151 : vector<16xf32>
        %add3A_1155 = arith.addf %add3A_1142, %mul3A_1154 : vector<16xf32>
        %mul3A_1156 = arith.constant 16 : i32
        %mul3A_1157 = arith.muli %scan3A_1108, %mul3A_1156 : i32
        %get3A_1158 = arith.constant 4 : i32
        %get3A_1159 = arith.index_cast %get3A_1158 : i32 to index
        %get3A_1160 = arith.index_cast %mul3A_1157 : i32 to index
        %get3A_1161 = tpu.vector_load %arg16[%get3A_1159, %get3A_1160] {strides = array<i32>} : memref<32x128xi32, #tpu.memory_space<vmem>>, vector<16xi32>,
        %bitcast3A_1162 = vector.bitcast %get3A_1161 : vector<16xi32> to vector<32xbf16>
        %unpack3A_1163 = tpu.unpack_subelements %bitcast3A_1162, 0 {pack_format = #tpu.pack_format<interleaved>} : vector<32xbf16> -> vector<16xf32>
        %unpack3A_1164 = tpu.unpack_subelements %bitcast3A_1162, 1 {pack_format = #tpu.pack_format<interleaved>} : vector<32xbf16> -> vector<16xf32>
        %mul3A_1165 = arith.mulf %gather3A_663, %unpack3A_1163 : vector<16xf32>
        %add3A_1166 = arith.addf %add3A_1153, %mul3A_1165 : vector<16xf32>
        %mul3A_1167 = arith.mulf %gather3A_663, %unpack3A_1164 : vector<16xf32>
        %add3A_1168 = arith.addf %add3A_1155, %mul3A_1167 : vector<16xf32>
        %mul3A_1169 = arith.constant 16 : i32
        %mul3A_1170 = arith.muli %scan3A_1108, %mul3A_1169 : i32
        %get3A_1171 = arith.constant 5 : i32
        %get3A_1172 = arith.index_cast %get3A_1171 : i32 to index
        %get3A_1173 = arith.index_cast %mul3A_1170 : i32 to index
        %get3A_1174 = tpu.vector_load %arg16[%get3A_1172, %get3A_1173] {strides = array<i32>} : memref<32x128xi32, #tpu.memory_space<vmem>>, vector<16xi32>,
        %bitcast3A_1175 = vector.bitcast %get3A_1174 : vector<16xi32> to vector<32xbf16>
        %unpack3A_1176 = tpu.unpack_subelements %bitcast3A_1175, 0 {pack_format = #tpu.pack_format<interleaved>} : vector<32xbf16> -> vector<16xf32>
        %unpack3A_1177 = tpu.unpack_subelements %bitcast3A_1175, 1 {pack_format = #tpu.pack_format<interleaved>} : vector<32xbf16> -> vector<16xf32>
        %mul3A_1178 = arith.mulf %gather3A_669, %unpack3A_1176 : vector<16xf32>
        %add3A_1179 = arith.addf %add3A_1166, %mul3A_1178 : vector<16xf32>
        %mul3A_1180 = arith.mulf %gather3A_669, %unpack3A_1177 : vector<16xf32>
        %add3A_1181 = arith.addf %add3A_1168, %mul3A_1180 : vector<16xf32>
        %mul3A_1182 = arith.constant 16 : i32
        %mul3A_1183 = arith.muli %scan3A_1108, %mul3A_1182 : i32
        %get3A_1184 = arith.constant 6 : i32
        %get3A_1185 = arith.index_cast %get3A_1184 : i32 to index
        %get3A_1186 = arith.index_cast %mul3A_1183 : i32 to index
        %get3A_1187 = tpu.vector_load %arg16[%get3A_1185, %get3A_1186] {strides = array<i32>} : memref<32x128xi32, #tpu.memory_space<vmem>>, vector<16xi32>,
        %bitcast3A_1188 = vector.bitcast %get3A_1187 : vector<16xi32> to vector<32xbf16>
        %unpack3A_1189 = tpu.unpack_subelements %bitcast3A_1188, 0 {pack_format = #tpu.pack_format<interleaved>} : vector<32xbf16> -> vector<16xf32>
        %unpack3A_1190 = tpu.unpack_subelements %bitcast3A_1188, 1 {pack_format = #tpu.pack_format<interleaved>} : vector<32xbf16> -> vector<16xf32>
        %mul3A_1191 = arith.mulf %gather3A_675, %unpack3A_1189 : vector<16xf32>
        %add3A_1192 = arith.addf %add3A_1179, %mul3A_1191 : vector<16xf32>
        %mul3A_1193 = arith.mulf %gather3A_675, %unpack3A_1190 : vector<16xf32>
        %add3A_1194 = arith.addf %add3A_1181, %mul3A_1193 : vector<16xf32>
        %mul3A_1195 = arith.constant 16 : i32
        %mul3A_1196 = arith.muli %scan3A_1108, %mul3A_1195 : i32
        %get3A_1197 = arith.constant 7 : i32
        %get3A_1198 = arith.index_cast %get3A_1197 : i32 to index
        %get3A_1199 = arith.index_cast %mul3A_1196 : i32 to index
        %get3A_1200 = tpu.vector_load %arg16[%get3A_1198, %get3A_1199] {strides = array<i32>} : memref<32x128xi32, #tpu.memory_space<vmem>>, vector<16xi32>,
        %bitcast3A_1201 = vector.bitcast %get3A_1200 : vector<16xi32> to vector<32xbf16>
        %unpack3A_1202 = tpu.unpack_subelements %bitcast3A_1201, 0 {pack_format = #tpu.pack_format<interleaved>} : vector<32xbf16> -> vector<16xf32>
        %unpack3A_1203 = tpu.unpack_subelements %bitcast3A_1201, 1 {pack_format = #tpu.pack_format<interleaved>} : vector<32xbf16> -> vector<16xf32>
        %mul3A_1204 = arith.mulf %gather3A_681, %unpack3A_1202 : vector<16xf32>
        %add3A_1205 = arith.addf %add3A_1192, %mul3A_1204 : vector<16xf32>
        %mul3A_1206 = arith.mulf %gather3A_681, %unpack3A_1203 : vector<16xf32>
        %add3A_1207 = arith.addf %add3A_1194, %mul3A_1206 : vector<16xf32>
        %mul3A_1208 = arith.constant 16 : i32
        %mul3A_1209 = arith.muli %scan3A_1108, %mul3A_1208 : i32
        %get3A_1210 = arith.constant 8 : i32
        %get3A_1211 = arith.index_cast %get3A_1210 : i32 to index
        %get3A_1212 = arith.index_cast %mul3A_1209 : i32 to index
        %get3A_1213 = tpu.vector_load %arg16[%get3A_1211, %get3A_1212] {strides = array<i32>} : memref<32x128xi32, #tpu.memory_space<vmem>>, vector<16xi32>,
        %bitcast3A_1214 = vector.bitcast %get3A_1213 : vector<16xi32> to vector<32xbf16>
        %unpack3A_1215 = tpu.unpack_subelements %bitcast3A_1214, 0 {pack_format = #tpu.pack_format<interleaved>} : vector<32xbf16> -> vector<16xf32>
        %unpack3A_1216 = tpu.unpack_subelements %bitcast3A_1214, 1 {pack_format = #tpu.pack_format<interleaved>} : vector<32xbf16> -> vector<16xf32>
        %mul3A_1217 = arith.mulf %gather3A_687, %unpack3A_1215 : vector<16xf32>
        %add3A_1218 = arith.addf %add3A_1205, %mul3A_1217 : vector<16xf32>
        %mul3A_1219 = arith.mulf %gather3A_687, %unpack3A_1216 : vector<16xf32>
        %add3A_1220 = arith.addf %add3A_1207, %mul3A_1219 : vector<16xf32>
        %mul3A_1221 = arith.constant 16 : i32
        %mul3A_1222 = arith.muli %scan3A_1108, %mul3A_1221 : i32
        %get3A_1223 = arith.constant 9 : i32
        %get3A_1224 = arith.index_cast %get3A_1223 : i32 to index
        %get3A_1225 = arith.index_cast %mul3A_1222 : i32 to index
        %get3A_1226 = tpu.vector_load %arg16[%get3A_1224, %get3A_1225] {strides = array<i32>} : memref<32x128xi32, #tpu.memory_space<vmem>>, vector<16xi32>,
        %bitcast3A_1227 = vector.bitcast %get3A_1226 : vector<16xi32> to vector<32xbf16>
        %unpack3A_1228 = tpu.unpack_subelements %bitcast3A_1227, 0 {pack_format = #tpu.pack_format<interleaved>} : vector<32xbf16> -> vector<16xf32>
        %unpack3A_1229 = tpu.unpack_subelements %bitcast3A_1227, 1 {pack_format = #tpu.pack_format<interleaved>} : vector<32xbf16> -> vector<16xf32>
        %mul3A_1230 = arith.mulf %gather3A_693, %unpack3A_1228 : vector<16xf32>
        %add3A_1231 = arith.addf %add3A_1218, %mul3A_1230 : vector<16xf32>
        %mul3A_1232 = arith.mulf %gather3A_693, %unpack3A_1229 : vector<16xf32>
        %add3A_1233 = arith.addf %add3A_1220, %mul3A_1232 : vector<16xf32>
        %mul3A_1234 = arith.constant 16 : i32
        %mul3A_1235 = arith.muli %scan3A_1108, %mul3A_1234 : i32
        %get3A_1236 = arith.constant 10 : i32
        %get3A_1237 = arith.index_cast %get3A_1236 : i32 to index
        %get3A_1238 = arith.index_cast %mul3A_1235 : i32 to index
        %get3A_1239 = tpu.vector_load %arg16[%get3A_1237, %get3A_1238] {strides = array<i32>} : memref<32x128xi32, #tpu.memory_space<vmem>>, vector<16xi32>,
        %bitcast3A_1240 = vector.bitcast %get3A_1239 : vector<16xi32> to vector<32xbf16>
        %unpack3A_1241 = tpu.unpack_subelements %bitcast3A_1240, 0 {pack_format = #tpu.pack_format<interleaved>} : vector<32xbf16> -> vector<16xf32>
        %unpack3A_1242 = tpu.unpack_subelements %bitcast3A_1240, 1 {pack_format = #tpu.pack_format<interleaved>} : vector<32xbf16> -> vector<16xf32>
        %mul3A_1243 = arith.mulf %gather3A_699, %unpack3A_1241 : vector<16xf32>
        %add3A_1244 = arith.addf %add3A_1231, %mul3A_1243 : vector<16xf32>
        %mul3A_1245 = arith.mulf %gather3A_699, %unpack3A_1242 : vector<16xf32>
        %add3A_1246 = arith.addf %add3A_1233, %mul3A_1245 : vector<16xf32>
        %mul3A_1247 = arith.constant 16 : i32
        %mul3A_1248 = arith.muli %scan3A_1108, %mul3A_1247 : i32
        %get3A_1249 = arith.constant 11 : i32
        %get3A_1250 = arith.index_cast %get3A_1249 : i32 to index
        %get3A_1251 = arith.index_cast %mul3A_1248 : i32 to index
        %get3A_1252 = tpu.vector_load %arg16[%get3A_1250, %get3A_1251] {strides = array<i32>} : memref<32x128xi32, #tpu.memory_space<vmem>>, vector<16xi32>,
        %bitcast3A_1253 = vector.bitcast %get3A_1252 : vector<16xi32> to vector<32xbf16>
        %unpack3A_1254 = tpu.unpack_subelements %bitcast3A_1253, 0 {pack_format = #tpu.pack_format<interleaved>} : vector<32xbf16> -> vector<16xf32>
        %unpack3A_1255 = tpu.unpack_subelements %bitcast3A_1253, 1 {pack_format = #tpu.pack_format<interleaved>} : vector<32xbf16> -> vector<16xf32>
        %mul3A_1256 = arith.mulf %gather3A_705, %unpack3A_1254 : vector<16xf32>
        %add3A_1257 = arith.addf %add3A_1244, %mul3A_1256 : vector<16xf32>
        %mul3A_1258 = arith.mulf %gather3A_705, %unpack3A_1255 : vector<16xf32>
        %add3A_1259 = arith.addf %add3A_1246, %mul3A_1258 : vector<16xf32>
        %mul3A_1260 = arith.constant 16 : i32
        %mul3A_1261 = arith.muli %scan3A_1108, %mul3A_1260 : i32
        %get3A_1262 = arith.constant 12 : i32
        %get3A_1263 = arith.index_cast %get3A_1262 : i32 to index
        %get3A_1264 = arith.index_cast %mul3A_1261 : i32 to index
        %get3A_1265 = tpu.vector_load %arg16[%get3A_1263, %get3A_1264] {strides = array<i32>} : memref<32x128xi32, #tpu.memory_space<vmem>>, vector<16xi32>,
        %bitcast3A_1266 = vector.bitcast %get3A_1265 : vector<16xi32> to vector<32xbf16>
        %unpack3A_1267 = tpu.unpack_subelements %bitcast3A_1266, 0 {pack_format = #tpu.pack_format<interleaved>} : vector<32xbf16> -> vector<16xf32>
        %unpack3A_1268 = tpu.unpack_subelements %bitcast3A_1266, 1 {pack_format = #tpu.pack_format<interleaved>} : vector<32xbf16> -> vector<16xf32>
        %mul3A_1269 = arith.mulf %gather3A_711, %unpack3A_1267 : vector<16xf32>
        %add3A_1270 = arith.addf %add3A_1257, %mul3A_1269 : vector<16xf32>
        %mul3A_1271 = arith.mulf %gather3A_711, %unpack3A_1268 : vector<16xf32>
        %add3A_1272 = arith.addf %add3A_1259, %mul3A_1271 : vector<16xf32>
        %mul3A_1273 = arith.constant 16 : i32
        %mul3A_1274 = arith.muli %scan3A_1108, %mul3A_1273 : i32
        %get3A_1275 = arith.constant 13 : i32
        %get3A_1276 = arith.index_cast %get3A_1275 : i32 to index
        %get3A_1277 = arith.index_cast %mul3A_1274 : i32 to index
        %get3A_1278 = tpu.vector_load %arg16[%get3A_1276, %get3A_1277] {strides = array<i32>} : memref<32x128xi32, #tpu.memory_space<vmem>>, vector<16xi32>,
        %bitcast3A_1279 = vector.bitcast %get3A_1278 : vector<16xi32> to vector<32xbf16>
        %unpack3A_1280 = tpu.unpack_subelements %bitcast3A_1279, 0 {pack_format = #tpu.pack_format<interleaved>} : vector<32xbf16> -> vector<16xf32>
        %unpack3A_1281 = tpu.unpack_subelements %bitcast3A_1279, 1 {pack_format = #tpu.pack_format<interleaved>} : vector<32xbf16> -> vector<16xf32>
        %mul3A_1282 = arith.mulf %gather3A_717, %unpack3A_1280 : vector<16xf32>
        %add3A_1283 = arith.addf %add3A_1270, %mul3A_1282 : vector<16xf32>
        %mul3A_1284 = arith.mulf %gather3A_717, %unpack3A_1281 : vector<16xf32>
        %add3A_1285 = arith.addf %add3A_1272, %mul3A_1284 : vector<16xf32>
        %mul3A_1286 = arith.constant 16 : i32
        %mul3A_1287 = arith.muli %scan3A_1108, %mul3A_1286 : i32
        %get3A_1288 = arith.constant 14 : i32
        %get3A_1289 = arith.index_cast %get3A_1288 : i32 to index
        %get3A_1290 = arith.index_cast %mul3A_1287 : i32 to index
        %get3A_1291 = tpu.vector_load %arg16[%get3A_1289, %get3A_1290] {strides = array<i32>} : memref<32x128xi32, #tpu.memory_space<vmem>>, vector<16xi32>,
        %bitcast3A_1292 = vector.bitcast %get3A_1291 : vector<16xi32> to vector<32xbf16>
        %unpack3A_1293 = tpu.unpack_subelements %bitcast3A_1292, 0 {pack_format = #tpu.pack_format<interleaved>} : vector<32xbf16> -> vector<16xf32>
        %unpack3A_1294 = tpu.unpack_subelements %bitcast3A_1292, 1 {pack_format = #tpu.pack_format<interleaved>} : vector<32xbf16> -> vector<16xf32>
        %mul3A_1295 = arith.mulf %gather3A_723, %unpack3A_1293 : vector<16xf32>
        %add3A_1296 = arith.addf %add3A_1283, %mul3A_1295 : vector<16xf32>
        %mul3A_1297 = arith.mulf %gather3A_723, %unpack3A_1294 : vector<16xf32>
        %add3A_1298 = arith.addf %add3A_1285, %mul3A_1297 : vector<16xf32>
        %mul3A_1299 = arith.constant 16 : i32
        %mul3A_1300 = arith.muli %scan3A_1108, %mul3A_1299 : i32
        %get3A_1301 = arith.constant 15 : i32
        %get3A_1302 = arith.index_cast %get3A_1301 : i32 to index
        %get3A_1303 = arith.index_cast %mul3A_1300 : i32 to index
        %get3A_1304 = tpu.vector_load %arg16[%get3A_1302, %get3A_1303] {strides = array<i32>} : memref<32x128xi32, #tpu.memory_space<vmem>>, vector<16xi32>,
        %bitcast3A_1305 = vector.bitcast %get3A_1304 : vector<16xi32> to vector<32xbf16>
        %unpack3A_1306 = tpu.unpack_subelements %bitcast3A_1305, 0 {pack_format = #tpu.pack_format<interleaved>} : vector<32xbf16> -> vector<16xf32>
        %unpack3A_1307 = tpu.unpack_subelements %bitcast3A_1305, 1 {pack_format = #tpu.pack_format<interleaved>} : vector<32xbf16> -> vector<16xf32>
        %mul3A_1308 = arith.mulf %gather3A_729, %unpack3A_1306 : vector<16xf32>
        %add3A_1309 = arith.addf %add3A_1296, %mul3A_1308 : vector<16xf32>
        %mul3A_1310 = arith.mulf %gather3A_729, %unpack3A_1307 : vector<16xf32>
        %add3A_1311 = arith.addf %add3A_1298, %mul3A_1310 : vector<16xf32>
        %mul3A_1312 = arith.constant 16 : i32
        %mul3A_1313 = arith.muli %scan3A_1108, %mul3A_1312 : i32
        %swap3A = arith.constant 0 : i32
        %swap3A_1314 = arith.index_cast %swap3A : i32 to index
        %swap3A_1315 = arith.index_cast %mul3A_1313 : i32 to index
        %swap3A_1316 = tpu.vector_load %arg19[%swap3A_1314, %swap3A_1315] {strides = array<i32>} : memref<4x256xf32, #tpu.memory_space<vmem>>, vector<16xf32>,
        tpu.vector_store %arg19[%swap3A_1314, %swap3A_1315], %add3A_1309 {strides = array<i32>} : memref<4x256xf32, #tpu.memory_space<vmem>>, vector<16xf32>,
        %mul3A_1317 = arith.constant 16 : i32
        %mul3A_1318 = arith.muli %scan3A_1108, %mul3A_1317 : i32
        %add3A_1319 = arith.constant 128 : i32
        %add3A_1320 = arith.addi %add3A_1319, %mul3A_1318 : i32
        %swap3A_1321 = arith.constant 0 : i32
        %swap3A_1322 = arith.index_cast %swap3A_1321 : i32 to index
        %swap3A_1323 = arith.index_cast %add3A_1320 : i32 to index
        %swap3A_1324 = tpu.vector_load %arg19[%swap3A_1322, %swap3A_1323] {strides = array<i32>} : memref<4x256xf32, #tpu.memory_space<vmem>>, vector<16xf32>,
        tpu.vector_store %arg19[%swap3A_1322, %swap3A_1323], %add3A_1311 {strides = array<i32>} : memref<4x256xf32, #tpu.memory_space<vmem>>, vector<16xf32>,
      }
      %scan3A_735 = arith.constant 8 : i32
      %mul3A_736 = arith.constant 2 : i32
      %mul3A_737 = arith.muli %add3A_615, %mul3A_736 : i32
      %add3A_738 = arith.constant 1 : i32
      %add3A_739 = arith.addi %mul3A_737, %add3A_738 : i32
      %mul3A_740 = arith.constant 16 : i32
      %mul3A_741 = arith.muli %add3A_739, %mul3A_740 : i32
      %add3A_742 = arith.constant 0 : i32
      %add3A_743 = arith.addi %mul3A_741, %add3A_742 : i32
      %broadcast_in_dim3A_744 = vector.broadcast %add3A_743 : i32 to vector<16xi32>
      %gather3A_745 = tpu.vector_load_idx %arg13[%broadcast_in_dim3A_744] : memref<5120xf32, #tpu.memory_space<vmem>>[vector<16xi32>], vector<16xf32>,
      %mul3A_746 = arith.constant 16 : i32
      %mul3A_747 = arith.muli %add3A_739, %mul3A_746 : i32
      %add3A_748 = arith.constant 1 : i32
      %add3A_749 = arith.addi %mul3A_747, %add3A_748 : i32
      %broadcast_in_dim3A_750 = vector.broadcast %add3A_749 : i32 to vector<16xi32>
      %gather3A_751 = tpu.vector_load_idx %arg13[%broadcast_in_dim3A_750] : memref<5120xf32, #tpu.memory_space<vmem>>[vector<16xi32>], vector<16xf32>,
      %mul3A_752 = arith.constant 16 : i32
      %mul3A_753 = arith.muli %add3A_739, %mul3A_752 : i32
      %add3A_754 = arith.constant 2 : i32
      %add3A_755 = arith.addi %mul3A_753, %add3A_754 : i32
      %broadcast_in_dim3A_756 = vector.broadcast %add3A_755 : i32 to vector<16xi32>
      %gather3A_757 = tpu.vector_load_idx %arg13[%broadcast_in_dim3A_756] : memref<5120xf32, #tpu.memory_space<vmem>>[vector<16xi32>], vector<16xf32>,
      %mul3A_758 = arith.constant 16 : i32
      %mul3A_759 = arith.muli %add3A_739, %mul3A_758 : i32
      %add3A_760 = arith.constant 3 : i32
      %add3A_761 = arith.addi %mul3A_759, %add3A_760 : i32
      %broadcast_in_dim3A_762 = vector.broadcast %add3A_761 : i32 to vector<16xi32>
      %gather3A_763 = tpu.vector_load_idx %arg13[%broadcast_in_dim3A_762] : memref<5120xf32, #tpu.memory_space<vmem>>[vector<16xi32>], vector<16xf32>,
      %mul3A_764 = arith.constant 16 : i32
      %mul3A_765 = arith.muli %add3A_739, %mul3A_764 : i32
      %add3A_766 = arith.constant 4 : i32
      %add3A_767 = arith.addi %mul3A_765, %add3A_766 : i32
      %broadcast_in_dim3A_768 = vector.broadcast %add3A_767 : i32 to vector<16xi32>
      %gather3A_769 = tpu.vector_load_idx %arg13[%broadcast_in_dim3A_768] : memref<5120xf32, #tpu.memory_space<vmem>>[vector<16xi32>], vector<16xf32>,
      %mul3A_770 = arith.constant 16 : i32
      %mul3A_771 = arith.muli %add3A_739, %mul3A_770 : i32
      %add3A_772 = arith.constant 5 : i32
      %add3A_773 = arith.addi %mul3A_771, %add3A_772 : i32
      %broadcast_in_dim3A_774 = vector.broadcast %add3A_773 : i32 to vector<16xi32>
      %gather3A_775 = tpu.vector_load_idx %arg13[%broadcast_in_dim3A_774] : memref<5120xf32, #tpu.memory_space<vmem>>[vector<16xi32>], vector<16xf32>,
      %mul3A_776 = arith.constant 16 : i32
      %mul3A_777 = arith.muli %add3A_739, %mul3A_776 : i32
      %add3A_778 = arith.constant 6 : i32
      %add3A_779 = arith.addi %mul3A_777, %add3A_778 : i32
      %broadcast_in_dim3A_780 = vector.broadcast %add3A_779 : i32 to vector<16xi32>
      %gather3A_781 = tpu.vector_load_idx %arg13[%broadcast_in_dim3A_780] : memref<5120xf32, #tpu.memory_space<vmem>>[vector<16xi32>], vector<16xf32>,
      %mul3A_782 = arith.constant 16 : i32
      %mul3A_783 = arith.muli %add3A_739, %mul3A_782 : i32
      %add3A_784 = arith.constant 7 : i32
      %add3A_785 = arith.addi %mul3A_783, %add3A_784 : i32
      %broadcast_in_dim3A_786 = vector.broadcast %add3A_785 : i32 to vector<16xi32>
      %gather3A_787 = tpu.vector_load_idx %arg13[%broadcast_in_dim3A_786] : memref<5120xf32, #tpu.memory_space<vmem>>[vector<16xi32>], vector<16xf32>,
      %mul3A_788 = arith.constant 16 : i32
      %mul3A_789 = arith.muli %add3A_739, %mul3A_788 : i32
      %add3A_790 = arith.constant 8 : i32
      %add3A_791 = arith.addi %mul3A_789, %add3A_790 : i32
      %broadcast_in_dim3A_792 = vector.broadcast %add3A_791 : i32 to vector<16xi32>
      %gather3A_793 = tpu.vector_load_idx %arg13[%broadcast_in_dim3A_792] : memref<5120xf32, #tpu.memory_space<vmem>>[vector<16xi32>], vector<16xf32>,
      %mul3A_794 = arith.constant 16 : i32
      %mul3A_795 = arith.muli %add3A_739, %mul3A_794 : i32
      %add3A_796 = arith.constant 9 : i32
      %add3A_797 = arith.addi %mul3A_795, %add3A_796 : i32
      %broadcast_in_dim3A_798 = vector.broadcast %add3A_797 : i32 to vector<16xi32>
      %gather3A_799 = tpu.vector_load_idx %arg13[%broadcast_in_dim3A_798] : memref<5120xf32, #tpu.memory_space<vmem>>[vector<16xi32>], vector<16xf32>,
      %mul3A_800 = arith.constant 16 : i32
      %mul3A_801 = arith.muli %add3A_739, %mul3A_800 : i32
      %add3A_802 = arith.constant 10 : i32
      %add3A_803 = arith.addi %mul3A_801, %add3A_802 : i32
      %broadcast_in_dim3A_804 = vector.broadcast %add3A_803 : i32 to vector<16xi32>
      %gather3A_805 = tpu.vector_load_idx %arg13[%broadcast_in_dim3A_804] : memref<5120xf32, #tpu.memory_space<vmem>>[vector<16xi32>], vector<16xf32>,
      %mul3A_806 = arith.constant 16 : i32
      %mul3A_807 = arith.muli %add3A_739, %mul3A_806 : i32
      %add3A_808 = arith.constant 11 : i32
      %add3A_809 = arith.addi %mul3A_807, %add3A_808 : i32
      %broadcast_in_dim3A_810 = vector.broadcast %add3A_809 : i32 to vector<16xi32>
      %gather3A_811 = tpu.vector_load_idx %arg13[%broadcast_in_dim3A_810] : memref<5120xf32, #tpu.memory_space<vmem>>[vector<16xi32>], vector<16xf32>,
      %mul3A_812 = arith.constant 16 : i32
      %mul3A_813 = arith.muli %add3A_739, %mul3A_812 : i32
      %add3A_814 = arith.constant 12 : i32
      %add3A_815 = arith.addi %mul3A_813, %add3A_814 : i32
      %broadcast_in_dim3A_816 = vector.broadcast %add3A_815 : i32 to vector<16xi32>
      %gather3A_817 = tpu.vector_load_idx %arg13[%broadcast_in_dim3A_816] : memref<5120xf32, #tpu.memory_space<vmem>>[vector<16xi32>], vector<16xf32>,
      %mul3A_818 = arith.constant 16 : i32
      %mul3A_819 = arith.muli %add3A_739, %mul3A_818 : i32
      %add3A_820 = arith.constant 13 : i32
      %add3A_821 = arith.addi %mul3A_819, %add3A_820 : i32
      %broadcast_in_dim3A_822 = vector.broadcast %add3A_821 : i32 to vector<16xi32>
      %gather3A_823 = tpu.vector_load_idx %arg13[%broadcast_in_dim3A_822] : memref<5120xf32, #tpu.memory_space<vmem>>[vector<16xi32>], vector<16xf32>,
      %mul3A_824 = arith.constant 16 : i32
      %mul3A_825 = arith.muli %add3A_739, %mul3A_824 : i32
      %add3A_826 = arith.constant 14 : i32
      %add3A_827 = arith.addi %mul3A_825, %add3A_826 : i32
      %broadcast_in_dim3A_828 = vector.broadcast %add3A_827 : i32 to vector<16xi32>
      %gather3A_829 = tpu.vector_load_idx %arg13[%broadcast_in_dim3A_828] : memref<5120xf32, #tpu.memory_space<vmem>>[vector<16xi32>], vector<16xf32>,
      %mul3A_830 = arith.constant 16 : i32
      %mul3A_831 = arith.muli %add3A_739, %mul3A_830 : i32
      %add3A_832 = arith.constant 15 : i32
      %add3A_833 = arith.addi %mul3A_831, %add3A_832 : i32
      %broadcast_in_dim3A_834 = vector.broadcast %add3A_833 : i32 to vector<16xi32>
      %gather3A_835 = tpu.vector_load_idx %arg13[%broadcast_in_dim3A_834] : memref<5120xf32, #tpu.memory_space<vmem>>[vector<16xi32>], vector<16xf32>,
      %scan3A_836 = arith.constant 0 : i32
      %scan3A_837 = arith.constant 0 : i32
      %scan3A_838 = arith.constant 8 : i32
      %scan3A_839 = arith.addi %scan3A_837, %scan3A_838 : i32
      %scan3A_840 = arith.constant 1 : i32
      scf.for %scan3A_1108 = %scan3A_837 to %scan3A_839 step %scan3A_840  : i32 {
        %mul3A_1109 = arith.constant 16 : i32
        %mul3A_1110 = arith.muli %scan3A_1108, %mul3A_1109 : i32
        %get3A = arith.constant 16 : i32
        %get3A_1111 = arith.index_cast %get3A : i32 to index
        %get3A_1112 = arith.index_cast %mul3A_1110 : i32 to index
        %get3A_1113 = tpu.vector_load %arg16[%get3A_1111, %get3A_1112] {strides = array<i32>} : memref<32x128xi32, #tpu.memory_space<vmem>>, vector<16xi32>,
        %bitcast3A = vector.bitcast %get3A_1113 : vector<16xi32> to vector<32xbf16>
        %unpack3A = tpu.unpack_subelements %bitcast3A, 0 {pack_format = #tpu.pack_format<interleaved>} : vector<32xbf16> -> vector<16xf32>
        %unpack3A_1114 = tpu.unpack_subelements %bitcast3A, 1 {pack_format = #tpu.pack_format<interleaved>} : vector<32xbf16> -> vector<16xf32>
        %mul3A_1115 = arith.mulf %gather3A_745, %unpack3A : vector<16xf32>
        %mul3A_1116 = arith.mulf %gather3A_745, %unpack3A_1114 : vector<16xf32>
        %mul3A_1117 = arith.constant 16 : i32
        %mul3A_1118 = arith.muli %scan3A_1108, %mul3A_1117 : i32
        %get3A_1119 = arith.constant 17 : i32
        %get3A_1120 = arith.index_cast %get3A_1119 : i32 to index
        %get3A_1121 = arith.index_cast %mul3A_1118 : i32 to index
        %get3A_1122 = tpu.vector_load %arg16[%get3A_1120, %get3A_1121] {strides = array<i32>} : memref<32x128xi32, #tpu.memory_space<vmem>>, vector<16xi32>,
        %bitcast3A_1123 = vector.bitcast %get3A_1122 : vector<16xi32> to vector<32xbf16>
        %unpack3A_1124 = tpu.unpack_subelements %bitcast3A_1123, 0 {pack_format = #tpu.pack_format<interleaved>} : vector<32xbf16> -> vector<16xf32>
        %unpack3A_1125 = tpu.unpack_subelements %bitcast3A_1123, 1 {pack_format = #tpu.pack_format<interleaved>} : vector<32xbf16> -> vector<16xf32>
        %mul3A_1126 = arith.mulf %gather3A_751, %unpack3A_1124 : vector<16xf32>
        %add3A_1127 = arith.addf %mul3A_1115, %mul3A_1126 : vector<16xf32>
        %mul3A_1128 = arith.mulf %gather3A_751, %unpack3A_1125 : vector<16xf32>
        %add3A_1129 = arith.addf %mul3A_1116, %mul3A_1128 : vector<16xf32>
        %mul3A_1130 = arith.constant 16 : i32
        %mul3A_1131 = arith.muli %scan3A_1108, %mul3A_1130 : i32
        %get3A_1132 = arith.constant 18 : i32
        %get3A_1133 = arith.index_cast %get3A_1132 : i32 to index
        %get3A_1134 = arith.index_cast %mul3A_1131 : i32 to index
        %get3A_1135 = tpu.vector_load %arg16[%get3A_1133, %get3A_1134] {strides = array<i32>} : memref<32x128xi32, #tpu.memory_space<vmem>>, vector<16xi32>,
        %bitcast3A_1136 = vector.bitcast %get3A_1135 : vector<16xi32> to vector<32xbf16>
        %unpack3A_1137 = tpu.unpack_subelements %bitcast3A_1136, 0 {pack_format = #tpu.pack_format<interleaved>} : vector<32xbf16> -> vector<16xf32>
        %unpack3A_1138 = tpu.unpack_subelements %bitcast3A_1136, 1 {pack_format = #tpu.pack_format<interleaved>} : vector<32xbf16> -> vector<16xf32>
        %mul3A_1139 = arith.mulf %gather3A_757, %unpack3A_1137 : vector<16xf32>
        %add3A_1140 = arith.addf %add3A_1127, %mul3A_1139 : vector<16xf32>
        %mul3A_1141 = arith.mulf %gather3A_757, %unpack3A_1138 : vector<16xf32>
        %add3A_1142 = arith.addf %add3A_1129, %mul3A_1141 : vector<16xf32>
        %mul3A_1143 = arith.constant 16 : i32
        %mul3A_1144 = arith.muli %scan3A_1108, %mul3A_1143 : i32
        %get3A_1145 = arith.constant 19 : i32
        %get3A_1146 = arith.index_cast %get3A_1145 : i32 to index
        %get3A_1147 = arith.index_cast %mul3A_1144 : i32 to index
        %get3A_1148 = tpu.vector_load %arg16[%get3A_1146, %get3A_1147] {strides = array<i32>} : memref<32x128xi32, #tpu.memory_space<vmem>>, vector<16xi32>,
        %bitcast3A_1149 = vector.bitcast %get3A_1148 : vector<16xi32> to vector<32xbf16>
        %unpack3A_1150 = tpu.unpack_subelements %bitcast3A_1149, 0 {pack_format = #tpu.pack_format<interleaved>} : vector<32xbf16> -> vector<16xf32>
        %unpack3A_1151 = tpu.unpack_subelements %bitcast3A_1149, 1 {pack_format = #tpu.pack_format<interleaved>} : vector<32xbf16> -> vector<16xf32>
        %mul3A_1152 = arith.mulf %gather3A_763, %unpack3A_1150 : vector<16xf32>
        %add3A_1153 = arith.addf %add3A_1140, %mul3A_1152 : vector<16xf32>
        %mul3A_1154 = arith.mulf %gather3A_763, %unpack3A_1151 : vector<16xf32>
        %add3A_1155 = arith.addf %add3A_1142, %mul3A_1154 : vector<16xf32>
        %mul3A_1156 = arith.constant 16 : i32
        %mul3A_1157 = arith.muli %scan3A_1108, %mul3A_1156 : i32
        %get3A_1158 = arith.constant 20 : i32
        %get3A_1159 = arith.index_cast %get3A_1158 : i32 to index
        %get3A_1160 = arith.index_cast %mul3A_1157 : i32 to index
        %get3A_1161 = tpu.vector_load %arg16[%get3A_1159, %get3A_1160] {strides = array<i32>} : memref<32x128xi32, #tpu.memory_space<vmem>>, vector<16xi32>,
        %bitcast3A_1162 = vector.bitcast %get3A_1161 : vector<16xi32> to vector<32xbf16>
        %unpack3A_1163 = tpu.unpack_subelements %bitcast3A_1162, 0 {pack_format = #tpu.pack_format<interleaved>} : vector<32xbf16> -> vector<16xf32>
        %unpack3A_1164 = tpu.unpack_subelements %bitcast3A_1162, 1 {pack_format = #tpu.pack_format<interleaved>} : vector<32xbf16> -> vector<16xf32>
        %mul3A_1165 = arith.mulf %gather3A_769, %unpack3A_1163 : vector<16xf32>
        %add3A_1166 = arith.addf %add3A_1153, %mul3A_1165 : vector<16xf32>
        %mul3A_1167 = arith.mulf %gather3A_769, %unpack3A_1164 : vector<16xf32>
        %add3A_1168 = arith.addf %add3A_1155, %mul3A_1167 : vector<16xf32>
        %mul3A_1169 = arith.constant 16 : i32
        %mul3A_1170 = arith.muli %scan3A_1108, %mul3A_1169 : i32
        %get3A_1171 = arith.constant 21 : i32
        %get3A_1172 = arith.index_cast %get3A_1171 : i32 to index
        %get3A_1173 = arith.index_cast %mul3A_1170 : i32 to index
        %get3A_1174 = tpu.vector_load %arg16[%get3A_1172, %get3A_1173] {strides = array<i32>} : memref<32x128xi32, #tpu.memory_space<vmem>>, vector<16xi32>,
        %bitcast3A_1175 = vector.bitcast %get3A_1174 : vector<16xi32> to vector<32xbf16>
        %unpack3A_1176 = tpu.unpack_subelements %bitcast3A_1175, 0 {pack_format = #tpu.pack_format<interleaved>} : vector<32xbf16> -> vector<16xf32>
        %unpack3A_1177 = tpu.unpack_subelements %bitcast3A_1175, 1 {pack_format = #tpu.pack_format<interleaved>} : vector<32xbf16> -> vector<16xf32>
        %mul3A_1178 = arith.mulf %gather3A_775, %unpack3A_1176 : vector<16xf32>
        %add3A_1179 = arith.addf %add3A_1166, %mul3A_1178 : vector<16xf32>
        %mul3A_1180 = arith.mulf %gather3A_775, %unpack3A_1177 : vector<16xf32>
        %add3A_1181 = arith.addf %add3A_1168, %mul3A_1180 : vector<16xf32>
        %mul3A_1182 = arith.constant 16 : i32
        %mul3A_1183 = arith.muli %scan3A_1108, %mul3A_1182 : i32
        %get3A_1184 = arith.constant 22 : i32
        %get3A_1185 = arith.index_cast %get3A_1184 : i32 to index
        %get3A_1186 = arith.index_cast %mul3A_1183 : i32 to index
        %get3A_1187 = tpu.vector_load %arg16[%get3A_1185, %get3A_1186] {strides = array<i32>} : memref<32x128xi32, #tpu.memory_space<vmem>>, vector<16xi32>,
        %bitcast3A_1188 = vector.bitcast %get3A_1187 : vector<16xi32> to vector<32xbf16>
        %unpack3A_1189 = tpu.unpack_subelements %bitcast3A_1188, 0 {pack_format = #tpu.pack_format<interleaved>} : vector<32xbf16> -> vector<16xf32>
        %unpack3A_1190 = tpu.unpack_subelements %bitcast3A_1188, 1 {pack_format = #tpu.pack_format<interleaved>} : vector<32xbf16> -> vector<16xf32>
        %mul3A_1191 = arith.mulf %gather3A_781, %unpack3A_1189 : vector<16xf32>
        %add3A_1192 = arith.addf %add3A_1179, %mul3A_1191 : vector<16xf32>
        %mul3A_1193 = arith.mulf %gather3A_781, %unpack3A_1190 : vector<16xf32>
        %add3A_1194 = arith.addf %add3A_1181, %mul3A_1193 : vector<16xf32>
        %mul3A_1195 = arith.constant 16 : i32
        %mul3A_1196 = arith.muli %scan3A_1108, %mul3A_1195 : i32
        %get3A_1197 = arith.constant 23 : i32
        %get3A_1198 = arith.index_cast %get3A_1197 : i32 to index
        %get3A_1199 = arith.index_cast %mul3A_1196 : i32 to index
        %get3A_1200 = tpu.vector_load %arg16[%get3A_1198, %get3A_1199] {strides = array<i32>} : memref<32x128xi32, #tpu.memory_space<vmem>>, vector<16xi32>,
        %bitcast3A_1201 = vector.bitcast %get3A_1200 : vector<16xi32> to vector<32xbf16>
        %unpack3A_1202 = tpu.unpack_subelements %bitcast3A_1201, 0 {pack_format = #tpu.pack_format<interleaved>} : vector<32xbf16> -> vector<16xf32>
        %unpack3A_1203 = tpu.unpack_subelements %bitcast3A_1201, 1 {pack_format = #tpu.pack_format<interleaved>} : vector<32xbf16> -> vector<16xf32>
        %mul3A_1204 = arith.mulf %gather3A_787, %unpack3A_1202 : vector<16xf32>
        %add3A_1205 = arith.addf %add3A_1192, %mul3A_1204 : vector<16xf32>
        %mul3A_1206 = arith.mulf %gather3A_787, %unpack3A_1203 : vector<16xf32>
        %add3A_1207 = arith.addf %add3A_1194, %mul3A_1206 : vector<16xf32>
        %mul3A_1208 = arith.constant 16 : i32
        %mul3A_1209 = arith.muli %scan3A_1108, %mul3A_1208 : i32
        %get3A_1210 = arith.constant 24 : i32
        %get3A_1211 = arith.index_cast %get3A_1210 : i32 to index
        %get3A_1212 = arith.index_cast %mul3A_1209 : i32 to index
        %get3A_1213 = tpu.vector_load %arg16[%get3A_1211, %get3A_1212] {strides = array<i32>} : memref<32x128xi32, #tpu.memory_space<vmem>>, vector<16xi32>,
        %bitcast3A_1214 = vector.bitcast %get3A_1213 : vector<16xi32> to vector<32xbf16>
        %unpack3A_1215 = tpu.unpack_subelements %bitcast3A_1214, 0 {pack_format = #tpu.pack_format<interleaved>} : vector<32xbf16> -> vector<16xf32>
        %unpack3A_1216 = tpu.unpack_subelements %bitcast3A_1214, 1 {pack_format = #tpu.pack_format<interleaved>} : vector<32xbf16> -> vector<16xf32>
        %mul3A_1217 = arith.mulf %gather3A_793, %unpack3A_1215 : vector<16xf32>
        %add3A_1218 = arith.addf %add3A_1205, %mul3A_1217 : vector<16xf32>
        %mul3A_1219 = arith.mulf %gather3A_793, %unpack3A_1216 : vector<16xf32>
        %add3A_1220 = arith.addf %add3A_1207, %mul3A_1219 : vector<16xf32>
        %mul3A_1221 = arith.constant 16 : i32
        %mul3A_1222 = arith.muli %scan3A_1108, %mul3A_1221 : i32
        %get3A_1223 = arith.constant 25 : i32
        %get3A_1224 = arith.index_cast %get3A_1223 : i32 to index
        %get3A_1225 = arith.index_cast %mul3A_1222 : i32 to index
        %get3A_1226 = tpu.vector_load %arg16[%get3A_1224, %get3A_1225] {strides = array<i32>} : memref<32x128xi32, #tpu.memory_space<vmem>>, vector<16xi32>,
        %bitcast3A_1227 = vector.bitcast %get3A_1226 : vector<16xi32> to vector<32xbf16>
        %unpack3A_1228 = tpu.unpack_subelements %bitcast3A_1227, 0 {pack_format = #tpu.pack_format<interleaved>} : vector<32xbf16> -> vector<16xf32>
        %unpack3A_1229 = tpu.unpack_subelements %bitcast3A_1227, 1 {pack_format = #tpu.pack_format<interleaved>} : vector<32xbf16> -> vector<16xf32>
        %mul3A_1230 = arith.mulf %gather3A_799, %unpack3A_1228 : vector<16xf32>
        %add3A_1231 = arith.addf %add3A_1218, %mul3A_1230 : vector<16xf32>
        %mul3A_1232 = arith.mulf %gather3A_799, %unpack3A_1229 : vector<16xf32>
        %add3A_1233 = arith.addf %add3A_1220, %mul3A_1232 : vector<16xf32>
        %mul3A_1234 = arith.constant 16 : i32
        %mul3A_1235 = arith.muli %scan3A_1108, %mul3A_1234 : i32
        %get3A_1236 = arith.constant 26 : i32
        %get3A_1237 = arith.index_cast %get3A_1236 : i32 to index
        %get3A_1238 = arith.index_cast %mul3A_1235 : i32 to index
        %get3A_1239 = tpu.vector_load %arg16[%get3A_1237, %get3A_1238] {strides = array<i32>} : memref<32x128xi32, #tpu.memory_space<vmem>>, vector<16xi32>,
        %bitcast3A_1240 = vector.bitcast %get3A_1239 : vector<16xi32> to vector<32xbf16>
        %unpack3A_1241 = tpu.unpack_subelements %bitcast3A_1240, 0 {pack_format = #tpu.pack_format<interleaved>} : vector<32xbf16> -> vector<16xf32>
        %unpack3A_1242 = tpu.unpack_subelements %bitcast3A_1240, 1 {pack_format = #tpu.pack_format<interleaved>} : vector<32xbf16> -> vector<16xf32>
        %mul3A_1243 = arith.mulf %gather3A_805, %unpack3A_1241 : vector<16xf32>
        %add3A_1244 = arith.addf %add3A_1231, %mul3A_1243 : vector<16xf32>
        %mul3A_1245 = arith.mulf %gather3A_805, %unpack3A_1242 : vector<16xf32>
        %add3A_1246 = arith.addf %add3A_1233, %mul3A_1245 : vector<16xf32>
        %mul3A_1247 = arith.constant 16 : i32
        %mul3A_1248 = arith.muli %scan3A_1108, %mul3A_1247 : i32
        %get3A_1249 = arith.constant 27 : i32
        %get3A_1250 = arith.index_cast %get3A_1249 : i32 to index
        %get3A_1251 = arith.index_cast %mul3A_1248 : i32 to index
        %get3A_1252 = tpu.vector_load %arg16[%get3A_1250, %get3A_1251] {strides = array<i32>} : memref<32x128xi32, #tpu.memory_space<vmem>>, vector<16xi32>,
        %bitcast3A_1253 = vector.bitcast %get3A_1252 : vector<16xi32> to vector<32xbf16>
        %unpack3A_1254 = tpu.unpack_subelements %bitcast3A_1253, 0 {pack_format = #tpu.pack_format<interleaved>} : vector<32xbf16> -> vector<16xf32>
        %unpack3A_1255 = tpu.unpack_subelements %bitcast3A_1253, 1 {pack_format = #tpu.pack_format<interleaved>} : vector<32xbf16> -> vector<16xf32>
        %mul3A_1256 = arith.mulf %gather3A_811, %unpack3A_1254 : vector<16xf32>
        %add3A_1257 = arith.addf %add3A_1244, %mul3A_1256 : vector<16xf32>
        %mul3A_1258 = arith.mulf %gather3A_811, %unpack3A_1255 : vector<16xf32>
        %add3A_1259 = arith.addf %add3A_1246, %mul3A_1258 : vector<16xf32>
        %mul3A_1260 = arith.constant 16 : i32
        %mul3A_1261 = arith.muli %scan3A_1108, %mul3A_1260 : i32
        %get3A_1262 = arith.constant 28 : i32
        %get3A_1263 = arith.index_cast %get3A_1262 : i32 to index
        %get3A_1264 = arith.index_cast %mul3A_1261 : i32 to index
        %get3A_1265 = tpu.vector_load %arg16[%get3A_1263, %get3A_1264] {strides = array<i32>} : memref<32x128xi32, #tpu.memory_space<vmem>>, vector<16xi32>,
        %bitcast3A_1266 = vector.bitcast %get3A_1265 : vector<16xi32> to vector<32xbf16>
        %unpack3A_1267 = tpu.unpack_subelements %bitcast3A_1266, 0 {pack_format = #tpu.pack_format<interleaved>} : vector<32xbf16> -> vector<16xf32>
        %unpack3A_1268 = tpu.unpack_subelements %bitcast3A_1266, 1 {pack_format = #tpu.pack_format<interleaved>} : vector<32xbf16> -> vector<16xf32>
        %mul3A_1269 = arith.mulf %gather3A_817, %unpack3A_1267 : vector<16xf32>
        %add3A_1270 = arith.addf %add3A_1257, %mul3A_1269 : vector<16xf32>
        %mul3A_1271 = arith.mulf %gather3A_817, %unpack3A_1268 : vector<16xf32>
        %add3A_1272 = arith.addf %add3A_1259, %mul3A_1271 : vector<16xf32>
        %mul3A_1273 = arith.constant 16 : i32
        %mul3A_1274 = arith.muli %scan3A_1108, %mul3A_1273 : i32
        %get3A_1275 = arith.constant 29 : i32
        %get3A_1276 = arith.index_cast %get3A_1275 : i32 to index
        %get3A_1277 = arith.index_cast %mul3A_1274 : i32 to index
        %get3A_1278 = tpu.vector_load %arg16[%get3A_1276, %get3A_1277] {strides = array<i32>} : memref<32x128xi32, #tpu.memory_space<vmem>>, vector<16xi32>,
        %bitcast3A_1279 = vector.bitcast %get3A_1278 : vector<16xi32> to vector<32xbf16>
        %unpack3A_1280 = tpu.unpack_subelements %bitcast3A_1279, 0 {pack_format = #tpu.pack_format<interleaved>} : vector<32xbf16> -> vector<16xf32>
        %unpack3A_1281 = tpu.unpack_subelements %bitcast3A_1279, 1 {pack_format = #tpu.pack_format<interleaved>} : vector<32xbf16> -> vector<16xf32>
        %mul3A_1282 = arith.mulf %gather3A_823, %unpack3A_1280 : vector<16xf32>
        %add3A_1283 = arith.addf %add3A_1270, %mul3A_1282 : vector<16xf32>
        %mul3A_1284 = arith.mulf %gather3A_823, %unpack3A_1281 : vector<16xf32>
        %add3A_1285 = arith.addf %add3A_1272, %mul3A_1284 : vector<16xf32>
        %mul3A_1286 = arith.constant 16 : i32
        %mul3A_1287 = arith.muli %scan3A_1108, %mul3A_1286 : i32
        %get3A_1288 = arith.constant 30 : i32
        %get3A_1289 = arith.index_cast %get3A_1288 : i32 to index
        %get3A_1290 = arith.index_cast %mul3A_1287 : i32 to index
        %get3A_1291 = tpu.vector_load %arg16[%get3A_1289, %get3A_1290] {strides = array<i32>} : memref<32x128xi32, #tpu.memory_space<vmem>>, vector<16xi32>,
        %bitcast3A_1292 = vector.bitcast %get3A_1291 : vector<16xi32> to vector<32xbf16>
        %unpack3A_1293 = tpu.unpack_subelements %bitcast3A_1292, 0 {pack_format = #tpu.pack_format<interleaved>} : vector<32xbf16> -> vector<16xf32>
        %unpack3A_1294 = tpu.unpack_subelements %bitcast3A_1292, 1 {pack_format = #tpu.pack_format<interleaved>} : vector<32xbf16> -> vector<16xf32>
        %mul3A_1295 = arith.mulf %gather3A_829, %unpack3A_1293 : vector<16xf32>
        %add3A_1296 = arith.addf %add3A_1283, %mul3A_1295 : vector<16xf32>
        %mul3A_1297 = arith.mulf %gather3A_829, %unpack3A_1294 : vector<16xf32>
        %add3A_1298 = arith.addf %add3A_1285, %mul3A_1297 : vector<16xf32>
        %mul3A_1299 = arith.constant 16 : i32
        %mul3A_1300 = arith.muli %scan3A_1108, %mul3A_1299 : i32
        %get3A_1301 = arith.constant 31 : i32
        %get3A_1302 = arith.index_cast %get3A_1301 : i32 to index
        %get3A_1303 = arith.index_cast %mul3A_1300 : i32 to index
        %get3A_1304 = tpu.vector_load %arg16[%get3A_1302, %get3A_1303] {strides = array<i32>} : memref<32x128xi32, #tpu.memory_space<vmem>>, vector<16xi32>,
        %bitcast3A_1305 = vector.bitcast %get3A_1304 : vector<16xi32> to vector<32xbf16>
        %unpack3A_1306 = tpu.unpack_subelements %bitcast3A_1305, 0 {pack_format = #tpu.pack_format<interleaved>} : vector<32xbf16> -> vector<16xf32>
        %unpack3A_1307 = tpu.unpack_subelements %bitcast3A_1305, 1 {pack_format = #tpu.pack_format<interleaved>} : vector<32xbf16> -> vector<16xf32>
        %mul3A_1308 = arith.mulf %gather3A_835, %unpack3A_1306 : vector<16xf32>
        %add3A_1309 = arith.addf %add3A_1296, %mul3A_1308 : vector<16xf32>
        %mul3A_1310 = arith.mulf %gather3A_835, %unpack3A_1307 : vector<16xf32>
        %add3A_1311 = arith.addf %add3A_1298, %mul3A_1310 : vector<16xf32>
        %mul3A_1312 = arith.constant 16 : i32
        %mul3A_1313 = arith.muli %scan3A_1108, %mul3A_1312 : i32
        %swap3A = arith.constant 1 : i32
        %swap3A_1314 = arith.index_cast %swap3A : i32 to index
        %swap3A_1315 = arith.index_cast %mul3A_1313 : i32 to index
        %swap3A_1316 = tpu.vector_load %arg19[%swap3A_1314, %swap3A_1315] {strides = array<i32>} : memref<4x256xf32, #tpu.memory_space<vmem>>, vector<16xf32>,
        tpu.vector_store %arg19[%swap3A_1314, %swap3A_1315], %add3A_1309 {strides = array<i32>} : memref<4x256xf32, #tpu.memory_space<vmem>>, vector<16xf32>,
        %mul3A_1317 = arith.constant 16 : i32
        %mul3A_1318 = arith.muli %scan3A_1108, %mul3A_1317 : i32
        %add3A_1319 = arith.constant 128 : i32
        %add3A_1320 = arith.addi %add3A_1319, %mul3A_1318 : i32
        %swap3A_1321 = arith.constant 1 : i32
        %swap3A_1322 = arith.index_cast %swap3A_1321 : i32 to index
        %swap3A_1323 = arith.index_cast %add3A_1320 : i32 to index
        %swap3A_1324 = tpu.vector_load %arg19[%swap3A_1322, %swap3A_1323] {strides = array<i32>} : memref<4x256xf32, #tpu.memory_space<vmem>>, vector<16xf32>,
        tpu.vector_store %arg19[%swap3A_1322, %swap3A_1323], %add3A_1311 {strides = array<i32>} : memref<4x256xf32, #tpu.memory_space<vmem>>, vector<16xf32>,
      }
      %scan3A_841 = arith.constant 8 : i32
      %mul3A_842 = arith.constant 8 : i32
      %mul3A_843 = arith.muli %sub3A_40, %mul3A_842 : i32
      %jit3A_844 = arith.constant 2 : i32
      %div3A_845 = arith.divsi %mul3A_843, %jit3A_844 : i32
      %sign3A_846 = arith.constant 0 : i32
      %sign3A_847 = arith.cmpi sgt, %mul3A_843, %sign3A_846 : i32
      %sign3A_848 = arith.extui %sign3A_847 : i1 to i32
      %sign3A_849 = arith.constant 0 : i32
      %sign3A_850 = arith.cmpi slt, %mul3A_843, %sign3A_849 : i32
      %sign3A_851 = arith.extui %sign3A_850 : i1 to i32
      %sign3A_852 = arith.subi %sign3A_848, %sign3A_851 : i32
      %sign3A_853 = arith.constant 0 : i32
      %sign3A_854 = arith.cmpi sgt, %jit3A_844, %sign3A_853 : i32
      %sign3A_855 = arith.extui %sign3A_854 : i1 to i32
      %sign3A_856 = arith.constant 0 : i32
      %sign3A_857 = arith.cmpi slt, %jit3A_844, %sign3A_856 : i32
      %sign3A_858 = arith.extui %sign3A_857 : i1 to i32
      %sign3A_859 = arith.subi %sign3A_855, %sign3A_858 : i32
      %ne3A_860 = arith.cmpi ne, %sign3A_852, %sign3A_859 : i32
      %rem3A_861 = arith.remsi %mul3A_843, %jit3A_844 : i32
      %ne3A_862 = arith.constant 0 : i32
      %ne3A_863 = arith.cmpi ne, %rem3A_861, %ne3A_862 : i32
      %and3A_864 = arith.andi %ne3A_860, %ne3A_863 : i1
      %sub3A_865 = arith.constant 1 : i32
      %sub3A_866 = arith.subi %div3A_845, %sub3A_865 : i32
      %select_n3A_867 = arith.select %and3A_864, %sub3A_866, %div3A_845 : i32
      %add3A_868 = arith.constant 2 : i32
      %add3A_869 = arith.addi %select_n3A_867, %add3A_868 : i32
      %add3A_870 = arith.constant 1 : i32
      %add3A_871 = arith.addi %add3A_869, %add3A_870 : i32
      %add3A_872 = arith.constant 4 : i32
      %add3A_873 = arith.addi %add3A_871, %add3A_872 : i32
      %sub3A_874 = arith.constant 1 : i32
      %sub3A_875 = arith.subi %add3A_873, %sub3A_874 : i32
      %lt3A_876 = arith.constant 160 : i32
      %lt3A_877 = arith.cmpi slt, %sub3A_875, %lt3A_876 : i32
      %convert_element_type3A_878 = arith.extui %lt3A_877 : i1 to i32
      %cond3A_879 = arith.constant 0 : i32
      %cond3A_880 = arith.cmpi ne, %convert_element_type3A_878, %cond3A_879 : i32
      scf.if %cond3A_880 {
        %add3A_1108 = arith.constant 4 : i32
        %add3A_1109 = arith.addi %add3A_871, %add3A_1108 : i32
        %sub3A_1110 = arith.constant 1 : i32
        %sub3A_1111 = arith.subi %add3A_1109, %sub3A_1110 : i32
        %mul3A_1112 = arith.constant 2 : i32
        %mul3A_1113 = arith.muli %sub3A_1111, %mul3A_1112 : i32
        %mul3A_1114 = arith.constant 16 : i32
        %mul3A_1115 = arith.muli %mul3A_1113, %mul3A_1114 : i32
        %dma_start3A_1116 = tpu.memref_slice %arg12[%mul3A_1115] : memref<5120xi32, #tpu.memory_space<vmem>> -> memref<32xi32, #tpu.memory_space<vmem>>
        %dma_start3A_1117 = arith.constant 0 : i32
        %dma_start3A_1118 = arith.constant 0 : i32
        %dma_start3A_1119 = tpu.memref_slice %arg11[%dma_start3A_1117, %dma_start3A_1118] : memref<10000x128xi32, #tpu.memory_space<vmem_shared>> -> memref<10000x128xi32, #tpu.memory_space<vmem_shared>>
        tpu.enqueue_indirect_dma source(%dma_start3A_1119 : memref<10000x128xi32, #tpu.memory_space<vmem_shared>>) target(%arg16 : memref<32x128xi32, #tpu.memory_space<vmem>>) offsets(%dma_start3A_1116 : memref<32xi32, #tpu.memory_space<vmem>>) semaphore(%arg22 : memref<!tpu.dma_semaphore, #tpu.memory_space<semaphore_mem>>)
      } else {
      }
      %dma_wait3A_881 = arith.constant 0 : i32
      %dma_wait3A_882 = tpu.memref_slice %arg12[%dma_wait3A_881] : memref<5120xi32, #tpu.memory_space<vmem>> -> memref<32xi32, #tpu.memory_space<vmem>>
      %dma_wait3A_883 = arith.constant 0 : i32
      %dma_wait3A_884 = arith.constant 0 : i32
      %dma_wait3A_885 = tpu.memref_slice %arg11[%dma_wait3A_883, %dma_wait3A_884] : memref<10000x128xi32, #tpu.memory_space<vmem_shared>> -> memref<10000x128xi32, #tpu.memory_space<vmem_shared>>
      tpu.wait_indirect_dma semaphore(%arg23 : memref<!tpu.dma_semaphore, #tpu.memory_space<semaphore_mem>>) src(%dma_wait3A_885 : memref<10000x128xi32, #tpu.memory_space<vmem_shared>>) dst(%arg17 : memref<32x128xi32, #tpu.memory_space<vmem>>)
      %mul3A_886 = arith.constant 2 : i32
      %mul3A_887 = arith.muli %add3A_871, %mul3A_886 : i32
      %add3A_888 = arith.constant 0 : i32
      %add3A_889 = arith.addi %mul3A_887, %add3A_888 : i32
      %mul3A_890 = arith.constant 16 : i32
      %mul3A_891 = arith.muli %add3A_889, %mul3A_890 : i32
      %add3A_892 = arith.constant 0 : i32
      %add3A_893 = arith.addi %mul3A_891, %add3A_892 : i32
      %broadcast_in_dim3A_894 = vector.broadcast %add3A_893 : i32 to vector<16xi32>
      %gather3A_895 = tpu.vector_load_idx %arg13[%broadcast_in_dim3A_894] : memref<5120xf32, #tpu.memory_space<vmem>>[vector<16xi32>], vector<16xf32>,
      %mul3A_896 = arith.constant 16 : i32
      %mul3A_897 = arith.muli %add3A_889, %mul3A_896 : i32
      %add3A_898 = arith.constant 1 : i32
      %add3A_899 = arith.addi %mul3A_897, %add3A_898 : i32
      %broadcast_in_dim3A_900 = vector.broadcast %add3A_899 : i32 to vector<16xi32>
      %gather3A_901 = tpu.vector_load_idx %arg13[%broadcast_in_dim3A_900] : memref<5120xf32, #tpu.memory_space<vmem>>[vector<16xi32>], vector<16xf32>,
      %mul3A_902 = arith.constant 16 : i32
      %mul3A_903 = arith.muli %add3A_889, %mul3A_902 : i32
      %add3A_904 = arith.constant 2 : i32
      %add3A_905 = arith.addi %mul3A_903, %add3A_904 : i32
      %broadcast_in_dim3A_906 = vector.broadcast %add3A_905 : i32 to vector<16xi32>
      %gather3A_907 = tpu.vector_load_idx %arg13[%broadcast_in_dim3A_906] : memref<5120xf32, #tpu.memory_space<vmem>>[vector<16xi32>], vector<16xf32>,
      %mul3A_908 = arith.constant 16 : i32
      %mul3A_909 = arith.muli %add3A_889, %mul3A_908 : i32
      %add3A_910 = arith.constant 3 : i32
      %add3A_911 = arith.addi %mul3A_909, %add3A_910 : i32
      %broadcast_in_dim3A_912 = vector.broadcast %add3A_911 : i32 to vector<16xi32>
      %gather3A_913 = tpu.vector_load_idx %arg13[%broadcast_in_dim3A_912] : memref<5120xf32, #tpu.memory_space<vmem>>[vector<16xi32>], vector<16xf32>,
      %mul3A_914 = arith.constant 16 : i32
      %mul3A_915 = arith.muli %add3A_889, %mul3A_914 : i32
      %add3A_916 = arith.constant 4 : i32
      %add3A_917 = arith.addi %mul3A_915, %add3A_916 : i32
      %broadcast_in_dim3A_918 = vector.broadcast %add3A_917 : i32 to vector<16xi32>
      %gather3A_919 = tpu.vector_load_idx %arg13[%broadcast_in_dim3A_918] : memref<5120xf32, #tpu.memory_space<vmem>>[vector<16xi32>], vector<16xf32>,
      %mul3A_920 = arith.constant 16 : i32
      %mul3A_921 = arith.muli %add3A_889, %mul3A_920 : i32
      %add3A_922 = arith.constant 5 : i32
      %add3A_923 = arith.addi %mul3A_921, %add3A_922 : i32
      %broadcast_in_dim3A_924 = vector.broadcast %add3A_923 : i32 to vector<16xi32>
      %gather3A_925 = tpu.vector_load_idx %arg13[%broadcast_in_dim3A_924] : memref<5120xf32, #tpu.memory_space<vmem>>[vector<16xi32>], vector<16xf32>,
      %mul3A_926 = arith.constant 16 : i32
      %mul3A_927 = arith.muli %add3A_889, %mul3A_926 : i32
      %add3A_928 = arith.constant 6 : i32
      %add3A_929 = arith.addi %mul3A_927, %add3A_928 : i32
      %broadcast_in_dim3A_930 = vector.broadcast %add3A_929 : i32 to vector<16xi32>
      %gather3A_931 = tpu.vector_load_idx %arg13[%broadcast_in_dim3A_930] : memref<5120xf32, #tpu.memory_space<vmem>>[vector<16xi32>], vector<16xf32>,
      %mul3A_932 = arith.constant 16 : i32
      %mul3A_933 = arith.muli %add3A_889, %mul3A_932 : i32
      %add3A_934 = arith.constant 7 : i32
      %add3A_935 = arith.addi %mul3A_933, %add3A_934 : i32
      %broadcast_in_dim3A_936 = vector.broadcast %add3A_935 : i32 to vector<16xi32>
      %gather3A_937 = tpu.vector_load_idx %arg13[%broadcast_in_dim3A_936] : memref<5120xf32, #tpu.memory_space<vmem>>[vector<16xi32>], vector<16xf32>,
      %mul3A_938 = arith.constant 16 : i32
      %mul3A_939 = arith.muli %add3A_889, %mul3A_938 : i32
      %add3A_940 = arith.constant 8 : i32
      %add3A_941 = arith.addi %mul3A_939, %add3A_940 : i32
      %broadcast_in_dim3A_942 = vector.broadcast %add3A_941 : i32 to vector<16xi32>
      %gather3A_943 = tpu.vector_load_idx %arg13[%broadcast_in_dim3A_942] : memref<5120xf32, #tpu.memory_space<vmem>>[vector<16xi32>], vector<16xf32>,
      %mul3A_944 = arith.constant 16 : i32
      %mul3A_945 = arith.muli %add3A_889, %mul3A_944 : i32
      %add3A_946 = arith.constant 9 : i32
      %add3A_947 = arith.addi %mul3A_945, %add3A_946 : i32
      %broadcast_in_dim3A_948 = vector.broadcast %add3A_947 : i32 to vector<16xi32>
      %gather3A_949 = tpu.vector_load_idx %arg13[%broadcast_in_dim3A_948] : memref<5120xf32, #tpu.memory_space<vmem>>[vector<16xi32>], vector<16xf32>,
      %mul3A_950 = arith.constant 16 : i32
      %mul3A_951 = arith.muli %add3A_889, %mul3A_950 : i32
      %add3A_952 = arith.constant 10 : i32
      %add3A_953 = arith.addi %mul3A_951, %add3A_952 : i32
      %broadcast_in_dim3A_954 = vector.broadcast %add3A_953 : i32 to vector<16xi32>
      %gather3A_955 = tpu.vector_load_idx %arg13[%broadcast_in_dim3A_954] : memref<5120xf32, #tpu.memory_space<vmem>>[vector<16xi32>], vector<16xf32>,
      %mul3A_956 = arith.constant 16 : i32
      %mul3A_957 = arith.muli %add3A_889, %mul3A_956 : i32
      %add3A_958 = arith.constant 11 : i32
      %add3A_959 = arith.addi %mul3A_957, %add3A_958 : i32
      %broadcast_in_dim3A_960 = vector.broadcast %add3A_959 : i32 to vector<16xi32>
      %gather3A_961 = tpu.vector_load_idx %arg13[%broadcast_in_dim3A_960] : memref<5120xf32, #tpu.memory_space<vmem>>[vector<16xi32>], vector<16xf32>,
      %mul3A_962 = arith.constant 16 : i32
      %mul3A_963 = arith.muli %add3A_889, %mul3A_962 : i32
      %add3A_964 = arith.constant 12 : i32
      %add3A_965 = arith.addi %mul3A_963, %add3A_964 : i32
      %broadcast_in_dim3A_966 = vector.broadcast %add3A_965 : i32 to vector<16xi32>
      %gather3A_967 = tpu.vector_load_idx %arg13[%broadcast_in_dim3A_966] : memref<5120xf32, #tpu.memory_space<vmem>>[vector<16xi32>], vector<16xf32>,
      %mul3A_968 = arith.constant 16 : i32
      %mul3A_969 = arith.muli %add3A_889, %mul3A_968 : i32
      %add3A_970 = arith.constant 13 : i32
      %add3A_971 = arith.addi %mul3A_969, %add3A_970 : i32
      %broadcast_in_dim3A_972 = vector.broadcast %add3A_971 : i32 to vector<16xi32>
      %gather3A_973 = tpu.vector_load_idx %arg13[%broadcast_in_dim3A_972] : memref<5120xf32, #tpu.memory_space<vmem>>[vector<16xi32>], vector<16xf32>,
      %mul3A_974 = arith.constant 16 : i32
      %mul3A_975 = arith.muli %add3A_889, %mul3A_974 : i32
      %add3A_976 = arith.constant 14 : i32
      %add3A_977 = arith.addi %mul3A_975, %add3A_976 : i32
      %broadcast_in_dim3A_978 = vector.broadcast %add3A_977 : i32 to vector<16xi32>
      %gather3A_979 = tpu.vector_load_idx %arg13[%broadcast_in_dim3A_978] : memref<5120xf32, #tpu.memory_space<vmem>>[vector<16xi32>], vector<16xf32>,
      %mul3A_980 = arith.constant 16 : i32
      %mul3A_981 = arith.muli %add3A_889, %mul3A_980 : i32
      %add3A_982 = arith.constant 15 : i32
      %add3A_983 = arith.addi %mul3A_981, %add3A_982 : i32
      %broadcast_in_dim3A_984 = vector.broadcast %add3A_983 : i32 to vector<16xi32>
      %gather3A_985 = tpu.vector_load_idx %arg13[%broadcast_in_dim3A_984] : memref<5120xf32, #tpu.memory_space<vmem>>[vector<16xi32>], vector<16xf32>,
      %scan3A_986 = arith.constant 0 : i32
      %scan3A_987 = arith.constant 0 : i32
      %scan3A_988 = arith.constant 8 : i32
      %scan3A_989 = arith.addi %scan3A_987, %scan3A_988 : i32
      %scan3A_990 = arith.constant 1 : i32
      scf.for %scan3A_1108 = %scan3A_987 to %scan3A_989 step %scan3A_990  : i32 {
        %mul3A_1109 = arith.constant 16 : i32
        %mul3A_1110 = arith.muli %scan3A_1108, %mul3A_1109 : i32
        %get3A = arith.constant 0 : i32
        %get3A_1111 = arith.index_cast %get3A : i32 to index
        %get3A_1112 = arith.index_cast %mul3A_1110 : i32 to index
        %get3A_1113 = tpu.vector_load %arg17[%get3A_1111, %get3A_1112] {strides = array<i32>} : memref<32x128xi32, #tpu.memory_space<vmem>>, vector<16xi32>,
        %bitcast3A = vector.bitcast %get3A_1113 : vector<16xi32> to vector<32xbf16>
        %unpack3A = tpu.unpack_subelements %bitcast3A, 0 {pack_format = #tpu.pack_format<interleaved>} : vector<32xbf16> -> vector<16xf32>
        %unpack3A_1114 = tpu.unpack_subelements %bitcast3A, 1 {pack_format = #tpu.pack_format<interleaved>} : vector<32xbf16> -> vector<16xf32>
        %mul3A_1115 = arith.mulf %gather3A_895, %unpack3A : vector<16xf32>
        %mul3A_1116 = arith.mulf %gather3A_895, %unpack3A_1114 : vector<16xf32>
        %mul3A_1117 = arith.constant 16 : i32
        %mul3A_1118 = arith.muli %scan3A_1108, %mul3A_1117 : i32
        %get3A_1119 = arith.constant 1 : i32
        %get3A_1120 = arith.index_cast %get3A_1119 : i32 to index
        %get3A_1121 = arith.index_cast %mul3A_1118 : i32 to index
        %get3A_1122 = tpu.vector_load %arg17[%get3A_1120, %get3A_1121] {strides = array<i32>} : memref<32x128xi32, #tpu.memory_space<vmem>>, vector<16xi32>,
        %bitcast3A_1123 = vector.bitcast %get3A_1122 : vector<16xi32> to vector<32xbf16>
        %unpack3A_1124 = tpu.unpack_subelements %bitcast3A_1123, 0 {pack_format = #tpu.pack_format<interleaved>} : vector<32xbf16> -> vector<16xf32>
        %unpack3A_1125 = tpu.unpack_subelements %bitcast3A_1123, 1 {pack_format = #tpu.pack_format<interleaved>} : vector<32xbf16> -> vector<16xf32>
        %mul3A_1126 = arith.mulf %gather3A_901, %unpack3A_1124 : vector<16xf32>
        %add3A_1127 = arith.addf %mul3A_1115, %mul3A_1126 : vector<16xf32>
        %mul3A_1128 = arith.mulf %gather3A_901, %unpack3A_1125 : vector<16xf32>
        %add3A_1129 = arith.addf %mul3A_1116, %mul3A_1128 : vector<16xf32>
        %mul3A_1130 = arith.constant 16 : i32
        %mul3A_1131 = arith.muli %scan3A_1108, %mul3A_1130 : i32
        %get3A_1132 = arith.constant 2 : i32
        %get3A_1133 = arith.index_cast %get3A_1132 : i32 to index
        %get3A_1134 = arith.index_cast %mul3A_1131 : i32 to index
        %get3A_1135 = tpu.vector_load %arg17[%get3A_1133, %get3A_1134] {strides = array<i32>} : memref<32x128xi32, #tpu.memory_space<vmem>>, vector<16xi32>,
        %bitcast3A_1136 = vector.bitcast %get3A_1135 : vector<16xi32> to vector<32xbf16>
        %unpack3A_1137 = tpu.unpack_subelements %bitcast3A_1136, 0 {pack_format = #tpu.pack_format<interleaved>} : vector<32xbf16> -> vector<16xf32>
        %unpack3A_1138 = tpu.unpack_subelements %bitcast3A_1136, 1 {pack_format = #tpu.pack_format<interleaved>} : vector<32xbf16> -> vector<16xf32>
        %mul3A_1139 = arith.mulf %gather3A_907, %unpack3A_1137 : vector<16xf32>
        %add3A_1140 = arith.addf %add3A_1127, %mul3A_1139 : vector<16xf32>
        %mul3A_1141 = arith.mulf %gather3A_907, %unpack3A_1138 : vector<16xf32>
        %add3A_1142 = arith.addf %add3A_1129, %mul3A_1141 : vector<16xf32>
        %mul3A_1143 = arith.constant 16 : i32
        %mul3A_1144 = arith.muli %scan3A_1108, %mul3A_1143 : i32
        %get3A_1145 = arith.constant 3 : i32
        %get3A_1146 = arith.index_cast %get3A_1145 : i32 to index
        %get3A_1147 = arith.index_cast %mul3A_1144 : i32 to index
        %get3A_1148 = tpu.vector_load %arg17[%get3A_1146, %get3A_1147] {strides = array<i32>} : memref<32x128xi32, #tpu.memory_space<vmem>>, vector<16xi32>,
        %bitcast3A_1149 = vector.bitcast %get3A_1148 : vector<16xi32> to vector<32xbf16>
        %unpack3A_1150 = tpu.unpack_subelements %bitcast3A_1149, 0 {pack_format = #tpu.pack_format<interleaved>} : vector<32xbf16> -> vector<16xf32>
        %unpack3A_1151 = tpu.unpack_subelements %bitcast3A_1149, 1 {pack_format = #tpu.pack_format<interleaved>} : vector<32xbf16> -> vector<16xf32>
        %mul3A_1152 = arith.mulf %gather3A_913, %unpack3A_1150 : vector<16xf32>
        %add3A_1153 = arith.addf %add3A_1140, %mul3A_1152 : vector<16xf32>
        %mul3A_1154 = arith.mulf %gather3A_913, %unpack3A_1151 : vector<16xf32>
        %add3A_1155 = arith.addf %add3A_1142, %mul3A_1154 : vector<16xf32>
        %mul3A_1156 = arith.constant 16 : i32
        %mul3A_1157 = arith.muli %scan3A_1108, %mul3A_1156 : i32
        %get3A_1158 = arith.constant 4 : i32
        %get3A_1159 = arith.index_cast %get3A_1158 : i32 to index
        %get3A_1160 = arith.index_cast %mul3A_1157 : i32 to index
        %get3A_1161 = tpu.vector_load %arg17[%get3A_1159, %get3A_1160] {strides = array<i32>} : memref<32x128xi32, #tpu.memory_space<vmem>>, vector<16xi32>,
        %bitcast3A_1162 = vector.bitcast %get3A_1161 : vector<16xi32> to vector<32xbf16>
        %unpack3A_1163 = tpu.unpack_subelements %bitcast3A_1162, 0 {pack_format = #tpu.pack_format<interleaved>} : vector<32xbf16> -> vector<16xf32>
        %unpack3A_1164 = tpu.unpack_subelements %bitcast3A_1162, 1 {pack_format = #tpu.pack_format<interleaved>} : vector<32xbf16> -> vector<16xf32>
        %mul3A_1165 = arith.mulf %gather3A_919, %unpack3A_1163 : vector<16xf32>
        %add3A_1166 = arith.addf %add3A_1153, %mul3A_1165 : vector<16xf32>
        %mul3A_1167 = arith.mulf %gather3A_919, %unpack3A_1164 : vector<16xf32>
        %add3A_1168 = arith.addf %add3A_1155, %mul3A_1167 : vector<16xf32>
        %mul3A_1169 = arith.constant 16 : i32
        %mul3A_1170 = arith.muli %scan3A_1108, %mul3A_1169 : i32
        %get3A_1171 = arith.constant 5 : i32
        %get3A_1172 = arith.index_cast %get3A_1171 : i32 to index
        %get3A_1173 = arith.index_cast %mul3A_1170 : i32 to index
        %get3A_1174 = tpu.vector_load %arg17[%get3A_1172, %get3A_1173] {strides = array<i32>} : memref<32x128xi32, #tpu.memory_space<vmem>>, vector<16xi32>,
        %bitcast3A_1175 = vector.bitcast %get3A_1174 : vector<16xi32> to vector<32xbf16>
        %unpack3A_1176 = tpu.unpack_subelements %bitcast3A_1175, 0 {pack_format = #tpu.pack_format<interleaved>} : vector<32xbf16> -> vector<16xf32>
        %unpack3A_1177 = tpu.unpack_subelements %bitcast3A_1175, 1 {pack_format = #tpu.pack_format<interleaved>} : vector<32xbf16> -> vector<16xf32>
        %mul3A_1178 = arith.mulf %gather3A_925, %unpack3A_1176 : vector<16xf32>
        %add3A_1179 = arith.addf %add3A_1166, %mul3A_1178 : vector<16xf32>
        %mul3A_1180 = arith.mulf %gather3A_925, %unpack3A_1177 : vector<16xf32>
        %add3A_1181 = arith.addf %add3A_1168, %mul3A_1180 : vector<16xf32>
        %mul3A_1182 = arith.constant 16 : i32
        %mul3A_1183 = arith.muli %scan3A_1108, %mul3A_1182 : i32
        %get3A_1184 = arith.constant 6 : i32
        %get3A_1185 = arith.index_cast %get3A_1184 : i32 to index
        %get3A_1186 = arith.index_cast %mul3A_1183 : i32 to index
        %get3A_1187 = tpu.vector_load %arg17[%get3A_1185, %get3A_1186] {strides = array<i32>} : memref<32x128xi32, #tpu.memory_space<vmem>>, vector<16xi32>,
        %bitcast3A_1188 = vector.bitcast %get3A_1187 : vector<16xi32> to vector<32xbf16>
        %unpack3A_1189 = tpu.unpack_subelements %bitcast3A_1188, 0 {pack_format = #tpu.pack_format<interleaved>} : vector<32xbf16> -> vector<16xf32>
        %unpack3A_1190 = tpu.unpack_subelements %bitcast3A_1188, 1 {pack_format = #tpu.pack_format<interleaved>} : vector<32xbf16> -> vector<16xf32>
        %mul3A_1191 = arith.mulf %gather3A_931, %unpack3A_1189 : vector<16xf32>
        %add3A_1192 = arith.addf %add3A_1179, %mul3A_1191 : vector<16xf32>
        %mul3A_1193 = arith.mulf %gather3A_931, %unpack3A_1190 : vector<16xf32>
        %add3A_1194 = arith.addf %add3A_1181, %mul3A_1193 : vector<16xf32>
        %mul3A_1195 = arith.constant 16 : i32
        %mul3A_1196 = arith.muli %scan3A_1108, %mul3A_1195 : i32
        %get3A_1197 = arith.constant 7 : i32
        %get3A_1198 = arith.index_cast %get3A_1197 : i32 to index
        %get3A_1199 = arith.index_cast %mul3A_1196 : i32 to index
        %get3A_1200 = tpu.vector_load %arg17[%get3A_1198, %get3A_1199] {strides = array<i32>} : memref<32x128xi32, #tpu.memory_space<vmem>>, vector<16xi32>,
        %bitcast3A_1201 = vector.bitcast %get3A_1200 : vector<16xi32> to vector<32xbf16>
        %unpack3A_1202 = tpu.unpack_subelements %bitcast3A_1201, 0 {pack_format = #tpu.pack_format<interleaved>} : vector<32xbf16> -> vector<16xf32>
        %unpack3A_1203 = tpu.unpack_subelements %bitcast3A_1201, 1 {pack_format = #tpu.pack_format<interleaved>} : vector<32xbf16> -> vector<16xf32>
        %mul3A_1204 = arith.mulf %gather3A_937, %unpack3A_1202 : vector<16xf32>
        %add3A_1205 = arith.addf %add3A_1192, %mul3A_1204 : vector<16xf32>
        %mul3A_1206 = arith.mulf %gather3A_937, %unpack3A_1203 : vector<16xf32>
        %add3A_1207 = arith.addf %add3A_1194, %mul3A_1206 : vector<16xf32>
        %mul3A_1208 = arith.constant 16 : i32
        %mul3A_1209 = arith.muli %scan3A_1108, %mul3A_1208 : i32
        %get3A_1210 = arith.constant 8 : i32
        %get3A_1211 = arith.index_cast %get3A_1210 : i32 to index
        %get3A_1212 = arith.index_cast %mul3A_1209 : i32 to index
        %get3A_1213 = tpu.vector_load %arg17[%get3A_1211, %get3A_1212] {strides = array<i32>} : memref<32x128xi32, #tpu.memory_space<vmem>>, vector<16xi32>,
        %bitcast3A_1214 = vector.bitcast %get3A_1213 : vector<16xi32> to vector<32xbf16>
        %unpack3A_1215 = tpu.unpack_subelements %bitcast3A_1214, 0 {pack_format = #tpu.pack_format<interleaved>} : vector<32xbf16> -> vector<16xf32>
        %unpack3A_1216 = tpu.unpack_subelements %bitcast3A_1214, 1 {pack_format = #tpu.pack_format<interleaved>} : vector<32xbf16> -> vector<16xf32>
        %mul3A_1217 = arith.mulf %gather3A_943, %unpack3A_1215 : vector<16xf32>
        %add3A_1218 = arith.addf %add3A_1205, %mul3A_1217 : vector<16xf32>
        %mul3A_1219 = arith.mulf %gather3A_943, %unpack3A_1216 : vector<16xf32>
        %add3A_1220 = arith.addf %add3A_1207, %mul3A_1219 : vector<16xf32>
        %mul3A_1221 = arith.constant 16 : i32
        %mul3A_1222 = arith.muli %scan3A_1108, %mul3A_1221 : i32
        %get3A_1223 = arith.constant 9 : i32
        %get3A_1224 = arith.index_cast %get3A_1223 : i32 to index
        %get3A_1225 = arith.index_cast %mul3A_1222 : i32 to index
        %get3A_1226 = tpu.vector_load %arg17[%get3A_1224, %get3A_1225] {strides = array<i32>} : memref<32x128xi32, #tpu.memory_space<vmem>>, vector<16xi32>,
        %bitcast3A_1227 = vector.bitcast %get3A_1226 : vector<16xi32> to vector<32xbf16>
        %unpack3A_1228 = tpu.unpack_subelements %bitcast3A_1227, 0 {pack_format = #tpu.pack_format<interleaved>} : vector<32xbf16> -> vector<16xf32>
        %unpack3A_1229 = tpu.unpack_subelements %bitcast3A_1227, 1 {pack_format = #tpu.pack_format<interleaved>} : vector<32xbf16> -> vector<16xf32>
        %mul3A_1230 = arith.mulf %gather3A_949, %unpack3A_1228 : vector<16xf32>
        %add3A_1231 = arith.addf %add3A_1218, %mul3A_1230 : vector<16xf32>
        %mul3A_1232 = arith.mulf %gather3A_949, %unpack3A_1229 : vector<16xf32>
        %add3A_1233 = arith.addf %add3A_1220, %mul3A_1232 : vector<16xf32>
        %mul3A_1234 = arith.constant 16 : i32
        %mul3A_1235 = arith.muli %scan3A_1108, %mul3A_1234 : i32
        %get3A_1236 = arith.constant 10 : i32
        %get3A_1237 = arith.index_cast %get3A_1236 : i32 to index
        %get3A_1238 = arith.index_cast %mul3A_1235 : i32 to index
        %get3A_1239 = tpu.vector_load %arg17[%get3A_1237, %get3A_1238] {strides = array<i32>} : memref<32x128xi32, #tpu.memory_space<vmem>>, vector<16xi32>,
        %bitcast3A_1240 = vector.bitcast %get3A_1239 : vector<16xi32> to vector<32xbf16>
        %unpack3A_1241 = tpu.unpack_subelements %bitcast3A_1240, 0 {pack_format = #tpu.pack_format<interleaved>} : vector<32xbf16> -> vector<16xf32>
        %unpack3A_1242 = tpu.unpack_subelements %bitcast3A_1240, 1 {pack_format = #tpu.pack_format<interleaved>} : vector<32xbf16> -> vector<16xf32>
        %mul3A_1243 = arith.mulf %gather3A_955, %unpack3A_1241 : vector<16xf32>
        %add3A_1244 = arith.addf %add3A_1231, %mul3A_1243 : vector<16xf32>
        %mul3A_1245 = arith.mulf %gather3A_955, %unpack3A_1242 : vector<16xf32>
        %add3A_1246 = arith.addf %add3A_1233, %mul3A_1245 : vector<16xf32>
        %mul3A_1247 = arith.constant 16 : i32
        %mul3A_1248 = arith.muli %scan3A_1108, %mul3A_1247 : i32
        %get3A_1249 = arith.constant 11 : i32
        %get3A_1250 = arith.index_cast %get3A_1249 : i32 to index
        %get3A_1251 = arith.index_cast %mul3A_1248 : i32 to index
        %get3A_1252 = tpu.vector_load %arg17[%get3A_1250, %get3A_1251] {strides = array<i32>} : memref<32x128xi32, #tpu.memory_space<vmem>>, vector<16xi32>,
        %bitcast3A_1253 = vector.bitcast %get3A_1252 : vector<16xi32> to vector<32xbf16>
        %unpack3A_1254 = tpu.unpack_subelements %bitcast3A_1253, 0 {pack_format = #tpu.pack_format<interleaved>} : vector<32xbf16> -> vector<16xf32>
        %unpack3A_1255 = tpu.unpack_subelements %bitcast3A_1253, 1 {pack_format = #tpu.pack_format<interleaved>} : vector<32xbf16> -> vector<16xf32>
        %mul3A_1256 = arith.mulf %gather3A_961, %unpack3A_1254 : vector<16xf32>
        %add3A_1257 = arith.addf %add3A_1244, %mul3A_1256 : vector<16xf32>
        %mul3A_1258 = arith.mulf %gather3A_961, %unpack3A_1255 : vector<16xf32>
        %add3A_1259 = arith.addf %add3A_1246, %mul3A_1258 : vector<16xf32>
        %mul3A_1260 = arith.constant 16 : i32
        %mul3A_1261 = arith.muli %scan3A_1108, %mul3A_1260 : i32
        %get3A_1262 = arith.constant 12 : i32
        %get3A_1263 = arith.index_cast %get3A_1262 : i32 to index
        %get3A_1264 = arith.index_cast %mul3A_1261 : i32 to index
        %get3A_1265 = tpu.vector_load %arg17[%get3A_1263, %get3A_1264] {strides = array<i32>} : memref<32x128xi32, #tpu.memory_space<vmem>>, vector<16xi32>,
        %bitcast3A_1266 = vector.bitcast %get3A_1265 : vector<16xi32> to vector<32xbf16>
        %unpack3A_1267 = tpu.unpack_subelements %bitcast3A_1266, 0 {pack_format = #tpu.pack_format<interleaved>} : vector<32xbf16> -> vector<16xf32>
        %unpack3A_1268 = tpu.unpack_subelements %bitcast3A_1266, 1 {pack_format = #tpu.pack_format<interleaved>} : vector<32xbf16> -> vector<16xf32>
        %mul3A_1269 = arith.mulf %gather3A_967, %unpack3A_1267 : vector<16xf32>
        %add3A_1270 = arith.addf %add3A_1257, %mul3A_1269 : vector<16xf32>
        %mul3A_1271 = arith.mulf %gather3A_967, %unpack3A_1268 : vector<16xf32>
        %add3A_1272 = arith.addf %add3A_1259, %mul3A_1271 : vector<16xf32>
        %mul3A_1273 = arith.constant 16 : i32
        %mul3A_1274 = arith.muli %scan3A_1108, %mul3A_1273 : i32
        %get3A_1275 = arith.constant 13 : i32
        %get3A_1276 = arith.index_cast %get3A_1275 : i32 to index
        %get3A_1277 = arith.index_cast %mul3A_1274 : i32 to index
        %get3A_1278 = tpu.vector_load %arg17[%get3A_1276, %get3A_1277] {strides = array<i32>} : memref<32x128xi32, #tpu.memory_space<vmem>>, vector<16xi32>,
        %bitcast3A_1279 = vector.bitcast %get3A_1278 : vector<16xi32> to vector<32xbf16>
        %unpack3A_1280 = tpu.unpack_subelements %bitcast3A_1279, 0 {pack_format = #tpu.pack_format<interleaved>} : vector<32xbf16> -> vector<16xf32>
        %unpack3A_1281 = tpu.unpack_subelements %bitcast3A_1279, 1 {pack_format = #tpu.pack_format<interleaved>} : vector<32xbf16> -> vector<16xf32>
        %mul3A_1282 = arith.mulf %gather3A_973, %unpack3A_1280 : vector<16xf32>
        %add3A_1283 = arith.addf %add3A_1270, %mul3A_1282 : vector<16xf32>
        %mul3A_1284 = arith.mulf %gather3A_973, %unpack3A_1281 : vector<16xf32>
        %add3A_1285 = arith.addf %add3A_1272, %mul3A_1284 : vector<16xf32>
        %mul3A_1286 = arith.constant 16 : i32
        %mul3A_1287 = arith.muli %scan3A_1108, %mul3A_1286 : i32
        %get3A_1288 = arith.constant 14 : i32
        %get3A_1289 = arith.index_cast %get3A_1288 : i32 to index
        %get3A_1290 = arith.index_cast %mul3A_1287 : i32 to index
        %get3A_1291 = tpu.vector_load %arg17[%get3A_1289, %get3A_1290] {strides = array<i32>} : memref<32x128xi32, #tpu.memory_space<vmem>>, vector<16xi32>,
        %bitcast3A_1292 = vector.bitcast %get3A_1291 : vector<16xi32> to vector<32xbf16>
        %unpack3A_1293 = tpu.unpack_subelements %bitcast3A_1292, 0 {pack_format = #tpu.pack_format<interleaved>} : vector<32xbf16> -> vector<16xf32>
        %unpack3A_1294 = tpu.unpack_subelements %bitcast3A_1292, 1 {pack_format = #tpu.pack_format<interleaved>} : vector<32xbf16> -> vector<16xf32>
        %mul3A_1295 = arith.mulf %gather3A_979, %unpack3A_1293 : vector<16xf32>
        %add3A_1296 = arith.addf %add3A_1283, %mul3A_1295 : vector<16xf32>
        %mul3A_1297 = arith.mulf %gather3A_979, %unpack3A_1294 : vector<16xf32>
        %add3A_1298 = arith.addf %add3A_1285, %mul3A_1297 : vector<16xf32>
        %mul3A_1299 = arith.constant 16 : i32
        %mul3A_1300 = arith.muli %scan3A_1108, %mul3A_1299 : i32
        %get3A_1301 = arith.constant 15 : i32
        %get3A_1302 = arith.index_cast %get3A_1301 : i32 to index
        %get3A_1303 = arith.index_cast %mul3A_1300 : i32 to index
        %get3A_1304 = tpu.vector_load %arg17[%get3A_1302, %get3A_1303] {strides = array<i32>} : memref<32x128xi32, #tpu.memory_space<vmem>>, vector<16xi32>,
        %bitcast3A_1305 = vector.bitcast %get3A_1304 : vector<16xi32> to vector<32xbf16>
        %unpack3A_1306 = tpu.unpack_subelements %bitcast3A_1305, 0 {pack_format = #tpu.pack_format<interleaved>} : vector<32xbf16> -> vector<16xf32>
        %unpack3A_1307 = tpu.unpack_subelements %bitcast3A_1305, 1 {pack_format = #tpu.pack_format<interleaved>} : vector<32xbf16> -> vector<16xf32>
        %mul3A_1308 = arith.mulf %gather3A_985, %unpack3A_1306 : vector<16xf32>
        %add3A_1309 = arith.addf %add3A_1296, %mul3A_1308 : vector<16xf32>
        %mul3A_1310 = arith.mulf %gather3A_985, %unpack3A_1307 : vector<16xf32>
        %add3A_1311 = arith.addf %add3A_1298, %mul3A_1310 : vector<16xf32>
        %mul3A_1312 = arith.constant 16 : i32
        %mul3A_1313 = arith.muli %scan3A_1108, %mul3A_1312 : i32
        %swap3A = arith.constant 2 : i32
        %swap3A_1314 = arith.index_cast %swap3A : i32 to index
        %swap3A_1315 = arith.index_cast %mul3A_1313 : i32 to index
        %swap3A_1316 = tpu.vector_load %arg19[%swap3A_1314, %swap3A_1315] {strides = array<i32>} : memref<4x256xf32, #tpu.memory_space<vmem>>, vector<16xf32>,
        tpu.vector_store %arg19[%swap3A_1314, %swap3A_1315], %add3A_1309 {strides = array<i32>} : memref<4x256xf32, #tpu.memory_space<vmem>>, vector<16xf32>,
        %mul3A_1317 = arith.constant 16 : i32
        %mul3A_1318 = arith.muli %scan3A_1108, %mul3A_1317 : i32
        %add3A_1319 = arith.constant 128 : i32
        %add3A_1320 = arith.addi %add3A_1319, %mul3A_1318 : i32
        %swap3A_1321 = arith.constant 2 : i32
        %swap3A_1322 = arith.index_cast %swap3A_1321 : i32 to index
        %swap3A_1323 = arith.index_cast %add3A_1320 : i32 to index
        %swap3A_1324 = tpu.vector_load %arg19[%swap3A_1322, %swap3A_1323] {strides = array<i32>} : memref<4x256xf32, #tpu.memory_space<vmem>>, vector<16xf32>,
        tpu.vector_store %arg19[%swap3A_1322, %swap3A_1323], %add3A_1311 {strides = array<i32>} : memref<4x256xf32, #tpu.memory_space<vmem>>, vector<16xf32>,
      }
      %scan3A_991 = arith.constant 8 : i32
      %mul3A_992 = arith.constant 2 : i32
      %mul3A_993 = arith.muli %add3A_871, %mul3A_992 : i32
      %add3A_994 = arith.constant 1 : i32
      %add3A_995 = arith.addi %mul3A_993, %add3A_994 : i32
      %mul3A_996 = arith.constant 16 : i32
      %mul3A_997 = arith.muli %add3A_995, %mul3A_996 : i32
      %add3A_998 = arith.constant 0 : i32
      %add3A_999 = arith.addi %mul3A_997, %add3A_998 : i32
      %broadcast_in_dim3A_1000 = vector.broadcast %add3A_999 : i32 to vector<16xi32>
      %gather3A_1001 = tpu.vector_load_idx %arg13[%broadcast_in_dim3A_1000] : memref<5120xf32, #tpu.memory_space<vmem>>[vector<16xi32>], vector<16xf32>,
      %mul3A_1002 = arith.constant 16 : i32
      %mul3A_1003 = arith.muli %add3A_995, %mul3A_1002 : i32
      %add3A_1004 = arith.constant 1 : i32
      %add3A_1005 = arith.addi %mul3A_1003, %add3A_1004 : i32
      %broadcast_in_dim3A_1006 = vector.broadcast %add3A_1005 : i32 to vector<16xi32>
      %gather3A_1007 = tpu.vector_load_idx %arg13[%broadcast_in_dim3A_1006] : memref<5120xf32, #tpu.memory_space<vmem>>[vector<16xi32>], vector<16xf32>,
      %mul3A_1008 = arith.constant 16 : i32
      %mul3A_1009 = arith.muli %add3A_995, %mul3A_1008 : i32
      %add3A_1010 = arith.constant 2 : i32
      %add3A_1011 = arith.addi %mul3A_1009, %add3A_1010 : i32
      %broadcast_in_dim3A_1012 = vector.broadcast %add3A_1011 : i32 to vector<16xi32>
      %gather3A_1013 = tpu.vector_load_idx %arg13[%broadcast_in_dim3A_1012] : memref<5120xf32, #tpu.memory_space<vmem>>[vector<16xi32>], vector<16xf32>,
      %mul3A_1014 = arith.constant 16 : i32
      %mul3A_1015 = arith.muli %add3A_995, %mul3A_1014 : i32
      %add3A_1016 = arith.constant 3 : i32
      %add3A_1017 = arith.addi %mul3A_1015, %add3A_1016 : i32
      %broadcast_in_dim3A_1018 = vector.broadcast %add3A_1017 : i32 to vector<16xi32>
      %gather3A_1019 = tpu.vector_load_idx %arg13[%broadcast_in_dim3A_1018] : memref<5120xf32, #tpu.memory_space<vmem>>[vector<16xi32>], vector<16xf32>,
      %mul3A_1020 = arith.constant 16 : i32
      %mul3A_1021 = arith.muli %add3A_995, %mul3A_1020 : i32
      %add3A_1022 = arith.constant 4 : i32
      %add3A_1023 = arith.addi %mul3A_1021, %add3A_1022 : i32
      %broadcast_in_dim3A_1024 = vector.broadcast %add3A_1023 : i32 to vector<16xi32>
      %gather3A_1025 = tpu.vector_load_idx %arg13[%broadcast_in_dim3A_1024] : memref<5120xf32, #tpu.memory_space<vmem>>[vector<16xi32>], vector<16xf32>,
      %mul3A_1026 = arith.constant 16 : i32
      %mul3A_1027 = arith.muli %add3A_995, %mul3A_1026 : i32
      %add3A_1028 = arith.constant 5 : i32
      %add3A_1029 = arith.addi %mul3A_1027, %add3A_1028 : i32
      %broadcast_in_dim3A_1030 = vector.broadcast %add3A_1029 : i32 to vector<16xi32>
      %gather3A_1031 = tpu.vector_load_idx %arg13[%broadcast_in_dim3A_1030] : memref<5120xf32, #tpu.memory_space<vmem>>[vector<16xi32>], vector<16xf32>,
      %mul3A_1032 = arith.constant 16 : i32
      %mul3A_1033 = arith.muli %add3A_995, %mul3A_1032 : i32
      %add3A_1034 = arith.constant 6 : i32
      %add3A_1035 = arith.addi %mul3A_1033, %add3A_1034 : i32
      %broadcast_in_dim3A_1036 = vector.broadcast %add3A_1035 : i32 to vector<16xi32>
      %gather3A_1037 = tpu.vector_load_idx %arg13[%broadcast_in_dim3A_1036] : memref<5120xf32, #tpu.memory_space<vmem>>[vector<16xi32>], vector<16xf32>,
      %mul3A_1038 = arith.constant 16 : i32
      %mul3A_1039 = arith.muli %add3A_995, %mul3A_1038 : i32
      %add3A_1040 = arith.constant 7 : i32
      %add3A_1041 = arith.addi %mul3A_1039, %add3A_1040 : i32
      %broadcast_in_dim3A_1042 = vector.broadcast %add3A_1041 : i32 to vector<16xi32>
      %gather3A_1043 = tpu.vector_load_idx %arg13[%broadcast_in_dim3A_1042] : memref<5120xf32, #tpu.memory_space<vmem>>[vector<16xi32>], vector<16xf32>,
      %mul3A_1044 = arith.constant 16 : i32
      %mul3A_1045 = arith.muli %add3A_995, %mul3A_1044 : i32
      %add3A_1046 = arith.constant 8 : i32
      %add3A_1047 = arith.addi %mul3A_1045, %add3A_1046 : i32
      %broadcast_in_dim3A_1048 = vector.broadcast %add3A_1047 : i32 to vector<16xi32>
      %gather3A_1049 = tpu.vector_load_idx %arg13[%broadcast_in_dim3A_1048] : memref<5120xf32, #tpu.memory_space<vmem>>[vector<16xi32>], vector<16xf32>,
      %mul3A_1050 = arith.constant 16 : i32
      %mul3A_1051 = arith.muli %add3A_995, %mul3A_1050 : i32
      %add3A_1052 = arith.constant 9 : i32
      %add3A_1053 = arith.addi %mul3A_1051, %add3A_1052 : i32
      %broadcast_in_dim3A_1054 = vector.broadcast %add3A_1053 : i32 to vector<16xi32>
      %gather3A_1055 = tpu.vector_load_idx %arg13[%broadcast_in_dim3A_1054] : memref<5120xf32, #tpu.memory_space<vmem>>[vector<16xi32>], vector<16xf32>,
      %mul3A_1056 = arith.constant 16 : i32
      %mul3A_1057 = arith.muli %add3A_995, %mul3A_1056 : i32
      %add3A_1058 = arith.constant 10 : i32
      %add3A_1059 = arith.addi %mul3A_1057, %add3A_1058 : i32
      %broadcast_in_dim3A_1060 = vector.broadcast %add3A_1059 : i32 to vector<16xi32>
      %gather3A_1061 = tpu.vector_load_idx %arg13[%broadcast_in_dim3A_1060] : memref<5120xf32, #tpu.memory_space<vmem>>[vector<16xi32>], vector<16xf32>,
      %mul3A_1062 = arith.constant 16 : i32
      %mul3A_1063 = arith.muli %add3A_995, %mul3A_1062 : i32
      %add3A_1064 = arith.constant 11 : i32
      %add3A_1065 = arith.addi %mul3A_1063, %add3A_1064 : i32
      %broadcast_in_dim3A_1066 = vector.broadcast %add3A_1065 : i32 to vector<16xi32>
      %gather3A_1067 = tpu.vector_load_idx %arg13[%broadcast_in_dim3A_1066] : memref<5120xf32, #tpu.memory_space<vmem>>[vector<16xi32>], vector<16xf32>,
      %mul3A_1068 = arith.constant 16 : i32
      %mul3A_1069 = arith.muli %add3A_995, %mul3A_1068 : i32
      %add3A_1070 = arith.constant 12 : i32
      %add3A_1071 = arith.addi %mul3A_1069, %add3A_1070 : i32
      %broadcast_in_dim3A_1072 = vector.broadcast %add3A_1071 : i32 to vector<16xi32>
      %gather3A_1073 = tpu.vector_load_idx %arg13[%broadcast_in_dim3A_1072] : memref<5120xf32, #tpu.memory_space<vmem>>[vector<16xi32>], vector<16xf32>,
      %mul3A_1074 = arith.constant 16 : i32
      %mul3A_1075 = arith.muli %add3A_995, %mul3A_1074 : i32
      %add3A_1076 = arith.constant 13 : i32
      %add3A_1077 = arith.addi %mul3A_1075, %add3A_1076 : i32
      %broadcast_in_dim3A_1078 = vector.broadcast %add3A_1077 : i32 to vector<16xi32>
      %gather3A_1079 = tpu.vector_load_idx %arg13[%broadcast_in_dim3A_1078] : memref<5120xf32, #tpu.memory_space<vmem>>[vector<16xi32>], vector<16xf32>,
      %mul3A_1080 = arith.constant 16 : i32
      %mul3A_1081 = arith.muli %add3A_995, %mul3A_1080 : i32
      %add3A_1082 = arith.constant 14 : i32
      %add3A_1083 = arith.addi %mul3A_1081, %add3A_1082 : i32
      %broadcast_in_dim3A_1084 = vector.broadcast %add3A_1083 : i32 to vector<16xi32>
      %gather3A_1085 = tpu.vector_load_idx %arg13[%broadcast_in_dim3A_1084] : memref<5120xf32, #tpu.memory_space<vmem>>[vector<16xi32>], vector<16xf32>,
      %mul3A_1086 = arith.constant 16 : i32
      %mul3A_1087 = arith.muli %add3A_995, %mul3A_1086 : i32
      %add3A_1088 = arith.constant 15 : i32
      %add3A_1089 = arith.addi %mul3A_1087, %add3A_1088 : i32
      %broadcast_in_dim3A_1090 = vector.broadcast %add3A_1089 : i32 to vector<16xi32>
      %gather3A_1091 = tpu.vector_load_idx %arg13[%broadcast_in_dim3A_1090] : memref<5120xf32, #tpu.memory_space<vmem>>[vector<16xi32>], vector<16xf32>,
      %scan3A_1092 = arith.constant 0 : i32
      %scan3A_1093 = arith.constant 0 : i32
      %scan3A_1094 = arith.constant 8 : i32
      %scan3A_1095 = arith.addi %scan3A_1093, %scan3A_1094 : i32
      %scan3A_1096 = arith.constant 1 : i32
      scf.for %scan3A_1108 = %scan3A_1093 to %scan3A_1095 step %scan3A_1096  : i32 {
        %mul3A_1109 = arith.constant 16 : i32
        %mul3A_1110 = arith.muli %scan3A_1108, %mul3A_1109 : i32
        %get3A = arith.constant 16 : i32
        %get3A_1111 = arith.index_cast %get3A : i32 to index
        %get3A_1112 = arith.index_cast %mul3A_1110 : i32 to index
        %get3A_1113 = tpu.vector_load %arg17[%get3A_1111, %get3A_1112] {strides = array<i32>} : memref<32x128xi32, #tpu.memory_space<vmem>>, vector<16xi32>,
        %bitcast3A = vector.bitcast %get3A_1113 : vector<16xi32> to vector<32xbf16>
        %unpack3A = tpu.unpack_subelements %bitcast3A, 0 {pack_format = #tpu.pack_format<interleaved>} : vector<32xbf16> -> vector<16xf32>
        %unpack3A_1114 = tpu.unpack_subelements %bitcast3A, 1 {pack_format = #tpu.pack_format<interleaved>} : vector<32xbf16> -> vector<16xf32>
        %mul3A_1115 = arith.mulf %gather3A_1001, %unpack3A : vector<16xf32>
        %mul3A_1116 = arith.mulf %gather3A_1001, %unpack3A_1114 : vector<16xf32>
        %mul3A_1117 = arith.constant 16 : i32
        %mul3A_1118 = arith.muli %scan3A_1108, %mul3A_1117 : i32
        %get3A_1119 = arith.constant 17 : i32
        %get3A_1120 = arith.index_cast %get3A_1119 : i32 to index
        %get3A_1121 = arith.index_cast %mul3A_1118 : i32 to index
        %get3A_1122 = tpu.vector_load %arg17[%get3A_1120, %get3A_1121] {strides = array<i32>} : memref<32x128xi32, #tpu.memory_space<vmem>>, vector<16xi32>,
        %bitcast3A_1123 = vector.bitcast %get3A_1122 : vector<16xi32> to vector<32xbf16>
        %unpack3A_1124 = tpu.unpack_subelements %bitcast3A_1123, 0 {pack_format = #tpu.pack_format<interleaved>} : vector<32xbf16> -> vector<16xf32>
        %unpack3A_1125 = tpu.unpack_subelements %bitcast3A_1123, 1 {pack_format = #tpu.pack_format<interleaved>} : vector<32xbf16> -> vector<16xf32>
        %mul3A_1126 = arith.mulf %gather3A_1007, %unpack3A_1124 : vector<16xf32>
        %add3A_1127 = arith.addf %mul3A_1115, %mul3A_1126 : vector<16xf32>
        %mul3A_1128 = arith.mulf %gather3A_1007, %unpack3A_1125 : vector<16xf32>
        %add3A_1129 = arith.addf %mul3A_1116, %mul3A_1128 : vector<16xf32>
        %mul3A_1130 = arith.constant 16 : i32
        %mul3A_1131 = arith.muli %scan3A_1108, %mul3A_1130 : i32
        %get3A_1132 = arith.constant 18 : i32
        %get3A_1133 = arith.index_cast %get3A_1132 : i32 to index
        %get3A_1134 = arith.index_cast %mul3A_1131 : i32 to index
        %get3A_1135 = tpu.vector_load %arg17[%get3A_1133, %get3A_1134] {strides = array<i32>} : memref<32x128xi32, #tpu.memory_space<vmem>>, vector<16xi32>,
        %bitcast3A_1136 = vector.bitcast %get3A_1135 : vector<16xi32> to vector<32xbf16>
        %unpack3A_1137 = tpu.unpack_subelements %bitcast3A_1136, 0 {pack_format = #tpu.pack_format<interleaved>} : vector<32xbf16> -> vector<16xf32>
        %unpack3A_1138 = tpu.unpack_subelements %bitcast3A_1136, 1 {pack_format = #tpu.pack_format<interleaved>} : vector<32xbf16> -> vector<16xf32>
        %mul3A_1139 = arith.mulf %gather3A_1013, %unpack3A_1137 : vector<16xf32>
        %add3A_1140 = arith.addf %add3A_1127, %mul3A_1139 : vector<16xf32>
        %mul3A_1141 = arith.mulf %gather3A_1013, %unpack3A_1138 : vector<16xf32>
        %add3A_1142 = arith.addf %add3A_1129, %mul3A_1141 : vector<16xf32>
        %mul3A_1143 = arith.constant 16 : i32
        %mul3A_1144 = arith.muli %scan3A_1108, %mul3A_1143 : i32
        %get3A_1145 = arith.constant 19 : i32
        %get3A_1146 = arith.index_cast %get3A_1145 : i32 to index
        %get3A_1147 = arith.index_cast %mul3A_1144 : i32 to index
        %get3A_1148 = tpu.vector_load %arg17[%get3A_1146, %get3A_1147] {strides = array<i32>} : memref<32x128xi32, #tpu.memory_space<vmem>>, vector<16xi32>,
        %bitcast3A_1149 = vector.bitcast %get3A_1148 : vector<16xi32> to vector<32xbf16>
        %unpack3A_1150 = tpu.unpack_subelements %bitcast3A_1149, 0 {pack_format = #tpu.pack_format<interleaved>} : vector<32xbf16> -> vector<16xf32>
        %unpack3A_1151 = tpu.unpack_subelements %bitcast3A_1149, 1 {pack_format = #tpu.pack_format<interleaved>} : vector<32xbf16> -> vector<16xf32>
        %mul3A_1152 = arith.mulf %gather3A_1019, %unpack3A_1150 : vector<16xf32>
        %add3A_1153 = arith.addf %add3A_1140, %mul3A_1152 : vector<16xf32>
        %mul3A_1154 = arith.mulf %gather3A_1019, %unpack3A_1151 : vector<16xf32>
        %add3A_1155 = arith.addf %add3A_1142, %mul3A_1154 : vector<16xf32>
        %mul3A_1156 = arith.constant 16 : i32
        %mul3A_1157 = arith.muli %scan3A_1108, %mul3A_1156 : i32
        %get3A_1158 = arith.constant 20 : i32
        %get3A_1159 = arith.index_cast %get3A_1158 : i32 to index
        %get3A_1160 = arith.index_cast %mul3A_1157 : i32 to index
        %get3A_1161 = tpu.vector_load %arg17[%get3A_1159, %get3A_1160] {strides = array<i32>} : memref<32x128xi32, #tpu.memory_space<vmem>>, vector<16xi32>,
        %bitcast3A_1162 = vector.bitcast %get3A_1161 : vector<16xi32> to vector<32xbf16>
        %unpack3A_1163 = tpu.unpack_subelements %bitcast3A_1162, 0 {pack_format = #tpu.pack_format<interleaved>} : vector<32xbf16> -> vector<16xf32>
        %unpack3A_1164 = tpu.unpack_subelements %bitcast3A_1162, 1 {pack_format = #tpu.pack_format<interleaved>} : vector<32xbf16> -> vector<16xf32>
        %mul3A_1165 = arith.mulf %gather3A_1025, %unpack3A_1163 : vector<16xf32>
        %add3A_1166 = arith.addf %add3A_1153, %mul3A_1165 : vector<16xf32>
        %mul3A_1167 = arith.mulf %gather3A_1025, %unpack3A_1164 : vector<16xf32>
        %add3A_1168 = arith.addf %add3A_1155, %mul3A_1167 : vector<16xf32>
        %mul3A_1169 = arith.constant 16 : i32
        %mul3A_1170 = arith.muli %scan3A_1108, %mul3A_1169 : i32
        %get3A_1171 = arith.constant 21 : i32
        %get3A_1172 = arith.index_cast %get3A_1171 : i32 to index
        %get3A_1173 = arith.index_cast %mul3A_1170 : i32 to index
        %get3A_1174 = tpu.vector_load %arg17[%get3A_1172, %get3A_1173] {strides = array<i32>} : memref<32x128xi32, #tpu.memory_space<vmem>>, vector<16xi32>,
        %bitcast3A_1175 = vector.bitcast %get3A_1174 : vector<16xi32> to vector<32xbf16>
        %unpack3A_1176 = tpu.unpack_subelements %bitcast3A_1175, 0 {pack_format = #tpu.pack_format<interleaved>} : vector<32xbf16> -> vector<16xf32>
        %unpack3A_1177 = tpu.unpack_subelements %bitcast3A_1175, 1 {pack_format = #tpu.pack_format<interleaved>} : vector<32xbf16> -> vector<16xf32>
        %mul3A_1178 = arith.mulf %gather3A_1031, %unpack3A_1176 : vector<16xf32>
        %add3A_1179 = arith.addf %add3A_1166, %mul3A_1178 : vector<16xf32>
        %mul3A_1180 = arith.mulf %gather3A_1031, %unpack3A_1177 : vector<16xf32>
        %add3A_1181 = arith.addf %add3A_1168, %mul3A_1180 : vector<16xf32>
        %mul3A_1182 = arith.constant 16 : i32
        %mul3A_1183 = arith.muli %scan3A_1108, %mul3A_1182 : i32
        %get3A_1184 = arith.constant 22 : i32
        %get3A_1185 = arith.index_cast %get3A_1184 : i32 to index
        %get3A_1186 = arith.index_cast %mul3A_1183 : i32 to index
        %get3A_1187 = tpu.vector_load %arg17[%get3A_1185, %get3A_1186] {strides = array<i32>} : memref<32x128xi32, #tpu.memory_space<vmem>>, vector<16xi32>,
        %bitcast3A_1188 = vector.bitcast %get3A_1187 : vector<16xi32> to vector<32xbf16>
        %unpack3A_1189 = tpu.unpack_subelements %bitcast3A_1188, 0 {pack_format = #tpu.pack_format<interleaved>} : vector<32xbf16> -> vector<16xf32>
        %unpack3A_1190 = tpu.unpack_subelements %bitcast3A_1188, 1 {pack_format = #tpu.pack_format<interleaved>} : vector<32xbf16> -> vector<16xf32>
        %mul3A_1191 = arith.mulf %gather3A_1037, %unpack3A_1189 : vector<16xf32>
        %add3A_1192 = arith.addf %add3A_1179, %mul3A_1191 : vector<16xf32>
        %mul3A_1193 = arith.mulf %gather3A_1037, %unpack3A_1190 : vector<16xf32>
        %add3A_1194 = arith.addf %add3A_1181, %mul3A_1193 : vector<16xf32>
        %mul3A_1195 = arith.constant 16 : i32
        %mul3A_1196 = arith.muli %scan3A_1108, %mul3A_1195 : i32
        %get3A_1197 = arith.constant 23 : i32
        %get3A_1198 = arith.index_cast %get3A_1197 : i32 to index
        %get3A_1199 = arith.index_cast %mul3A_1196 : i32 to index
        %get3A_1200 = tpu.vector_load %arg17[%get3A_1198, %get3A_1199] {strides = array<i32>} : memref<32x128xi32, #tpu.memory_space<vmem>>, vector<16xi32>,
        %bitcast3A_1201 = vector.bitcast %get3A_1200 : vector<16xi32> to vector<32xbf16>
        %unpack3A_1202 = tpu.unpack_subelements %bitcast3A_1201, 0 {pack_format = #tpu.pack_format<interleaved>} : vector<32xbf16> -> vector<16xf32>
        %unpack3A_1203 = tpu.unpack_subelements %bitcast3A_1201, 1 {pack_format = #tpu.pack_format<interleaved>} : vector<32xbf16> -> vector<16xf32>
        %mul3A_1204 = arith.mulf %gather3A_1043, %unpack3A_1202 : vector<16xf32>
        %add3A_1205 = arith.addf %add3A_1192, %mul3A_1204 : vector<16xf32>
        %mul3A_1206 = arith.mulf %gather3A_1043, %unpack3A_1203 : vector<16xf32>
        %add3A_1207 = arith.addf %add3A_1194, %mul3A_1206 : vector<16xf32>
        %mul3A_1208 = arith.constant 16 : i32
        %mul3A_1209 = arith.muli %scan3A_1108, %mul3A_1208 : i32
        %get3A_1210 = arith.constant 24 : i32
        %get3A_1211 = arith.index_cast %get3A_1210 : i32 to index
        %get3A_1212 = arith.index_cast %mul3A_1209 : i32 to index
        %get3A_1213 = tpu.vector_load %arg17[%get3A_1211, %get3A_1212] {strides = array<i32>} : memref<32x128xi32, #tpu.memory_space<vmem>>, vector<16xi32>,
        %bitcast3A_1214 = vector.bitcast %get3A_1213 : vector<16xi32> to vector<32xbf16>
        %unpack3A_1215 = tpu.unpack_subelements %bitcast3A_1214, 0 {pack_format = #tpu.pack_format<interleaved>} : vector<32xbf16> -> vector<16xf32>
        %unpack3A_1216 = tpu.unpack_subelements %bitcast3A_1214, 1 {pack_format = #tpu.pack_format<interleaved>} : vector<32xbf16> -> vector<16xf32>
        %mul3A_1217 = arith.mulf %gather3A_1049, %unpack3A_1215 : vector<16xf32>
        %add3A_1218 = arith.addf %add3A_1205, %mul3A_1217 : vector<16xf32>
        %mul3A_1219 = arith.mulf %gather3A_1049, %unpack3A_1216 : vector<16xf32>
        %add3A_1220 = arith.addf %add3A_1207, %mul3A_1219 : vector<16xf32>
        %mul3A_1221 = arith.constant 16 : i32
        %mul3A_1222 = arith.muli %scan3A_1108, %mul3A_1221 : i32
        %get3A_1223 = arith.constant 25 : i32
        %get3A_1224 = arith.index_cast %get3A_1223 : i32 to index
        %get3A_1225 = arith.index_cast %mul3A_1222 : i32 to index
        %get3A_1226 = tpu.vector_load %arg17[%get3A_1224, %get3A_1225] {strides = array<i32>} : memref<32x128xi32, #tpu.memory_space<vmem>>, vector<16xi32>,
        %bitcast3A_1227 = vector.bitcast %get3A_1226 : vector<16xi32> to vector<32xbf16>
        %unpack3A_1228 = tpu.unpack_subelements %bitcast3A_1227, 0 {pack_format = #tpu.pack_format<interleaved>} : vector<32xbf16> -> vector<16xf32>
        %unpack3A_1229 = tpu.unpack_subelements %bitcast3A_1227, 1 {pack_format = #tpu.pack_format<interleaved>} : vector<32xbf16> -> vector<16xf32>
        %mul3A_1230 = arith.mulf %gather3A_1055, %unpack3A_1228 : vector<16xf32>
        %add3A_1231 = arith.addf %add3A_1218, %mul3A_1230 : vector<16xf32>
        %mul3A_1232 = arith.mulf %gather3A_1055, %unpack3A_1229 : vector<16xf32>
        %add3A_1233 = arith.addf %add3A_1220, %mul3A_1232 : vector<16xf32>
        %mul3A_1234 = arith.constant 16 : i32
        %mul3A_1235 = arith.muli %scan3A_1108, %mul3A_1234 : i32
        %get3A_1236 = arith.constant 26 : i32
        %get3A_1237 = arith.index_cast %get3A_1236 : i32 to index
        %get3A_1238 = arith.index_cast %mul3A_1235 : i32 to index
        %get3A_1239 = tpu.vector_load %arg17[%get3A_1237, %get3A_1238] {strides = array<i32>} : memref<32x128xi32, #tpu.memory_space<vmem>>, vector<16xi32>,
        %bitcast3A_1240 = vector.bitcast %get3A_1239 : vector<16xi32> to vector<32xbf16>
        %unpack3A_1241 = tpu.unpack_subelements %bitcast3A_1240, 0 {pack_format = #tpu.pack_format<interleaved>} : vector<32xbf16> -> vector<16xf32>
        %unpack3A_1242 = tpu.unpack_subelements %bitcast3A_1240, 1 {pack_format = #tpu.pack_format<interleaved>} : vector<32xbf16> -> vector<16xf32>
        %mul3A_1243 = arith.mulf %gather3A_1061, %unpack3A_1241 : vector<16xf32>
        %add3A_1244 = arith.addf %add3A_1231, %mul3A_1243 : vector<16xf32>
        %mul3A_1245 = arith.mulf %gather3A_1061, %unpack3A_1242 : vector<16xf32>
        %add3A_1246 = arith.addf %add3A_1233, %mul3A_1245 : vector<16xf32>
        %mul3A_1247 = arith.constant 16 : i32
        %mul3A_1248 = arith.muli %scan3A_1108, %mul3A_1247 : i32
        %get3A_1249 = arith.constant 27 : i32
        %get3A_1250 = arith.index_cast %get3A_1249 : i32 to index
        %get3A_1251 = arith.index_cast %mul3A_1248 : i32 to index
        %get3A_1252 = tpu.vector_load %arg17[%get3A_1250, %get3A_1251] {strides = array<i32>} : memref<32x128xi32, #tpu.memory_space<vmem>>, vector<16xi32>,
        %bitcast3A_1253 = vector.bitcast %get3A_1252 : vector<16xi32> to vector<32xbf16>
        %unpack3A_1254 = tpu.unpack_subelements %bitcast3A_1253, 0 {pack_format = #tpu.pack_format<interleaved>} : vector<32xbf16> -> vector<16xf32>
        %unpack3A_1255 = tpu.unpack_subelements %bitcast3A_1253, 1 {pack_format = #tpu.pack_format<interleaved>} : vector<32xbf16> -> vector<16xf32>
        %mul3A_1256 = arith.mulf %gather3A_1067, %unpack3A_1254 : vector<16xf32>
        %add3A_1257 = arith.addf %add3A_1244, %mul3A_1256 : vector<16xf32>
        %mul3A_1258 = arith.mulf %gather3A_1067, %unpack3A_1255 : vector<16xf32>
        %add3A_1259 = arith.addf %add3A_1246, %mul3A_1258 : vector<16xf32>
        %mul3A_1260 = arith.constant 16 : i32
        %mul3A_1261 = arith.muli %scan3A_1108, %mul3A_1260 : i32
        %get3A_1262 = arith.constant 28 : i32
        %get3A_1263 = arith.index_cast %get3A_1262 : i32 to index
        %get3A_1264 = arith.index_cast %mul3A_1261 : i32 to index
        %get3A_1265 = tpu.vector_load %arg17[%get3A_1263, %get3A_1264] {strides = array<i32>} : memref<32x128xi32, #tpu.memory_space<vmem>>, vector<16xi32>,
        %bitcast3A_1266 = vector.bitcast %get3A_1265 : vector<16xi32> to vector<32xbf16>
        %unpack3A_1267 = tpu.unpack_subelements %bitcast3A_1266, 0 {pack_format = #tpu.pack_format<interleaved>} : vector<32xbf16> -> vector<16xf32>
        %unpack3A_1268 = tpu.unpack_subelements %bitcast3A_1266, 1 {pack_format = #tpu.pack_format<interleaved>} : vector<32xbf16> -> vector<16xf32>
        %mul3A_1269 = arith.mulf %gather3A_1073, %unpack3A_1267 : vector<16xf32>
        %add3A_1270 = arith.addf %add3A_1257, %mul3A_1269 : vector<16xf32>
        %mul3A_1271 = arith.mulf %gather3A_1073, %unpack3A_1268 : vector<16xf32>
        %add3A_1272 = arith.addf %add3A_1259, %mul3A_1271 : vector<16xf32>
        %mul3A_1273 = arith.constant 16 : i32
        %mul3A_1274 = arith.muli %scan3A_1108, %mul3A_1273 : i32
        %get3A_1275 = arith.constant 29 : i32
        %get3A_1276 = arith.index_cast %get3A_1275 : i32 to index
        %get3A_1277 = arith.index_cast %mul3A_1274 : i32 to index
        %get3A_1278 = tpu.vector_load %arg17[%get3A_1276, %get3A_1277] {strides = array<i32>} : memref<32x128xi32, #tpu.memory_space<vmem>>, vector<16xi32>,
        %bitcast3A_1279 = vector.bitcast %get3A_1278 : vector<16xi32> to vector<32xbf16>
        %unpack3A_1280 = tpu.unpack_subelements %bitcast3A_1279, 0 {pack_format = #tpu.pack_format<interleaved>} : vector<32xbf16> -> vector<16xf32>
        %unpack3A_1281 = tpu.unpack_subelements %bitcast3A_1279, 1 {pack_format = #tpu.pack_format<interleaved>} : vector<32xbf16> -> vector<16xf32>
        %mul3A_1282 = arith.mulf %gather3A_1079, %unpack3A_1280 : vector<16xf32>
        %add3A_1283 = arith.addf %add3A_1270, %mul3A_1282 : vector<16xf32>
        %mul3A_1284 = arith.mulf %gather3A_1079, %unpack3A_1281 : vector<16xf32>
        %add3A_1285 = arith.addf %add3A_1272, %mul3A_1284 : vector<16xf32>
        %mul3A_1286 = arith.constant 16 : i32
        %mul3A_1287 = arith.muli %scan3A_1108, %mul3A_1286 : i32
        %get3A_1288 = arith.constant 30 : i32
        %get3A_1289 = arith.index_cast %get3A_1288 : i32 to index
        %get3A_1290 = arith.index_cast %mul3A_1287 : i32 to index
        %get3A_1291 = tpu.vector_load %arg17[%get3A_1289, %get3A_1290] {strides = array<i32>} : memref<32x128xi32, #tpu.memory_space<vmem>>, vector<16xi32>,
        %bitcast3A_1292 = vector.bitcast %get3A_1291 : vector<16xi32> to vector<32xbf16>
        %unpack3A_1293 = tpu.unpack_subelements %bitcast3A_1292, 0 {pack_format = #tpu.pack_format<interleaved>} : vector<32xbf16> -> vector<16xf32>
        %unpack3A_1294 = tpu.unpack_subelements %bitcast3A_1292, 1 {pack_format = #tpu.pack_format<interleaved>} : vector<32xbf16> -> vector<16xf32>
        %mul3A_1295 = arith.mulf %gather3A_1085, %unpack3A_1293 : vector<16xf32>
        %add3A_1296 = arith.addf %add3A_1283, %mul3A_1295 : vector<16xf32>
        %mul3A_1297 = arith.mulf %gather3A_1085, %unpack3A_1294 : vector<16xf32>
        %add3A_1298 = arith.addf %add3A_1285, %mul3A_1297 : vector<16xf32>
        %mul3A_1299 = arith.constant 16 : i32
        %mul3A_1300 = arith.muli %scan3A_1108, %mul3A_1299 : i32
        %get3A_1301 = arith.constant 31 : i32
        %get3A_1302 = arith.index_cast %get3A_1301 : i32 to index
        %get3A_1303 = arith.index_cast %mul3A_1300 : i32 to index
        %get3A_1304 = tpu.vector_load %arg17[%get3A_1302, %get3A_1303] {strides = array<i32>} : memref<32x128xi32, #tpu.memory_space<vmem>>, vector<16xi32>,
        %bitcast3A_1305 = vector.bitcast %get3A_1304 : vector<16xi32> to vector<32xbf16>
        %unpack3A_1306 = tpu.unpack_subelements %bitcast3A_1305, 0 {pack_format = #tpu.pack_format<interleaved>} : vector<32xbf16> -> vector<16xf32>
        %unpack3A_1307 = tpu.unpack_subelements %bitcast3A_1305, 1 {pack_format = #tpu.pack_format<interleaved>} : vector<32xbf16> -> vector<16xf32>
        %mul3A_1308 = arith.mulf %gather3A_1091, %unpack3A_1306 : vector<16xf32>
        %add3A_1309 = arith.addf %add3A_1296, %mul3A_1308 : vector<16xf32>
        %mul3A_1310 = arith.mulf %gather3A_1091, %unpack3A_1307 : vector<16xf32>
        %add3A_1311 = arith.addf %add3A_1298, %mul3A_1310 : vector<16xf32>
        %mul3A_1312 = arith.constant 16 : i32
        %mul3A_1313 = arith.muli %scan3A_1108, %mul3A_1312 : i32
        %swap3A = arith.constant 3 : i32
        %swap3A_1314 = arith.index_cast %swap3A : i32 to index
        %swap3A_1315 = arith.index_cast %mul3A_1313 : i32 to index
        %swap3A_1316 = tpu.vector_load %arg19[%swap3A_1314, %swap3A_1315] {strides = array<i32>} : memref<4x256xf32, #tpu.memory_space<vmem>>, vector<16xf32>,
        tpu.vector_store %arg19[%swap3A_1314, %swap3A_1315], %add3A_1309 {strides = array<i32>} : memref<4x256xf32, #tpu.memory_space<vmem>>, vector<16xf32>,
        %mul3A_1317 = arith.constant 16 : i32
        %mul3A_1318 = arith.muli %scan3A_1108, %mul3A_1317 : i32
        %add3A_1319 = arith.constant 128 : i32
        %add3A_1320 = arith.addi %add3A_1319, %mul3A_1318 : i32
        %swap3A_1321 = arith.constant 3 : i32
        %swap3A_1322 = arith.index_cast %swap3A_1321 : i32 to index
        %swap3A_1323 = arith.index_cast %add3A_1320 : i32 to index
        %swap3A_1324 = tpu.vector_load %arg19[%swap3A_1322, %swap3A_1323] {strides = array<i32>} : memref<4x256xf32, #tpu.memory_space<vmem>>, vector<16xf32>,
        tpu.vector_store %arg19[%swap3A_1322, %swap3A_1323], %add3A_1311 {strides = array<i32>} : memref<4x256xf32, #tpu.memory_space<vmem>>, vector<16xf32>,
      }
      %scan3A_1097 = arith.constant 8 : i32
      %mul3A_1098 = arith.constant 10240 : i32
      %mul3A_1099 = arith.muli %select_n3A, %mul3A_1098 : i32
      %add3A_1100 = arith.addi %mul3A_1099, %mul3A_2 : i32
      %mul3A_1101 = arith.constant 4 : i32
      %mul3A_1102 = arith.muli %add3A_576, %mul3A_1101 : i32
      %add3A_1103 = arith.addi %add3A_1100, %mul3A_1102 : i32
      %dma_start3A_1104 = arith.constant 0 : i32
      %dma_start3A_1105 = tpu.memref_slice %arg10[%add3A_1103, %dma_start3A_1104] : memref<40960x256xf32, #tpu.memory_space<hbm>> -> memref<4x256xf32, #tpu.memory_space<hbm>>
      %dma_start3A_1106 = arith.constant 0 : i32
      %dma_start3A_1107 = tpu.memref_slice %arg10[%add3A_1103, %dma_start3A_1106] : memref<40960x256xf32, #tpu.memory_space<hbm>> -> memref<4x256xf32, #tpu.memory_space<hbm>>
      tpu.enqueue_dma source(%arg19 : memref<4x256xf32, #tpu.memory_space<vmem>>) target(%dma_start3A_1107 : memref<4x256xf32, #tpu.memory_space<hbm>>) target_semaphore(%arg25 : memref<!tpu.dma_semaphore, #tpu.memory_space<semaphore_mem>>)
    }
    %scan3A_9 = arith.constant 160 : i32
    %dma_wait3A = arith.constant 0 : i32
    %dma_wait3A_10 = arith.constant 0 : i32
    %dma_wait3A_11 = tpu.memref_slice %arg10[%dma_wait3A, %dma_wait3A_10] : memref<40960x256xf32, #tpu.memory_space<hbm>> -> memref<4x256xf32, #tpu.memory_space<hbm>>
    %dma_wait3A_12 = arith.constant 0 : i32
    %dma_wait3A_13 = arith.constant 0 : i32
    %dma_wait3A_14 = tpu.memref_slice %arg10[%dma_wait3A_12, %dma_wait3A_13] : memref<40960x256xf32, #tpu.memory_space<hbm>> -> memref<4x256xf32, #tpu.memory_space<hbm>>
    tpu.wait_dma2 semaphore(%arg24 : memref<!tpu.dma_semaphore, #tpu.memory_space<semaphore_mem>>) src(%arg18 : memref<4x256xf32, #tpu.memory_space<vmem>>) dst(%dma_wait3A_14 : memref<4x256xf32, #tpu.memory_space<hbm>>)
    %dma_wait3A_15 = arith.constant 0 : i32
    %dma_wait3A_16 = arith.constant 0 : i32
    %dma_wait3A_17 = tpu.memref_slice %arg10[%dma_wait3A_15, %dma_wait3A_16] : memref<40960x256xf32, #tpu.memory_space<hbm>> -> memref<4x256xf32, #tpu.memory_space<hbm>>
    %dma_wait3A_18 = arith.constant 0 : i32
    %dma_wait3A_19 = arith.constant 0 : i32
    %dma_wait3A_20 = tpu.memref_slice %arg10[%dma_wait3A_18, %dma_wait3A_19] : memref<40960x256xf32, #tpu.memory_space<hbm>> -> memref<4x256xf32, #tpu.memory_space<hbm>>
    tpu.wait_dma2 semaphore(%arg25 : memref<!tpu.dma_semaphore, #tpu.memory_space<semaphore_mem>>) src(%arg19 : memref<4x256xf32, #tpu.memory_space<vmem>>) dst(%dma_wait3A_20 : memref<4x256xf32, #tpu.memory_space<hbm>>)
    return
  }
}

module attributes {stable_mosaic.version = 14 : i64} {
  func.func @_trig_tc_body(%arg0: memref<80x128xf32, #tpu.memory_space<vmem>>, %arg1: memref<80x128xf32, #tpu.memory_space<vmem>>, %arg2: memref<80x128xf32, #tpu.memory_space<vmem>>) attributes {dimension_semantics = [], scalar_prefetch = 0 : i64, scratch_operands = 0 : i64, tpu.core_type = #tpu.core_type<tc>} {
    %get3A = arith.constant 0 : index
    %get3A_0 = arith.constant 0 : index
    %get3A_1 = vector.load %arg0[%get3A, %get3A_0] : memref<80x128xf32, #tpu.memory_space<vmem>>, vector<80x128xf32>
    %cos3A = math.cos %get3A_1 : vector<80x128xf32>
    %swap3A = arith.constant 0 : index
    %swap3A_2 = arith.constant 0 : index
    %swap3A_3 = vector.load %arg1[%swap3A, %swap3A_2] : memref<80x128xf32, #tpu.memory_space<vmem>>, vector<80x128xf32>
    tpu.vector_store %arg1[%swap3A, %swap3A_2], %cos3A {strides = array<i32>} : memref<80x128xf32, #tpu.memory_space<vmem>>, vector<80x128xf32>,
    %sin3A = math.sin %get3A_1 : vector<80x128xf32>
    %swap3A_4 = arith.constant 0 : index
    %swap3A_5 = arith.constant 0 : index
    %swap3A_6 = vector.load %arg2[%swap3A_4, %swap3A_5] : memref<80x128xf32, #tpu.memory_space<vmem>>, vector<80x128xf32>
    tpu.vector_store %arg2[%swap3A_4, %swap3A_5], %sin3A {strides = array<i32>} : memref<80x128xf32, #tpu.memory_space<vmem>>, vector<80x128xf32>,
    return
  }
}

module attributes {stable_mosaic.version = 14 : i64} {
  func.func @_pack_tc_body(%arg0: i32, %arg1: memref<2048x256xf32, #tpu.memory_space<vmem>>, %arg2: memref<2048x128xi32, #tpu.memory_space<vmem>>) attributes {dimension_semantics = [#tpu.dimension_semantics<arbitrary>], iteration_bounds = array<i64: 19>, scalar_prefetch = 0 : i64, scratch_operands = 0 : i64, tpu.core_type = #tpu.core_type<tc>, window_params = [{transform_indices = @transform_0, window_bounds = array<i64: 2048, 256>}, {transform_indices = @transform_1, window_bounds = array<i64: 2048, 128>}]} {
    %get3A = arith.constant 0 : index
    %get3A_0 = arith.constant 0 : index
    %get3A_1 = vector.load %arg1[%get3A, %get3A_0] : memref<2048x256xf32, #tpu.memory_space<vmem>>, vector<2048x128xf32>
    %bitcast_convert_type3A = tpu.bitcast %get3A_1 : vector<2048x128xf32> -> vector<2048x128xi32>
    %get3A_2 = arith.constant 0 : index
    %get3A_3 = arith.constant 128 : index
    %get3A_4 = vector.load %arg1[%get3A_2, %get3A_3] : memref<2048x256xf32, #tpu.memory_space<vmem>>, vector<2048x128xf32>
    %bitcast_convert_type3A_5 = tpu.bitcast %get3A_4 : vector<2048x128xf32> -> vector<2048x128xi32>
    %add3A = arith.constant 32767 : i32
    %add3A_6 = vector.broadcast %add3A : i32 to vector<2048x128xi32>
    %add3A_7 = arith.addi %bitcast_convert_type3A, %add3A_6 : vector<2048x128xi32>
    %shift_right_logical3A = arith.constant 16 : i32
    %shift_right_logical3A_8 = vector.broadcast %shift_right_logical3A : i32 to vector<2048x128xi32>
    %shift_right_logical3A_9 = arith.shrui %bitcast_convert_type3A, %shift_right_logical3A_8 : vector<2048x128xi32>
    %and3A = arith.constant 1 : i32
    %and3A_10 = vector.broadcast %and3A : i32 to vector<2048x128xi32>
    %and3A_11 = arith.andi %shift_right_logical3A_9, %and3A_10 : vector<2048x128xi32>
    %add3A_12 = arith.addi %add3A_7, %and3A_11 : vector<2048x128xi32>
    %shift_right_logical3A_13 = arith.constant 16 : i32
    %shift_right_logical3A_14 = vector.broadcast %shift_right_logical3A_13 : i32 to vector<2048x128xi32>
    %shift_right_logical3A_15 = arith.shrui %add3A_12, %shift_right_logical3A_14 : vector<2048x128xi32>
    %add3A_16 = arith.constant 32767 : i32
    %add3A_17 = vector.broadcast %add3A_16 : i32 to vector<2048x128xi32>
    %add3A_18 = arith.addi %bitcast_convert_type3A_5, %add3A_17 : vector<2048x128xi32>
    %shift_right_logical3A_19 = arith.constant 16 : i32
    %shift_right_logical3A_20 = vector.broadcast %shift_right_logical3A_19 : i32 to vector<2048x128xi32>
    %shift_right_logical3A_21 = arith.shrui %bitcast_convert_type3A_5, %shift_right_logical3A_20 : vector<2048x128xi32>
    %and3A_22 = arith.constant 1 : i32
    %and3A_23 = vector.broadcast %and3A_22 : i32 to vector<2048x128xi32>
    %and3A_24 = arith.andi %shift_right_logical3A_21, %and3A_23 : vector<2048x128xi32>
    %add3A_25 = arith.addi %add3A_18, %and3A_24 : vector<2048x128xi32>
    %shift_right_logical3A_26 = arith.constant 16 : i32
    %shift_right_logical3A_27 = vector.broadcast %shift_right_logical3A_26 : i32 to vector<2048x128xi32>
    %shift_right_logical3A_28 = arith.shrui %add3A_25, %shift_right_logical3A_27 : vector<2048x128xi32>
    %shift_left3A = arith.constant 16 : i32
    %shift_left3A_29 = vector.broadcast %shift_left3A : i32 to vector<2048x128xi32>
    %shift_left3A_30 = arith.shli %shift_right_logical3A_28, %shift_left3A_29 : vector<2048x128xi32>
    %or3A = arith.ori %shift_right_logical3A_15, %shift_left3A_30 : vector<2048x128xi32>
    %bitcast_convert_type3A_31 = tpu.bitcast %or3A : vector<2048x128xi32> -> vector<2048x128xi32>
    %swap3A = arith.constant 0 : index
    %swap3A_32 = arith.constant 0 : index
    %swap3A_33 = vector.load %arg2[%swap3A, %swap3A_32] : memref<2048x128xi32, #tpu.memory_space<vmem>>, vector<2048x128xi32>
    tpu.vector_store %arg2[%swap3A, %swap3A_32], %bitcast_convert_type3A_31 {strides = array<i32>} : memref<2048x128xi32, #tpu.memory_space<vmem>>, vector<2048x128xi32>,
    return
  }
  func.func @transform_0(%arg0: i32) -> (i32, i32) {
    %c0_i32 = arith.constant 0 : i32
    %c0_i32_0 = arith.constant 0 : i32
    return %arg0, %c0_i32 : i32, i32
  }
  func.func @transform_1(%arg0: i32) -> (i32, i32) {
    %c0_i32 = arith.constant 0 : i32
    %c0_i32_0 = arith.constant 0 : i32
    return %arg0, %c0_i32 : i32, i32
  }
}

</mosaic_0001>

<sc_bundles>
// kernel: kernel.5.cloned.1.call-start
scs
__scs_entry_jumppad:
0x0: {  	(pc) =	sbr.rel $0x88, $3  }
0x1: {  	(tag) =	ssettag $0x0;
	lr =	simm.s32 $0x1  }
0x2: {  	[smem:$0x3F9D] =	sst lr;
	_ =	strace $0xD0000000  }
0x3: {  	_ = 	snop  }
0x4: {  	_ = 	snop  }
0x5: {  	_ = 	snop  }
0x6: {  	_ = 	snop  }
0x7: {  	_ = 	snop  }
__scs_overlays_trampoline_lowered:
0x8: {  	[smem:$0x3FAC] =	sst s0  }
0x9: {  	[smem:$0x3FAD] =	sst s1  }
0xa: {  	[smem:$0x3FAE] =	sst s2  }
0xb: {  	[smem:$0x3FAF] =	sst s3  }
0xc: {  	[smem:$0x3FB0] =	sst s4  }
0xd: {  	[smem:$0x3FB1] =	sst s5  }
0xe: {  	[smem:$0x3FB2] =	sst s6  }
0xf: {  	[smem:$0x3FB3] =	sst s7  }
0x10: {  	[smem:$0x3FB4] =	sst s8  }
0x11: {  	[smem:$0x3FB5] =	sst s9;
	s0 =	simm.s32 @!p0 $0x0  }
0x12: {  	s1 =	sld [smem:$0x3F9B];
	s0 =	simm.s32 @p0 $0x1  }
0x13: {  	[smem:$0x3FB6] =	sst s0;
	s0 =	simm.s32 @!p1 $0x0  }
0x14: {  	s2 =	sld [smem:$0x3F9A];
	s0 =	simm.s32 @p1 $0x1  }
0x15: {  	[smem:$0x3FB7] =	sst s0;
	s0 =	simm.s32 @!p2 $0x0  }
0x16: {  	s3 =	sld [smem:$0x3FDB];
	s0 =	simm.s32 @p2 $0x1  }
0x17: {  	s4 =	simm.s32 $0x1BF5;
	[smem:$0x3FB9] =	sst s0  }
0x18: {  	s0 =	sld [smem:$0x3F9C];
	_ =	swait.ge [sflag:s4], $0x0  }
0x19: {  	s7 =	sld [smem:$0x3F9D]  }
0x1a: {  	s8 =	sadd.s32 $0xFFFFE003, lr  }
0x1b: {  	s9 =	sadd.s32 $0xFFFFFEF7, lr;
	s5 =	simm.s32 $0xFFFFFFFF;
	p2 =	slt.u32 s8, $0xFFFFF086  }
0x1c: {  	p1 =	slt.u32 s9, $0xF7A;
	s5 =	simm.s32 @!p2 $0x0  }
0x1d: {  	s5 =	simm.s32 @p1 $0x1;
	p0 =	seq.s32 s7, s2  }
0x1e: {  	s7 =	smul.u32 @!p0 $0xF7A, s2;
	p2 =	seq.s32 @!p0 s5, $0x0  }
0x1f: {  	s9 =	smul.u32 $0xF7A, s1;
	s8 =	simm.s32 @!p0 $0x1BF5;
	p2 =	por !p2, p0  }
0x20: {  	[sflag:s8] =	ssyncset.s32 @!p0 $0xFFFFF086;
	s6 =	sadd.s32 @!p0 s3, s7;
	s7 =	simm.s32 @!p0 $0x108  }
0x21: {  	s3 =	sadd.s32 s3, s9;
	s6 =	sadd.s32 @!p0 $0x88, s6;
	s7 =	simm.s32 @p2 $0x1082  }
0x22: {  	[simem:s7], [sflag:s8] =	dma.local @!p0 [hbm:s6], $0xF7A  }
0x23: {  	s9 =	sor.u32 $0xD0000000, s2;
	s6 =	simm.s32 $0x108;
	_ =	swait.ge @!p0 [sflag:s8], $0x0  }
0x24: {  	s3 =	sadd.s32 $0x88, s3;
	s6 =	simm.s32 @!p1 $0x1082;
	[sflag:s4] =	ssyncset.s32 $0xFFFFF086  }
0x25: {  	[simem:s6], [sflag:s4] =	dma.local [hbm:s3], $0xF7A  }
0x26: {  	[smem:$0x3F9D] =	sst s1;
	(tag) =	ssettag s2;
	_ =	strace s9  }
0x27: {  	s1 =	sld [smem:$0x3FAD]  }
0x28: {  	s2 =	sld [smem:$0x3FAE]  }
0x29: {  	s4 =	sld [smem:$0x3FB0]  }
0x2a: {  	p0 =	seq.s32 s5, $0x0;
	s5 =	sld [smem:$0x3FB1]  }
0x2b: {  	s6 =	sld [smem:$0x3FB2]  }
0x2c: {  	s7 =	sld [smem:$0x3FB3]  }
0x2d: {  	s3 =	simm.s32 $0x108;
	s8 =	sld [smem:$0x3FB4]  }
0x2e: {  	s3 =	simm.s32 @!p0 $0x1082;
	s9 =	sld [smem:$0x3FB5]  }
0x2f: {  	lr =	sadd.s32 s0, s3;
	s0 =	sld [smem:$0x3FAC]  }
0x30: {  	s3 =	sld [smem:$0x3FAF]  }
0x31: {  	[smem:$0x3FB8] =	sst s10  }
0x32: {  	s10 =	sld [smem:$0x3FB6];
	_ =	sdelay $0x3  }
0x33: {  	p0 =	seq.s32 s10, $0x1;
	s10 =	sld [smem:$0x3FB8];
	_ =	sdelay $0x3  }
0x34: {  	[smem:$0x3FB8] =	sst s10  }
0x35: {  	s10 =	sld [smem:$0x3FB7];
	_ =	sdelay $0x3  }
0x36: {  	p1 =	seq.s32 s10, $0x1;
	s10 =	sld [smem:$0x3FB8];
	_ =	sdelay $0x3  }
0x37: {  	[smem:$0x3FB8] =	sst s10  }
0x38: {  	s10 =	sld [smem:$0x3FB9]  }
0x39: {  	_ = 	snop;
	(pc) =	sbr.ind lr, $3  }
0x3a: {  	_ = 	snop  }
0x3b: {  	_ = 	snop  }
0x3c: {  	p2 =	seq.s32 s10, $0x1;
	s10 =	sld [smem:$0x3FB8]  }
0x3d: {  	_ =	shalt  }
0x3e: {  	_ =	shalt  }
0x3f: {  	_ =	shalt  }
0x40: {  	_ =	shalt  }
0x41: {  	_ =	shalt  }
0x42: {  	_ =	shalt  }
0x43: {  	_ =	shalt  }
0x44: {  	_ =	shalt  }
0x45: {  	_ =	shalt  }
0x46: {  	_ =	shalt  }
0x47: {  	_ =	shalt  }
0x48: {  	_ =	shalt  }
0x49: {  	_ =	shalt  }
0x4a: {  	_ =	shalt  }
0x4b: {  	_ =	shalt  }
0x4c: {  	_ =	shalt  }
0x4d: {  	_ =	shalt  }
0x4e: {  	_ =	shalt  }
0x4f: {  	_ =	shalt  }
0x50: {  	_ =	shalt  }
0x51: {  	_ =	shalt  }
0x52: {  	_ =	shalt  }
0x53: {  	_ =	shalt  }
0x54: {  	_ =	shalt  }
0x55: {  	_ =	shalt  }
0x56: {  	_ =	shalt  }
0x57: {  	_ =	shalt  }
0x58: {  	_ =	shalt  }
0x59: {  	_ =	shalt  }
0x5a: {  	_ =	shalt  }
0x5b: {  	_ =	shalt  }
0x5c: {  	_ =	shalt  }
0x5d: {  	_ =	shalt  }
0x5e: {  	_ =	shalt  }
0x5f: {  	_ =	shalt  }
0x60: {  	_ =	shalt  }
0x61: {  	_ =	shalt  }
0x62: {  	_ =	shalt  }
0x63: {  	_ =	shalt  }
0x64: {  	_ =	shalt  }
0x65: {  	_ =	shalt  }
0x66: {  	_ =	shalt  }
0x67: {  	_ =	shalt  }
0x68: {  	_ =	shalt  }
0x69: {  	_ =	shalt  }
0x6a: {  	_ =	shalt  }
0x6b: {  	_ =	shalt  }
0x6c: {  	_ =	shalt  }
0x6d: {  	_ =	shalt  }
0x6e: {  	_ =	shalt  }
0x6f: {  	_ =	shalt  }
0x70: {  	_ =	shalt  }
0x71: {  	_ =	shalt  }
0x72: {  	_ =	shalt  }
0x73: {  	_ =	shalt  }
0x74: {  	_ =	shalt  }
0x75: {  	_ =	shalt  }
0x76: {  	_ =	shalt  }
0x77: {  	_ =	shalt  }
0x78: {  	_ =	shalt  }
0x79: {  	_ =	shalt  }
0x7a: {  	_ =	shalt  }
0x7b: {  	_ =	shalt  }
0x7c: {  	_ =	shalt  }
0x7d: {  	_ =	shalt  }
0x7e: {  	_ =	shalt  }
0x7f: {  	_ =	shalt  }
0x80: {  	_ =	shalt  }
0x81: {  	_ =	shalt  }
0x82: {  	_ =	shalt  }
0x83: {  	_ =	shalt  }
0x84: {  	_ =	shalt  }
0x85: {  	_ =	shalt  }
0x86: {  	_ =	shalt  }
0x87: {  	_ =	shalt  }
.Lfunc_end0:
.L_simem_size_0:
called_computation_lowered:
.L_overlay_start_0:
0x88: {  	s2 =	sld [smem:$0x3FD9]  }
0x89: {  	s3 =	sld [smem:$0x3FFE];
	_ =	sdelay $0x1  }
0x8a: {  	s1 =	srdreg.scid  }
0x8b: {  	s0 =	sand.u32 $0x1, s1  }
0x8c: {  	s17 =	sshll.u32 s0, $0xA;
	s2 =	sadd.s32 s3, s2  }
0x8d: {  	s2 =	sadd.s32 s2, s17  }
0x8e: {  	[smem:$0x3FC4] =	sst s2  }
0x8f: {  	_ = 	snop  }
0x90: {  	s2 =	sld [smem:$0x3FD0];
	(tm) =	ssettm $0x1  }
0x91: {  	s18 =	sld [smem:$0x3FFB];
	_ =	sdelay $0x3  }
0x92: {  	_ =	strace s18  }
0x93: {  	s3 =	sld [smem:$0x3FFC];
	_ =	sdelay $0x3  }
0x94: {  	_ =	strace s3  }
0x95: {  	s3 =	sld [smem:$0x3FFD];
	_ =	sdelay $0x3  }
0x96: {  	_ =	strace s3  }
0x97: {  	_ =	strace $0x8FFFFFFF  }
0x98: {  	s19 =	sld [smem:$0x3FDB];
	_ =	sdelay $0x1  }
0x99: {  	s4 =	simm.s32 $_scs_section_size  }
0x9a: {  	s5 =	simm.s32 $_size__tile_overlayer_lowered;
	s6 =	simm.s32 $_tile_overlayer_lowered  }
0x9b: {  	s22 =	simm.s32 $0x1BFF;
	s21 =	sshll.u32 s6, $0x1;
	s3 =	sadd.s32 s4, s19  }
0x9c: {  	s7 =	simm.s32 $0x0;
	s20 =	sshll.u32 s5, $0x1;
	s5 =	sadd.s32 s21, s3  }
0x9d: {  	[timem:s7], [sflag:s22] =	dma.local [hbm:s5], s20  }
0x9e: {  	_ =	swait.ge [sflag:s22], s20  }
0x9f: {  	s4 =	ssub.s32 $0x0, s20;
	[sflag:s22] =	ssyncset.done $0x0  }
0xa0: {  	[sflag:s22] =	ssyncadd.s32 s4;
	_ =	sdelay $0x1  }
0xa1: {  	s23 =	simm.s32 $0x1B8B  }
0xa2: {  	_ =	swait.ge [sflag:s23], $0x1  }
0xa3: {  	[sflag:s23] =	ssyncset.done $0x0  }
0xa4: {  	s25 =	simm.s32 $0x1B8E;
	s24 =	sld [smem:$0x3FFE];
	[sflag:s23] =	ssyncadd.s32 $0xFFFFFFFF  }
0xa5: {  	s26 =	simm.s32 $execute0_lowered;
	[smem:$0x3FD2] =	sst s25  }
0xa6: {  	s5 =	sshll.u32 s26, $0x1;
	_ =	strace $0x80000046;
	[dreg:$0x1] =	wrdreg $0xFFFFFFFF  }
0xa7: {  	s28 =	simm.s32 $_size_execute0_lowered;
	s3 =	sadd.s32 s3, s5;
	[dreg:$0x0] =	wrdreg $0x0  }
0xa8: {  	s5 =	sshll.u32 s28, $0x1;
	[dreg:$0x2] =	wrdreg s3  }
0xa9: {  	[dreg:$0x3] =	wrdreg s5  }
0xaa: {  	[dreg:$0x4] =	wrdreg $0xC0  }
0xab: {  	_ =	task [dreg:s7], $0x5FFFF  }
0xac: {  	[dreg:$0x1] =	wrdreg $0xFFFFFFFF  }
0xad: {  	[dreg:$0x0] =	wrdreg $0x60  }
0xae: {  	[dreg:$0x2] =	wrdreg s2  }
0xaf: {  	[dreg:$0x3] =	wrdreg s24  }
0xb0: {  	[dreg:$0x4] =	wrdreg $0x0  }
0xb1: {  	[dreg:$0x5] =	wrdreg $0x9  }
0xb2: {  	_ =	task.clear_ibuf [dreg:s7], $0x6FFFF;
	_ =	strace $0x90000046  }
0xb3: {  	s29 =	simm.s32 $0x9;
	_ =	strace $0x80000048  }
0xb4: {  	_ =	swait.ge [sflag:s29], $0x1  }
0xb5: {  	[sflag:s29] =	ssyncadd.s32 $0xFFFFFFFF  }
0xb6: {  	_ =	strace $0x90000048  }
0xb7: {  	_ =	sfence  }
0xb8: {  	s30 =	sld [smem:$0x0];
	_ =	sdelay $0x2  }
0xb9: {  	s31 =	sshll.u32 s1, $0xD;
	s1 =	sshrl.u32 s1, $0x2  }
0xba: {  	s3 =	sand.u32 $0x4000, s31;
	s1 =	sadd.s32 s1, s30  }
0xbb: {  	s0 =	sor.u32 s3, s0;
	s1 =	sshll.u32 s1, $0x11  }
0xbc: {  	s0 =	sor.u32 s1, s0  }
0xbd: {  	s0 =	sadd.s32 $0x8F2B, s0  }
0xbe: {  	[sflag:s0] =	ssyncadd.remote.s32 $0x1  }
0xbf: {  	_ =	sfence.sel $0xFFFF  }
0xc0: {  	[dreg:$0x0] =	wrdreg $0xFFFFFFFF;
	(pc) =	sbr.abs _section_cstart, $3  }
0xc1: {  	[dreg:$0x1] =	wrdreg $0xFFFFFFFF  }
0xc2: {  	_ =	task.clear_ibuf [dreg:s7], $0x2FFFF;
	_ =	strace $0x9FFFFFFF  }
0xc3: {  	(tm) =	ssettm $0x7FFFFFFF  }
tec
execute0_lowered:
.L_overlay_start_1:
0x0: {  	(tag) =	ssettag $0x1  }
0x1: {  	s7 =	rddreg [dreg:$0x0]  }
0x2: {  	s1 =	srdreg.scid;
	s9 =	rddreg [dreg:$0x1]  }
0x3: {  	s0 =	stileid.u32;
	s4 =	rddreg [dreg:$0x2]  }
0x4: {  	s5 =	simm.s32 $0x0;
	s28 =	simm.s32 $0x14C80;
	s29 =	simm.s32 $0x2  }
0x5: {  	s30 =	simm.s32 $0x200;
	s31 =	simm.s32 $0x400;
	s1 =	sand.u32 $0x1, s1  }
0x6: {  	s2 =	sshll.u32 s0, $0x1;
	[smem:$0x7FF] =	sst s5;
	s20 =	smul.u32 $0x4E000, s0  }
0x7: {  	s17 =	sadd.s32 $0x600, s9;
	s8 =	sadd.s32 $0x7400, s9;
	s23 =	smul.u32 $0x2700, s0  }
0x8: {  	s2 =	sor.u32 s1, s2;
	_ =	strace $0x80000047;
	[dreg:$0x4] =	wrdreg s17  }
0x9: {  	s1 =	ssub.s32 $0x2, s1;
	s17 =	sadd.s32 $0x7440, s9;
	s3 =	smul.u32 $0x280, s2  }
0xa: {  	s6 =	smul.u32 $0x140, s2;
	s19 =	sshrl.u32 s1, $0x1;
	s15 =	sadd.s32 s7, s23  }
0xb: {  	s23 =	simm.s32 $0x1F900;
	s7 =	simm.s32 $0x4;
	s1 =	ssub.s32 s1, s19  }
0xc: {  	s16 =	sadd.s32 s3, s9;
	s18 =	sshrl.u32 s6, $0x3;
	s26 =	smax.u32 s1, $0x1  }
0xd: {  	s3 =	sadd.s32 s18, s9;
	s2 =	sadd.s32 $0x1E00, s16;
	[dreg:$0xa] =	wrdreg s26  }
0xe: {  	s16 =	sadd.s32 $0x138000, s4;
	[dreg:$0x5] =	wrdreg s2;
	s21 =	sadd.s32 $0xC00, s3  }
0xf: {  	s26 =	simm.s32 $0x1;
	s22 =	sadd.s32 $0x6E00, s3;
	[dreg:$0x6] =	wrdreg s21  }
.Ltmp0:
0x10: {  	s24 =	sadd.s32 $0x1200, s3;
	[dreg:$0x7] =	wrdreg s22;
	(pc) =	sbr.rel .LBB2_1-.Ltmp0, $4  }
0x11: {  	s25 =	sadd.s32 $0x1800, s3;
	s2 =	sshrl.u32 s20, $0x2;
	[dreg:$0x8] =	wrdreg s24  }
0x12: {  	s20 =	simm.s32 $0x1A880;
	s3 =	simm.s32 $0x3;
	[dreg:$0x9] =	wrdreg s25  }
0x13: {  	v0 =	vimm.s32 $0x0;
	vm0 =	vcmask $0x300;
	s14 =	sadd.s32 s2, s4;
	s21 =	simm.s32 $0x1D000;
	s22 =	simm.s32 $0x1F780  }
0x14: {  	v0 =	vsel vm0, $0x7, v0;
	s24 =	simm.s32 $0x1FA80;
	s25 =	simm.s32 $0x1FC00;
	s2 =	simm.s32 $0x0  }
.LBB2_23:
0x15: {  	s0 =	simm.s32 $0x5  }
0x16: {  	_ =	swait.ge [sflag:s0], $0x400  }
0x17: {  	[sflag:s0] =	ssyncset.done $0x0  }
0x18: {  	s1 =	simm.s32 $0x6;
	[sflag:s0] =	ssyncadd.s32 $0xFFFFFC00  }
0x19: {  	_ =	swait.ge [sflag:s1], $0x400  }
0x1a: {  	s2 =	rddreg [dreg:$0xb]  }
0x1b: {  	s19 =	rddreg [dreg:$0xa];
	s2 =	sadd.s32 $0x1, s2  }
0x1c: {  	p0 =	sne.s32 s2, s19  }
.Ltmp1:
0x1d: {  	_ = 	snop;
	(pc) =	sbr.rel @!p0 .LBB2_24-.Ltmp1, $3  }
0x1e: {  	_ =	sdelay $0x1  }
0x1f: {  	[sflag:s1] =	ssyncset.done $0x0  }
0x20: {  	[sflag:s1] =	ssyncadd.s32 $0xFFFFFC00  }
.LBB2_1:
0x21: {  	[dreg:$0xb] =	wrdreg s2;
	s1 =	simm.s32 $0x13880  }
0x22: {  	s19 =	simm.s32 $0x0;
	s0 =	rddreg [dreg:$0x5];
	s5 =	simm.s32 $0x7  }
0x23: {  	[tilespmem:s1], [sflag:$0x7] =	stream.linear.gather [hbm4b:s0+s19], $0x1400, $0x38;
	[tilespmem:$0x1FD80] =	vst v63  }
0x24: {  	_ =	swait.ge [sflag:s5], $0x1400  }
0x25: {  	[sflag:s5] =	ssyncset.done $0x0  }
0x26: {  	s9 =	rddreg [dreg:$0x4];
	[sflag:s5] =	ssyncadd.s32 $0xFFFFEC00  }
0x27: {  	[tilespmem:s20], [sflag:$0x7] =	stream.linear.gather [hbm4b:s9+s19], $0x2780, $0x38;
	[tilespmem:$0x1FD80] =	vst v63  }
0x28: {  	_ =	swait.ge [sflag:s5], $0x2780  }
0x29: {  	[sflag:s5] =	ssyncset.done $0x0  }
0x2a: {  	[sflag:s5] =	ssyncadd.s32 $0xFFFFD880  }
0x2b: {  	s10 =	rddreg [dreg:$0x1]  }
0x2c: {  	[tilespmem:s21], [sflag:$0x7] =	stream.linear.gather [hbm4b:s10+s19], $0x2780, $0x38;
	[tilespmem:$0x1FD80] =	vst v63  }
0x2d: {  	_ =	swait.ge [sflag:s5], $0x2780  }
0x2e: {  	[sflag:s5] =	ssyncset.done $0x0  }
0x2f: {  	s11 =	rddreg [dreg:$0x6];
	[sflag:s5] =	ssyncadd.s32 $0xFFFFD880  }
0x30: {  	[tilespmem:s22], [sflag:$0x7] =	stream.linear.gather [hbm4b:s11+s19], $0x140, $0x38;
	[tilespmem:$0x1FD80] =	vst v63  }
0x31: {  	_ =	swait.ge [sflag:s5], $0x140  }
0x32: {  	[sflag:s5] =	ssyncset.done $0x0  }
0x33: {  	s12 =	rddreg [dreg:$0x7];
	[sflag:s5] =	ssyncadd.s32 $0xFFFFFEC0  }
0x34: {  	[tilespmem:s23], [sflag:$0x7] =	stream.linear.gather [hbm4b:s12+s19], $0x140, $0x38;
	[tilespmem:$0x1FD80] =	vst v63  }
0x35: {  	_ =	swait.ge [sflag:s5], $0x140  }
0x36: {  	[sflag:s5] =	ssyncset.done $0x0  }
0x37: {  	s13 =	rddreg [dreg:$0x8];
	[sflag:s5] =	ssyncadd.s32 $0xFFFFFEC0  }
0x38: {  	[tilespmem:s24], [sflag:$0x7] =	stream.linear.gather [hbm4b:s13+s19], $0x140, $0x38;
	[tilespmem:$0x1FD80] =	vst v63  }
0x39: {  	_ =	swait.ge [sflag:s5], $0x140  }
0x3a: {  	[sflag:s5] =	ssyncset.done $0x0  }
0x3b: {  	s18 =	rddreg [dreg:$0x9];
	[sflag:s5] =	ssyncadd.s32 $0xFFFFFEC0  }
0x3c: {  	[tilespmem:s25], [sflag:$0x7] =	stream.linear.gather [hbm4b:s18+s19], $0x140, $0x38;
	[tilespmem:$0x1FD80] =	vst v63  }
0x3d: {  	_ =	swait.ge [sflag:s5], $0x140  }
0x3e: {  	[sflag:s5] =	ssyncset.done $0x0  }
0x3f: {  	[sflag:s5] =	ssyncadd.s32 $0xFFFFFEC0  }
0x40: {  	v1 =	vld [tilespmem:s1+$0x0]  }
0x41: {  	v2 =	vmov s19;
	_ =	sdelay $0x4  }
0x42: {  	v3 =	vld.idx.msk [tilespmem:v2+s23+$0x0], $0xffff  }
0x43: {  	v4 =	vld.idx.msk [tilespmem:v2+s22+$0x0], $0xffff  }
0x44: {  	v5 =	vld.idx.msk [tilespmem:v1+s20+$0x0], $0xffff  }
0x45: {  	v1 =	vld.idx.msk [tilespmem:v1+s21+$0x0], $0xffff;
	_ =	sdelay $0x4  }
0x46: {  	v4 =	vsub.f32 v5, v4;
	v1 =	vsub.f32 v1, v3;
	_ =	sdelay $0x1  }
0x47: {  	v3 =	vmul.f32 v4, v4;
	v58 =	vmul.f32 v1, v1;
	_ =	sdelay $0x1  }
0x48: {  	v3 =	vadd.f32 v58, v3;
	_ =	sdelay $0x1  }
0x49: {  	v5 =	vmax.f32 v3, $1.000000000e-30  }
0x4a: {  	v6 =	vshra.s32 v5, $0x1;
	v5 =	vmul.f32 $5.000000000e-01, v5  }
0x4b: {  	v7 =	vadd.f32 $9.999999960e-13, v3;
	v6 =	vsub.s32 $0x5F3759DF, v6  }
0x4c: {  	v8 =	vmul.f32 v6, v5  }
0x4d: {  	v9 =	vshra.s32 v7, $0x1;
	v10 =	vmul.f32 $5.000000000e-01, v7  }
0x4e: {  	v9 =	vsub.s32 $0x5F3759DF, v9;
	v8 =	vmul.f32 v6, v8  }
0x4f: {  	v11 =	vmul.f32 v9, v10  }
0x50: {  	v8 =	vsub.f32 $1.500000000e+00, v8  }
0x51: {  	v11 =	vmul.f32 v9, v11  }
0x52: {  	v6 =	vmul.f32 v6, v8  }
0x53: {  	v59 =	vsub.f32 $1.500000000e+00, v11  }
0x54: {  	v60 =	vmul.f32 v6, v5  }
0x55: {  	v8 =	vmul.f32 v9, v59  }
0x56: {  	v61 =	vmul.f32 v60, v6  }
0x57: {  	v62 =	vmul.f32 v8, v10  }
0x58: {  	v9 =	vsub.f32 $1.500000000e+00, v61  }
0x59: {  	v11 =	vmul.f32 v62, v8  }
0x5a: {  	v12 =	vld.idx.msk [tilespmem:v2+s24+$0x0], $0xffff;
	v6 =	vmul.f32 v9, v6  }
0x5b: {  	v2 =	vld.idx.msk [tilespmem:v2+s25+$0x0], $0xffff;
	v63 =	vsub.f32 $1.500000000e+00, v11  }
0x5c: {  	v5 =	vmul.f32 v6, v5  }
0x5d: {  	v8 =	vmul.f32 v63, v8  }
0x5e: {  	v5 =	vmul.f32 v5, v6  }
0x5f: {  	v9 =	vmul.f32 v8, v10  }
0x60: {  	v4 =	vmul.f32 v12, v4;
	v1 =	vmul.f32 v2, v1;
	v5 =	vsub.f32 $1.500000000e+00, v5  }
0x61: {  	v2 =	vmul.f32 v9, v8  }
0x62: {  	v1 =	vadd.f32 v1, v4;
	v5 =	vmul.f32 v5, v6  }
0x63: {  	v2 =	vsub.f32 $1.500000000e+00, v2  }
0x64: {  	v1 =	vmul.f32 v5, v1  }
0x65: {  	vm0 =	vgt.f32 v3, $0.0e+00;
	v2 =	vmul.f32 v2, v8  }
0x66: {  	v1 =	vsel vm0, v1, v12  }
0x67: {  	v2 =	vmul.f32 v2, v7;
	v1 =	vmul.f32 $1.000000010e-01, v1;
	_ =	sdelay $0x1  }
0x68: {  	v1 =	vsub.f32 v1, v2;
	_ =	sdelay $0x1  }
0x69: {  	(xrf0) =	vmax.scan.msk.f32 $0xffff, v1;
	_ =	sdelay $0x5  }
0x6a: {  	v2, _, _ =	vpop (xrf0)  }
0x6b: {  	v2 =	vbroadcast v2, $0xF;
	_ =	sdelay $0x1  }
0x6c: {  	v1 =	vsub.f32 v1, v2;
	_ =	sdelay $0x1  }
0x6d: {  	v1 =	vmul.f32 $1.442695020e+00, v1;
	_ =	sdelay $0x1  }
0x6e: {  	(erf) = vpow2.f32 v1;
	_ =	sdelay $0x8  }
0x6f: {  	v1 =	vpop (erf)  }
0x70: {  	(xrf2) =	vadd.scan.msk.f32 $0xffff, v1;
	_ =	sdelay $0x9  }
0x71: {  	v2, _, _ =	vpop (xrf2)  }
0x72: {  	v2 =	vbroadcast v2, $0xF;
	_ =	sdelay $0x1  }
0x73: {  	(erf) = vrcp.f32 v2;
	_ =	sdelay $0x8  }
0x74: {  	v2 =	vpop (erf)  }
0x75: {  	v1 =	vmul.f32 v2, v1;
	_ =	sdelay $0x1  }
0x76: {  	s1 =	simm.s32 $0x13890;
	[tilespmem:s28+$0x0] =	vst v1  }
0x77: {  	s19 =	simm.s32 $0x1;
	v2 =	vld [tilespmem:s1+$0x0]  }
0x78: {  	s10 =	simm.s32 $0x2;
	s5 =	simm.s32 $0x14C80;
	v1 =	vmov s19  }
.LBB2_2:
0x79: {  	p0 =	sne.s32 s10, $0x13F;
	_ =	sdelay $0x3  }
0x7a: {  	v3 =	vld.idx.msk [tilespmem:v1+s23+$0x0], $0xffff  }
0x7b: {  	v4 =	vld.idx.msk [tilespmem:v1+s22+$0x0], $0xffff  }
0x7c: {  	v5 =	vld.idx.msk [tilespmem:v2+s20+$0x0], $0xffff  }
0x7d: {  	v2 =	vld.idx.msk [tilespmem:v2+s21+$0x0], $0xffff;
	_ =	sdelay $0x5  }
0x7e: {  	v4 =	vsub.f32 v5, v4;
	v2 =	vsub.f32 v2, v3;
	_ =	sdelay $0x1  }
0x7f: {  	v3 =	vmul.f32 v4, v4;
	v5 =	vmul.f32 v2, v2;
	_ =	sdelay $0x1  }
0x80: {  	v3 =	vadd.f32 v5, v3;
	_ =	sdelay $0x1  }
0x81: {  	v5 =	vmax.f32 v3, $1.000000000e-30  }
0x82: {  	v6 =	vshra.s32 v5, $0x1;
	v5 =	vmul.f32 $5.000000000e-01, v5  }
0x83: {  	v7 =	vadd.f32 $9.999999960e-13, v3;
	v6 =	vsub.s32 $0x5F3759DF, v6  }
0x84: {  	v8 =	vmul.f32 v6, v5  }
0x85: {  	v9 =	vshra.s32 v7, $0x1;
	v10 =	vmul.f32 $5.000000000e-01, v7  }
0x86: {  	v9 =	vsub.s32 $0x5F3759DF, v9;
	v8 =	vmul.f32 v6, v8  }
0x87: {  	v11 =	vmul.f32 v9, v10  }
0x88: {  	v8 =	vsub.f32 $1.500000000e+00, v8  }
0x89: {  	v11 =	vmul.f32 v9, v11  }
0x8a: {  	v6 =	vmul.f32 v6, v8  }
0x8b: {  	v8 =	vsub.f32 $1.500000000e+00, v11  }
0x8c: {  	v11 =	vmul.f32 v6, v5  }
0x8d: {  	v8 =	vmul.f32 v9, v8  }
0x8e: {  	v9 =	vmul.f32 v11, v6  }
0x8f: {  	v11 =	vmul.f32 v8, v10  }
0x90: {  	v9 =	vsub.f32 $1.500000000e+00, v9  }
0x91: {  	v11 =	vmul.f32 v11, v8;
	v12 =	vld.idx.msk [tilespmem:v1+s24+$0x0], $0xffff  }
0x92: {  	v6 =	vmul.f32 v9, v6;
	v1 =	vld.idx.msk [tilespmem:v1+s25+$0x0], $0xffff  }
0x93: {  	v9 =	vsub.f32 $1.500000000e+00, v11  }
0x94: {  	v5 =	vmul.f32 v6, v5  }
0x95: {  	v8 =	vmul.f32 v9, v8  }
0x96: {  	v5 =	vmul.f32 v5, v6  }
0x97: {  	v9 =	vmul.f32 v8, v10  }
0x98: {  	v4 =	vmul.f32 v12, v4;
	v5 =	vsub.f32 $1.500000000e+00, v5;
	v1 =	vmul.f32 v1, v2  }
0x99: {  	v2 =	vmul.f32 v9, v8  }
0x9a: {  	v5 =	vmul.f32 v5, v6;
	v1 =	vadd.f32 v1, v4  }
0x9b: {  	v2 =	vsub.f32 $1.500000000e+00, v2  }
0x9c: {  	v1 =	vmul.f32 v5, v1  }
0x9d: {  	vm0 =	vgt.f32 v3, $0.0e+00;
	v2 =	vmul.f32 v2, v8  }
0x9e: {  	v1 =	vsel vm0, v1, v12  }
0x9f: {  	v2 =	vmul.f32 v2, v7;
	v1 =	vmul.f32 $1.000000010e-01, v1;
	_ =	sdelay $0x1  }
0xa0: {  	v1 =	vsub.f32 v1, v2;
	_ =	sdelay $0x1  }
0xa1: {  	(xrf0) =	vmax.scan.msk.f32 $0xffff, v1;
	_ =	sdelay $0x5  }
0xa2: {  	v2, _, _ =	vpop (xrf0)  }
0xa3: {  	v2 =	vbroadcast v2, $0xF;
	_ =	sdelay $0x1  }
0xa4: {  	v1 =	vsub.f32 v1, v2;
	_ =	sdelay $0x1  }
0xa5: {  	v1 =	vmul.f32 $1.442695020e+00, v1;
	_ =	sdelay $0x1  }
0xa6: {  	(erf) = vpow2.f32 v1;
	_ =	sdelay $0x8  }
0xa7: {  	v1 =	vpop (erf)  }
0xa8: {  	(xrf2) =	vadd.scan.msk.f32 $0xffff, v1;
	_ =	sdelay $0x9  }
0xa9: {  	v2, _, _ =	vpop (xrf2)  }
0xaa: {  	v2 =	vbroadcast v2, $0xF;
	_ =	sdelay $0x1  }
0xab: {  	(erf) = vrcp.f32 v2;
	_ =	sdelay $0x8  }
0xac: {  	v2 =	vpop (erf)  }
.Ltmp2:
0xad: {  	v1 =	vmul.f32 v2, v1;
	(pc) =	sbr.rel @p0 .LBB2_2-.Ltmp2, $4  }
0xae: {  	s5 =	sadd.s32 $0x10, s5  }
0xaf: {  	s1 =	sadd.s32 $0x10, s1;
	[tilespmem:s5+$0x0] =	vst v1  }
0xb0: {  	v2 =	vld [tilespmem:s1+$0x0]  }
0xb1: {  	v1 =	vmov s10;
	s10 =	sadd.s32 $0x1, s10  }
0xb2: {  	_ =	sdelay $0x4  }
0xb3: {  	v3 =	vld.idx.msk [tilespmem:v1+s23+$0x0], $0xffff  }
0xb4: {  	v4 =	vld.idx.msk [tilespmem:v1+s22+$0x0], $0xffff  }
0xb5: {  	v5 =	vld.idx.msk [tilespmem:v2+s20+$0x0], $0xffff  }
0xb6: {  	v2 =	vld.idx.msk [tilespmem:v2+s21+$0x0], $0xffff;
	_ =	sdelay $0x4  }
0xb7: {  	v4 =	vsub.f32 v5, v4;
	v2 =	vsub.f32 v2, v3;
	_ =	sdelay $0x1  }
0xb8: {  	v3 =	vmul.f32 v4, v4;
	v58 =	vmul.f32 v2, v2;
	_ =	sdelay $0x1  }
0xb9: {  	v3 =	vadd.f32 v58, v3;
	_ =	sdelay $0x1  }
0xba: {  	v5 =	vmax.f32 v3, $1.000000000e-30  }
0xbb: {  	v6 =	vshra.s32 v5, $0x1;
	v5 =	vmul.f32 $5.000000000e-01, v5  }
0xbc: {  	v7 =	vadd.f32 $9.999999960e-13, v3;
	v6 =	vsub.s32 $0x5F3759DF, v6  }
0xbd: {  	v8 =	vmul.f32 v6, v5  }
0xbe: {  	v9 =	vshra.s32 v7, $0x1;
	v10 =	vmul.f32 $5.000000000e-01, v7  }
0xbf: {  	v9 =	vsub.s32 $0x5F3759DF, v9;
	v8 =	vmul.f32 v6, v8  }
0xc0: {  	v11 =	vmul.f32 v9, v10  }
0xc1: {  	v8 =	vsub.f32 $1.500000000e+00, v8  }
0xc2: {  	v11 =	vmul.f32 v9, v11  }
0xc3: {  	v6 =	vmul.f32 v6, v8  }
0xc4: {  	v59 =	vsub.f32 $1.500000000e+00, v11  }
0xc5: {  	v60 =	vmul.f32 v6, v5  }
0xc6: {  	v8 =	vmul.f32 v9, v59  }
0xc7: {  	v61 =	vmul.f32 v60, v6  }
0xc8: {  	v62 =	vmul.f32 v8, v10  }
0xc9: {  	v9 =	vsub.f32 $1.500000000e+00, v61  }
0xca: {  	v11 =	vmul.f32 v62, v8  }
0xcb: {  	v12 =	vld.idx.msk [tilespmem:v1+s24+$0x0], $0xffff;
	v6 =	vmul.f32 v9, v6  }
0xcc: {  	v1 =	vld.idx.msk [tilespmem:v1+s25+$0x0], $0xffff;
	v63 =	vsub.f32 $1.500000000e+00, v11  }
0xcd: {  	v5 =	vmul.f32 v6, v5  }
0xce: {  	v8 =	vmul.f32 v63, v8  }
0xcf: {  	v5 =	vmul.f32 v5, v6  }
0xd0: {  	v9 =	vmul.f32 v8, v10  }
0xd1: {  	v4 =	vmul.f32 v12, v4;
	v1 =	vmul.f32 v1, v2;
	v5 =	vsub.f32 $1.500000000e+00, v5  }
0xd2: {  	v2 =	vmul.f32 v9, v8  }
0xd3: {  	v1 =	vadd.f32 v1, v4;
	v5 =	vmul.f32 v5, v6  }
0xd4: {  	v2 =	vsub.f32 $1.500000000e+00, v2  }
0xd5: {  	v1 =	vmul.f32 v5, v1  }
0xd6: {  	vm0 =	vgt.f32 v3, $0.0e+00;
	v2 =	vmul.f32 v2, v8  }
0xd7: {  	v1 =	vsel vm0, v1, v12  }
0xd8: {  	v2 =	vmul.f32 v2, v7;
	v1 =	vmul.f32 $1.000000010e-01, v1;
	_ =	sdelay $0x1  }
0xd9: {  	v1 =	vsub.f32 v1, v2;
	_ =	sdelay $0x1  }
0xda: {  	(xrf0) =	vmax.scan.msk.f32 $0xffff, v1;
	_ =	sdelay $0x5  }
0xdb: {  	v2, _, _ =	vpop (xrf0)  }
0xdc: {  	v2 =	vbroadcast v2, $0xF;
	_ =	sdelay $0x1  }
0xdd: {  	v1 =	vsub.f32 v1, v2;
	_ =	sdelay $0x1  }
0xde: {  	v1 =	vmul.f32 $1.442695020e+00, v1;
	_ =	sdelay $0x1  }
0xdf: {  	(erf) = vpow2.f32 v1;
	_ =	sdelay $0x8  }
0xe0: {  	v1 =	vpop (erf)  }
0xe1: {  	(xrf2) =	vadd.scan.msk.f32 $0xffff, v1;
	_ =	sdelay $0x9  }
0xe2: {  	v2, _, _ =	vpop (xrf2)  }
0xe3: {  	v2 =	vbroadcast v2, $0xF;
	_ =	sdelay $0x1  }
0xe4: {  	(erf) = vrcp.f32 v2;
	_ =	sdelay $0x8  }
0xe5: {  	v2 =	vpop (erf)  }
0xe6: {  	v1 =	vmul.f32 v2, v1  }
0xe7: {  	s1 =	sadd.s32 $0x10, s5  }
0xe8: {  	s13 =	simm.s32 $0x0;
	[tilespmem:s1+$0x0] =	vst v1  }
.LBB2_4:
0xe9: {  	s1 =	smul.u32 $0xCD, s13;
	_ =	sdelay $0x1  }
0xea: {  	s1 =	sshrl.u32 s1, $0xD  }
0xeb: {  	s12 =	sand.u32 $0x7, s1  }
0xec: {  	s1 =	smul.u32 $0xFFFFFFD8, s12;
	_ =	sdelay $0x1  }
0xed: {  	s5 =	sadd.s32 s13, s1  }
0xee: {  	p0 =	sne.s32 s5, $0x0  }
0xef: {  	s0 =	stileid.u32;
	s1 =	smul.u32 @!p0 $0x27100, s12  }
0xf0: {  	p1 =	sne.s32 @!p0 s0, $0xF;
	[bflag:$0x0] =	sbarrier.arrive @!p0 $0xFFFF;
	s2 =	sshll.u32 @!p0 s0, $0x6  }
0xf1: {  	s10 =	sshrl.u32 @!p0 s14, $0x3;
	s2 =	sor.u32 @!p0 $0x1C07, s2;
	s1 =	sadd.s32 @!p0 s15, s1  }
0xf2: {  	[spmem:s10], [sflag:s2] =	dma.local @!p0 [hbm:s1], $0x2700  }
0xf3: {  	p1 =	por p1, p0;
	s10 =	simm.s32 @!p0 $0x7  }
0xf4: {  	s1 =	smul.u32 @!p1 $0x138800, s12;
	_ =	swait.ge @!p0 [sflag:s10], $0x2700  }
0xf5: {  	[sflag:s10] =	ssyncset.done @!p0 $0x0  }
0xf6: {  	s1 =	sshrl.u32 @!p1 s1, $0x3;
	s0 =	rddreg [dreg:$0x0]  }
0xf7: {  	s1 =	sadd.s32 @!p1 s0, s1  }
0xf8: {  	[sflag:s10] =	ssyncadd.s32 @!p0 $0xFFFFD900;
	s10 =	sshrl.u32 @!p1 s16, $0x3;
	s1 =	sadd.s32 @!p1 $0x27000, s1  }
0xf9: {  	[spmem:s10], [sflag:s2] =	dma.local @!p1 [hbm:s1], $0x100  }
0xfa: {  	s1 =	simm.s32 @!p1 $0x7  }
0xfb: {  	_ =	swait.ge @!p1 [sflag:s1], $0x100  }
0xfc: {  	[sflag:s1] =	ssyncset.done @!p1 $0x0  }
0xfd: {  	s2 =	simm.s32 @!p0 $0x13880;
	[sflag:s1] =	ssyncadd.s32 @!p1 $0xFFFFFF00  }
0xfe: {  	s10 =	simm.s32 @!p0 $0x16080;
	s1 =	simm.s32 @!p0 $0x20;
	[bflag:$0x0] =	sbarrier.arrive @!p0 $0xFFFF  }
0xff: {  	[tilespmem:s10], [sflag:$0x1] =	stream.indirect.gather @!p0 [spmem:s4], $0x80, s2, s1, $0xb8;
	[tilespmem:$0x1FD80] =	vst v63  }
0x100: {  	s2 =	simm.s32 @!p0 $0x138A0;
	s10 =	simm.s32 @!p0 $0x17080  }
0x101: {  	[tilespmem:s10], [sflag:$0x2] =	stream.indirect.gather @!p0 [spmem:s4], $0x80, s2, s1, $0xb8;
	[tilespmem:$0x1FD80] =	vst v63  }
0x102: {  	s2 =	simm.s32 @!p0 $0x138C0;
	s10 =	simm.s32 @!p0 $0x18080  }
0x103: {  	[tilespmem:s10], [sflag:$0x3] =	stream.indirect.gather @!p0 [spmem:s4], $0x80, s2, s1, $0xb8;
	[tilespmem:$0x1FD80] =	vst v63  }
0x104: {  	p1 =	seq.s32 s13, $0x0;
	s10 =	sshll.u32 s5, $0x7  }
0x105: {  	s18 =	sshllo.u32 s5, $0x2;
	s1 =	simm.s32 @!p1 $0x5;
	v1 =	vmov s10  }
0x106: {  	p0 =	sgt.s32 s18, $0x9F;
	_ =	swait.ge @!p1 [sflag:s1], $0x400;
	v1 =	vshrl.u32 v1, $0x7  }
0x107: {  	s2 =	sshll.u32 @!p0 s18, $0x7;
	[sflag:s1] =	ssyncset.done @!p1 $0x0;
	v1 =	vshll.u32 v1, v0  }
0x108: {  	[sflag:s1] =	ssyncadd.s32 @!p1 $0xFFFFFC00;
	s1 =	sshra.s32 @!p0 s2, $0x2;
	v2 =	vbroadcast v1, $0x0;
	v3 =	vadd.s32 $0x1, v1  }
0x109: {  	s11 =	simm.s32 @!p0 $0x19080;
	s2 =	simm.s32 @!p0 $0x20;
	s1 =	sadd.s32 @!p0 $0x13880, s1;
	v4 =	vadd.s32 $0x2, v1;
	v3 =	vbroadcast v3, $0x0  }
0x10a: {  	v5 =	vadd.s32 $0x3, v1;
	[tilespmem:s11], [sflag:$0x4] =	stream.indirect.gather @!p0 [spmem:s4], $0x80, s1, s2, $0xb8;
	v4 =	vbroadcast v4, $0x0;
	[tilespmem:$0x1FD80] =	vst v63  }
0x10b: {  	v6 =	vadd.s32 $0x4, v1;
	v5 =	vbroadcast v5, $0x0;
	_ =	swait.ge [sflag:s26], $0x1000  }
0x10c: {  	v7 =	vadd.s32 $0x5, v1;
	v6 =	vbroadcast v6, $0x0;
	[sflag:s26] =	ssyncset.done $0x0  }
0x10d: {  	v8 =	vadd.s32 $0x6, v1;
	v7 =	vbroadcast v7, $0x0;
	[sflag:s26] =	ssyncadd.s32 $0xFFFFF000  }
0x10e: {  	v16 =	vld.idx.msk [tilespmem:v2+s28+$0x0], $0xffff;
	v2 =	vbroadcast v8, $0x0;
	v8 =	vadd.s32 $0x7, v1  }
0x10f: {  	v17 =	vld.idx.msk [tilespmem:v3+s28+$0x0], $0xffff;
	v3 =	vbroadcast v8, $0x0  }
0x110: {  	v8 =	vadd.s32 $0x8, v1;
	v15 =	vld.idx.msk [tilespmem:v4+s28+$0x0], $0xffff  }
0x111: {  	v14 =	vld.idx.msk [tilespmem:v5+s28+$0x0], $0xffff;
	v4 =	vbroadcast v8, $0x0  }
0x112: {  	v13 =	vld.idx.msk [tilespmem:v6+s28+$0x0], $0xffff;
	v8 =	vadd.s32 $0x9, v1  }
0x113: {  	v12 =	vld.idx.msk [tilespmem:v7+s28+$0x0], $0xffff;
	v7 =	vadd.s32 $0xC, v1;
	v5 =	vbroadcast v8, $0x0;
	v8 =	vadd.s32 $0xA, v1  }
0x114: {  	v6 =	vbroadcast v8, $0x0;
	v11 =	vld.idx.msk [tilespmem:v2+s28+$0x0], $0xffff;
	v2 =	vbroadcast v7, $0x0;
	v7 =	vadd.s32 $0xD, v1  }
0x115: {  	v10 =	vld.idx.msk [tilespmem:v3+s28+$0x0], $0xffff;
	v3 =	vbroadcast v7, $0x0;
	v7 =	vadd.s32 $0xE, v1  }
0x116: {  	v19 =	vbroadcast v7, $0x0  }
0x117: {  	v9 =	vld.idx.msk [tilespmem:v4+s28+$0x0], $0xffff;
	v4 =	vadd.s32 $0xF, v1  }
0x118: {  	v8 =	vadd.s32 $0xB, v1;
	v20 =	vbroadcast v4, $0x0  }
0x119: {  	v18 =	vbroadcast v8, $0x0;
	v8 =	vld.idx.msk [tilespmem:v5+s28+$0x0], $0xffff  }
0x11a: {  	v7 =	vld.idx.msk [tilespmem:v6+s28+$0x0], $0xffff  }
0x11b: {  	p2 =	por $0x1, $0x1;
	v4 =	vld.idx.msk [tilespmem:v3+s28+$0x0], $0xffff  }
.Ltmp3:
0x11c: {  	v3 =	vld.idx.msk [tilespmem:v19+s28+$0x0], $0xffff;
	(pc) =	sbr.rel @!p2 .LBB2_5-.Ltmp3, $4  }
0x11d: {  	v5 =	vld.idx.msk [tilespmem:v2+s28+$0x0], $0xffff  }
0x11e: {  	v2 =	vld.idx.msk [tilespmem:v20+s28+$0x0], $0xffff  }
0x11f: {  	s11 =	simm.s32 $0x0;
	v6 =	vld.idx.msk [tilespmem:v18+s28+$0x0], $0xffff  }
0x120: {  	p0 =	por $0x0, $0x0;
	v18 =	vld [tilespmem:s11+$0x16080]  }
0x121: {  	v19 =	vld [tilespmem:s11+$0x16100];
	_ =	sdelay $0x1  }
0x122: {  	v20 =	vld [tilespmem:s11+$0x16180];
	_ =	sdelay $0x1  }
0x123: {  	v21 =	vld [tilespmem:s11+$0x16200]  }
0x124: {  	v22 =	vunpack.i.l.bf16.f32 v18;
	v18 =	vunpack.i.u.bf16.f32 v18;
	v23 =	vunpack.i.u.bf16.f32 v19  }
0x125: {  	v24 =	vld [tilespmem:s11+$0x16280];
	v19 =	vunpack.i.l.bf16.f32 v19;
	v18 =	vmul.f32 v18, v16;
	v23 =	vmul.f32 v23, v17  }
0x126: {  	v22 =	vmul.f32 v22, v16;
	v25 =	vunpack.i.u.bf16.f32 v20;
	v19 =	vmul.f32 v19, v17  }
0x127: {  	v20 =	vunpack.i.l.bf16.f32 v20;
	v18 =	vadd.f32 v23, v18;
	v23 =	vmul.f32 v25, v15;
	v25 =	vld [tilespmem:s11+$0x16300]  }
0x128: {  	v20 =	vmul.f32 v20, v15;
	v19 =	vadd.f32 v19, v22;
	v22 =	vunpack.i.u.bf16.f32 v21  }
0x129: {  	v21 =	vunpack.i.l.bf16.f32 v21;
	v22 =	vmul.f32 v22, v14;
	v18 =	vadd.f32 v23, v18;
	v23 =	vld [tilespmem:s11+$0x16380]  }
0x12a: {  	v19 =	vadd.f32 v20, v19;
	v20 =	vmul.f32 v21, v14;
	v21 =	vunpack.i.u.bf16.f32 v24  }
0x12b: {  	v21 =	vmul.f32 v21, v13;
	v18 =	vadd.f32 v22, v18;
	v22 =	vunpack.i.l.bf16.f32 v24;
	v24 =	vld [tilespmem:s11+$0x16400]  }
0x12c: {  	v19 =	vadd.f32 v20, v19;
	v20 =	vmul.f32 v22, v13;
	v22 =	vunpack.i.u.bf16.f32 v25  }
0x12d: {  	v18 =	vadd.f32 v21, v18;
	v21 =	vunpack.i.l.bf16.f32 v25;
	v22 =	vmul.f32 v22, v12;
	v25 =	vld [tilespmem:s11+$0x16480]  }
0x12e: {  	v19 =	vadd.f32 v20, v19;
	v20 =	vmul.f32 v21, v12;
	v21 =	vunpack.i.u.bf16.f32 v23  }
0x12f: {  	v18 =	vadd.f32 v22, v18;
	v22 =	vunpack.i.l.bf16.f32 v23;
	v21 =	vmul.f32 v21, v11;
	v23 =	vld [tilespmem:s11+$0x16500]  }
0x130: {  	v19 =	vadd.f32 v20, v19;
	v20 =	vmul.f32 v22, v11;
	v22 =	vunpack.i.u.bf16.f32 v24  }
0x131: {  	v18 =	vadd.f32 v21, v18;
	v21 =	vunpack.i.l.bf16.f32 v24;
	v22 =	vmul.f32 v22, v10;
	v24 =	vld [tilespmem:s11+$0x16580]  }
0x132: {  	v19 =	vadd.f32 v20, v19;
	v20 =	vmul.f32 v21, v10;
	v21 =	vunpack.i.u.bf16.f32 v25  }
0x133: {  	v18 =	vadd.f32 v22, v18;
	v22 =	vunpack.i.l.bf16.f32 v25;
	v21 =	vmul.f32 v21, v9  }
0x134: {  	v25 =	vld [tilespmem:s11+$0x16600];
	v19 =	vadd.f32 v20, v19;
	v20 =	vmul.f32 v22, v9;
	v22 =	vunpack.i.u.bf16.f32 v23  }
0x135: {  	v18 =	vadd.f32 v21, v18;
	v21 =	vunpack.i.l.bf16.f32 v23;
	v22 =	vmul.f32 v22, v8  }
0x136: {  	v23 =	vld [tilespmem:s11+$0x16680];
	v19 =	vadd.f32 v20, v19;
	v20 =	vmul.f32 v21, v8;
	v21 =	vunpack.i.u.bf16.f32 v24  }
0x137: {  	v18 =	vadd.f32 v22, v18;
	v22 =	vunpack.i.l.bf16.f32 v24;
	v21 =	vmul.f32 v21, v7  }
0x138: {  	v24 =	vld [tilespmem:s11+$0x16700];
	v20 =	vadd.f32 v20, v19;
	v22 =	vmul.f32 v22, v7  }
0x139: {  	v19 =	vunpack.i.u.bf16.f32 v25;
	v18 =	vadd.f32 v21, v18;
	v21 =	vunpack.i.l.bf16.f32 v25  }
0x13a: {  	p2 =	por $0x1, $0x1;
	v25 =	vmul.f32 v19, v6;
	v19 =	vld [tilespmem:s11+$0x16780];
	v20 =	vadd.f32 v22, v20;
	v21 =	vmul.f32 v21, v6  }
.Ltmp4:
0x13b: {  	v22 =	vunpack.i.u.bf16.f32 v23;
	v23 =	vunpack.i.l.bf16.f32 v23;
	(pc) =	sbr.rel @!p2 .LBB2_8-.Ltmp4, $4  }
0x13c: {  	v18 =	vadd.f32 v25, v18;
	v22 =	vmul.f32 v22, v5;
	v25 =	vadd.f32 v21, v20;
	v20 =	vld [tilespmem:s11+$0x16800]  }
0x13d: {  	v23 =	vmul.f32 v23, v5;
	v26 =	vunpack.i.u.bf16.f32 v24  }
0x13e: {  	s1 =	simm.s32 $0x10;
	v24 =	vunpack.i.l.bf16.f32 v24;
	v21 =	vadd.f32 v22, v18;
	v22 =	vmul.f32 v26, v4  }
0x13f: {  	s19 =	simm.s32 $0x80;
	p0 =	por $0x1, $0x1;
	v18 =	vld [tilespmem:s1+$0x16080];
	v24 =	vmul.f32 v24, v4;
	v23 =	vadd.f32 v23, v25;
	v25 =	vunpack.i.u.bf16.f32 v19  }
.LBB2_7:
0x140: {  	p2 =	sne.s32 s19, $0x1C0;
	v26 =	vld [tilespmem:s1+$0x16100];
	v21 =	vadd.f32 v22, v21;
	v19 =	vunpack.i.l.bf16.f32 v19;
	v22 =	vmul.f32 v25, v3  }
0x141: {  	v23 =	vadd.f32 v24, v23;
	v19 =	vmul.f32 v19, v3;
	v24 =	vunpack.i.u.bf16.f32 v20  }
0x142: {  	v20 =	vunpack.i.l.bf16.f32 v20;
	v25 =	vld [tilespmem:s1+$0x16180];
	v21 =	vadd.f32 v22, v21;
	v22 =	vmul.f32 v24, v2  }
0x143: {  	v20 =	vmul.f32 v20, v2;
	v19 =	vadd.f32 v19, v23  }
0x144: {  	v23 =	vunpack.i.l.bf16.f32 v18;
	v24 =	vld [tilespmem:s1+$0x16200];
	v21 =	vadd.f32 v22, v21  }
0x145: {  	v18 =	vunpack.i.u.bf16.f32 v18;
	v22 =	vunpack.i.u.bf16.f32 v26;
	v26 =	vunpack.i.l.bf16.f32 v26  }
0x146: {  	v18 =	vmul.f32 v18, v16;
	v19 =	vadd.f32 v20, v19;
	v22 =	vmul.f32 v22, v17;
	v27 =	vld [tilespmem:s1+$0x16280];
	[tilespmem:s11+$0x1A280] =	vst v21  }
0x147: {  	v20 =	vmul.f32 v23, v16;
	v21 =	vmul.f32 v26, v17;
	v23 =	vunpack.i.u.bf16.f32 v25  }
0x148: {  	v18 =	vadd.f32 v22, v18;
	v22 =	vunpack.i.l.bf16.f32 v25;
	v23 =	vmul.f32 v23, v15;
	v25 =	vld [tilespmem:s1+$0x16300];
	[tilespmem:s11+$0x1A080] =	vst v19;
	s11 =	smov.u32 s1  }
0x149: {  	v19 =	vadd.f32 v21, v20;
	v20 =	vmul.f32 v22, v15;
	v21 =	vunpack.i.u.bf16.f32 v24  }
0x14a: {  	v22 =	vunpack.i.l.bf16.f32 v24;
	v18 =	vadd.f32 v23, v18;
	v21 =	vmul.f32 v21, v14;
	v23 =	vld [tilespmem:s11+$0x16380]  }
0x14b: {  	v19 =	vadd.f32 v20, v19;
	v20 =	vmul.f32 v22, v14;
	v22 =	vunpack.i.u.bf16.f32 v27  }
0x14c: {  	v18 =	vadd.f32 v21, v18;
	v21 =	vunpack.i.l.bf16.f32 v27;
	v22 =	vmul.f32 v22, v13;
	v24 =	vld [tilespmem:s11+$0x16400]  }
0x14d: {  	v19 =	vadd.f32 v20, v19;
	v20 =	vmul.f32 v21, v13;
	v21 =	vunpack.i.u.bf16.f32 v25  }
0x14e: {  	v18 =	vadd.f32 v22, v18;
	v22 =	vunpack.i.l.bf16.f32 v25;
	v21 =	vmul.f32 v21, v12;
	v25 =	vld [tilespmem:s11+$0x16480]  }
0x14f: {  	v19 =	vadd.f32 v20, v19;
	v20 =	vmul.f32 v22, v12;
	v22 =	vunpack.i.u.bf16.f32 v23  }
0x150: {  	v18 =	vadd.f32 v21, v18;
	v21 =	vunpack.i.l.bf16.f32 v23;
	v22 =	vmul.f32 v22, v11;
	v23 =	vld [tilespmem:s11+$0x16500]  }
0x151: {  	v19 =	vadd.f32 v20, v19;
	v20 =	vmul.f32 v21, v11;
	v21 =	vunpack.i.u.bf16.f32 v24  }
0x152: {  	v18 =	vadd.f32 v22, v18;
	v22 =	vunpack.i.l.bf16.f32 v24;
	v21 =	vmul.f32 v21, v10;
	v24 =	vld [tilespmem:s11+$0x16580]  }
0x153: {  	v19 =	vadd.f32 v20, v19;
	v20 =	vmul.f32 v22, v10;
	v22 =	vunpack.i.u.bf16.f32 v25  }
0x154: {  	v18 =	vadd.f32 v21, v18;
	v21 =	vunpack.i.l.bf16.f32 v25;
	v22 =	vmul.f32 v22, v9;
	v25 =	vld [tilespmem:s11+$0x16600]  }
0x155: {  	v19 =	vadd.f32 v20, v19;
	v20 =	vmul.f32 v21, v9;
	v21 =	vunpack.i.u.bf16.f32 v23  }
0x156: {  	v18 =	vadd.f32 v22, v18;
	v22 =	vunpack.i.l.bf16.f32 v23;
	v21 =	vmul.f32 v21, v8;
	v23 =	vld [tilespmem:s11+$0x16680]  }
0x157: {  	v19 =	vadd.f32 v20, v19;
	v20 =	vmul.f32 v22, v8;
	v22 =	vunpack.i.u.bf16.f32 v24  }
0x158: {  	v18 =	vadd.f32 v21, v18;
	v21 =	vunpack.i.l.bf16.f32 v24;
	v22 =	vmul.f32 v22, v7;
	v24 =	vld [tilespmem:s11+$0x16700]  }
0x159: {  	v20 =	vadd.f32 v20, v19;
	v21 =	vmul.f32 v21, v7;
	v19 =	vunpack.i.u.bf16.f32 v25  }
0x15a: {  	v18 =	vadd.f32 v22, v18;
	v22 =	vunpack.i.l.bf16.f32 v25;
	v25 =	vmul.f32 v19, v6;
	v19 =	vld [tilespmem:s11+$0x16780]  }
.Ltmp5:
0x15b: {  	v21 =	vadd.f32 v21, v20;
	v22 =	vmul.f32 v22, v6;
	v20 =	vunpack.i.u.bf16.f32 v23;
	(pc) =	sbr.rel @p2 .LBB2_7-.Ltmp5, $4  }
0x15c: {  	v23 =	vunpack.i.l.bf16.f32 v23;
	v18 =	vadd.f32 v25, v18;
	v25 =	vmul.f32 v20, v5;
	v20 =	vld [tilespmem:s11+$0x16800]  }
0x15d: {  	v23 =	vmul.f32 v23, v5;
	v26 =	vadd.f32 v22, v21;
	v22 =	vunpack.i.u.bf16.f32 v24  }
0x15e: {  	s1 =	sshra.s32 s19, $0x2;
	v24 =	vunpack.i.l.bf16.f32 v24;
	v21 =	vadd.f32 v25, v18;
	v22 =	vmul.f32 v22, v4  }
0x15f: {  	s19 =	sadd.s32 $0x40, s19;
	v24 =	vmul.f32 v24, v4;
	v18 =	vld [tilespmem:s1+$0x16080];
	v23 =	vadd.f32 v23, v26;
	v25 =	vunpack.i.u.bf16.f32 v19  }
.LBB2_8:
0x160: {  	v26 =	vld [tilespmem:s1+$0x16100];
	v21 =	vadd.f32 @p0 v22, v21;
	v19 =	vunpack.i.l.bf16.f32 @p0 v19;
	v22 =	vmul.f32 @p0 v25, v3  }
0x161: {  	v23 =	vadd.f32 @p0 v24, v23;
	v19 =	vmul.f32 @p0 v19, v3;
	v24 =	vunpack.i.u.bf16.f32 @p0 v20  }
0x162: {  	v25 =	vld [tilespmem:s1+$0x16180];
	v20 =	vunpack.i.l.bf16.f32 @p0 v20;
	v21 =	vadd.f32 @p0 v22, v21;
	v22 =	vmul.f32 @p0 v24, v2  }
0x163: {  	v20 =	vmul.f32 @p0 v20, v2  }
0x164: {  	v24 =	vld [tilespmem:s1+$0x16200];
	v19 =	vadd.f32 @p0 v19, v23;
	v23 =	vunpack.i.l.bf16.f32 v18;
	v21 =	vadd.f32 @p0 v22, v21  }
0x165: {  	v18 =	vunpack.i.u.bf16.f32 v18;
	v22 =	vunpack.i.u.bf16.f32 v26;
	v26 =	vunpack.i.l.bf16.f32 v26  }
0x166: {  	v27 =	vld [tilespmem:s1+$0x16280];
	v18 =	vmul.f32 v18, v16;
	v19 =	vadd.f32 @p0 v20, v19;
	v22 =	vmul.f32 v22, v17  }
0x167: {  	v16 =	vmul.f32 v23, v16;
	v20 =	vunpack.i.u.bf16.f32 v25;
	[tilespmem:s11+$0x1A280] =	vst @p0 v21;
	v17 =	vmul.f32 v26, v17  }
0x168: {  	v21 =	vunpack.i.l.bf16.f32 v25;
	v20 =	vmul.f32 v20, v15;
	v18 =	vadd.f32 v22, v18;
	v22 =	vld [tilespmem:s1+$0x16300]  }
0x169: {  	v15 =	vmul.f32 v21, v15;
	[tilespmem:s11+$0x1A080] =	vst @p0 v19;
	v16 =	vadd.f32 v17, v16;
	v17 =	vunpack.i.u.bf16.f32 v24  }
0x16a: {  	v19 =	vunpack.i.l.bf16.f32 v24;
	v17 =	vmul.f32 v17, v14;
	v18 =	vadd.f32 v20, v18;
	v20 =	vld [tilespmem:s1+$0x16380]  }
0x16b: {  	v14 =	vmul.f32 v19, v14;
	v15 =	vadd.f32 v15, v16;
	v16 =	vunpack.i.u.bf16.f32 v27  }
0x16c: {  	v19 =	vld [tilespmem:s1+$0x16400];
	v16 =	vmul.f32 v16, v13;
	v17 =	vadd.f32 v17, v18;
	v18 =	vunpack.i.l.bf16.f32 v27  }
0x16d: {  	v14 =	vadd.f32 v14, v15;
	v13 =	vmul.f32 v18, v13;
	v15 =	vunpack.i.u.bf16.f32 v22  }
0x16e: {  	v18 =	vld [tilespmem:s1+$0x16480];
	v16 =	vadd.f32 v16, v17;
	v17 =	vunpack.i.l.bf16.f32 v22;
	v15 =	vmul.f32 v15, v12  }
0x16f: {  	v13 =	vadd.f32 v13, v14;
	v12 =	vmul.f32 v17, v12;
	v14 =	vunpack.i.u.bf16.f32 v20  }
0x170: {  	v17 =	vld [tilespmem:s1+$0x16500];
	v15 =	vadd.f32 v15, v16;
	v16 =	vunpack.i.l.bf16.f32 v20;
	v14 =	vmul.f32 v14, v11  }
0x171: {  	v12 =	vadd.f32 v12, v13;
	v11 =	vmul.f32 v16, v11;
	v13 =	vunpack.i.u.bf16.f32 v19  }
0x172: {  	v16 =	vld [tilespmem:s1+$0x16580];
	v14 =	vadd.f32 v14, v15;
	v15 =	vunpack.i.l.bf16.f32 v19;
	v13 =	vmul.f32 v13, v10  }
0x173: {  	v11 =	vadd.f32 v11, v12;
	v10 =	vmul.f32 v15, v10;
	v12 =	vunpack.i.u.bf16.f32 v18  }
0x174: {  	v15 =	vld [tilespmem:s1+$0x16600];
	v13 =	vadd.f32 v13, v14;
	v14 =	vunpack.i.l.bf16.f32 v18;
	v12 =	vmul.f32 v12, v9  }
0x175: {  	v10 =	vadd.f32 v10, v11;
	v9 =	vmul.f32 v14, v9;
	v11 =	vunpack.i.u.bf16.f32 v17  }
0x176: {  	v14 =	vld [tilespmem:s1+$0x16680];
	v12 =	vadd.f32 v12, v13;
	v13 =	vunpack.i.l.bf16.f32 v17;
	v11 =	vmul.f32 v11, v8  }
0x177: {  	v9 =	vadd.f32 v9, v10;
	v8 =	vmul.f32 v13, v8;
	v10 =	vunpack.i.u.bf16.f32 v16  }
0x178: {  	v13 =	vld [tilespmem:s1+$0x16700];
	v11 =	vadd.f32 v11, v12;
	v12 =	vunpack.i.l.bf16.f32 v16;
	v10 =	vmul.f32 v10, v7  }
0x179: {  	v8 =	vadd.f32 v8, v9;
	v7 =	vmul.f32 v12, v7;
	v9 =	vunpack.i.u.bf16.f32 v15  }
0x17a: {  	v12 =	vld [tilespmem:s1+$0x16780];
	v10 =	vadd.f32 v10, v11;
	v11 =	vunpack.i.l.bf16.f32 v15;
	v9 =	vmul.f32 v9, v6  }
0x17b: {  	v7 =	vadd.f32 v7, v8;
	v6 =	vmul.f32 v11, v6;
	v8 =	vunpack.i.u.bf16.f32 v14  }
0x17c: {  	v11 =	vld [tilespmem:s1+$0x16800];
	v9 =	vadd.f32 v9, v10;
	v10 =	vunpack.i.l.bf16.f32 v14;
	v8 =	vmul.f32 v8, v5  }
0x17d: {  	v6 =	vadd.f32 v6, v7;
	v5 =	vmul.f32 v10, v5;
	v7 =	vunpack.i.u.bf16.f32 v13  }
0x17e: {  	v8 =	vadd.f32 v8, v9;
	v9 =	vunpack.i.l.bf16.f32 v13;
	v7 =	vmul.f32 v7, v4  }
0x17f: {  	v5 =	vadd.f32 v5, v6;
	v4 =	vmul.f32 v9, v4;
	v6 =	vunpack.i.u.bf16.f32 v12  }
0x180: {  	v7 =	vadd.f32 v7, v8;
	v6 =	vmul.f32 v6, v3;
	v8 =	vunpack.i.l.bf16.f32 v12  }
0x181: {  	v4 =	vadd.f32 v4, v5;
	v3 =	vmul.f32 v8, v3;
	v5 =	vunpack.i.u.bf16.f32 v11  }
0x182: {  	v8 =	vadd.s32 $0x10, v1;
	v6 =	vadd.f32 v6, v7;
	v7 =	vunpack.i.l.bf16.f32 v11  }
0x183: {  	v5 =	vmul.f32 v5, v2;
	v3 =	vadd.f32 v3, v4;
	v2 =	vmul.f32 v7, v2  }
0x184: {  	v4 =	vbroadcast v8, $0x0  }
0x185: {  	v5 =	vadd.f32 v5, v6;
	v2 =	vadd.f32 v2, v3;
	v3 =	vadd.s32 $0x11, v1  }
0x186: {  	v20 =	vadd.s32 $0x1F, v1;
	v3 =	vbroadcast v3, $0x0  }
0x187: {  	v20 =	vbroadcast v20, $0x0;
	v18 =	vadd.s32 $0x1D, v1;
	v6 =	vadd.s32 $0x12, v1;
	[tilespmem:s1+$0x1A280] =	vst v5  }
0x188: {  	s11 =	simm.s32 $0x0;
	v18 =	vbroadcast v18, $0x0;
	v16 =	vadd.s32 $0x1C, v1;
	v5 =	vbroadcast v6, $0x0;
	[tilespmem:s1+$0x1A080] =	vst v2  }
0x189: {  	v16 =	vbroadcast v16, $0x0;
	v9 =	vadd.s32 $0x16, v1;
	v7 =	vadd.s32 $0x13, v1;
	v12 =	vld [tilespmem:s11+$0x16880]  }
0x18a: {  	v9 =	vbroadcast v9, $0x0;
	v6 =	vbroadcast v7, $0x0;
	v2 =	vld.idx.msk [tilespmem:v4+s28+$0x0], $0xffff;
	v4 =	vadd.s32 $0x17, v1  }
0x18b: {  	v7 =	vadd.s32 $0x14, v1;
	v14 =	vld [tilespmem:s11+$0x16900];
	v10 =	vbroadcast v4, $0x0;
	v4 =	vadd.s32 $0x18, v1  }
0x18c: {  	v7 =	vbroadcast v7, $0x0;
	v13 =	vbroadcast v4, $0x0;
	v4 =	vadd.s32 $0x1A, v1;
	v3 =	vld.idx.msk [tilespmem:v3+s28+$0x0], $0xffff  }
0x18d: {  	v8 =	vadd.s32 $0x15, v1;
	v19 =	vld [tilespmem:s11+$0x16980];
	v15 =	vbroadcast v4, $0x0;
	v4 =	vadd.s32 $0x1B, v1  }
0x18e: {  	v11 =	vadd.s32 $0x19, v1;
	v8 =	vbroadcast v8, $0x0;
	v17 =	vbroadcast v4, $0x0;
	v4 =	vld.idx.msk [tilespmem:v5+s28+$0x0], $0xffff  }
0x18f: {  	v11 =	vbroadcast v11, $0x0;
	v22 =	vld [tilespmem:s11+$0x16A00];
	v5 =	vadd.s32 $0x1E, v1;
	v23 =	vunpack.i.l.bf16.f32 v12  }
0x190: {  	v21 =	vbroadcast v5, $0x0;
	v5 =	vld.idx.msk [tilespmem:v6+s28+$0x0], $0xffff;
	v6 =	vunpack.i.u.bf16.f32 v12;
	v12 =	vunpack.i.u.bf16.f32 v14  }
0x191: {  	v25 =	vld [tilespmem:s11+$0x16A80];
	v14 =	vunpack.i.l.bf16.f32 v14;
	v24 =	vmul.f32 v6, v2;
	v12 =	vmul.f32 v12, v3  }
0x192: {  	v23 =	vmul.f32 v23, v2;
	v6 =	vld.idx.msk [tilespmem:v7+s28+$0x0], $0xffff;
	v7 =	vunpack.i.u.bf16.f32 v19;
	v14 =	vmul.f32 v14, v3  }
0x193: {  	v26 =	vld [tilespmem:s11+$0x16B00];
	v19 =	vunpack.i.l.bf16.f32 v19;
	v12 =	vadd.f32 v12, v24;
	v24 =	vmul.f32 v7, v4  }
0x194: {  	v19 =	vmul.f32 v19, v4;
	v7 =	vld.idx.msk [tilespmem:v8+s28+$0x0], $0xffff;
	v14 =	vadd.f32 v14, v23;
	v8 =	vunpack.i.u.bf16.f32 v22  }
0x195: {  	v22 =	vunpack.i.l.bf16.f32 v22;
	v23 =	vmul.f32 v8, v5;
	v12 =	vadd.f32 v24, v12;
	v24 =	vld [tilespmem:s11+$0x16B80]  }
0x196: {  	v8 =	vld.idx.msk [tilespmem:v9+s28+$0x0], $0xffff;
	v9 =	vunpack.i.u.bf16.f32 v25;
	v14 =	vadd.f32 v19, v14;
	v19 =	vmul.f32 v22, v5  }
0x197: {  	v22 =	vunpack.i.l.bf16.f32 v25;
	v25 =	vld [tilespmem:s11+$0x16C00];
	v12 =	vadd.f32 v23, v12;
	v23 =	vmul.f32 v9, v6  }
0x198: {  	v9 =	vld.idx.msk [tilespmem:v10+s28+$0x0], $0xffff;
	v14 =	vadd.f32 v19, v14;
	v19 =	vmul.f32 v22, v6;
	v10 =	vunpack.i.u.bf16.f32 v26  }
0x199: {  	v22 =	vunpack.i.l.bf16.f32 v26;
	v26 =	vld [tilespmem:s11+$0x16C80];
	v12 =	vadd.f32 v23, v12;
	v23 =	vmul.f32 v10, v7  }
0x19a: {  	v10 =	vld.idx.msk [tilespmem:v13+s28+$0x0], $0xffff;
	v13 =	vadd.f32 v19, v14;
	v14 =	vmul.f32 v22, v7;
	v19 =	vunpack.i.u.bf16.f32 v24  }
0x19b: {  	v22 =	vunpack.i.l.bf16.f32 v24;
	v12 =	vadd.f32 v23, v12;
	v19 =	vmul.f32 v19, v8;
	v23 =	vld [tilespmem:s11+$0x16D00]  }
0x19c: {  	v11 =	vld.idx.msk [tilespmem:v11+s28+$0x0], $0xffff;
	v13 =	vadd.f32 v14, v13;
	v14 =	vmul.f32 v22, v8;
	v22 =	vunpack.i.u.bf16.f32 v25  }
0x19d: {  	v24 =	vunpack.i.l.bf16.f32 v25;
	v25 =	vld [tilespmem:s11+$0x16D80];
	v22 =	vmul.f32 v22, v9;
	v19 =	vadd.f32 v19, v12  }
0x19e: {  	v12 =	vld.idx.msk [tilespmem:v15+s28+$0x0], $0xffff;
	v14 =	vadd.f32 v14, v13;
	v15 =	vmul.f32 v24, v9;
	v13 =	vunpack.i.u.bf16.f32 v26  }
0x19f: {  	v24 =	vmul.f32 v13, v10;
	v19 =	vadd.f32 v22, v19;
	v22 =	vunpack.i.l.bf16.f32 v26;
	v26 =	vld [tilespmem:s11+$0x16E00]  }
0x1a0: {  	v13 =	vld.idx.msk [tilespmem:v17+s28+$0x0], $0xffff;
	v15 =	vadd.f32 v15, v14;
	v17 =	vmul.f32 v22, v10;
	v14 =	vunpack.i.u.bf16.f32 v23  }
0x1a1: {  	v22 =	vunpack.i.l.bf16.f32 v23;
	v19 =	vadd.f32 v24, v19;
	v23 =	vmul.f32 v14, v11;
	v24 =	vld [tilespmem:s11+$0x16E80]  }
0x1a2: {  	v14 =	vld.idx.msk [tilespmem:v16+s28+$0x0], $0xffff;
	v16 =	vadd.f32 v17, v15;
	v17 =	vmul.f32 v22, v11;
	v15 =	vunpack.i.u.bf16.f32 v25  }
0x1a3: {  	v22 =	vunpack.i.l.bf16.f32 v25;
	v25 =	vld [tilespmem:s11+$0x16F00];
	v19 =	vadd.f32 v23, v19;
	v23 =	vmul.f32 v15, v12  }
0x1a4: {  	v15 =	vld.idx.msk [tilespmem:v18+s28+$0x0], $0xffff;
	v16 =	vadd.f32 v17, v16;
	v17 =	vmul.f32 v22, v12;
	v18 =	vunpack.i.u.bf16.f32 v26  }
0x1a5: {  	v22 =	vunpack.i.l.bf16.f32 v26;
	v19 =	vadd.f32 v23, v19;
	v23 =	vmul.f32 v18, v13  }
0x1a6: {  	v18 =	vld [tilespmem:s11+$0x16F80];
	v22 =	vmul.f32 v22, v13;
	v26 =	vadd.f32 v17, v16  }
0x1a7: {  	v16 =	vunpack.i.u.bf16.f32 v24;
	v17 =	vld.idx.msk [tilespmem:v21+s28+$0x0], $0xffff;
	v21 =	vadd.f32 v23, v19;
	v19 =	vunpack.i.l.bf16.f32 v24  }
0x1a8: {  	v23 =	vmul.f32 v16, v14;
	v24 =	vadd.f32 v22, v26;
	v26 =	vmul.f32 v19, v14;
	v19 =	vld [tilespmem:s11+$0x17000]  }
0x1a9: {  	v16 =	vld.idx.msk [tilespmem:v20+s28+$0x0], $0xffff;
	v20 =	vunpack.i.u.bf16.f32 v25  }
0x1aa: {  	s1 =	simm.s32 $0x10;
	v25 =	vunpack.i.l.bf16.f32 v25;
	v22 =	vmul.f32 v20, v15;
	v21 =	vadd.f32 v23, v21  }
0x1ab: {  	s19 =	simm.s32 $0x80;
	v20 =	vld [tilespmem:s1+$0x16880];
	v23 =	vadd.f32 v26, v24;
	v24 =	vmul.f32 v25, v15;
	v25 =	vunpack.i.u.bf16.f32 v18  }
.LBB2_9:
0x1ac: {  	p0 =	sne.s32 s19, $0x1C0;
	v26 =	vld [tilespmem:s1+$0x16900];
	v21 =	vadd.f32 v22, v21;
	v18 =	vunpack.i.l.bf16.f32 v18;
	v22 =	vmul.f32 v25, v17  }
0x1ad: {  	v23 =	vadd.f32 v24, v23;
	v18 =	vmul.f32 v18, v17;
	v24 =	vunpack.i.u.bf16.f32 v19  }
0x1ae: {  	v19 =	vunpack.i.l.bf16.f32 v19;
	v25 =	vld [tilespmem:s1+$0x16980];
	v21 =	vadd.f32 v22, v21;
	v22 =	vmul.f32 v24, v16  }
0x1af: {  	v19 =	vmul.f32 v19, v16;
	v18 =	vadd.f32 v18, v23  }
0x1b0: {  	v23 =	vunpack.i.l.bf16.f32 v20;
	v24 =	vld [tilespmem:s1+$0x16A00];
	v21 =	vadd.f32 v22, v21  }
0x1b1: {  	v20 =	vunpack.i.u.bf16.f32 v20;
	v22 =	vunpack.i.u.bf16.f32 v26;
	v26 =	vunpack.i.l.bf16.f32 v26  }
0x1b2: {  	v20 =	vmul.f32 v20, v2;
	v18 =	vadd.f32 v19, v18;
	v22 =	vmul.f32 v22, v3;
	v27 =	vld [tilespmem:s1+$0x16A80];
	[tilespmem:s11+$0x1A300] =	vst v21  }
0x1b3: {  	v19 =	vmul.f32 v23, v2;
	v21 =	vmul.f32 v26, v3;
	v23 =	vunpack.i.u.bf16.f32 v25  }
0x1b4: {  	v20 =	vadd.f32 v22, v20;
	v22 =	vunpack.i.l.bf16.f32 v25;
	v23 =	vmul.f32 v23, v4;
	v25 =	vld [tilespmem:s1+$0x16B00];
	[tilespmem:s11+$0x1A100] =	vst v18;
	s11 =	smov.u32 s1  }
0x1b5: {  	v18 =	vadd.f32 v21, v19;
	v19 =	vmul.f32 v22, v4;
	v21 =	vunpack.i.u.bf16.f32 v24  }
0x1b6: {  	v22 =	vunpack.i.l.bf16.f32 v24;
	v20 =	vadd.f32 v23, v20;
	v21 =	vmul.f32 v21, v5;
	v23 =	vld [tilespmem:s11+$0x16B80]  }
0x1b7: {  	v18 =	vadd.f32 v19, v18;
	v19 =	vmul.f32 v22, v5;
	v22 =	vunpack.i.u.bf16.f32 v27  }
0x1b8: {  	v20 =	vadd.f32 v21, v20;
	v21 =	vunpack.i.l.bf16.f32 v27;
	v22 =	vmul.f32 v22, v6;
	v24 =	vld [tilespmem:s11+$0x16C00]  }
0x1b9: {  	v18 =	vadd.f32 v19, v18;
	v19 =	vmul.f32 v21, v6;
	v21 =	vunpack.i.u.bf16.f32 v25  }
0x1ba: {  	v20 =	vadd.f32 v22, v20;
	v22 =	vunpack.i.l.bf16.f32 v25;
	v21 =	vmul.f32 v21, v7;
	v25 =	vld [tilespmem:s11+$0x16C80]  }
0x1bb: {  	v18 =	vadd.f32 v19, v18;
	v19 =	vmul.f32 v22, v7;
	v22 =	vunpack.i.u.bf16.f32 v23  }
0x1bc: {  	v20 =	vadd.f32 v21, v20;
	v21 =	vunpack.i.l.bf16.f32 v23;
	v22 =	vmul.f32 v22, v8;
	v23 =	vld [tilespmem:s11+$0x16D00]  }
0x1bd: {  	v18 =	vadd.f32 v19, v18;
	v19 =	vmul.f32 v21, v8;
	v21 =	vunpack.i.u.bf16.f32 v24  }
0x1be: {  	v20 =	vadd.f32 v22, v20;
	v22 =	vunpack.i.l.bf16.f32 v24;
	v21 =	vmul.f32 v21, v9;
	v24 =	vld [tilespmem:s11+$0x16D80]  }
0x1bf: {  	v18 =	vadd.f32 v19, v18;
	v19 =	vmul.f32 v22, v9;
	v22 =	vunpack.i.u.bf16.f32 v25  }
0x1c0: {  	v20 =	vadd.f32 v21, v20;
	v21 =	vunpack.i.l.bf16.f32 v25;
	v22 =	vmul.f32 v22, v10;
	v25 =	vld [tilespmem:s11+$0x16E00]  }
0x1c1: {  	v18 =	vadd.f32 v19, v18;
	v19 =	vmul.f32 v21, v10;
	v21 =	vunpack.i.u.bf16.f32 v23  }
0x1c2: {  	v20 =	vadd.f32 v22, v20;
	v22 =	vunpack.i.l.bf16.f32 v23;
	v21 =	vmul.f32 v21, v11;
	v23 =	vld [tilespmem:s11+$0x16E80]  }
0x1c3: {  	v18 =	vadd.f32 v19, v18;
	v19 =	vmul.f32 v22, v11;
	v22 =	vunpack.i.u.bf16.f32 v24  }
0x1c4: {  	v20 =	vadd.f32 v21, v20;
	v21 =	vunpack.i.l.bf16.f32 v24;
	v22 =	vmul.f32 v22, v12;
	v24 =	vld [tilespmem:s11+$0x16F00]  }
0x1c5: {  	v19 =	vadd.f32 v19, v18;
	v21 =	vmul.f32 v21, v12;
	v18 =	vunpack.i.u.bf16.f32 v25  }
0x1c6: {  	v20 =	vadd.f32 v22, v20;
	v22 =	vunpack.i.l.bf16.f32 v25;
	v25 =	vmul.f32 v18, v13;
	v18 =	vld [tilespmem:s11+$0x16F80]  }
.Ltmp6:
0x1c7: {  	v21 =	vadd.f32 v21, v19;
	v22 =	vmul.f32 v22, v13;
	v19 =	vunpack.i.u.bf16.f32 v23;
	(pc) =	sbr.rel @p0 .LBB2_9-.Ltmp6, $4  }
0x1c8: {  	v23 =	vunpack.i.l.bf16.f32 v23;
	v20 =	vadd.f32 v25, v20;
	v25 =	vmul.f32 v19, v14;
	v19 =	vld [tilespmem:s11+$0x17000]  }
0x1c9: {  	v23 =	vmul.f32 v23, v14;
	v26 =	vadd.f32 v22, v21;
	v22 =	vunpack.i.u.bf16.f32 v24  }
0x1ca: {  	s1 =	sshra.s32 s19, $0x2;
	v24 =	vunpack.i.l.bf16.f32 v24;
	v21 =	vadd.f32 v25, v20;
	v22 =	vmul.f32 v22, v15  }
0x1cb: {  	s19 =	sadd.s32 $0x40, s19;
	v24 =	vmul.f32 v24, v15;
	v20 =	vld [tilespmem:s1+$0x16880];
	v23 =	vadd.f32 v23, v26;
	v25 =	vunpack.i.u.bf16.f32 v18  }
0x1cc: {  	v26 =	vld [tilespmem:s1+$0x16900];
	v21 =	vadd.f32 v22, v21;
	v18 =	vunpack.i.l.bf16.f32 v18;
	v22 =	vmul.f32 v25, v17  }
0x1cd: {  	v23 =	vadd.f32 v24, v23;
	v18 =	vmul.f32 v18, v17;
	v24 =	vunpack.i.u.bf16.f32 v19  }
0x1ce: {  	v25 =	vld [tilespmem:s1+$0x16980];
	v19 =	vunpack.i.l.bf16.f32 v19;
	v21 =	vadd.f32 v22, v21;
	v22 =	vmul.f32 v24, v16  }
0x1cf: {  	v19 =	vmul.f32 v19, v16  }
0x1d0: {  	v24 =	vld [tilespmem:s1+$0x16A00];
	v18 =	vadd.f32 v18, v23;
	v23 =	vunpack.i.l.bf16.f32 v20;
	v21 =	vadd.f32 v22, v21  }
0x1d1: {  	v20 =	vunpack.i.u.bf16.f32 v20;
	v22 =	vunpack.i.u.bf16.f32 v26;
	v26 =	vunpack.i.l.bf16.f32 v26  }
0x1d2: {  	v27 =	vld [tilespmem:s1+$0x16A80];
	v20 =	vmul.f32 v20, v2;
	v18 =	vadd.f32 v19, v18;
	v22 =	vmul.f32 v22, v3  }
0x1d3: {  	v2 =	vmul.f32 v23, v2;
	v19 =	vunpack.i.u.bf16.f32 v25;
	[tilespmem:s11+$0x1A300] =	vst v21;
	v3 =	vmul.f32 v26, v3  }
0x1d4: {  	v21 =	vunpack.i.l.bf16.f32 v25;
	v19 =	vmul.f32 v19, v4;
	v20 =	vadd.f32 v22, v20;
	v22 =	vld [tilespmem:s1+$0x16B00]  }
0x1d5: {  	[tilespmem:s11+$0x1A100] =	vst v18;
	v2 =	vadd.f32 v3, v2;
	v3 =	vmul.f32 v21, v4;
	v4 =	vunpack.i.u.bf16.f32 v24  }
0x1d6: {  	v4 =	vmul.f32 v4, v5;
	v18 =	vadd.f32 v19, v20;
	v19 =	vunpack.i.l.bf16.f32 v24;
	v20 =	vld [tilespmem:s1+$0x16B80]  }
0x1d7: {  	v2 =	vadd.f32 v3, v2;
	v3 =	vmul.f32 v19, v5;
	v5 =	vunpack.i.u.bf16.f32 v27  }
0x1d8: {  	v19 =	vld [tilespmem:s1+$0x16C00];
	v4 =	vadd.f32 v4, v18;
	v18 =	vunpack.i.l.bf16.f32 v27;
	v5 =	vmul.f32 v5, v6  }
0x1d9: {  	v2 =	vadd.f32 v3, v2;
	v3 =	vmul.f32 v18, v6;
	v6 =	vunpack.i.u.bf16.f32 v22  }
0x1da: {  	v18 =	vld [tilespmem:s1+$0x16C80];
	v4 =	vadd.f32 v5, v4;
	v5 =	vunpack.i.l.bf16.f32 v22;
	v6 =	vmul.f32 v6, v7  }
0x1db: {  	v2 =	vadd.f32 v3, v2;
	v3 =	vmul.f32 v5, v7;
	v5 =	vunpack.i.u.bf16.f32 v20  }
0x1dc: {  	v7 =	vld [tilespmem:s1+$0x16D00];
	v4 =	vadd.f32 v6, v4;
	v6 =	vunpack.i.l.bf16.f32 v20;
	v5 =	vmul.f32 v5, v8  }
0x1dd: {  	v2 =	vadd.f32 v3, v2;
	v3 =	vmul.f32 v6, v8;
	v6 =	vunpack.i.u.bf16.f32 v19  }
0x1de: {  	v8 =	vld [tilespmem:s1+$0x16D80];
	v4 =	vadd.f32 v5, v4;
	v5 =	vunpack.i.l.bf16.f32 v19;
	v6 =	vmul.f32 v6, v9  }
0x1df: {  	v2 =	vadd.f32 v3, v2;
	v3 =	vmul.f32 v5, v9;
	v5 =	vunpack.i.u.bf16.f32 v18  }
0x1e0: {  	v9 =	vld [tilespmem:s1+$0x16E00];
	v4 =	vadd.f32 v6, v4;
	v6 =	vunpack.i.l.bf16.f32 v18;
	v5 =	vmul.f32 v5, v10  }
0x1e1: {  	v2 =	vadd.f32 v3, v2;
	v3 =	vmul.f32 v6, v10;
	v6 =	vunpack.i.u.bf16.f32 v7  }
0x1e2: {  	v4 =	vadd.f32 v5, v4;
	v5 =	vunpack.i.l.bf16.f32 v7;
	v6 =	vmul.f32 v6, v11;
	v7 =	vld [tilespmem:s1+$0x16E80]  }
0x1e3: {  	v2 =	vadd.f32 v3, v2;
	v3 =	vmul.f32 v5, v11;
	v5 =	vunpack.i.u.bf16.f32 v8  }
0x1e4: {  	v4 =	vadd.f32 v6, v4;
	v6 =	vunpack.i.l.bf16.f32 v8;
	v5 =	vmul.f32 v5, v12;
	v8 =	vld [tilespmem:s1+$0x16F00]  }
0x1e5: {  	v2 =	vadd.f32 v3, v2;
	v3 =	vmul.f32 v6, v12;
	v6 =	vunpack.i.u.bf16.f32 v9  }
0x1e6: {  	v4 =	vadd.f32 v5, v4;
	v5 =	vunpack.i.l.bf16.f32 v9;
	v6 =	vmul.f32 v6, v13;
	v9 =	vld [tilespmem:s1+$0x16F80]  }
0x1e7: {  	v2 =	vadd.f32 v3, v2;
	v3 =	vmul.f32 v5, v13;
	v5 =	vunpack.i.u.bf16.f32 v7  }
0x1e8: {  	v4 =	vadd.f32 v6, v4;
	v6 =	vunpack.i.l.bf16.f32 v7;
	v5 =	vmul.f32 v5, v14;
	v7 =	vld [tilespmem:s1+$0x17000]  }
0x1e9: {  	v2 =	vadd.f32 v3, v2;
	v3 =	vmul.f32 v6, v14;
	v6 =	vunpack.i.u.bf16.f32 v8  }
0x1ea: {  	v4 =	vadd.f32 v5, v4;
	v5 =	vunpack.i.l.bf16.f32 v8;
	v6 =	vmul.f32 v6, v15  }
0x1eb: {  	v2 =	vadd.f32 v3, v2;
	v3 =	vmul.f32 v5, v15;
	v5 =	vunpack.i.u.bf16.f32 v9  }
0x1ec: {  	v4 =	vadd.f32 v6, v4;
	v6 =	vunpack.i.l.bf16.f32 v9;
	v5 =	vmul.f32 v5, v17  }
0x1ed: {  	v2 =	vadd.f32 v3, v2;
	v3 =	vmul.f32 v6, v17;
	v6 =	vunpack.i.u.bf16.f32 v7  }
0x1ee: {  	v4 =	vadd.f32 v5, v4;
	v5 =	vunpack.i.l.bf16.f32 v7;
	v6 =	vmul.f32 v6, v16  }
0x1ef: {  	v2 =	vadd.f32 v3, v2;
	v3 =	vmul.f32 v5, v16  }
0x1f0: {  	s2 =	sor.u32 $0x21, s10;
	v5 =	vadd.s32 $0x20, v1;
	v4 =	vadd.f32 v6, v4  }
0x1f1: {  	p0 =	sgt.s32 s5, $0x26;
	s0 =	sor.u32 $0x22, s10;
	s19 =	sor.u32 $0x23, s10;
	v2 =	vadd.f32 v3, v2;
	v3 =	vbroadcast v5, $0x0;
	v5 =	vmov s2  }
0x1f2: {  	s11 =	sshll.u32 @!p0 s5, $0x9;
	v7 =	vmov s19;
	v6 =	vmov s0;
	s0 =	sor.u32 $0x26, s10;
	v5 =	vand.u32 $0xFFFFFFE1, v5  }
0x1f3: {  	s9 =	sor.u32 $0x24, s10;
	s11 =	sshra.s32 @!p0 s11, $0x2;
	s19 =	simm.s32 @!p0 $0x20;
	v8 =	vmov s0;
	[tilespmem:s1+$0x1A300] =	vst v4;
	v4 =	vbroadcast v5, $0x0;
	v5 =	vand.u32 $0xFFFFFFE2, v6  }
0x1f4: {  	s2 =	sadd.s32 @!p0 $0x13900, s11;
	v6 =	vand.u32 $0xFFFFFFE3, v7;
	[tilespmem:s1+$0x1A100] =	vst v2;
	s1 =	simm.s32 @!p0 $0x16080;
	v2 =	vmov s9;
	s9 =	sor.u32 $0x25, s10;
	v5 =	vbroadcast v5, $0x0  }
0x1f5: {  	v6 =	vbroadcast v6, $0x0;
	[tilespmem:s1], [sflag:$0x1] =	stream.indirect.gather @!p0 [spmem:s4], $0x80, s2, s19, $0xb8;
	v2 =	vand.u32 $0xFFFFFFE4, v2;
	v7 =	vmov s9;
	[tilespmem:$0x1FD80] =	vst v63  }
0x1f6: {  	s19 =	sor.u32 $0x29, s10;
	v9 =	vbroadcast v2, $0x0;
	v2 =	vand.u32 $0xFFFFFFE5, v7;
	v7 =	vand.u32 $0xFFFFFFE6, v8  }
0x1f7: {  	s2 =	sor.u32 $0x27, s10;
	s9 =	sor.u32 $0x28, s10;
	_ =	swait.ge [sflag:s29], $0x1000;
	v11 =	vmov s19;
	v8 =	vbroadcast v2, $0x0;
	v10 =	vbroadcast v7, $0x0  }
0x1f8: {  	v2 =	vmov s2;
	[sflag:s29] =	ssyncset.done $0x0;
	v7 =	vmov s9;
	v11 =	vand.u32 $0xFFFFFFE9, v11  }
0x1f9: {  	s9 =	sor.u32 $0x2C, s10;
	v2 =	vand.u32 $0xFFFFFFE7, v2;
	[sflag:s29] =	ssyncadd.s32 $0xFFFFF000;
	v7 =	vand.u32 $0xFFFFFFE8, v7;
	v11 =	vbroadcast v11, $0x0  }
0x1fa: {  	s1 =	sor.u32 $0x2A, s10;
	s19 =	simm.s32 $0x0;
	s2 =	sor.u32 $0x2B, s10;
	v14 =	vmov s9;
	v12 =	vbroadcast v2, $0x0;
	v2 =	vld.idx.msk [tilespmem:v3+s28+$0x0], $0xffff;
	v13 =	vbroadcast v7, $0x0  }
0x1fb: {  	s9 =	sor.u32 $0x2F, s10;
	v3 =	vmov s1;
	v7 =	vmov s2;
	v15 =	vld [tilespmem:s19+$0x17080];
	v14 =	vand.u32 $0xFFFFFFEC, v14  }
0x1fc: {  	s1 =	sor.u32 $0x2D, s10;
	v17 =	vld [tilespmem:s19+$0x17100];
	v20 =	vmov s9;
	v3 =	vand.u32 $0xFFFFFFEA, v3;
	v7 =	vand.u32 $0xFFFFFFEB, v7  }
0x1fd: {  	s2 =	sor.u32 $0x2E, s10;
	v14 =	vbroadcast v14, $0x0;
	v16 =	vbroadcast v3, $0x0;
	v3 =	vld.idx.msk [tilespmem:v4+s28+$0x0], $0xffff;
	v4 =	vmov s1  }
0x1fe: {  	v21 =	vld [tilespmem:s19+$0x17180];
	v19 =	vmov s2;
	v18 =	vbroadcast v7, $0x0;
	v7 =	vand.u32 $0xFFFFFFED, v4  }
0x1ff: {  	v4 =	vld.idx.msk [tilespmem:v5+s28+$0x0], $0xffff;
	v5 =	vand.u32 $0xFFFFFFEE, v19;
	v22 =	vbroadcast v7, $0x0;
	v7 =	vand.u32 $0xFFFFFFEF, v20  }
0x200: {  	v23 =	vld [tilespmem:s19+$0x17200];
	v19 =	vbroadcast v5, $0x0;
	v20 =	vbroadcast v7, $0x0  }
0x201: {  	v5 =	vld.idx.msk [tilespmem:v6+s28+$0x0], $0xffff;
	v7 =	vunpack.i.l.bf16.f32 v15;
	v6 =	vunpack.i.u.bf16.f32 v15;
	v15 =	vunpack.i.u.bf16.f32 v17  }
0x202: {  	v25 =	vld [tilespmem:s19+$0x17280];
	v17 =	vunpack.i.l.bf16.f32 v17;
	v24 =	vmul.f32 v6, v2;
	v15 =	vmul.f32 v15, v3  }
0x203: {  	v6 =	vld.idx.msk [tilespmem:v9+s28+$0x0], $0xffff;
	v9 =	vmul.f32 v7, v2;
	v7 =	vunpack.i.u.bf16.f32 v21;
	v17 =	vmul.f32 v17, v3  }
0x204: {  	v26 =	vld [tilespmem:s19+$0x17300];
	v21 =	vunpack.i.l.bf16.f32 v21;
	v15 =	vadd.f32 v15, v24;
	v24 =	vmul.f32 v7, v4  }
0x205: {  	v7 =	vld.idx.msk [tilespmem:v8+s28+$0x0], $0xffff;
	v9 =	vadd.f32 v17, v9;
	v17 =	vmul.f32 v21, v4;
	v8 =	vunpack.i.u.bf16.f32 v23  }
0x206: {  	v21 =	vunpack.i.l.bf16.f32 v23;
	v23 =	vmul.f32 v8, v5;
	v15 =	vadd.f32 v24, v15;
	v24 =	vld [tilespmem:s19+$0x17380]  }
0x207: {  	v8 =	vld.idx.msk [tilespmem:v10+s28+$0x0], $0xffff;
	v10 =	vadd.f32 v17, v9;
	v17 =	vmul.f32 v21, v5;
	v9 =	vunpack.i.u.bf16.f32 v25  }
0x208: {  	v21 =	vunpack.i.l.bf16.f32 v25;
	v25 =	vld [tilespmem:s19+$0x17400];
	v15 =	vadd.f32 v23, v15;
	v23 =	vmul.f32 v9, v6  }
0x209: {  	v9 =	vld.idx.msk [tilespmem:v12+s28+$0x0], $0xffff;
	v12 =	vadd.f32 v17, v10;
	v17 =	vmul.f32 v21, v6;
	v10 =	vunpack.i.u.bf16.f32 v26  }
0x20a: {  	v21 =	vunpack.i.l.bf16.f32 v26;
	v26 =	vld [tilespmem:s19+$0x17480];
	v15 =	vadd.f32 v23, v15;
	v23 =	vmul.f32 v10, v7  }
0x20b: {  	v10 =	vld.idx.msk [tilespmem:v13+s28+$0x0], $0xffff;
	v12 =	vadd.f32 v17, v12;
	v13 =	vmul.f32 v21, v7;
	v17 =	vunpack.i.u.bf16.f32 v24  }
0x20c: {  	v21 =	vunpack.i.l.bf16.f32 v24;
	v15 =	vadd.f32 v23, v15;
	v17 =	vmul.f32 v17, v8;
	v23 =	vld [tilespmem:s19+$0x17500]  }
0x20d: {  	v11 =	vld.idx.msk [tilespmem:v11+s28+$0x0], $0xffff;
	v13 =	vadd.f32 v13, v12;
	v21 =	vmul.f32 v21, v8;
	v12 =	vunpack.i.u.bf16.f32 v25  }
0x20e: {  	v24 =	vmul.f32 v12, v9;
	v15 =	vadd.f32 v17, v15;
	v17 =	vunpack.i.l.bf16.f32 v25;
	v25 =	vld [tilespmem:s19+$0x17580]  }
0x20f: {  	v12 =	vld.idx.msk [tilespmem:v16+s28+$0x0], $0xffff;
	v16 =	vadd.f32 v21, v13;
	v13 =	vunpack.i.u.bf16.f32 v26;
	v17 =	vmul.f32 v17, v9  }
0x210: {  	v21 =	vunpack.i.l.bf16.f32 v26;
	v26 =	vld [tilespmem:s19+$0x17600];
	v15 =	vadd.f32 v24, v15;
	v24 =	vmul.f32 v13, v10  }
0x211: {  	v13 =	vld.idx.msk [tilespmem:v18+s28+$0x0], $0xffff;
	v16 =	vadd.f32 v17, v16;
	v17 =	vmul.f32 v21, v10;
	v18 =	vunpack.i.u.bf16.f32 v23  }
0x212: {  	v14 =	vld.idx.msk [tilespmem:v14+s28+$0x0], $0xffff;
	v21 =	vunpack.i.l.bf16.f32 v23;
	v15 =	vadd.f32 v24, v15;
	v18 =	vmul.f32 v18, v11  }
0x213: {  	v23 =	vld [tilespmem:s19+$0x17680];
	v16 =	vadd.f32 v17, v16;
	v17 =	vmul.f32 v21, v11;
	v21 =	vunpack.i.u.bf16.f32 v25  }
0x214: {  	v24 =	vunpack.i.l.bf16.f32 v25;
	v25 =	vld [tilespmem:s19+$0x17700];
	v18 =	vadd.f32 v18, v15;
	v21 =	vmul.f32 v21, v12  }
0x215: {  	v15 =	vld.idx.msk [tilespmem:v22+s28+$0x0], $0xffff;
	v22 =	vunpack.i.u.bf16.f32 v26;
	v16 =	vadd.f32 v17, v16;
	v17 =	vmul.f32 v24, v12  }
0x216: {  	v24 =	vunpack.i.l.bf16.f32 v26;
	v22 =	vmul.f32 v22, v13;
	v21 =	vadd.f32 v21, v18  }
0x217: {  	v18 =	vld [tilespmem:s19+$0x17780];
	v24 =	vmul.f32 v24, v13;
	v26 =	vadd.f32 v17, v16  }
0x218: {  	v16 =	vunpack.i.u.bf16.f32 v23;
	v17 =	vld.idx.msk [tilespmem:v19+s28+$0x0], $0xffff;
	v19 =	vunpack.i.l.bf16.f32 v23;
	v21 =	vadd.f32 v22, v21  }
0x219: {  	v22 =	vmul.f32 v16, v14;
	v23 =	vadd.f32 v24, v26;
	v24 =	vmul.f32 v19, v14;
	v19 =	vld [tilespmem:s19+$0x17800]  }
0x21a: {  	v16 =	vld.idx.msk [tilespmem:v20+s28+$0x0], $0xffff;
	v20 =	vunpack.i.u.bf16.f32 v25  }
0x21b: {  	s1 =	simm.s32 $0x10;
	v25 =	vunpack.i.l.bf16.f32 v25;
	v21 =	vadd.f32 v22, v21;
	v22 =	vmul.f32 v20, v15  }
0x21c: {  	s2 =	simm.s32 $0x80;
	v20 =	vld [tilespmem:s1+$0x17080];
	v23 =	vadd.f32 v24, v23;
	v24 =	vmul.f32 v25, v15;
	v25 =	vunpack.i.u.bf16.f32 v18  }
.LBB2_11:
0x21d: {  	p2 =	sne.s32 s2, $0x1C0;
	v26 =	vld [tilespmem:s1+$0x17100];
	v21 =	vadd.f32 v22, v21;
	v18 =	vunpack.i.l.bf16.f32 v18;
	v22 =	vmul.f32 v25, v17  }
0x21e: {  	v23 =	vadd.f32 v24, v23;
	v18 =	vmul.f32 v18, v17;
	v24 =	vunpack.i.u.bf16.f32 v19  }
0x21f: {  	v19 =	vunpack.i.l.bf16.f32 v19;
	v25 =	vld [tilespmem:s1+$0x17180];
	v21 =	vadd.f32 v22, v21;
	v22 =	vmul.f32 v24, v16  }
0x220: {  	v19 =	vmul.f32 v19, v16;
	v18 =	vadd.f32 v18, v23  }
0x221: {  	v23 =	vunpack.i.l.bf16.f32 v20;
	v24 =	vld [tilespmem:s1+$0x17200];
	v21 =	vadd.f32 v22, v21  }
0x222: {  	v20 =	vunpack.i.u.bf16.f32 v20;
	v22 =	vunpack.i.u.bf16.f32 v26;
	v26 =	vunpack.i.l.bf16.f32 v26  }
0x223: {  	v20 =	vmul.f32 v20, v2;
	v18 =	vadd.f32 v19, v18;
	v22 =	vmul.f32 v22, v3;
	v27 =	vld [tilespmem:s1+$0x17280];
	[tilespmem:s19+$0x1A380] =	vst v21  }
0x224: {  	v19 =	vmul.f32 v23, v2;
	v21 =	vmul.f32 v26, v3;
	v23 =	vunpack.i.u.bf16.f32 v25  }
0x225: {  	v20 =	vadd.f32 v22, v20;
	v22 =	vunpack.i.l.bf16.f32 v25;
	v23 =	vmul.f32 v23, v4;
	v25 =	vld [tilespmem:s1+$0x17300];
	[tilespmem:s19+$0x1A180] =	vst v18;
	s19 =	smov.u32 s1  }
0x226: {  	v18 =	vadd.f32 v21, v19;
	v19 =	vmul.f32 v22, v4;
	v21 =	vunpack.i.u.bf16.f32 v24  }
0x227: {  	v22 =	vunpack.i.l.bf16.f32 v24;
	v20 =	vadd.f32 v23, v20;
	v21 =	vmul.f32 v21, v5;
	v23 =	vld [tilespmem:s19+$0x17380]  }
0x228: {  	v18 =	vadd.f32 v19, v18;
	v19 =	vmul.f32 v22, v5;
	v22 =	vunpack.i.u.bf16.f32 v27  }
0x229: {  	v20 =	vadd.f32 v21, v20;
	v21 =	vunpack.i.l.bf16.f32 v27;
	v22 =	vmul.f32 v22, v6;
	v24 =	vld [tilespmem:s19+$0x17400]  }
0x22a: {  	v18 =	vadd.f32 v19, v18;
	v19 =	vmul.f32 v21, v6;
	v21 =	vunpack.i.u.bf16.f32 v25  }
0x22b: {  	v20 =	vadd.f32 v22, v20;
	v22 =	vunpack.i.l.bf16.f32 v25;
	v21 =	vmul.f32 v21, v7;
	v25 =	vld [tilespmem:s19+$0x17480]  }
0x22c: {  	v18 =	vadd.f32 v19, v18;
	v19 =	vmul.f32 v22, v7;
	v22 =	vunpack.i.u.bf16.f32 v23  }
0x22d: {  	v20 =	vadd.f32 v21, v20;
	v21 =	vunpack.i.l.bf16.f32 v23;
	v22 =	vmul.f32 v22, v8;
	v23 =	vld [tilespmem:s19+$0x17500]  }
0x22e: {  	v18 =	vadd.f32 v19, v18;
	v19 =	vmul.f32 v21, v8;
	v21 =	vunpack.i.u.bf16.f32 v24  }
0x22f: {  	v20 =	vadd.f32 v22, v20;
	v22 =	vunpack.i.l.bf16.f32 v24;
	v21 =	vmul.f32 v21, v9;
	v24 =	vld [tilespmem:s19+$0x17580]  }
0x230: {  	v18 =	vadd.f32 v19, v18;
	v19 =	vmul.f32 v22, v9;
	v22 =	vunpack.i.u.bf16.f32 v25  }
0x231: {  	v20 =	vadd.f32 v21, v20;
	v21 =	vunpack.i.l.bf16.f32 v25;
	v22 =	vmul.f32 v22, v10;
	v25 =	vld [tilespmem:s19+$0x17600]  }
0x232: {  	v18 =	vadd.f32 v19, v18;
	v19 =	vmul.f32 v21, v10;
	v21 =	vunpack.i.u.bf16.f32 v23  }
0x233: {  	v20 =	vadd.f32 v22, v20;
	v22 =	vunpack.i.l.bf16.f32 v23;
	v21 =	vmul.f32 v21, v11;
	v23 =	vld [tilespmem:s19+$0x17680]  }
0x234: {  	v18 =	vadd.f32 v19, v18;
	v19 =	vmul.f32 v22, v11;
	v22 =	vunpack.i.u.bf16.f32 v24  }
0x235: {  	v20 =	vadd.f32 v21, v20;
	v21 =	vunpack.i.l.bf16.f32 v24;
	v22 =	vmul.f32 v22, v12;
	v24 =	vld [tilespmem:s19+$0x17700]  }
0x236: {  	v19 =	vadd.f32 v19, v18;
	v21 =	vmul.f32 v21, v12;
	v18 =	vunpack.i.u.bf16.f32 v25  }
0x237: {  	v20 =	vadd.f32 v22, v20;
	v22 =	vunpack.i.l.bf16.f32 v25;
	v25 =	vmul.f32 v18, v13;
	v18 =	vld [tilespmem:s19+$0x17780]  }
.Ltmp7:
0x238: {  	v21 =	vadd.f32 v21, v19;
	v22 =	vmul.f32 v22, v13;
	v19 =	vunpack.i.u.bf16.f32 v23;
	(pc) =	sbr.rel @p2 .LBB2_11-.Ltmp7, $4  }
0x239: {  	v23 =	vunpack.i.l.bf16.f32 v23;
	v20 =	vadd.f32 v25, v20;
	v25 =	vmul.f32 v19, v14;
	v19 =	vld [tilespmem:s19+$0x17800]  }
0x23a: {  	v23 =	vmul.f32 v23, v14;
	v26 =	vadd.f32 v22, v21;
	v22 =	vunpack.i.u.bf16.f32 v24  }
0x23b: {  	s1 =	sshra.s32 s2, $0x2;
	v24 =	vunpack.i.l.bf16.f32 v24;
	v21 =	vadd.f32 v25, v20;
	v22 =	vmul.f32 v22, v15  }
0x23c: {  	s2 =	sadd.s32 $0x40, s2;
	v24 =	vmul.f32 v24, v15;
	v20 =	vld [tilespmem:s1+$0x17080];
	v23 =	vadd.f32 v23, v26;
	v25 =	vunpack.i.u.bf16.f32 v18  }
0x23d: {  	v26 =	vld [tilespmem:s1+$0x17100];
	v21 =	vadd.f32 v22, v21;
	v18 =	vunpack.i.l.bf16.f32 v18;
	v22 =	vmul.f32 v25, v17  }
0x23e: {  	v23 =	vadd.f32 v24, v23;
	v18 =	vmul.f32 v18, v17;
	v24 =	vunpack.i.u.bf16.f32 v19  }
0x23f: {  	v25 =	vld [tilespmem:s1+$0x17180];
	v19 =	vunpack.i.l.bf16.f32 v19;
	v21 =	vadd.f32 v22, v21;
	v22 =	vmul.f32 v24, v16  }
0x240: {  	v19 =	vmul.f32 v19, v16  }
0x241: {  	v24 =	vld [tilespmem:s1+$0x17200];
	v18 =	vadd.f32 v18, v23;
	v23 =	vunpack.i.l.bf16.f32 v20;
	v21 =	vadd.f32 v22, v21  }
0x242: {  	v20 =	vunpack.i.u.bf16.f32 v20;
	v22 =	vunpack.i.u.bf16.f32 v26;
	v26 =	vunpack.i.l.bf16.f32 v26  }
0x243: {  	v27 =	vld [tilespmem:s1+$0x17280];
	v20 =	vmul.f32 v20, v2;
	v18 =	vadd.f32 v19, v18;
	v22 =	vmul.f32 v22, v3  }
0x244: {  	v2 =	vmul.f32 v23, v2;
	v19 =	vunpack.i.u.bf16.f32 v25;
	[tilespmem:s19+$0x1A380] =	vst v21;
	v3 =	vmul.f32 v26, v3  }
0x245: {  	v21 =	vunpack.i.l.bf16.f32 v25;
	v19 =	vmul.f32 v19, v4;
	v20 =	vadd.f32 v22, v20;
	v22 =	vld [tilespmem:s1+$0x17300]  }
0x246: {  	[tilespmem:s19+$0x1A180] =	vst v18;
	v2 =	vadd.f32 v3, v2;
	v3 =	vmul.f32 v21, v4;
	v4 =	vunpack.i.u.bf16.f32 v24  }
0x247: {  	v4 =	vmul.f32 v4, v5;
	v18 =	vadd.f32 v19, v20;
	v19 =	vunpack.i.l.bf16.f32 v24;
	v20 =	vld [tilespmem:s1+$0x17380]  }
0x248: {  	v2 =	vadd.f32 v3, v2;
	v3 =	vmul.f32 v19, v5;
	v5 =	vunpack.i.u.bf16.f32 v27  }
0x249: {  	v19 =	vld [tilespmem:s1+$0x17400];
	v4 =	vadd.f32 v4, v18;
	v18 =	vunpack.i.l.bf16.f32 v27;
	v5 =	vmul.f32 v5, v6  }
0x24a: {  	v2 =	vadd.f32 v3, v2;
	v3 =	vmul.f32 v18, v6;
	v6 =	vunpack.i.u.bf16.f32 v22  }
0x24b: {  	v18 =	vld [tilespmem:s1+$0x17480];
	v4 =	vadd.f32 v5, v4;
	v5 =	vunpack.i.l.bf16.f32 v22;
	v6 =	vmul.f32 v6, v7  }
0x24c: {  	v2 =	vadd.f32 v3, v2;
	v3 =	vmul.f32 v5, v7;
	v5 =	vunpack.i.u.bf16.f32 v20  }
0x24d: {  	v7 =	vld [tilespmem:s1+$0x17500];
	v4 =	vadd.f32 v6, v4;
	v6 =	vunpack.i.l.bf16.f32 v20;
	v5 =	vmul.f32 v5, v8  }
0x24e: {  	v2 =	vadd.f32 v3, v2;
	v3 =	vmul.f32 v6, v8;
	v6 =	vunpack.i.u.bf16.f32 v19  }
0x24f: {  	v8 =	vld [tilespmem:s1+$0x17580];
	v4 =	vadd.f32 v5, v4;
	v5 =	vunpack.i.l.bf16.f32 v19;
	v6 =	vmul.f32 v6, v9  }
0x250: {  	v2 =	vadd.f32 v3, v2;
	v3 =	vmul.f32 v5, v9;
	v5 =	vunpack.i.u.bf16.f32 v18  }
0x251: {  	v9 =	vld [tilespmem:s1+$0x17600];
	v4 =	vadd.f32 v6, v4;
	v6 =	vunpack.i.l.bf16.f32 v18;
	v5 =	vmul.f32 v5, v10  }
0x252: {  	v2 =	vadd.f32 v3, v2;
	v3 =	vmul.f32 v6, v10;
	v6 =	vunpack.i.u.bf16.f32 v7  }
0x253: {  	v4 =	vadd.f32 v5, v4;
	v5 =	vunpack.i.l.bf16.f32 v7;
	v6 =	vmul.f32 v6, v11;
	v7 =	vld [tilespmem:s1+$0x17680]  }
0x254: {  	v2 =	vadd.f32 v3, v2;
	v3 =	vmul.f32 v5, v11;
	v5 =	vunpack.i.u.bf16.f32 v8  }
0x255: {  	v4 =	vadd.f32 v6, v4;
	v6 =	vunpack.i.l.bf16.f32 v8;
	v5 =	vmul.f32 v5, v12;
	v8 =	vld [tilespmem:s1+$0x17700]  }
0x256: {  	v2 =	vadd.f32 v3, v2;
	v3 =	vmul.f32 v6, v12;
	v6 =	vunpack.i.u.bf16.f32 v9  }
0x257: {  	v4 =	vadd.f32 v5, v4;
	v5 =	vunpack.i.l.bf16.f32 v9;
	v6 =	vmul.f32 v6, v13;
	v9 =	vld [tilespmem:s1+$0x17780]  }
0x258: {  	v2 =	vadd.f32 v3, v2;
	v3 =	vmul.f32 v5, v13;
	v5 =	vunpack.i.u.bf16.f32 v7  }
0x259: {  	v4 =	vadd.f32 v6, v4;
	v6 =	vunpack.i.l.bf16.f32 v7;
	v5 =	vmul.f32 v5, v14  }
0x25a: {  	v7 =	vld [tilespmem:s1+$0x17800];
	v2 =	vadd.f32 v3, v2;
	v3 =	vmul.f32 v6, v14;
	v6 =	vunpack.i.u.bf16.f32 v8  }
0x25b: {  	v4 =	vadd.f32 v5, v4;
	v5 =	vunpack.i.l.bf16.f32 v8;
	v6 =	vmul.f32 v6, v15  }
0x25c: {  	v2 =	vadd.f32 v3, v2;
	v3 =	vmul.f32 v5, v15;
	v5 =	vunpack.i.u.bf16.f32 v9  }
0x25d: {  	v4 =	vadd.f32 v6, v4;
	v6 =	vunpack.i.l.bf16.f32 v9;
	v5 =	vmul.f32 v5, v17  }
0x25e: {  	v2 =	vadd.f32 v3, v2;
	v3 =	vmul.f32 v6, v17  }
0x25f: {  	s19 =	sor.u32 $0x33, s10;
	v6 =	vunpack.i.u.bf16.f32 v7;
	v4 =	vadd.f32 v5, v4;
	v5 =	vunpack.i.l.bf16.f32 v7  }
0x260: {  	s9 =	sor.u32 $0x31, s10;
	v7 =	vmov s19;
	v2 =	vadd.f32 v3, v2;
	v3 =	vmul.f32 v5, v16  }
0x261: {  	s0 =	sor.u32 $0x30, s10;
	v6 =	vmul.f32 v6, v16;
	s19 =	sor.u32 $0x36, s10;
	v5 =	vmov s9;
	v7 =	vand.u32 $0xFFFFFFF3, v7  }
0x262: {  	s2 =	sor.u32 $0x32, s10;
	v10 =	vmov s19;
	v2 =	vadd.f32 v3, v2;
	v3 =	vmov s0  }
0x263: {  	s9 =	sor.u32 $0x35, s10;
	v4 =	vadd.f32 v6, v4;
	v6 =	vmov s2;
	v3 =	vand.u32 $0xFFFFFFF0, v3  }
0x264: {  	v5 =	vand.u32 $0xFFFFFFF1, v5;
	v9 =	vmov s9;
	v3 =	vbroadcast v3, $0x0  }
0x265: {  	s2 =	sor.u32 $0x34, s10;
	v7 =	vbroadcast v7, $0x0;
	s9 =	sor.u32 $0x38, s10;
	v6 =	vand.u32 $0xFFFFFFF2, v6;
	v5 =	vbroadcast v5, $0x0  }
0x266: {  	v8 =	vmov s2;
	v9 =	vand.u32 $0xFFFFFFF5, v9;
	v11 =	vmov s9  }
0x267: {  	s2 =	sor.u32 $0x37, s10;
	v6 =	vbroadcast v6, $0x0;
	v8 =	vand.u32 $0xFFFFFFF4, v8;
	v9 =	vbroadcast v9, $0x0  }
0x268: {  	[tilespmem:s1+$0x1A380] =	vst v4;
	v4 =	vand.u32 $0xFFFFFFF6, v10;
	v10 =	vmov s2;
	v8 =	vbroadcast v8, $0x0  }
0x269: {  	s19 =	sor.u32 $0x39, s10;
	s2 =	sor.u32 $0x3B, s10;
	[tilespmem:s1+$0x1A180] =	vst v2;
	v12 =	vbroadcast v4, $0x0;
	v4 =	vand.u32 $0xFFFFFFF7, v10;
	v10 =	vand.u32 $0xFFFFFFF8, v11  }
0x26a: {  	s1 =	sor.u32 $0x3A, s10;
	v13 =	vmov s2;
	v11 =	vbroadcast v4, $0x0;
	v2 =	vld.idx.msk [tilespmem:v3+s28+$0x0], $0xffff;
	v3 =	vmov s19;
	s19 =	simm.s32 $0x0  }
0x26b: {  	s2 =	sor.u32 $0x3E, s10;
	v10 =	vbroadcast v10, $0x0;
	v4 =	vmov s1;
	v13 =	vand.u32 $0xFFFFFFFB, v13;
	v14 =	vld [tilespmem:s19+$0x17880]  }
0x26c: {  	s9 =	sor.u32 $0x3C, s10;
	v19 =	vmov s2;
	v4 =	vand.u32 $0xFFFFFFFA, v4;
	v3 =	vand.u32 $0xFFFFFFF9, v3;
	v16 =	vld [tilespmem:s19+$0x17900]  }
0x26d: {  	s1 =	sor.u32 $0x3D, s10;
	v17 =	vbroadcast v4, $0x0;
	v4 =	vmov s9;
	v15 =	vbroadcast v3, $0x0;
	v3 =	vld.idx.msk [tilespmem:v5+s28+$0x0], $0xffff  }
0x26e: {  	v13 =	vbroadcast v13, $0x0;
	v18 =	vmov s1;
	v20 =	vld [tilespmem:s19+$0x17980];
	v5 =	vand.u32 $0xFFFFFFFC, v4  }
0x26f: {  	v4 =	vld.idx.msk [tilespmem:v6+s28+$0x0], $0xffff;
	v6 =	vand.u32 $0xFFFFFFFE, v19;
	v21 =	vbroadcast v5, $0x0;
	v5 =	vand.u32 $0xFFFFFFFD, v18  }
0x270: {  	v23 =	vld [tilespmem:s19+$0x17A00];
	v19 =	vbroadcast v6, $0x0;
	v18 =	vbroadcast v5, $0x0  }
0x271: {  	v5 =	vld.idx.msk [tilespmem:v7+s28+$0x0], $0xffff;
	v7 =	vunpack.i.l.bf16.f32 v14;
	v6 =	vunpack.i.u.bf16.f32 v14;
	v14 =	vunpack.i.u.bf16.f32 v16  }
0x272: {  	v25 =	vld [tilespmem:s19+$0x17A80];
	v16 =	vunpack.i.l.bf16.f32 v16;
	v24 =	vmul.f32 v6, v2;
	v14 =	vmul.f32 v14, v3  }
0x273: {  	v6 =	vld.idx.msk [tilespmem:v8+s28+$0x0], $0xffff;
	v8 =	vmul.f32 v7, v2;
	v16 =	vmul.f32 v16, v3;
	v7 =	vunpack.i.u.bf16.f32 v20  }
0x274: {  	v26 =	vld [tilespmem:s19+$0x17B00];
	v20 =	vunpack.i.l.bf16.f32 v20;
	v14 =	vadd.f32 v14, v24;
	v24 =	vmul.f32 v7, v4  }
0x275: {  	v7 =	vld.idx.msk [tilespmem:v9+s28+$0x0], $0xffff;
	v9 =	vadd.f32 v16, v8;
	v16 =	vmul.f32 v20, v4;
	v8 =	vunpack.i.u.bf16.f32 v23  }
0x276: {  	v20 =	vunpack.i.l.bf16.f32 v23;
	v23 =	vmul.f32 v8, v5;
	v14 =	vadd.f32 v24, v14;
	v24 =	vld [tilespmem:s19+$0x17B80]  }
0x277: {  	v8 =	vld.idx.msk [tilespmem:v12+s28+$0x0], $0xffff;
	v12 =	vadd.f32 v16, v9;
	v16 =	vmul.f32 v20, v5;
	v9 =	vunpack.i.u.bf16.f32 v25  }
0x278: {  	v20 =	vunpack.i.l.bf16.f32 v25;
	v25 =	vld [tilespmem:s19+$0x17C00];
	v14 =	vadd.f32 v23, v14;
	v23 =	vmul.f32 v9, v6  }
0x279: {  	v9 =	vld.idx.msk [tilespmem:v11+s28+$0x0], $0xffff;
	v11 =	vadd.f32 v16, v12;
	v12 =	vmul.f32 v20, v6;
	v16 =	vunpack.i.u.bf16.f32 v26  }
0x27a: {  	v20 =	vunpack.i.l.bf16.f32 v26;
	v16 =	vmul.f32 v16, v7;
	v14 =	vadd.f32 v23, v14;
	v23 =	vld [tilespmem:s19+$0x17C80]  }
0x27b: {  	v10 =	vld.idx.msk [tilespmem:v10+s28+$0x0], $0xffff;
	v20 =	vmul.f32 v20, v7;
	v12 =	vadd.f32 v12, v11;
	v11 =	vunpack.i.u.bf16.f32 v24  }
0x27c: {  	v26 =	vld [tilespmem:s19+$0x17D00];
	v14 =	vadd.f32 v16, v14;
	v16 =	vunpack.i.l.bf16.f32 v24;
	v24 =	vmul.f32 v11, v8  }
0x27d: {  	v11 =	vld.idx.msk [tilespmem:v15+s28+$0x0], $0xffff;
	v15 =	vadd.f32 v20, v12;
	v12 =	vunpack.i.u.bf16.f32 v25;
	v16 =	vmul.f32 v16, v8  }
0x27e: {  	v20 =	vunpack.i.l.bf16.f32 v25;
	v25 =	vld [tilespmem:s19+$0x17D80];
	v14 =	vadd.f32 v24, v14;
	v24 =	vmul.f32 v12, v9  }
0x27f: {  	v12 =	vld.idx.msk [tilespmem:v17+s28+$0x0], $0xffff;
	v15 =	vadd.f32 v16, v15;
	v16 =	vmul.f32 v20, v9;
	v17 =	vunpack.i.u.bf16.f32 v23  }
0x280: {  	v13 =	vld.idx.msk [tilespmem:v13+s28+$0x0], $0xffff;
	v20 =	vunpack.i.l.bf16.f32 v23;
	v14 =	vadd.f32 v24, v14;
	v17 =	vmul.f32 v17, v10  }
0x281: {  	v23 =	vld [tilespmem:s19+$0x17E00];
	v15 =	vadd.f32 v16, v15;
	v16 =	vmul.f32 v20, v10;
	v20 =	vunpack.i.u.bf16.f32 v26  }
0x282: {  	v24 =	vunpack.i.l.bf16.f32 v26;
	v26 =	vld [tilespmem:s19+$0x17E80];
	v17 =	vadd.f32 v17, v14;
	v20 =	vmul.f32 v20, v11  }
0x283: {  	v14 =	vld.idx.msk [tilespmem:v21+s28+$0x0], $0xffff;
	v21 =	vmul.f32 v24, v11;
	v16 =	vadd.f32 v16, v15;
	v15 =	vunpack.i.u.bf16.f32 v25  }
0x284: {  	s9 =	sor.u32 $0x3F, s10;
	v17 =	vadd.f32 v20, v17;
	v20 =	vunpack.i.l.bf16.f32 v25;
	v24 =	vmul.f32 v15, v12  }
0x285: {  	v22 =	vmov s9;
	v25 =	vld [tilespmem:s19+$0x17F00];
	v16 =	vadd.f32 v21, v16;
	v20 =	vmul.f32 v20, v12  }
0x286: {  	v15 =	vld.idx.msk [tilespmem:v18+s28+$0x0], $0xffff;
	v18 =	vunpack.i.u.bf16.f32 v23;
	v21 =	vadd.f32 v24, v17  }
0x287: {  	v17 =	vunpack.i.l.bf16.f32 v23;
	v23 =	vmul.f32 v18, v13;
	v18 =	vld [tilespmem:s19+$0x17F80];
	v20 =	vadd.f32 v20, v16  }
0x288: {  	v24 =	vmul.f32 v17, v13;
	v16 =	vunpack.i.u.bf16.f32 v26;
	v17 =	vld.idx.msk [tilespmem:v19+s28+$0x0], $0xffff;
	v19 =	vunpack.i.l.bf16.f32 v26  }
0x289: {  	v21 =	vadd.f32 v23, v21;
	v23 =	vmul.f32 v16, v14;
	v26 =	vmul.f32 v19, v14;
	v19 =	vld [tilespmem:s19+$0x18000]  }
0x28a: {  	v16 =	vld.idx.msk [tilespmem:v22+s28+$0x0], $0xffff;
	v24 =	vadd.f32 v24, v20;
	v20 =	vunpack.i.u.bf16.f32 v25  }
0x28b: {  	s1 =	simm.s32 $0x10;
	v25 =	vunpack.i.l.bf16.f32 v25;
	v21 =	vadd.f32 v23, v21;
	v22 =	vmul.f32 v20, v15  }
0x28c: {  	s2 =	simm.s32 $0x80;
	v20 =	vld [tilespmem:s1+$0x17880];
	v23 =	vadd.f32 v26, v24;
	v24 =	vmul.f32 v25, v15;
	v25 =	vunpack.i.u.bf16.f32 v18  }
.LBB2_13:
0x28d: {  	p2 =	sne.s32 s2, $0x1C0;
	v26 =	vld [tilespmem:s1+$0x17900];
	v21 =	vadd.f32 v22, v21;
	v18 =	vunpack.i.l.bf16.f32 v18;
	v22 =	vmul.f32 v25, v17  }
0x28e: {  	v23 =	vadd.f32 v24, v23;
	v18 =	vmul.f32 v18, v17;
	v24 =	vunpack.i.u.bf16.f32 v19  }
0x28f: {  	v19 =	vunpack.i.l.bf16.f32 v19;
	v25 =	vld [tilespmem:s1+$0x17980];
	v21 =	vadd.f32 v22, v21;
	v22 =	vmul.f32 v24, v16  }
0x290: {  	v19 =	vmul.f32 v19, v16;
	v18 =	vadd.f32 v18, v23  }
0x291: {  	v23 =	vunpack.i.l.bf16.f32 v20;
	v24 =	vld [tilespmem:s1+$0x17A00];
	v21 =	vadd.f32 v22, v21  }
0x292: {  	v20 =	vunpack.i.u.bf16.f32 v20;
	v22 =	vunpack.i.u.bf16.f32 v26;
	v26 =	vunpack.i.l.bf16.f32 v26  }
0x293: {  	v20 =	vmul.f32 v20, v2;
	v18 =	vadd.f32 v19, v18;
	v22 =	vmul.f32 v22, v3;
	v27 =	vld [tilespmem:s1+$0x17A80];
	[tilespmem:s19+$0x1A400] =	vst v21  }
0x294: {  	v19 =	vmul.f32 v23, v2;
	v21 =	vmul.f32 v26, v3;
	v23 =	vunpack.i.u.bf16.f32 v25  }
0x295: {  	v20 =	vadd.f32 v22, v20;
	v22 =	vunpack.i.l.bf16.f32 v25;
	v23 =	vmul.f32 v23, v4;
	v25 =	vld [tilespmem:s1+$0x17B00];
	[tilespmem:s19+$0x1A200] =	vst v18;
	s19 =	smov.u32 s1  }
0x296: {  	v18 =	vadd.f32 v21, v19;
	v19 =	vmul.f32 v22, v4;
	v21 =	vunpack.i.u.bf16.f32 v24  }
0x297: {  	v22 =	vunpack.i.l.bf16.f32 v24;
	v20 =	vadd.f32 v23, v20;
	v21 =	vmul.f32 v21, v5;
	v23 =	vld [tilespmem:s19+$0x17B80]  }
0x298: {  	v18 =	vadd.f32 v19, v18;
	v19 =	vmul.f32 v22, v5;
	v22 =	vunpack.i.u.bf16.f32 v27  }
0x299: {  	v20 =	vadd.f32 v21, v20;
	v21 =	vunpack.i.l.bf16.f32 v27;
	v22 =	vmul.f32 v22, v6;
	v24 =	vld [tilespmem:s19+$0x17C00]  }
0x29a: {  	v18 =	vadd.f32 v19, v18;
	v19 =	vmul.f32 v21, v6;
	v21 =	vunpack.i.u.bf16.f32 v25  }
0x29b: {  	v20 =	vadd.f32 v22, v20;
	v22 =	vunpack.i.l.bf16.f32 v25;
	v21 =	vmul.f32 v21, v7;
	v25 =	vld [tilespmem:s19+$0x17C80]  }
0x29c: {  	v18 =	vadd.f32 v19, v18;
	v19 =	vmul.f32 v22, v7;
	v22 =	vunpack.i.u.bf16.f32 v23  }
0x29d: {  	v20 =	vadd.f32 v21, v20;
	v21 =	vunpack.i.l.bf16.f32 v23;
	v22 =	vmul.f32 v22, v8;
	v23 =	vld [tilespmem:s19+$0x17D00]  }
0x29e: {  	v18 =	vadd.f32 v19, v18;
	v19 =	vmul.f32 v21, v8;
	v21 =	vunpack.i.u.bf16.f32 v24  }
0x29f: {  	v20 =	vadd.f32 v22, v20;
	v22 =	vunpack.i.l.bf16.f32 v24;
	v21 =	vmul.f32 v21, v9;
	v24 =	vld [tilespmem:s19+$0x17D80]  }
0x2a0: {  	v18 =	vadd.f32 v19, v18;
	v19 =	vmul.f32 v22, v9;
	v22 =	vunpack.i.u.bf16.f32 v25  }
0x2a1: {  	v20 =	vadd.f32 v21, v20;
	v21 =	vunpack.i.l.bf16.f32 v25;
	v22 =	vmul.f32 v22, v10;
	v25 =	vld [tilespmem:s19+$0x17E00]  }
0x2a2: {  	v18 =	vadd.f32 v19, v18;
	v19 =	vmul.f32 v21, v10;
	v21 =	vunpack.i.u.bf16.f32 v23  }
0x2a3: {  	v20 =	vadd.f32 v22, v20;
	v22 =	vunpack.i.l.bf16.f32 v23;
	v21 =	vmul.f32 v21, v11;
	v23 =	vld [tilespmem:s19+$0x17E80]  }
0x2a4: {  	v18 =	vadd.f32 v19, v18;
	v19 =	vmul.f32 v22, v11;
	v22 =	vunpack.i.u.bf16.f32 v24  }
0x2a5: {  	v20 =	vadd.f32 v21, v20;
	v21 =	vunpack.i.l.bf16.f32 v24;
	v22 =	vmul.f32 v22, v12;
	v24 =	vld [tilespmem:s19+$0x17F00]  }
0x2a6: {  	v19 =	vadd.f32 v19, v18;
	v21 =	vmul.f32 v21, v12;
	v18 =	vunpack.i.u.bf16.f32 v25  }
0x2a7: {  	v20 =	vadd.f32 v22, v20;
	v22 =	vunpack.i.l.bf16.f32 v25;
	v25 =	vmul.f32 v18, v13;
	v18 =	vld [tilespmem:s19+$0x17F80]  }
.Ltmp8:
0x2a8: {  	v21 =	vadd.f32 v21, v19;
	v22 =	vmul.f32 v22, v13;
	v19 =	vunpack.i.u.bf16.f32 v23;
	(pc) =	sbr.rel @p2 .LBB2_13-.Ltmp8, $4  }
0x2a9: {  	v23 =	vunpack.i.l.bf16.f32 v23;
	v20 =	vadd.f32 v25, v20;
	v25 =	vmul.f32 v19, v14;
	v19 =	vld [tilespmem:s19+$0x18000]  }
0x2aa: {  	v23 =	vmul.f32 v23, v14;
	v26 =	vadd.f32 v22, v21;
	v22 =	vunpack.i.u.bf16.f32 v24  }
0x2ab: {  	s1 =	sshra.s32 s2, $0x2;
	v24 =	vunpack.i.l.bf16.f32 v24;
	v21 =	vadd.f32 v25, v20;
	v22 =	vmul.f32 v22, v15  }
0x2ac: {  	s2 =	sadd.s32 $0x40, s2;
	v24 =	vmul.f32 v24, v15;
	v20 =	vld [tilespmem:s1+$0x17880];
	v23 =	vadd.f32 v23, v26;
	v25 =	vunpack.i.u.bf16.f32 v18  }
0x2ad: {  	v26 =	vld [tilespmem:s1+$0x17900];
	v21 =	vadd.f32 v22, v21;
	v18 =	vunpack.i.l.bf16.f32 v18;
	v22 =	vmul.f32 v25, v17  }
0x2ae: {  	v23 =	vadd.f32 v24, v23;
	v18 =	vmul.f32 v18, v17;
	v24 =	vunpack.i.u.bf16.f32 v19  }
0x2af: {  	v25 =	vld [tilespmem:s1+$0x17980];
	v19 =	vunpack.i.l.bf16.f32 v19;
	v21 =	vadd.f32 v22, v21;
	v22 =	vmul.f32 v24, v16  }
0x2b0: {  	v19 =	vmul.f32 v19, v16  }
0x2b1: {  	v24 =	vld [tilespmem:s1+$0x17A00];
	v18 =	vadd.f32 v18, v23;
	v23 =	vunpack.i.l.bf16.f32 v20;
	v21 =	vadd.f32 v22, v21  }
0x2b2: {  	v20 =	vunpack.i.u.bf16.f32 v20;
	v22 =	vunpack.i.u.bf16.f32 v26;
	v26 =	vunpack.i.l.bf16.f32 v26  }
0x2b3: {  	v27 =	vld [tilespmem:s1+$0x17A80];
	v20 =	vmul.f32 v20, v2;
	v18 =	vadd.f32 v19, v18;
	v22 =	vmul.f32 v22, v3  }
0x2b4: {  	v2 =	vmul.f32 v23, v2;
	v19 =	vunpack.i.u.bf16.f32 v25;
	[tilespmem:s19+$0x1A400] =	vst v21;
	v3 =	vmul.f32 v26, v3  }
0x2b5: {  	v21 =	vunpack.i.l.bf16.f32 v25;
	v19 =	vmul.f32 v19, v4;
	v20 =	vadd.f32 v22, v20;
	v22 =	vld [tilespmem:s1+$0x17B00]  }
0x2b6: {  	[tilespmem:s19+$0x1A200] =	vst v18;
	v2 =	vadd.f32 v3, v2;
	v3 =	vmul.f32 v21, v4;
	v4 =	vunpack.i.u.bf16.f32 v24  }
0x2b7: {  	v4 =	vmul.f32 v4, v5;
	v18 =	vadd.f32 v19, v20;
	v19 =	vunpack.i.l.bf16.f32 v24;
	v20 =	vld [tilespmem:s1+$0x17B80]  }
0x2b8: {  	v2 =	vadd.f32 v3, v2;
	v3 =	vmul.f32 v19, v5;
	v5 =	vunpack.i.u.bf16.f32 v27  }
0x2b9: {  	v19 =	vld [tilespmem:s1+$0x17C00];
	v4 =	vadd.f32 v4, v18;
	v18 =	vunpack.i.l.bf16.f32 v27;
	v5 =	vmul.f32 v5, v6  }
0x2ba: {  	v2 =	vadd.f32 v3, v2;
	v3 =	vmul.f32 v18, v6;
	v6 =	vunpack.i.u.bf16.f32 v22  }
0x2bb: {  	v18 =	vld [tilespmem:s1+$0x17C80];
	v4 =	vadd.f32 v5, v4;
	v5 =	vunpack.i.l.bf16.f32 v22;
	v6 =	vmul.f32 v6, v7  }
0x2bc: {  	v2 =	vadd.f32 v3, v2;
	v3 =	vmul.f32 v5, v7;
	v5 =	vunpack.i.u.bf16.f32 v20  }
0x2bd: {  	v7 =	vld [tilespmem:s1+$0x17D00];
	v4 =	vadd.f32 v6, v4;
	v6 =	vunpack.i.l.bf16.f32 v20;
	v5 =	vmul.f32 v5, v8  }
0x2be: {  	v2 =	vadd.f32 v3, v2;
	v3 =	vmul.f32 v6, v8;
	v6 =	vunpack.i.u.bf16.f32 v19  }
0x2bf: {  	v8 =	vld [tilespmem:s1+$0x17D80];
	v4 =	vadd.f32 v5, v4;
	v5 =	vunpack.i.l.bf16.f32 v19;
	v6 =	vmul.f32 v6, v9  }
0x2c0: {  	v2 =	vadd.f32 v3, v2;
	v3 =	vmul.f32 v5, v9;
	v5 =	vunpack.i.u.bf16.f32 v18  }
0x2c1: {  	v9 =	vld [tilespmem:s1+$0x17E00];
	v4 =	vadd.f32 v6, v4;
	v6 =	vunpack.i.l.bf16.f32 v18;
	v5 =	vmul.f32 v5, v10  }
0x2c2: {  	v2 =	vadd.f32 v3, v2;
	v3 =	vmul.f32 v6, v10;
	v6 =	vunpack.i.u.bf16.f32 v7  }
0x2c3: {  	v4 =	vadd.f32 v5, v4;
	v5 =	vunpack.i.l.bf16.f32 v7;
	v6 =	vmul.f32 v6, v11;
	v7 =	vld [tilespmem:s1+$0x17E80]  }
0x2c4: {  	v2 =	vadd.f32 v3, v2;
	v3 =	vmul.f32 v5, v11;
	v5 =	vunpack.i.u.bf16.f32 v8  }
0x2c5: {  	v4 =	vadd.f32 v6, v4;
	v6 =	vunpack.i.l.bf16.f32 v8;
	v5 =	vmul.f32 v5, v12;
	v8 =	vld [tilespmem:s1+$0x17F00]  }
0x2c6: {  	v2 =	vadd.f32 v3, v2;
	v3 =	vmul.f32 v6, v12;
	v6 =	vunpack.i.u.bf16.f32 v9  }
0x2c7: {  	v4 =	vadd.f32 v5, v4;
	v5 =	vunpack.i.l.bf16.f32 v9;
	v6 =	vmul.f32 v6, v13;
	v9 =	vld [tilespmem:s1+$0x17F80]  }
0x2c8: {  	v2 =	vadd.f32 v3, v2;
	v3 =	vmul.f32 v5, v13;
	v5 =	vunpack.i.u.bf16.f32 v7  }
0x2c9: {  	v4 =	vadd.f32 v6, v4;
	v6 =	vunpack.i.l.bf16.f32 v7;
	v5 =	vmul.f32 v5, v14;
	v7 =	vld [tilespmem:s1+$0x18000]  }
0x2ca: {  	v2 =	vadd.f32 v3, v2;
	v3 =	vmul.f32 v6, v14;
	v6 =	vunpack.i.u.bf16.f32 v8  }
0x2cb: {  	v4 =	vadd.f32 v5, v4;
	v5 =	vunpack.i.l.bf16.f32 v8;
	v6 =	vmul.f32 v6, v15  }
0x2cc: {  	v2 =	vadd.f32 v3, v2;
	v3 =	vmul.f32 v5, v15;
	v5 =	vunpack.i.u.bf16.f32 v9  }
0x2cd: {  	v4 =	vadd.f32 v6, v4;
	v6 =	vunpack.i.l.bf16.f32 v9;
	v5 =	vmul.f32 v5, v17  }
0x2ce: {  	s0 =	smul.u32 $0x2800, s12;
	v2 =	vadd.f32 v3, v2;
	v3 =	vmul.f32 v6, v17;
	v6 =	vunpack.i.u.bf16.f32 v7  }
0x2cf: {  	v4 =	vadd.f32 v5, v4;
	v5 =	vunpack.i.l.bf16.f32 v7;
	v6 =	vmul.f32 v6, v16  }
0x2d0: {  	s0 =	sadd.s32 s6, s0;
	v2 =	vadd.f32 v3, v2;
	v3 =	vmul.f32 v5, v16  }
0x2d1: {  	s2 =	sshll.u32 s5, $0x8;
	s0 =	sshll.u32 s0, $0x5;
	v4 =	vadd.f32 v6, v4  }
0x2d2: {  	s0 =	sadd.s32 s0, s2;
	v2 =	vadd.f32 v3, v2  }
0x2d3: {  	s9 =	sor.u32 $0x42, s10;
	s12 =	sor.u32 $0x43, s10;
	s5 =	sand.u32 $0x1FFFFF00, s0;
	[tilespmem:s1+$0x1A400] =	vst v4  }
0x2d4: {  	v1 =	vadd.s32 $0x40, v1;
	s2 =	sor.u32 $0x41, s10;
	s0 =	sadd.s32 s8, s5;
	s19 =	simm.s32 $0x1A080;
	[tilespmem:s1+$0x1A200] =	vst v2  }
0x2d5: {  	v1 =	vbroadcast v1, $0x0;
	v3 =	vmov s9;
	[hbm4b:s0+s30] =	stream.strided.scatter [tilespmem:s19], [sflag:$0x5], $0x400, s31, s30, $0x38;
	[tilespmem:$0x1FD80] =	vst v63  }
0x2d6: {  	s9 =	simm.s32 @!p0 $0x17080;
	v4 =	vmov s12;
	v3 =	vand.u32 $0xFFFFFFE2, v3;
	s12 =	sor.u32 $0x45, s10;
	v2 =	vmov s2;
	s0 =	simm.s32 @!p1 $0x6  }
0x2d7: {  	s1 =	simm.s32 @!p0 $0x20;
	v4 =	vand.u32 $0xFFFFFFE3, v4;
	v3 =	vbroadcast v3, $0x0;
	v6 =	vmov s12;
	s12 =	sor.u32 $0x48, s10;
	_ =	swait.ge @!p1 [sflag:s0], $0x400  }
0x2d8: {  	s2 =	sor.u32 $0x4A, s10;
	v2 =	vand.u32 $0xFFFFFFE1, v2;
	s19 =	sor.u32 $0x44, s10;
	v4 =	vbroadcast v4, $0x0;
	v6 =	vand.u32 $0xFFFFFFE5, v6;
	[sflag:s0] =	ssyncset.done @!p1 $0x0  }
0x2d9: {  	v9 =	vmov s12;
	v11 =	vmov s2;
	s2 =	sor.u32 $0x4D, s10;
	v2 =	vbroadcast v2, $0x0;
	[sflag:s0] =	ssyncadd.s32 @!p1 $0xFFFFFC00;
	s0 =	sadd.s32 @!p0 $0x13920, s11  }
0x2da: {  	v5 =	vmov s19;
	v6 =	vbroadcast v6, $0x0;
	v9 =	vand.u32 $0xFFFFFFE8, v9;
	[tilespmem:s9], [sflag:$0x2] =	stream.indirect.gather @!p0 [spmem:s4], $0x80, s0, s1, $0xb8;
	[tilespmem:$0x1FD80] =	vst v63  }
0x2db: {  	s19 =	sor.u32 $0x46, s10;
	v11 =	vand.u32 $0xFFFFFFEA, v11;
	v16 =	vmov s2;
	v5 =	vand.u32 $0xFFFFFFE4, v5;
	_ =	swait.ge [sflag:s3], $0x1000  }
0x2dc: {  	v7 =	vmov s19;
	v9 =	vbroadcast v9, $0x0;
	v11 =	vbroadcast v11, $0x0;
	[sflag:s3] =	ssyncset.done $0x0  }
0x2dd: {  	s19 =	sor.u32 $0x49, s10;
	v16 =	vand.u32 $0xFFFFFFED, v16;
	v5 =	vbroadcast v5, $0x0;
	v7 =	vand.u32 $0xFFFFFFE6, v7;
	[sflag:s3] =	ssyncadd.s32 $0xFFFFF000  }
0x2de: {  	s12 =	simm.s32 $0x0;
	v10 =	vmov s19;
	s19 =	sor.u32 $0x4C, s10;
	v16 =	vbroadcast v16, $0x0;
	s9 =	sor.u32 $0x47, s10;
	v7 =	vbroadcast v7, $0x0;
	v1 =	vld.idx.msk [tilespmem:v1+s28+$0x0], $0xffff  }
0x2df: {  	v10 =	vand.u32 $0xFFFFFFE9, v10;
	v13 =	vmov s19;
	s19 =	sor.u32 $0x4F, s10;
	v8 =	vmov s9;
	v14 =	vld [tilespmem:s12+$0x18080]  }
0x2e0: {  	v10 =	vbroadcast v10, $0x0;
	s9 =	sor.u32 $0x4B, s10;
	v13 =	vand.u32 $0xFFFFFFEC, v13;
	v18 =	vmov s19;
	v15 =	vld [tilespmem:s12+$0x18100]  }
0x2e1: {  	v8 =	vand.u32 $0xFFFFFFE7, v8;
	v12 =	vmov s9;
	v13 =	vbroadcast v13, $0x0;
	s9 =	sor.u32 $0x4E, s10;
	v2 =	vld.idx.msk [tilespmem:v2+s28+$0x0], $0xffff  }
0x2e2: {  	v18 =	vand.u32 $0xFFFFFFEF, v18;
	v8 =	vbroadcast v8, $0x0;
	v17 =	vmov s9;
	v19 =	vld [tilespmem:s12+$0x18180]  }
0x2e3: {  	v12 =	vand.u32 $0xFFFFFFEB, v12;
	v18 =	vbroadcast v18, $0x0;
	v3 =	vld.idx.msk [tilespmem:v3+s28+$0x0], $0xffff;
	v17 =	vand.u32 $0xFFFFFFEE, v17  }
0x2e4: {  	v12 =	vbroadcast v12, $0x0;
	v20 =	vbroadcast v17, $0x0;
	v17 =	vld [tilespmem:s12+$0x18200]  }
0x2e5: {  	v4 =	vld.idx.msk [tilespmem:v4+s28+$0x0], $0xffff;
	v21 =	vunpack.i.l.bf16.f32 v14;
	v14 =	vunpack.i.u.bf16.f32 v14;
	v22 =	vunpack.i.u.bf16.f32 v15  }
0x2e6: {  	v23 =	vld [tilespmem:s12+$0x18280];
	v15 =	vunpack.i.l.bf16.f32 v15;
	v14 =	vmul.f32 v14, v1;
	v22 =	vmul.f32 v22, v2  }
0x2e7: {  	v5 =	vld.idx.msk [tilespmem:v5+s28+$0x0], $0xffff;
	v24 =	vunpack.i.u.bf16.f32 v19;
	v21 =	vmul.f32 v21, v1;
	v15 =	vmul.f32 v15, v2  }
0x2e8: {  	v19 =	vunpack.i.l.bf16.f32 v19;
	v14 =	vadd.f32 v22, v14;
	v22 =	vmul.f32 v24, v3;
	v24 =	vld [tilespmem:s12+$0x18300]  }
0x2e9: {  	v6 =	vld.idx.msk [tilespmem:v6+s28+$0x0], $0xffff;
	v19 =	vmul.f32 v19, v3;
	v15 =	vadd.f32 v15, v21;
	v21 =	vunpack.i.u.bf16.f32 v17  }
0x2ea: {  	v17 =	vunpack.i.l.bf16.f32 v17;
	v21 =	vmul.f32 v21, v4;
	v14 =	vadd.f32 v22, v14;
	v22 =	vld [tilespmem:s12+$0x18380]  }
0x2eb: {  	v7 =	vld.idx.msk [tilespmem:v7+s28+$0x0], $0xffff;
	v17 =	vmul.f32 v17, v4;
	v15 =	vadd.f32 v19, v15;
	v19 =	vunpack.i.u.bf16.f32 v23  }
0x2ec: {  	v19 =	vmul.f32 v19, v5;
	v14 =	vadd.f32 v21, v14;
	v21 =	vunpack.i.l.bf16.f32 v23;
	v23 =	vld [tilespmem:s12+$0x18400]  }
0x2ed: {  	v8 =	vld.idx.msk [tilespmem:v8+s28+$0x0], $0xffff;
	v15 =	vadd.f32 v17, v15;
	v17 =	vmul.f32 v21, v5;
	v21 =	vunpack.i.u.bf16.f32 v24  }
0x2ee: {  	v14 =	vadd.f32 v19, v14;
	v19 =	vunpack.i.l.bf16.f32 v24;
	v21 =	vmul.f32 v21, v6;
	v24 =	vld [tilespmem:s12+$0x18480]  }
0x2ef: {  	v9 =	vld.idx.msk [tilespmem:v9+s28+$0x0], $0xffff;
	v15 =	vadd.f32 v17, v15;
	v17 =	vmul.f32 v19, v6;
	v19 =	vunpack.i.u.bf16.f32 v22  }
0x2f0: {  	v14 =	vadd.f32 v21, v14;
	v21 =	vunpack.i.l.bf16.f32 v22;
	v19 =	vmul.f32 v19, v7;
	v22 =	vld [tilespmem:s12+$0x18500]  }
0x2f1: {  	v10 =	vld.idx.msk [tilespmem:v10+s28+$0x0], $0xffff;
	v15 =	vadd.f32 v17, v15;
	v17 =	vmul.f32 v21, v7;
	v21 =	vunpack.i.u.bf16.f32 v23  }
0x2f2: {  	v14 =	vadd.f32 v19, v14;
	v19 =	vunpack.i.l.bf16.f32 v23;
	v21 =	vmul.f32 v21, v8;
	v23 =	vld [tilespmem:s12+$0x18580]  }
0x2f3: {  	v11 =	vld.idx.msk [tilespmem:v11+s28+$0x0], $0xffff;
	v15 =	vadd.f32 v17, v15;
	v17 =	vmul.f32 v19, v8;
	v19 =	vunpack.i.u.bf16.f32 v24  }
0x2f4: {  	v14 =	vadd.f32 v21, v14;
	v21 =	vunpack.i.l.bf16.f32 v24;
	v19 =	vmul.f32 v19, v9;
	v24 =	vld [tilespmem:s12+$0x18600]  }
0x2f5: {  	v12 =	vld.idx.msk [tilespmem:v12+s28+$0x0], $0xffff;
	v15 =	vadd.f32 v17, v15;
	v17 =	vmul.f32 v21, v9;
	v21 =	vunpack.i.u.bf16.f32 v22  }
0x2f6: {  	v14 =	vadd.f32 v19, v14;
	v19 =	vunpack.i.l.bf16.f32 v22;
	v21 =	vmul.f32 v21, v10;
	v22 =	vld [tilespmem:s12+$0x18680]  }
0x2f7: {  	v13 =	vld.idx.msk [tilespmem:v13+s28+$0x0], $0xffff;
	v15 =	vadd.f32 v17, v15;
	v17 =	vmul.f32 v19, v10;
	v19 =	vunpack.i.u.bf16.f32 v23  }
0x2f8: {  	v25 =	vld [tilespmem:s12+$0x18700];
	v23 =	vunpack.i.l.bf16.f32 v23;
	v21 =	vadd.f32 v21, v14;
	v19 =	vmul.f32 v19, v11  }
0x2f9: {  	v14 =	vld.idx.msk [tilespmem:v16+s28+$0x0], $0xffff;
	v16 =	vmul.f32 v23, v11;
	v15 =	vadd.f32 v17, v15;
	v17 =	vunpack.i.u.bf16.f32 v24  }
0x2fa: {  	v19 =	vadd.f32 v19, v21;
	v23 =	vmul.f32 v17, v12;
	v17 =	vld [tilespmem:s12+$0x18780]  }
0x2fb: {  	v21 =	vunpack.i.l.bf16.f32 v24;
	v24 =	vadd.f32 v16, v15;
	v15 =	vunpack.i.u.bf16.f32 v22;
	v16 =	vld.idx.msk [tilespmem:v20+s28+$0x0], $0xffff  }
0x2fc: {  	v21 =	vmul.f32 v21, v12;
	v20 =	vunpack.i.l.bf16.f32 v22;
	v22 =	vmul.f32 v15, v13;
	v15 =	vld.idx.msk [tilespmem:v18+s28+$0x0], $0xffff  }
0x2fd: {  	v19 =	vadd.f32 v23, v19;
	v18 =	vld [tilespmem:s12+$0x18800]  }
0x2fe: {  	v23 =	vadd.f32 v21, v24;
	v24 =	vmul.f32 v20, v13;
	v21 =	vunpack.i.u.bf16.f32 v25  }
0x2ff: {  	s1 =	simm.s32 $0x10;
	v25 =	vunpack.i.l.bf16.f32 v25;
	v20 =	vadd.f32 v22, v19;
	v21 =	vmul.f32 v21, v14  }
0x300: {  	s2 =	simm.s32 $0x80;
	v19 =	vld [tilespmem:s1+$0x18080];
	v22 =	vadd.f32 v24, v23;
	v23 =	vmul.f32 v25, v14;
	v24 =	vunpack.i.u.bf16.f32 v17  }
.LBB2_15:
0x301: {  	p1 =	sne.s32 s2, $0x1C0;
	v25 =	vld [tilespmem:s1+$0x18100];
	v20 =	vadd.f32 v21, v20;
	v17 =	vunpack.i.l.bf16.f32 v17;
	v21 =	vmul.f32 v24, v16  }
0x302: {  	v22 =	vadd.f32 v23, v22;
	v17 =	vmul.f32 v17, v16;
	v23 =	vunpack.i.u.bf16.f32 v18  }
0x303: {  	v18 =	vunpack.i.l.bf16.f32 v18;
	v24 =	vld [tilespmem:s1+$0x18180];
	v20 =	vadd.f32 v21, v20;
	v21 =	vmul.f32 v23, v15  }
0x304: {  	v18 =	vmul.f32 v18, v15;
	v17 =	vadd.f32 v17, v22  }
0x305: {  	v22 =	vunpack.i.l.bf16.f32 v19;
	v23 =	vld [tilespmem:s1+$0x18200];
	v20 =	vadd.f32 v21, v20  }
0x306: {  	v19 =	vunpack.i.u.bf16.f32 v19;
	v21 =	vunpack.i.u.bf16.f32 v25;
	v25 =	vunpack.i.l.bf16.f32 v25  }
0x307: {  	v19 =	vmul.f32 v19, v1;
	v17 =	vadd.f32 v18, v17;
	v21 =	vmul.f32 v21, v2;
	v26 =	vld [tilespmem:s1+$0x18280];
	[tilespmem:s12+$0x1A680] =	vst v20  }
0x308: {  	v18 =	vmul.f32 v22, v1;
	v20 =	vmul.f32 v25, v2;
	v22 =	vunpack.i.u.bf16.f32 v24  }
0x309: {  	v19 =	vadd.f32 v21, v19;
	v21 =	vunpack.i.l.bf16.f32 v24;
	v22 =	vmul.f32 v22, v3;
	v24 =	vld [tilespmem:s1+$0x18300];
	[tilespmem:s12+$0x1A480] =	vst v17;
	s12 =	smov.u32 s1  }
0x30a: {  	v17 =	vadd.f32 v20, v18;
	v18 =	vmul.f32 v21, v3;
	v20 =	vunpack.i.u.bf16.f32 v23  }
0x30b: {  	v21 =	vunpack.i.l.bf16.f32 v23;
	v19 =	vadd.f32 v22, v19;
	v20 =	vmul.f32 v20, v4;
	v22 =	vld [tilespmem:s12+$0x18380]  }
0x30c: {  	v17 =	vadd.f32 v18, v17;
	v18 =	vmul.f32 v21, v4;
	v21 =	vunpack.i.u.bf16.f32 v26  }
0x30d: {  	v19 =	vadd.f32 v20, v19;
	v20 =	vunpack.i.l.bf16.f32 v26;
	v21 =	vmul.f32 v21, v5;
	v23 =	vld [tilespmem:s12+$0x18400]  }
0x30e: {  	v17 =	vadd.f32 v18, v17;
	v18 =	vmul.f32 v20, v5;
	v20 =	vunpack.i.u.bf16.f32 v24  }
0x30f: {  	v19 =	vadd.f32 v21, v19;
	v21 =	vunpack.i.l.bf16.f32 v24;
	v20 =	vmul.f32 v20, v6;
	v24 =	vld [tilespmem:s12+$0x18480]  }
0x310: {  	v17 =	vadd.f32 v18, v17;
	v18 =	vmul.f32 v21, v6;
	v21 =	vunpack.i.u.bf16.f32 v22  }
0x311: {  	v19 =	vadd.f32 v20, v19;
	v20 =	vunpack.i.l.bf16.f32 v22;
	v21 =	vmul.f32 v21, v7;
	v22 =	vld [tilespmem:s12+$0x18500]  }
0x312: {  	v17 =	vadd.f32 v18, v17;
	v18 =	vmul.f32 v20, v7;
	v20 =	vunpack.i.u.bf16.f32 v23  }
0x313: {  	v19 =	vadd.f32 v21, v19;
	v21 =	vunpack.i.l.bf16.f32 v23;
	v20 =	vmul.f32 v20, v8;
	v23 =	vld [tilespmem:s12+$0x18580]  }
0x314: {  	v17 =	vadd.f32 v18, v17;
	v18 =	vmul.f32 v21, v8;
	v21 =	vunpack.i.u.bf16.f32 v24  }
0x315: {  	v19 =	vadd.f32 v20, v19;
	v20 =	vunpack.i.l.bf16.f32 v24;
	v21 =	vmul.f32 v21, v9;
	v24 =	vld [tilespmem:s12+$0x18600]  }
0x316: {  	v17 =	vadd.f32 v18, v17;
	v18 =	vmul.f32 v20, v9;
	v20 =	vunpack.i.u.bf16.f32 v22  }
0x317: {  	v19 =	vadd.f32 v21, v19;
	v21 =	vunpack.i.l.bf16.f32 v22;
	v20 =	vmul.f32 v20, v10;
	v22 =	vld [tilespmem:s12+$0x18680]  }
0x318: {  	v17 =	vadd.f32 v18, v17;
	v18 =	vmul.f32 v21, v10;
	v21 =	vunpack.i.u.bf16.f32 v23  }
0x319: {  	v19 =	vadd.f32 v20, v19;
	v20 =	vunpack.i.l.bf16.f32 v23;
	v21 =	vmul.f32 v21, v11;
	v23 =	vld [tilespmem:s12+$0x18700]  }
0x31a: {  	v18 =	vadd.f32 v18, v17;
	v20 =	vmul.f32 v20, v11;
	v17 =	vunpack.i.u.bf16.f32 v24  }
0x31b: {  	v19 =	vadd.f32 v21, v19;
	v21 =	vunpack.i.l.bf16.f32 v24;
	v24 =	vmul.f32 v17, v12;
	v17 =	vld [tilespmem:s12+$0x18780]  }
.Ltmp9:
0x31c: {  	v20 =	vadd.f32 v20, v18;
	v21 =	vmul.f32 v21, v12;
	v18 =	vunpack.i.u.bf16.f32 v22;
	(pc) =	sbr.rel @p1 .LBB2_15-.Ltmp9, $4  }
0x31d: {  	v22 =	vunpack.i.l.bf16.f32 v22;
	v19 =	vadd.f32 v24, v19;
	v24 =	vmul.f32 v18, v13;
	v18 =	vld [tilespmem:s12+$0x18800]  }
0x31e: {  	v22 =	vmul.f32 v22, v13;
	v25 =	vadd.f32 v21, v20;
	v21 =	vunpack.i.u.bf16.f32 v23  }
0x31f: {  	s1 =	sshra.s32 s2, $0x2;
	v23 =	vunpack.i.l.bf16.f32 v23;
	v20 =	vadd.f32 v24, v19;
	v21 =	vmul.f32 v21, v14  }
0x320: {  	s2 =	sadd.s32 $0x40, s2;
	v23 =	vmul.f32 v23, v14;
	v19 =	vld [tilespmem:s1+$0x18080];
	v22 =	vadd.f32 v22, v25;
	v24 =	vunpack.i.u.bf16.f32 v17  }
0x321: {  	v25 =	vld [tilespmem:s1+$0x18100];
	v20 =	vadd.f32 v21, v20;
	v17 =	vunpack.i.l.bf16.f32 v17;
	v21 =	vmul.f32 v24, v16  }
0x322: {  	v22 =	vadd.f32 v23, v22;
	v17 =	vmul.f32 v17, v16;
	v23 =	vunpack.i.u.bf16.f32 v18  }
0x323: {  	v24 =	vld [tilespmem:s1+$0x18180];
	v18 =	vunpack.i.l.bf16.f32 v18;
	v20 =	vadd.f32 v21, v20;
	v21 =	vmul.f32 v23, v15  }
0x324: {  	v18 =	vmul.f32 v18, v15  }
0x325: {  	v23 =	vld [tilespmem:s1+$0x18200];
	v17 =	vadd.f32 v17, v22;
	v22 =	vunpack.i.l.bf16.f32 v19;
	v20 =	vadd.f32 v21, v20  }
0x326: {  	v19 =	vunpack.i.u.bf16.f32 v19;
	v21 =	vunpack.i.u.bf16.f32 v25;
	v25 =	vunpack.i.l.bf16.f32 v25  }
0x327: {  	v26 =	vld [tilespmem:s1+$0x18280];
	v19 =	vmul.f32 v19, v1;
	v17 =	vadd.f32 v18, v17;
	v21 =	vmul.f32 v21, v2  }
0x328: {  	v1 =	vmul.f32 v22, v1;
	v18 =	vunpack.i.u.bf16.f32 v24;
	[tilespmem:s12+$0x1A680] =	vst v20;
	v2 =	vmul.f32 v25, v2  }
0x329: {  	v20 =	vunpack.i.l.bf16.f32 v24;
	v18 =	vmul.f32 v18, v3;
	v19 =	vadd.f32 v21, v19;
	v21 =	vld [tilespmem:s1+$0x18300]  }
0x32a: {  	[tilespmem:s12+$0x1A480] =	vst v17;
	v1 =	vadd.f32 v2, v1;
	v2 =	vmul.f32 v20, v3;
	v3 =	vunpack.i.u.bf16.f32 v23  }
0x32b: {  	v3 =	vmul.f32 v3, v4;
	v17 =	vadd.f32 v18, v19;
	v18 =	vunpack.i.l.bf16.f32 v23;
	v19 =	vld [tilespmem:s1+$0x18380]  }
0x32c: {  	v1 =	vadd.f32 v2, v1;
	v2 =	vmul.f32 v18, v4;
	v4 =	vunpack.i.u.bf16.f32 v26  }
0x32d: {  	v18 =	vld [tilespmem:s1+$0x18400];
	v3 =	vadd.f32 v3, v17;
	v17 =	vunpack.i.l.bf16.f32 v26;
	v4 =	vmul.f32 v4, v5  }
0x32e: {  	v1 =	vadd.f32 v2, v1;
	v2 =	vmul.f32 v17, v5;
	v5 =	vunpack.i.u.bf16.f32 v21  }
0x32f: {  	v17 =	vld [tilespmem:s1+$0x18480];
	v3 =	vadd.f32 v4, v3;
	v4 =	vunpack.i.l.bf16.f32 v21;
	v5 =	vmul.f32 v5, v6  }
0x330: {  	v1 =	vadd.f32 v2, v1;
	v2 =	vmul.f32 v4, v6;
	v4 =	vunpack.i.u.bf16.f32 v19  }
0x331: {  	v6 =	vld [tilespmem:s1+$0x18500];
	v3 =	vadd.f32 v5, v3;
	v5 =	vunpack.i.l.bf16.f32 v19;
	v4 =	vmul.f32 v4, v7  }
0x332: {  	v1 =	vadd.f32 v2, v1;
	v2 =	vmul.f32 v5, v7;
	v5 =	vunpack.i.u.bf16.f32 v18  }
0x333: {  	v7 =	vld [tilespmem:s1+$0x18580];
	v3 =	vadd.f32 v4, v3;
	v4 =	vunpack.i.l.bf16.f32 v18;
	v5 =	vmul.f32 v5, v8  }
0x334: {  	v1 =	vadd.f32 v2, v1;
	v2 =	vmul.f32 v4, v8;
	v4 =	vunpack.i.u.bf16.f32 v17  }
0x335: {  	v8 =	vld [tilespmem:s1+$0x18600];
	v3 =	vadd.f32 v5, v3;
	v5 =	vunpack.i.l.bf16.f32 v17;
	v4 =	vmul.f32 v4, v9  }
0x336: {  	v1 =	vadd.f32 v2, v1;
	v2 =	vmul.f32 v5, v9;
	v5 =	vunpack.i.u.bf16.f32 v6  }
0x337: {  	v3 =	vadd.f32 v4, v3;
	v4 =	vunpack.i.l.bf16.f32 v6;
	v5 =	vmul.f32 v5, v10;
	v6 =	vld [tilespmem:s1+$0x18680]  }
0x338: {  	v1 =	vadd.f32 v2, v1;
	v2 =	vmul.f32 v4, v10;
	v4 =	vunpack.i.u.bf16.f32 v7  }
0x339: {  	v3 =	vadd.f32 v5, v3;
	v5 =	vunpack.i.l.bf16.f32 v7;
	v4 =	vmul.f32 v4, v11;
	v7 =	vld [tilespmem:s1+$0x18700]  }
0x33a: {  	v1 =	vadd.f32 v2, v1;
	v2 =	vmul.f32 v5, v11;
	v5 =	vunpack.i.u.bf16.f32 v8  }
0x33b: {  	v3 =	vadd.f32 v4, v3;
	v4 =	vunpack.i.l.bf16.f32 v8;
	v5 =	vmul.f32 v5, v12  }
0x33c: {  	v8 =	vld [tilespmem:s1+$0x18780];
	v1 =	vadd.f32 v2, v1;
	v2 =	vmul.f32 v4, v12;
	v4 =	vunpack.i.u.bf16.f32 v6  }
0x33d: {  	v3 =	vadd.f32 v5, v3;
	v5 =	vunpack.i.l.bf16.f32 v6;
	v4 =	vmul.f32 v4, v13  }
0x33e: {  	v6 =	vld [tilespmem:s1+$0x18800];
	v1 =	vadd.f32 v2, v1;
	v2 =	vmul.f32 v5, v13;
	v5 =	vunpack.i.u.bf16.f32 v7  }
0x33f: {  	v3 =	vadd.f32 v4, v3;
	v4 =	vunpack.i.l.bf16.f32 v7;
	v5 =	vmul.f32 v5, v14  }
0x340: {  	v1 =	vadd.f32 v2, v1;
	v2 =	vmul.f32 v4, v14  }
0x341: {  	s9 =	sor.u32 $0x55, s10;
	v4 =	vunpack.i.u.bf16.f32 v8;
	v3 =	vadd.f32 v5, v3;
	v5 =	vunpack.i.l.bf16.f32 v8  }
0x342: {  	v4 =	vmul.f32 v4, v16;
	v8 =	vmov s9;
	v1 =	vadd.f32 v2, v1  }
0x343: {  	v2 =	vmul.f32 v5, v16;
	v5 =	vunpack.i.u.bf16.f32 v6;
	v8 =	vand.u32 $0xFFFFFFF5, v8  }
0x344: {  	s19 =	sor.u32 $0x53, s10;
	v3 =	vadd.f32 v4, v3;
	v4 =	vunpack.i.l.bf16.f32 v6;
	v5 =	vmul.f32 v5, v15  }
0x345: {  	s0 =	sor.u32 $0x50, s10;
	v6 =	vmov s19;
	v8 =	vbroadcast v8, $0x0;
	v1 =	vadd.f32 v2, v1  }
0x346: {  	s2 =	sor.u32 $0x51, s10;
	s19 =	sor.u32 $0x57, s10;
	v2 =	vmul.f32 v4, v15;
	v4 =	vmov s0;
	v6 =	vand.u32 $0xFFFFFFF3, v6  }
0x347: {  	v10 =	vmov s19;
	v3 =	vadd.f32 v5, v3;
	v5 =	vmov s2  }
0x348: {  	s12 =	sor.u32 $0x52, s10;
	v6 =	vbroadcast v6, $0x0;
	v1 =	vadd.f32 v2, v1;
	v2 =	vand.u32 $0xFFFFFFF0, v4  }
0x349: {  	s2 =	sor.u32 $0x54, s10;
	v4 =	vmov s12;
	v5 =	vand.u32 $0xFFFFFFF1, v5;
	v2 =	vbroadcast v2, $0x0  }
0x34a: {  	v7 =	vmov s2;
	s12 =	sor.u32 $0x56, s10;
	v5 =	vbroadcast v5, $0x0;
	v4 =	vand.u32 $0xFFFFFFF2, v4  }
0x34b: {  	v7 =	vand.u32 $0xFFFFFFF4, v7;
	v9 =	vmov s12;
	v4 =	vbroadcast v4, $0x0  }
0x34c: {  	[tilespmem:s1+$0x1A680] =	vst v3;
	s12 =	sor.u32 $0x5A, s10;
	v7 =	vbroadcast v7, $0x0;
	v3 =	vand.u32 $0xFFFFFFF6, v9;
	v9 =	vand.u32 $0xFFFFFFF7, v10  }
0x34d: {  	s2 =	sor.u32 $0x58, s10;
	[tilespmem:s1+$0x1A480] =	vst v1;
	v11 =	vmov s12;
	s12 =	simm.s32 $0x0;
	s1 =	sor.u32 $0x5C, s10;
	v10 =	vbroadcast v3, $0x0;
	v9 =	vbroadcast v9, $0x0  }
0x34e: {  	s9 =	sor.u32 $0x59, s10;
	v3 =	vmov s2;
	v13 =	vld [tilespmem:s12+$0x18880];
	v11 =	vand.u32 $0xFFFFFFFA, v11;
	v15 =	vmov s1  }
0x34f: {  	v11 =	vbroadcast v11, $0x0;
	v1 =	vld.idx.msk [tilespmem:v2+s28+$0x0], $0xffff;
	v2 =	vand.u32 $0xFFFFFFF8, v3;
	v3 =	vmov s9  }
0x350: {  	s19 =	sor.u32 $0x5B, s10;
	v16 =	vld [tilespmem:s12+$0x18900];
	v15 =	vand.u32 $0xFFFFFFFC, v15;
	v12 =	vbroadcast v2, $0x0;
	v2 =	vand.u32 $0xFFFFFFF9, v3  }
0x351: {  	s2 =	sor.u32 $0x5D, s10;
	v15 =	vbroadcast v15, $0x0;
	s9 =	sor.u32 $0x5E, s10;
	v3 =	vmov s19;
	v14 =	vbroadcast v2, $0x0;
	v2 =	vld.idx.msk [tilespmem:v5+s28+$0x0], $0xffff  }
0x352: {  	v19 =	vld [tilespmem:s12+$0x18980];
	v18 =	vmov s9;
	v3 =	vand.u32 $0xFFFFFFFB, v3;
	v5 =	vmov s2  }
0x353: {  	s19 =	sor.u32 $0x5F, s10;
	v17 =	vbroadcast v3, $0x0;
	v3 =	vld.idx.msk [tilespmem:v4+s28+$0x0], $0xffff;
	v4 =	vand.u32 $0xFFFFFFFD, v5;
	v5 =	vand.u32 $0xFFFFFFFE, v18  }
0x354: {  	v22 =	vld [tilespmem:s12+$0x18A00];
	v21 =	vmov s19;
	v18 =	vbroadcast v4, $0x0;
	v20 =	vbroadcast v5, $0x0  }
0x355: {  	v4 =	vld.idx.msk [tilespmem:v6+s28+$0x0], $0xffff;
	v6 =	vunpack.i.l.bf16.f32 v13;
	v5 =	vunpack.i.u.bf16.f32 v13;
	v13 =	vunpack.i.u.bf16.f32 v16  }
0x356: {  	v24 =	vld [tilespmem:s12+$0x18A80];
	v16 =	vunpack.i.l.bf16.f32 v16;
	v23 =	vmul.f32 v5, v1;
	v13 =	vmul.f32 v13, v2  }
0x357: {  	v5 =	vld.idx.msk [tilespmem:v7+s28+$0x0], $0xffff;
	v7 =	vmul.f32 v6, v1;
	v6 =	vunpack.i.u.bf16.f32 v19;
	v16 =	vmul.f32 v16, v2  }
0x358: {  	v25 =	vld [tilespmem:s12+$0x18B00];
	v19 =	vunpack.i.l.bf16.f32 v19;
	v13 =	vadd.f32 v13, v23;
	v23 =	vmul.f32 v6, v3  }
0x359: {  	v6 =	vld.idx.msk [tilespmem:v8+s28+$0x0], $0xffff;
	v8 =	vadd.f32 v16, v7;
	v16 =	vmul.f32 v19, v3;
	v7 =	vunpack.i.u.bf16.f32 v22  }
0x35a: {  	v19 =	vunpack.i.l.bf16.f32 v22;
	v22 =	vmul.f32 v7, v4;
	v13 =	vadd.f32 v23, v13;
	v23 =	vld [tilespmem:s12+$0x18B80]  }
0x35b: {  	v7 =	vld.idx.msk [tilespmem:v10+s28+$0x0], $0xffff;
	v10 =	vadd.f32 v16, v8;
	v16 =	vmul.f32 v19, v4;
	v8 =	vunpack.i.u.bf16.f32 v24  }
0x35c: {  	v19 =	vunpack.i.l.bf16.f32 v24;
	v24 =	vld [tilespmem:s12+$0x18C00];
	v13 =	vadd.f32 v22, v13;
	v22 =	vmul.f32 v8, v5  }
0x35d: {  	v8 =	vld.idx.msk [tilespmem:v9+s28+$0x0], $0xffff;
	v10 =	vadd.f32 v16, v10;
	v16 =	vmul.f32 v19, v5;
	v9 =	vunpack.i.u.bf16.f32 v25  }
0x35e: {  	v19 =	vunpack.i.l.bf16.f32 v25;
	v25 =	vld [tilespmem:s12+$0x18C80];
	v13 =	vadd.f32 v22, v13;
	v22 =	vmul.f32 v9, v6  }
0x35f: {  	v9 =	vld.idx.msk [tilespmem:v12+s28+$0x0], $0xffff;
	v12 =	vadd.f32 v16, v10;
	v16 =	vmul.f32 v19, v6;
	v10 =	vunpack.i.u.bf16.f32 v23  }
0x360: {  	v19 =	vunpack.i.l.bf16.f32 v23;
	v23 =	vld [tilespmem:s12+$0x18D00];
	v13 =	vadd.f32 v22, v13;
	v22 =	vmul.f32 v10, v7  }
0x361: {  	v10 =	vld.idx.msk [tilespmem:v14+s28+$0x0], $0xffff;
	v12 =	vadd.f32 v16, v12;
	v14 =	vmul.f32 v19, v7;
	v16 =	vunpack.i.u.bf16.f32 v24  }
0x362: {  	v19 =	vunpack.i.l.bf16.f32 v24;
	v16 =	vmul.f32 v16, v8;
	v13 =	vadd.f32 v22, v13;
	v22 =	vld [tilespmem:s12+$0x18D80]  }
0x363: {  	v11 =	vld.idx.msk [tilespmem:v11+s28+$0x0], $0xffff;
	v19 =	vmul.f32 v19, v8;
	v14 =	vadd.f32 v14, v12;
	v12 =	vunpack.i.u.bf16.f32 v25  }
0x364: {  	v24 =	vmul.f32 v12, v9;
	v13 =	vadd.f32 v16, v13;
	v16 =	vunpack.i.l.bf16.f32 v25;
	v25 =	vld [tilespmem:s12+$0x18E00]  }
0x365: {  	v12 =	vld.idx.msk [tilespmem:v17+s28+$0x0], $0xffff;
	v14 =	vadd.f32 v19, v14;
	v17 =	vunpack.i.u.bf16.f32 v23;
	v16 =	vmul.f32 v16, v9  }
0x366: {  	v23 =	vunpack.i.l.bf16.f32 v23;
	v17 =	vmul.f32 v17, v10;
	v19 =	vadd.f32 v24, v13;
	v24 =	vld [tilespmem:s12+$0x18E80]  }
0x367: {  	v13 =	vld.idx.msk [tilespmem:v15+s28+$0x0], $0xffff;
	v15 =	vadd.f32 v16, v14;
	v16 =	vmul.f32 v23, v10;
	v14 =	vunpack.i.u.bf16.f32 v22  }
0x368: {  	v23 =	vld [tilespmem:s12+$0x18F00];
	v17 =	vadd.f32 v17, v19;
	v19 =	vunpack.i.l.bf16.f32 v22;
	v22 =	vmul.f32 v14, v11  }
0x369: {  	v14 =	vld.idx.msk [tilespmem:v18+s28+$0x0], $0xffff;
	v15 =	vadd.f32 v16, v15;
	v16 =	vmul.f32 v19, v11;
	v18 =	vunpack.i.u.bf16.f32 v25  }
0x36a: {  	v19 =	vadd.f32 v22, v17;
	v22 =	vunpack.i.l.bf16.f32 v25;
	v18 =	vmul.f32 v18, v12  }
0x36b: {  	v17 =	vld [tilespmem:s12+$0x18F80];
	v25 =	vadd.f32 v16, v15;
	v22 =	vmul.f32 v22, v12  }
0x36c: {  	v15 =	vunpack.i.u.bf16.f32 v24;
	v16 =	vld.idx.msk [tilespmem:v20+s28+$0x0], $0xffff;
	v19 =	vadd.f32 v18, v19;
	v18 =	vunpack.i.l.bf16.f32 v24  }
0x36d: {  	v20 =	vmul.f32 v15, v13;
	v24 =	vmul.f32 v18, v13;
	v18 =	vld [tilespmem:s12+$0x19000]  }
0x36e: {  	v15 =	vld.idx.msk [tilespmem:v21+s28+$0x0], $0xffff;
	v21 =	vunpack.i.u.bf16.f32 v23;
	v22 =	vadd.f32 v22, v25  }
0x36f: {  	s1 =	simm.s32 $0x10;
	v23 =	vunpack.i.l.bf16.f32 v23;
	v21 =	vmul.f32 v21, v14;
	v20 =	vadd.f32 v20, v19  }
0x370: {  	s2 =	simm.s32 $0x80;
	v23 =	vmul.f32 v23, v14;
	v19 =	vld [tilespmem:s1+$0x18880];
	v22 =	vadd.f32 v24, v22;
	v24 =	vunpack.i.u.bf16.f32 v17  }
.LBB2_17:
0x371: {  	p1 =	sne.s32 s2, $0x1C0;
	v25 =	vld [tilespmem:s1+$0x18900];
	v20 =	vadd.f32 v21, v20;
	v17 =	vunpack.i.l.bf16.f32 v17;
	v21 =	vmul.f32 v24, v16  }
0x372: {  	v22 =	vadd.f32 v23, v22;
	v17 =	vmul.f32 v17, v16;
	v23 =	vunpack.i.u.bf16.f32 v18  }
0x373: {  	v18 =	vunpack.i.l.bf16.f32 v18;
	v24 =	vld [tilespmem:s1+$0x18980];
	v20 =	vadd.f32 v21, v20;
	v21 =	vmul.f32 v23, v15  }
0x374: {  	v18 =	vmul.f32 v18, v15;
	v17 =	vadd.f32 v17, v22  }
0x375: {  	v22 =	vunpack.i.l.bf16.f32 v19;
	v23 =	vld [tilespmem:s1+$0x18A00];
	v20 =	vadd.f32 v21, v20  }
0x376: {  	v19 =	vunpack.i.u.bf16.f32 v19;
	v21 =	vunpack.i.u.bf16.f32 v25;
	v25 =	vunpack.i.l.bf16.f32 v25  }
0x377: {  	v19 =	vmul.f32 v19, v1;
	v17 =	vadd.f32 v18, v17;
	v21 =	vmul.f32 v21, v2;
	v26 =	vld [tilespmem:s1+$0x18A80];
	[tilespmem:s12+$0x1A700] =	vst v20  }
0x378: {  	v18 =	vmul.f32 v22, v1;
	v20 =	vmul.f32 v25, v2;
	v22 =	vunpack.i.u.bf16.f32 v24  }
0x379: {  	v19 =	vadd.f32 v21, v19;
	v21 =	vunpack.i.l.bf16.f32 v24;
	v22 =	vmul.f32 v22, v3;
	v24 =	vld [tilespmem:s1+$0x18B00];
	[tilespmem:s12+$0x1A500] =	vst v17;
	s12 =	smov.u32 s1  }
0x37a: {  	v17 =	vadd.f32 v20, v18;
	v18 =	vmul.f32 v21, v3;
	v20 =	vunpack.i.u.bf16.f32 v23  }
0x37b: {  	v21 =	vunpack.i.l.bf16.f32 v23;
	v19 =	vadd.f32 v22, v19;
	v20 =	vmul.f32 v20, v4;
	v22 =	vld [tilespmem:s12+$0x18B80]  }
0x37c: {  	v17 =	vadd.f32 v18, v17;
	v18 =	vmul.f32 v21, v4;
	v21 =	vunpack.i.u.bf16.f32 v26  }
0x37d: {  	v19 =	vadd.f32 v20, v19;
	v20 =	vunpack.i.l.bf16.f32 v26;
	v21 =	vmul.f32 v21, v5;
	v23 =	vld [tilespmem:s12+$0x18C00]  }
0x37e: {  	v17 =	vadd.f32 v18, v17;
	v18 =	vmul.f32 v20, v5;
	v20 =	vunpack.i.u.bf16.f32 v24  }
0x37f: {  	v19 =	vadd.f32 v21, v19;
	v21 =	vunpack.i.l.bf16.f32 v24;
	v20 =	vmul.f32 v20, v6;
	v24 =	vld [tilespmem:s12+$0x18C80]  }
0x380: {  	v17 =	vadd.f32 v18, v17;
	v18 =	vmul.f32 v21, v6;
	v21 =	vunpack.i.u.bf16.f32 v22  }
0x381: {  	v19 =	vadd.f32 v20, v19;
	v20 =	vunpack.i.l.bf16.f32 v22;
	v21 =	vmul.f32 v21, v7;
	v22 =	vld [tilespmem:s12+$0x18D00]  }
0x382: {  	v17 =	vadd.f32 v18, v17;
	v18 =	vmul.f32 v20, v7;
	v20 =	vunpack.i.u.bf16.f32 v23  }
0x383: {  	v19 =	vadd.f32 v21, v19;
	v21 =	vunpack.i.l.bf16.f32 v23;
	v20 =	vmul.f32 v20, v8;
	v23 =	vld [tilespmem:s12+$0x18D80]  }
0x384: {  	v17 =	vadd.f32 v18, v17;
	v18 =	vmul.f32 v21, v8;
	v21 =	vunpack.i.u.bf16.f32 v24  }
0x385: {  	v19 =	vadd.f32 v20, v19;
	v20 =	vunpack.i.l.bf16.f32 v24;
	v21 =	vmul.f32 v21, v9;
	v24 =	vld [tilespmem:s12+$0x18E00]  }
0x386: {  	v17 =	vadd.f32 v18, v17;
	v18 =	vmul.f32 v20, v9;
	v20 =	vunpack.i.u.bf16.f32 v22  }
0x387: {  	v19 =	vadd.f32 v21, v19;
	v21 =	vunpack.i.l.bf16.f32 v22;
	v20 =	vmul.f32 v20, v10;
	v22 =	vld [tilespmem:s12+$0x18E80]  }
0x388: {  	v17 =	vadd.f32 v18, v17;
	v18 =	vmul.f32 v21, v10;
	v21 =	vunpack.i.u.bf16.f32 v23  }
0x389: {  	v19 =	vadd.f32 v20, v19;
	v20 =	vunpack.i.l.bf16.f32 v23;
	v21 =	vmul.f32 v21, v11;
	v23 =	vld [tilespmem:s12+$0x18F00]  }
0x38a: {  	v18 =	vadd.f32 v18, v17;
	v20 =	vmul.f32 v20, v11;
	v17 =	vunpack.i.u.bf16.f32 v24  }
0x38b: {  	v19 =	vadd.f32 v21, v19;
	v21 =	vunpack.i.l.bf16.f32 v24;
	v24 =	vmul.f32 v17, v12;
	v17 =	vld [tilespmem:s12+$0x18F80]  }
.Ltmp10:
0x38c: {  	v20 =	vadd.f32 v20, v18;
	v21 =	vmul.f32 v21, v12;
	v18 =	vunpack.i.u.bf16.f32 v22;
	(pc) =	sbr.rel @p1 .LBB2_17-.Ltmp10, $4  }
0x38d: {  	v22 =	vunpack.i.l.bf16.f32 v22;
	v19 =	vadd.f32 v24, v19;
	v24 =	vmul.f32 v18, v13;
	v18 =	vld [tilespmem:s12+$0x19000]  }
0x38e: {  	v22 =	vmul.f32 v22, v13;
	v25 =	vadd.f32 v21, v20;
	v21 =	vunpack.i.u.bf16.f32 v23  }
0x38f: {  	s1 =	sshra.s32 s2, $0x2;
	v23 =	vunpack.i.l.bf16.f32 v23;
	v20 =	vadd.f32 v24, v19;
	v21 =	vmul.f32 v21, v14  }
0x390: {  	s2 =	sadd.s32 $0x40, s2;
	v23 =	vmul.f32 v23, v14;
	v19 =	vld [tilespmem:s1+$0x18880];
	v22 =	vadd.f32 v22, v25;
	v24 =	vunpack.i.u.bf16.f32 v17  }
0x391: {  	v25 =	vld [tilespmem:s1+$0x18900];
	v20 =	vadd.f32 v21, v20;
	v17 =	vunpack.i.l.bf16.f32 v17;
	v21 =	vmul.f32 v24, v16  }
0x392: {  	v22 =	vadd.f32 v23, v22;
	v17 =	vmul.f32 v17, v16;
	v23 =	vunpack.i.u.bf16.f32 v18  }
0x393: {  	v24 =	vld [tilespmem:s1+$0x18980];
	v18 =	vunpack.i.l.bf16.f32 v18;
	v20 =	vadd.f32 v21, v20;
	v21 =	vmul.f32 v23, v15  }
0x394: {  	v18 =	vmul.f32 v18, v15  }
0x395: {  	v23 =	vld [tilespmem:s1+$0x18A00];
	v17 =	vadd.f32 v17, v22;
	v22 =	vunpack.i.l.bf16.f32 v19;
	v20 =	vadd.f32 v21, v20  }
0x396: {  	v19 =	vunpack.i.u.bf16.f32 v19;
	v21 =	vunpack.i.u.bf16.f32 v25;
	v25 =	vunpack.i.l.bf16.f32 v25  }
0x397: {  	v26 =	vld [tilespmem:s1+$0x18A80];
	v19 =	vmul.f32 v19, v1;
	v17 =	vadd.f32 v18, v17;
	v21 =	vmul.f32 v21, v2  }
0x398: {  	v1 =	vmul.f32 v22, v1;
	v18 =	vunpack.i.u.bf16.f32 v24;
	[tilespmem:s12+$0x1A700] =	vst v20;
	v2 =	vmul.f32 v25, v2  }
0x399: {  	v20 =	vunpack.i.l.bf16.f32 v24;
	v18 =	vmul.f32 v18, v3;
	v19 =	vadd.f32 v21, v19;
	v21 =	vld [tilespmem:s1+$0x18B00]  }
0x39a: {  	[tilespmem:s12+$0x1A500] =	vst v17;
	v1 =	vadd.f32 v2, v1;
	v2 =	vmul.f32 v20, v3;
	v3 =	vunpack.i.u.bf16.f32 v23  }
0x39b: {  	v3 =	vmul.f32 v3, v4;
	v17 =	vadd.f32 v18, v19;
	v18 =	vunpack.i.l.bf16.f32 v23;
	v19 =	vld [tilespmem:s1+$0x18B80]  }
0x39c: {  	v1 =	vadd.f32 v2, v1;
	v2 =	vmul.f32 v18, v4;
	v4 =	vunpack.i.u.bf16.f32 v26  }
0x39d: {  	v18 =	vld [tilespmem:s1+$0x18C00];
	v3 =	vadd.f32 v3, v17;
	v17 =	vunpack.i.l.bf16.f32 v26;
	v4 =	vmul.f32 v4, v5  }
0x39e: {  	v1 =	vadd.f32 v2, v1;
	v2 =	vmul.f32 v17, v5;
	v5 =	vunpack.i.u.bf16.f32 v21  }
0x39f: {  	v17 =	vld [tilespmem:s1+$0x18C80];
	v3 =	vadd.f32 v4, v3;
	v4 =	vunpack.i.l.bf16.f32 v21;
	v5 =	vmul.f32 v5, v6  }
0x3a0: {  	v1 =	vadd.f32 v2, v1;
	v2 =	vmul.f32 v4, v6;
	v4 =	vunpack.i.u.bf16.f32 v19  }
0x3a1: {  	v6 =	vld [tilespmem:s1+$0x18D00];
	v3 =	vadd.f32 v5, v3;
	v5 =	vunpack.i.l.bf16.f32 v19;
	v4 =	vmul.f32 v4, v7  }
0x3a2: {  	v1 =	vadd.f32 v2, v1;
	v2 =	vmul.f32 v5, v7;
	v5 =	vunpack.i.u.bf16.f32 v18  }
0x3a3: {  	v7 =	vld [tilespmem:s1+$0x18D80];
	v3 =	vadd.f32 v4, v3;
	v4 =	vunpack.i.l.bf16.f32 v18;
	v5 =	vmul.f32 v5, v8  }
0x3a4: {  	v1 =	vadd.f32 v2, v1;
	v2 =	vmul.f32 v4, v8;
	v4 =	vunpack.i.u.bf16.f32 v17  }
0x3a5: {  	v8 =	vld [tilespmem:s1+$0x18E00];
	v3 =	vadd.f32 v5, v3;
	v5 =	vunpack.i.l.bf16.f32 v17;
	v4 =	vmul.f32 v4, v9  }
0x3a6: {  	v1 =	vadd.f32 v2, v1;
	v2 =	vmul.f32 v5, v9;
	v5 =	vunpack.i.u.bf16.f32 v6  }
0x3a7: {  	v3 =	vadd.f32 v4, v3;
	v4 =	vunpack.i.l.bf16.f32 v6;
	v5 =	vmul.f32 v5, v10;
	v6 =	vld [tilespmem:s1+$0x18E80]  }
0x3a8: {  	v1 =	vadd.f32 v2, v1;
	v2 =	vmul.f32 v4, v10;
	v4 =	vunpack.i.u.bf16.f32 v7  }
0x3a9: {  	v3 =	vadd.f32 v5, v3;
	v5 =	vunpack.i.l.bf16.f32 v7;
	v4 =	vmul.f32 v4, v11;
	v7 =	vld [tilespmem:s1+$0x18F00]  }
0x3aa: {  	v1 =	vadd.f32 v2, v1;
	v2 =	vmul.f32 v5, v11;
	v5 =	vunpack.i.u.bf16.f32 v8  }
0x3ab: {  	v3 =	vadd.f32 v4, v3;
	v4 =	vunpack.i.l.bf16.f32 v8;
	v5 =	vmul.f32 v5, v12;
	v8 =	vld [tilespmem:s1+$0x18F80]  }
0x3ac: {  	v1 =	vadd.f32 v2, v1;
	v2 =	vmul.f32 v4, v12;
	v4 =	vunpack.i.u.bf16.f32 v6  }
0x3ad: {  	v3 =	vadd.f32 v5, v3;
	v5 =	vunpack.i.l.bf16.f32 v6;
	v4 =	vmul.f32 v4, v13  }
0x3ae: {  	v6 =	vld [tilespmem:s1+$0x19000];
	v1 =	vadd.f32 v2, v1;
	v2 =	vmul.f32 v5, v13;
	v5 =	vunpack.i.u.bf16.f32 v7  }
0x3af: {  	v3 =	vadd.f32 v4, v3;
	v4 =	vunpack.i.l.bf16.f32 v7;
	v5 =	vmul.f32 v5, v14  }
0x3b0: {  	v1 =	vadd.f32 v2, v1;
	v2 =	vmul.f32 v4, v14;
	v4 =	vunpack.i.u.bf16.f32 v8  }
0x3b1: {  	v3 =	vadd.f32 v5, v3;
	v4 =	vmul.f32 v4, v16  }
0x3b2: {  	v5 =	vunpack.i.l.bf16.f32 v8;
	v1 =	vadd.f32 v2, v1  }
0x3b3: {  	s0 =	sshll.u32 s18, $0x5;
	v2 =	vmul.f32 v5, v16;
	v5 =	vunpack.i.u.bf16.f32 v6;
	v3 =	vadd.f32 v4, v3  }
0x3b4: {  	v4 =	vunpack.i.l.bf16.f32 v6;
	v5 =	vmul.f32 v5, v15;
	v6 =	vmov s0  }
0x3b5: {  	v2 =	vadd.f32 v2, v1;
	v4 =	vmul.f32 v4, v15;
	v1 =	vshrl.u32 v6, $0x7  }
0x3b6: {  	v3 =	vadd.f32 v5, v3;
	v1 =	vshll.u32 v1, v0  }
0x3b7: {  	v2 =	vadd.f32 v4, v2;
	v4 =	vadd.s32 $0x60, v1  }
0x3b8: {  	[tilespmem:s1+$0x1A700] =	vst v3;
	v3 =	vbroadcast v4, $0x0  }
0x3b9: {  	s2 =	simm.s32 @!p0 $0x18080;
	s0 =	sadd.s32 @!p0 $0x13940, s11;
	[tilespmem:s1+$0x1A500] =	vst v2;
	s1 =	simm.s32 @!p0 $0x20  }
0x3ba: {  	v2 =	vadd.s32 $0x61, v1;
	[tilespmem:s2], [sflag:$0x3] =	stream.indirect.gather @!p0 [spmem:s4], $0x80, s0, s1, $0xb8;
	[tilespmem:$0x1FD80] =	vst v63  }
0x3bb: {  	v5 =	vadd.s32 $0x63, v1;
	v8 =	vadd.s32 $0x65, v1;
	v4 =	vbroadcast v2, $0x0;
	_ =	swait.ge [sflag:s7], $0x1000  }
0x3bc: {  	v9 =	vadd.s32 $0x66, v1;
	v11 =	vadd.s32 $0x69, v1;
	v2 =	vadd.s32 $0x62, v1;
	[sflag:s7] =	ssyncset.done $0x0  }
0x3bd: {  	v14 =	vadd.s32 $0x6A, v1;
	v6 =	vbroadcast v2, $0x0;
	v2 =	vadd.s32 $0x64, v1;
	[sflag:s7] =	ssyncadd.s32 $0xFFFFF000  }
0x3be: {  	s10 =	simm.s32 $0x0;
	v16 =	vadd.s32 $0x6C, v1;
	v18 =	vadd.s32 $0x6D, v1;
	v7 =	vbroadcast v2, $0x0;
	v2 =	vld.idx.msk [tilespmem:v3+s28+$0x0], $0xffff  }
0x3bf: {  	v5 =	vbroadcast v5, $0x0;
	v8 =	vbroadcast v8, $0x0;
	v3 =	vadd.s32 $0x67, v1;
	v12 =	vld [tilespmem:s10+$0x19080]  }
0x3c0: {  	v9 =	vbroadcast v9, $0x0;
	v15 =	vld [tilespmem:s10+$0x19100];
	v10 =	vbroadcast v3, $0x0;
	v3 =	vadd.s32 $0x68, v1  }
0x3c1: {  	v20 =	vadd.s32 $0x6F, v1;
	v11 =	vbroadcast v11, $0x0;
	v13 =	vbroadcast v3, $0x0;
	v3 =	vld.idx.msk [tilespmem:v4+s28+$0x0], $0xffff  }
0x3c2: {  	v14 =	vbroadcast v14, $0x0;
	v16 =	vbroadcast v16, $0x0;
	v19 =	vld [tilespmem:s10+$0x19180];
	v4 =	vadd.s32 $0x6B, v1  }
0x3c3: {  	v18 =	vbroadcast v18, $0x0;
	v17 =	vbroadcast v4, $0x0;
	v4 =	vld.idx.msk [tilespmem:v6+s28+$0x0], $0xffff;
	v6 =	vadd.s32 $0x6E, v1  }
0x3c4: {  	v20 =	vbroadcast v20, $0x0;
	v22 =	vld [tilespmem:s10+$0x19200];
	v21 =	vbroadcast v6, $0x0  }
0x3c5: {  	v5 =	vld.idx.msk [tilespmem:v5+s28+$0x0], $0xffff;
	v23 =	vunpack.i.l.bf16.f32 v12;
	v6 =	vunpack.i.u.bf16.f32 v12;
	v12 =	vunpack.i.u.bf16.f32 v15  }
0x3c6: {  	v25 =	vld [tilespmem:s10+$0x19280];
	v15 =	vunpack.i.l.bf16.f32 v15;
	v24 =	vmul.f32 v6, v2;
	v12 =	vmul.f32 v12, v3  }
0x3c7: {  	v6 =	vld.idx.msk [tilespmem:v7+s28+$0x0], $0xffff;
	v23 =	vmul.f32 v23, v2;
	v7 =	vunpack.i.u.bf16.f32 v19;
	v15 =	vmul.f32 v15, v3  }
0x3c8: {  	v26 =	vld [tilespmem:s10+$0x19300];
	v19 =	vunpack.i.l.bf16.f32 v19;
	v12 =	vadd.f32 v12, v24;
	v24 =	vmul.f32 v7, v4  }
0x3c9: {  	v19 =	vmul.f32 v19, v4;
	v7 =	vld.idx.msk [tilespmem:v8+s28+$0x0], $0xffff;
	v15 =	vadd.f32 v15, v23;
	v8 =	vunpack.i.u.bf16.f32 v22  }
0x3ca: {  	v22 =	vunpack.i.l.bf16.f32 v22;
	v23 =	vmul.f32 v8, v5;
	v12 =	vadd.f32 v24, v12;
	v24 =	vld [tilespmem:s10+$0x19380]  }
0x3cb: {  	v8 =	vld.idx.msk [tilespmem:v9+s28+$0x0], $0xffff;
	v9 =	vunpack.i.u.bf16.f32 v25;
	v15 =	vadd.f32 v19, v15;
	v19 =	vmul.f32 v22, v5  }
0x3cc: {  	v22 =	vunpack.i.l.bf16.f32 v25;
	v25 =	vld [tilespmem:s10+$0x19400];
	v12 =	vadd.f32 v23, v12;
	v23 =	vmul.f32 v9, v6  }
0x3cd: {  	v9 =	vld.idx.msk [tilespmem:v10+s28+$0x0], $0xffff;
	v15 =	vadd.f32 v19, v15;
	v19 =	vmul.f32 v22, v6;
	v10 =	vunpack.i.u.bf16.f32 v26  }
0x3ce: {  	v22 =	vunpack.i.l.bf16.f32 v26;
	v26 =	vld [tilespmem:s10+$0x19480];
	v12 =	vadd.f32 v23, v12;
	v23 =	vmul.f32 v10, v7  }
0x3cf: {  	v10 =	vld.idx.msk [tilespmem:v13+s28+$0x0], $0xffff;
	v13 =	vadd.f32 v19, v15;
	v15 =	vmul.f32 v22, v7;
	v19 =	vunpack.i.u.bf16.f32 v24  }
0x3d0: {  	v22 =	vunpack.i.l.bf16.f32 v24;
	v12 =	vadd.f32 v23, v12;
	v19 =	vmul.f32 v19, v8;
	v23 =	vld [tilespmem:s10+$0x19500]  }
0x3d1: {  	v11 =	vld.idx.msk [tilespmem:v11+s28+$0x0], $0xffff;
	v13 =	vadd.f32 v15, v13;
	v15 =	vmul.f32 v22, v8;
	v22 =	vunpack.i.u.bf16.f32 v25  }
0x3d2: {  	v24 =	vunpack.i.l.bf16.f32 v25;
	v25 =	vld [tilespmem:s10+$0x19580];
	v22 =	vmul.f32 v22, v9;
	v19 =	vadd.f32 v19, v12  }
0x3d3: {  	v12 =	vld.idx.msk [tilespmem:v14+s28+$0x0], $0xffff;
	v14 =	vadd.f32 v15, v13;
	v15 =	vmul.f32 v24, v9;
	v13 =	vunpack.i.u.bf16.f32 v26  }
0x3d4: {  	v24 =	vmul.f32 v13, v10;
	v19 =	vadd.f32 v22, v19;
	v22 =	vunpack.i.l.bf16.f32 v26;
	v26 =	vld [tilespmem:s10+$0x19600]  }
0x3d5: {  	v13 =	vld.idx.msk [tilespmem:v17+s28+$0x0], $0xffff;
	v15 =	vadd.f32 v15, v14;
	v17 =	vmul.f32 v22, v10;
	v14 =	vunpack.i.u.bf16.f32 v23  }
0x3d6: {  	v22 =	vunpack.i.l.bf16.f32 v23;
	v19 =	vadd.f32 v24, v19;
	v23 =	vmul.f32 v14, v11;
	v24 =	vld [tilespmem:s10+$0x19680]  }
0x3d7: {  	v14 =	vld.idx.msk [tilespmem:v16+s28+$0x0], $0xffff;
	v16 =	vadd.f32 v17, v15;
	v17 =	vmul.f32 v22, v11;
	v15 =	vunpack.i.u.bf16.f32 v25  }
0x3d8: {  	v22 =	vunpack.i.l.bf16.f32 v25;
	v25 =	vld [tilespmem:s10+$0x19700];
	v19 =	vadd.f32 v23, v19;
	v23 =	vmul.f32 v15, v12  }
0x3d9: {  	v15 =	vld.idx.msk [tilespmem:v18+s28+$0x0], $0xffff;
	v16 =	vadd.f32 v17, v16;
	v17 =	vmul.f32 v22, v12;
	v18 =	vunpack.i.u.bf16.f32 v26  }
0x3da: {  	v22 =	vunpack.i.l.bf16.f32 v26;
	v19 =	vadd.f32 v23, v19;
	v23 =	vmul.f32 v18, v13  }
0x3db: {  	v18 =	vld [tilespmem:s10+$0x19780];
	v22 =	vmul.f32 v22, v13;
	v26 =	vadd.f32 v17, v16  }
0x3dc: {  	v16 =	vunpack.i.u.bf16.f32 v24;
	v17 =	vld.idx.msk [tilespmem:v21+s28+$0x0], $0xffff;
	v21 =	vadd.f32 v23, v19;
	v19 =	vunpack.i.l.bf16.f32 v24  }
0x3dd: {  	v23 =	vmul.f32 v16, v14;
	v24 =	vadd.f32 v22, v26;
	v26 =	vmul.f32 v19, v14;
	v19 =	vld [tilespmem:s10+$0x19800]  }
0x3de: {  	v16 =	vld.idx.msk [tilespmem:v20+s28+$0x0], $0xffff;
	v20 =	vunpack.i.u.bf16.f32 v25  }
0x3df: {  	s1 =	simm.s32 $0x10;
	v25 =	vunpack.i.l.bf16.f32 v25;
	v22 =	vmul.f32 v20, v15;
	v21 =	vadd.f32 v23, v21  }
0x3e0: {  	s2 =	simm.s32 $0x80;
	v20 =	vld [tilespmem:s1+$0x19080];
	v23 =	vadd.f32 v26, v24;
	v24 =	vmul.f32 v25, v15;
	v25 =	vunpack.i.u.bf16.f32 v18  }
.LBB2_19:
0x3e1: {  	p0 =	sne.s32 s2, $0x1C0;
	v26 =	vld [tilespmem:s1+$0x19100];
	v21 =	vadd.f32 v22, v21;
	v18 =	vunpack.i.l.bf16.f32 v18;
	v22 =	vmul.f32 v25, v17  }
0x3e2: {  	v23 =	vadd.f32 v24, v23;
	v18 =	vmul.f32 v18, v17;
	v24 =	vunpack.i.u.bf16.f32 v19  }
0x3e3: {  	v19 =	vunpack.i.l.bf16.f32 v19;
	v25 =	vld [tilespmem:s1+$0x19180];
	v21 =	vadd.f32 v22, v21;
	v22 =	vmul.f32 v24, v16  }
0x3e4: {  	v19 =	vmul.f32 v19, v16;
	v18 =	vadd.f32 v18, v23  }
0x3e5: {  	v23 =	vunpack.i.l.bf16.f32 v20;
	v24 =	vld [tilespmem:s1+$0x19200];
	v21 =	vadd.f32 v22, v21  }
0x3e6: {  	v20 =	vunpack.i.u.bf16.f32 v20;
	v22 =	vunpack.i.u.bf16.f32 v26;
	v26 =	vunpack.i.l.bf16.f32 v26  }
0x3e7: {  	v20 =	vmul.f32 v20, v2;
	v18 =	vadd.f32 v19, v18;
	v22 =	vmul.f32 v22, v3;
	v27 =	vld [tilespmem:s1+$0x19280];
	[tilespmem:s10+$0x1A780] =	vst v21  }
0x3e8: {  	v19 =	vmul.f32 v23, v2;
	v21 =	vmul.f32 v26, v3;
	v23 =	vunpack.i.u.bf16.f32 v25  }
0x3e9: {  	v20 =	vadd.f32 v22, v20;
	v22 =	vunpack.i.l.bf16.f32 v25;
	v23 =	vmul.f32 v23, v4;
	v25 =	vld [tilespmem:s1+$0x19300];
	[tilespmem:s10+$0x1A580] =	vst v18;
	s10 =	smov.u32 s1  }
0x3ea: {  	v18 =	vadd.f32 v21, v19;
	v19 =	vmul.f32 v22, v4;
	v21 =	vunpack.i.u.bf16.f32 v24  }
0x3eb: {  	v22 =	vunpack.i.l.bf16.f32 v24;
	v20 =	vadd.f32 v23, v20;
	v21 =	vmul.f32 v21, v5;
	v23 =	vld [tilespmem:s10+$0x19380]  }
0x3ec: {  	v18 =	vadd.f32 v19, v18;
	v19 =	vmul.f32 v22, v5;
	v22 =	vunpack.i.u.bf16.f32 v27  }
0x3ed: {  	v20 =	vadd.f32 v21, v20;
	v21 =	vunpack.i.l.bf16.f32 v27;
	v22 =	vmul.f32 v22, v6;
	v24 =	vld [tilespmem:s10+$0x19400]  }
0x3ee: {  	v18 =	vadd.f32 v19, v18;
	v19 =	vmul.f32 v21, v6;
	v21 =	vunpack.i.u.bf16.f32 v25  }
0x3ef: {  	v20 =	vadd.f32 v22, v20;
	v22 =	vunpack.i.l.bf16.f32 v25;
	v21 =	vmul.f32 v21, v7;
	v25 =	vld [tilespmem:s10+$0x19480]  }
0x3f0: {  	v18 =	vadd.f32 v19, v18;
	v19 =	vmul.f32 v22, v7;
	v22 =	vunpack.i.u.bf16.f32 v23  }
0x3f1: {  	v20 =	vadd.f32 v21, v20;
	v21 =	vunpack.i.l.bf16.f32 v23;
	v22 =	vmul.f32 v22, v8;
	v23 =	vld [tilespmem:s10+$0x19500]  }
0x3f2: {  	v18 =	vadd.f32 v19, v18;
	v19 =	vmul.f32 v21, v8;
	v21 =	vunpack.i.u.bf16.f32 v24  }
0x3f3: {  	v20 =	vadd.f32 v22, v20;
	v22 =	vunpack.i.l.bf16.f32 v24;
	v21 =	vmul.f32 v21, v9;
	v24 =	vld [tilespmem:s10+$0x19580]  }
0x3f4: {  	v18 =	vadd.f32 v19, v18;
	v19 =	vmul.f32 v22, v9;
	v22 =	vunpack.i.u.bf16.f32 v25  }
0x3f5: {  	v20 =	vadd.f32 v21, v20;
	v21 =	vunpack.i.l.bf16.f32 v25;
	v22 =	vmul.f32 v22, v10;
	v25 =	vld [tilespmem:s10+$0x19600]  }
0x3f6: {  	v18 =	vadd.f32 v19, v18;
	v19 =	vmul.f32 v21, v10;
	v21 =	vunpack.i.u.bf16.f32 v23  }
0x3f7: {  	v20 =	vadd.f32 v22, v20;
	v22 =	vunpack.i.l.bf16.f32 v23;
	v21 =	vmul.f32 v21, v11;
	v23 =	vld [tilespmem:s10+$0x19680]  }
0x3f8: {  	v18 =	vadd.f32 v19, v18;
	v19 =	vmul.f32 v22, v11;
	v22 =	vunpack.i.u.bf16.f32 v24  }
0x3f9: {  	v20 =	vadd.f32 v21, v20;
	v21 =	vunpack.i.l.bf16.f32 v24;
	v22 =	vmul.f32 v22, v12;
	v24 =	vld [tilespmem:s10+$0x19700]  }
0x3fa: {  	v19 =	vadd.f32 v19, v18;
	v21 =	vmul.f32 v21, v12;
	v18 =	vunpack.i.u.bf16.f32 v25  }
0x3fb: {  	v20 =	vadd.f32 v22, v20;
	v22 =	vunpack.i.l.bf16.f32 v25;
	v25 =	vmul.f32 v18, v13;
	v18 =	vld [tilespmem:s10+$0x19780]  }
.Ltmp11:
0x3fc: {  	v21 =	vadd.f32 v21, v19;
	v22 =	vmul.f32 v22, v13;
	v19 =	vunpack.i.u.bf16.f32 v23;
	(pc) =	sbr.rel @p0 .LBB2_19-.Ltmp11, $4  }
0x3fd: {  	v23 =	vunpack.i.l.bf16.f32 v23;
	v20 =	vadd.f32 v25, v20;
	v25 =	vmul.f32 v19, v14;
	v19 =	vld [tilespmem:s10+$0x19800]  }
0x3fe: {  	v23 =	vmul.f32 v23, v14;
	v26 =	vadd.f32 v22, v21;
	v22 =	vunpack.i.u.bf16.f32 v24  }
0x3ff: {  	s1 =	sshra.s32 s2, $0x2;
	v24 =	vunpack.i.l.bf16.f32 v24;
	v21 =	vadd.f32 v25, v20;
	v22 =	vmul.f32 v22, v15  }
0x400: {  	s2 =	sadd.s32 $0x40, s2;
	v24 =	vmul.f32 v24, v15;
	v20 =	vld [tilespmem:s1+$0x19080];
	v23 =	vadd.f32 v23, v26;
	v25 =	vunpack.i.u.bf16.f32 v18  }
0x401: {  	v26 =	vld [tilespmem:s1+$0x19100];
	v21 =	vadd.f32 v22, v21;
	v18 =	vunpack.i.l.bf16.f32 v18;
	v22 =	vmul.f32 v25, v17  }
0x402: {  	v23 =	vadd.f32 v24, v23;
	v18 =	vmul.f32 v18, v17;
	v24 =	vunpack.i.u.bf16.f32 v19  }
0x403: {  	v25 =	vld [tilespmem:s1+$0x19180];
	v19 =	vunpack.i.l.bf16.f32 v19;
	v21 =	vadd.f32 v22, v21;
	v22 =	vmul.f32 v24, v16  }
0x404: {  	v19 =	vmul.f32 v19, v16  }
0x405: {  	v24 =	vld [tilespmem:s1+$0x19200];
	v18 =	vadd.f32 v18, v23;
	v23 =	vunpack.i.l.bf16.f32 v20;
	v21 =	vadd.f32 v22, v21  }
0x406: {  	v20 =	vunpack.i.u.bf16.f32 v20;
	v22 =	vunpack.i.u.bf16.f32 v26;
	v26 =	vunpack.i.l.bf16.f32 v26  }
0x407: {  	v27 =	vld [tilespmem:s1+$0x19280];
	v20 =	vmul.f32 v20, v2;
	v18 =	vadd.f32 v19, v18;
	v22 =	vmul.f32 v22, v3  }
0x408: {  	v2 =	vmul.f32 v23, v2;
	v19 =	vunpack.i.u.bf16.f32 v25;
	[tilespmem:s10+$0x1A780] =	vst v21;
	v3 =	vmul.f32 v26, v3  }
0x409: {  	v21 =	vunpack.i.l.bf16.f32 v25;
	v19 =	vmul.f32 v19, v4;
	v20 =	vadd.f32 v22, v20;
	v22 =	vld [tilespmem:s1+$0x19300]  }
0x40a: {  	[tilespmem:s10+$0x1A580] =	vst v18;
	v2 =	vadd.f32 v3, v2;
	v3 =	vmul.f32 v21, v4;
	v4 =	vunpack.i.u.bf16.f32 v24  }
0x40b: {  	v4 =	vmul.f32 v4, v5;
	v18 =	vadd.f32 v19, v20;
	v19 =	vunpack.i.l.bf16.f32 v24;
	v20 =	vld [tilespmem:s1+$0x19380]  }
0x40c: {  	v2 =	vadd.f32 v3, v2;
	v3 =	vmul.f32 v19, v5;
	v5 =	vunpack.i.u.bf16.f32 v27  }
0x40d: {  	v19 =	vld [tilespmem:s1+$0x19400];
	v4 =	vadd.f32 v4, v18;
	v18 =	vunpack.i.l.bf16.f32 v27;
	v5 =	vmul.f32 v5, v6  }
0x40e: {  	v2 =	vadd.f32 v3, v2;
	v3 =	vmul.f32 v18, v6;
	v6 =	vunpack.i.u.bf16.f32 v22  }
0x40f: {  	v18 =	vld [tilespmem:s1+$0x19480];
	v4 =	vadd.f32 v5, v4;
	v5 =	vunpack.i.l.bf16.f32 v22;
	v6 =	vmul.f32 v6, v7  }
0x410: {  	v2 =	vadd.f32 v3, v2;
	v3 =	vmul.f32 v5, v7;
	v5 =	vunpack.i.u.bf16.f32 v20  }
0x411: {  	v7 =	vld [tilespmem:s1+$0x19500];
	v4 =	vadd.f32 v6, v4;
	v6 =	vunpack.i.l.bf16.f32 v20;
	v5 =	vmul.f32 v5, v8  }
0x412: {  	v2 =	vadd.f32 v3, v2;
	v3 =	vmul.f32 v6, v8;
	v6 =	vunpack.i.u.bf16.f32 v19  }
0x413: {  	v8 =	vld [tilespmem:s1+$0x19580];
	v4 =	vadd.f32 v5, v4;
	v5 =	vunpack.i.l.bf16.f32 v19;
	v6 =	vmul.f32 v6, v9  }
0x414: {  	v2 =	vadd.f32 v3, v2;
	v3 =	vmul.f32 v5, v9;
	v5 =	vunpack.i.u.bf16.f32 v18  }
0x415: {  	v9 =	vld [tilespmem:s1+$0x19600];
	v4 =	vadd.f32 v6, v4;
	v6 =	vunpack.i.l.bf16.f32 v18;
	v5 =	vmul.f32 v5, v10  }
0x416: {  	v2 =	vadd.f32 v3, v2;
	v3 =	vmul.f32 v6, v10;
	v6 =	vunpack.i.u.bf16.f32 v7  }
0x417: {  	v4 =	vadd.f32 v5, v4;
	v5 =	vunpack.i.l.bf16.f32 v7;
	v6 =	vmul.f32 v6, v11;
	v7 =	vld [tilespmem:s1+$0x19680]  }
0x418: {  	v2 =	vadd.f32 v3, v2;
	v3 =	vmul.f32 v5, v11;
	v5 =	vunpack.i.u.bf16.f32 v8  }
0x419: {  	v4 =	vadd.f32 v6, v4;
	v6 =	vunpack.i.l.bf16.f32 v8;
	v5 =	vmul.f32 v5, v12;
	v8 =	vld [tilespmem:s1+$0x19700]  }
0x41a: {  	v2 =	vadd.f32 v3, v2;
	v3 =	vmul.f32 v6, v12;
	v6 =	vunpack.i.u.bf16.f32 v9  }
0x41b: {  	v4 =	vadd.f32 v5, v4;
	v5 =	vunpack.i.l.bf16.f32 v9;
	v6 =	vmul.f32 v6, v13;
	v9 =	vld [tilespmem:s1+$0x19780]  }
0x41c: {  	v2 =	vadd.f32 v3, v2;
	v3 =	vmul.f32 v5, v13;
	v5 =	vunpack.i.u.bf16.f32 v7  }
0x41d: {  	v4 =	vadd.f32 v6, v4;
	v6 =	vunpack.i.l.bf16.f32 v7;
	v5 =	vmul.f32 v5, v14  }
0x41e: {  	v7 =	vld [tilespmem:s1+$0x19800];
	v2 =	vadd.f32 v3, v2;
	v3 =	vmul.f32 v6, v14;
	v6 =	vunpack.i.u.bf16.f32 v8  }
0x41f: {  	v4 =	vadd.f32 v5, v4;
	v5 =	vunpack.i.l.bf16.f32 v8;
	v6 =	vmul.f32 v6, v15  }
0x420: {  	v2 =	vadd.f32 v3, v2;
	v3 =	vmul.f32 v5, v15;
	v5 =	vunpack.i.u.bf16.f32 v9  }
0x421: {  	v4 =	vadd.f32 v6, v4;
	v5 =	vmul.f32 v5, v17  }
0x422: {  	v6 =	vunpack.i.l.bf16.f32 v9;
	v2 =	vadd.f32 v3, v2  }
0x423: {  	v3 =	vmul.f32 v6, v17;
	v6 =	vunpack.i.u.bf16.f32 v7;
	v4 =	vadd.f32 v5, v4  }
0x424: {  	v5 =	vunpack.i.l.bf16.f32 v7;
	v6 =	vmul.f32 v6, v16;
	v7 =	vadd.s32 $0x70, v1  }
0x425: {  	v2 =	vadd.f32 v3, v2;
	v3 =	vmul.f32 v5, v16;
	v5 =	vbroadcast v7, $0x0  }
0x426: {  	v11 =	vadd.s32 $0x79, v1  }
0x427: {  	v4 =	vadd.f32 v6, v4;
	v2 =	vadd.f32 v3, v2;
	v3 =	vadd.s32 $0x71, v1  }
0x428: {  	v11 =	vbroadcast v11, $0x0;
	v8 =	vadd.s32 $0x75, v1;
	v3 =	vbroadcast v3, $0x0  }
0x429: {  	v8 =	vbroadcast v8, $0x0;
	v9 =	vadd.s32 $0x76, v1;
	v6 =	vadd.s32 $0x72, v1;
	[tilespmem:s1+$0x1A780] =	vst v4  }
0x42a: {  	v9 =	vbroadcast v9, $0x0;
	v4 =	vbroadcast v6, $0x0;
	[tilespmem:s1+$0x1A580] =	vst v2  }
0x42b: {  	s10 =	simm.s32 $0x0;
	v7 =	vadd.s32 $0x73, v1;
	v16 =	vadd.s32 $0x7C, v1;
	v2 =	vld.idx.msk [tilespmem:v5+s28+$0x0], $0xffff;
	v5 =	vadd.s32 $0x77, v1  }
0x42c: {  	v6 =	vbroadcast v7, $0x0;
	v12 =	vld [tilespmem:s10+$0x19880];
	v10 =	vbroadcast v5, $0x0;
	v5 =	vadd.s32 $0x78, v1  }
0x42d: {  	v7 =	vadd.s32 $0x74, v1;
	v14 =	vld [tilespmem:s10+$0x19900];
	v13 =	vbroadcast v5, $0x0;
	v5 =	vadd.s32 $0x7A, v1  }
0x42e: {  	v7 =	vbroadcast v7, $0x0;
	v3 =	vld.idx.msk [tilespmem:v3+s28+$0x0], $0xffff;
	v15 =	vbroadcast v5, $0x0;
	v5 =	vadd.s32 $0x7B, v1  }
0x42f: {  	v16 =	vbroadcast v16, $0x0;
	v18 =	vld [tilespmem:s10+$0x19980];
	v17 =	vbroadcast v5, $0x0;
	v5 =	vadd.s32 $0x7D, v1  }
0x430: {  	v4 =	vld.idx.msk [tilespmem:v4+s28+$0x0], $0xffff;
	v19 =	vbroadcast v5, $0x0;
	v5 =	vadd.s32 $0x7E, v1;
	v1 =	vadd.s32 $0x7F, v1  }
0x431: {  	v22 =	vld [tilespmem:s10+$0x19A00];
	v20 =	vbroadcast v5, $0x0;
	v21 =	vbroadcast v1, $0x0  }
0x432: {  	v1 =	vld.idx.msk [tilespmem:v6+s28+$0x0], $0xffff;
	v6 =	vunpack.i.l.bf16.f32 v12;
	v5 =	vunpack.i.u.bf16.f32 v12;
	v12 =	vunpack.i.u.bf16.f32 v14  }
0x433: {  	v24 =	vld [tilespmem:s10+$0x19A80];
	v14 =	vunpack.i.l.bf16.f32 v14;
	v23 =	vmul.f32 v5, v2;
	v12 =	vmul.f32 v12, v3  }
0x434: {  	v5 =	vld.idx.msk [tilespmem:v7+s28+$0x0], $0xffff;
	v7 =	vmul.f32 v6, v2;
	v6 =	vunpack.i.u.bf16.f32 v18;
	v14 =	vmul.f32 v14, v3  }
0x435: {  	v25 =	vld [tilespmem:s10+$0x19B00];
	v18 =	vunpack.i.l.bf16.f32 v18;
	v12 =	vadd.f32 v12, v23;
	v23 =	vmul.f32 v6, v4  }
0x436: {  	v6 =	vld.idx.msk [tilespmem:v8+s28+$0x0], $0xffff;
	v8 =	vadd.f32 v14, v7;
	v14 =	vmul.f32 v18, v4;
	v7 =	vunpack.i.u.bf16.f32 v22  }
0x437: {  	v18 =	vunpack.i.l.bf16.f32 v22;
	v22 =	vmul.f32 v7, v1;
	v12 =	vadd.f32 v23, v12;
	v23 =	vld [tilespmem:s10+$0x19B80]  }
0x438: {  	v7 =	vld.idx.msk [tilespmem:v9+s28+$0x0], $0xffff;
	v9 =	vadd.f32 v14, v8;
	v14 =	vmul.f32 v18, v1;
	v8 =	vunpack.i.u.bf16.f32 v24  }
0x439: {  	v18 =	vunpack.i.l.bf16.f32 v24;
	v24 =	vld [tilespmem:s10+$0x19C00];
	v12 =	vadd.f32 v22, v12;
	v22 =	vmul.f32 v8, v5  }
0x43a: {  	v8 =	vld.idx.msk [tilespmem:v10+s28+$0x0], $0xffff;
	v10 =	vadd.f32 v14, v9;
	v14 =	vmul.f32 v18, v5;
	v9 =	vunpack.i.u.bf16.f32 v25  }
0x43b: {  	v18 =	vunpack.i.l.bf16.f32 v25;
	v25 =	vld [tilespmem:s10+$0x19C80];
	v12 =	vadd.f32 v22, v12;
	v22 =	vmul.f32 v9, v6  }
0x43c: {  	v9 =	vld.idx.msk [tilespmem:v13+s28+$0x0], $0xffff;
	v13 =	vadd.f32 v14, v10;
	v14 =	vmul.f32 v18, v6;
	v10 =	vunpack.i.u.bf16.f32 v23  }
0x43d: {  	v18 =	vunpack.i.l.bf16.f32 v23;
	v23 =	vld [tilespmem:s10+$0x19D00];
	v12 =	vadd.f32 v22, v12;
	v22 =	vmul.f32 v10, v7  }
0x43e: {  	v10 =	vld.idx.msk [tilespmem:v11+s28+$0x0], $0xffff;
	v13 =	vadd.f32 v14, v13;
	v14 =	vmul.f32 v18, v7;
	v11 =	vunpack.i.u.bf16.f32 v24  }
0x43f: {  	v18 =	vunpack.i.l.bf16.f32 v24;
	v24 =	vld [tilespmem:s10+$0x19D80];
	v12 =	vadd.f32 v22, v12;
	v22 =	vmul.f32 v11, v8  }
0x440: {  	v11 =	vld.idx.msk [tilespmem:v15+s28+$0x0], $0xffff;
	v13 =	vadd.f32 v14, v13;
	v14 =	vmul.f32 v18, v8;
	v15 =	vunpack.i.u.bf16.f32 v25  }
0x441: {  	v15 =	vmul.f32 v15, v9;
	v18 =	vadd.f32 v22, v12;
	v22 =	vunpack.i.l.bf16.f32 v25;
	v25 =	vld [tilespmem:s10+$0x19E00]  }
0x442: {  	v12 =	vld.idx.msk [tilespmem:v17+s28+$0x0], $0xffff;
	v14 =	vadd.f32 v14, v13;
	v13 =	vunpack.i.u.bf16.f32 v23;
	v17 =	vmul.f32 v22, v9  }
0x443: {  	v22 =	vmul.f32 v13, v10;
	v13 =	vld.idx.msk [tilespmem:v16+s28+$0x0], $0xffff;
	v15 =	vadd.f32 v15, v18;
	v18 =	vunpack.i.l.bf16.f32 v23  }
0x444: {  	v23 =	vld [tilespmem:s10+$0x19E80];
	v16 =	vadd.f32 v17, v14;
	v17 =	vmul.f32 v18, v10;
	v14 =	vunpack.i.u.bf16.f32 v24  }
0x445: {  	v18 =	vunpack.i.l.bf16.f32 v24;
	v15 =	vadd.f32 v22, v15;
	v22 =	vmul.f32 v14, v11  }
0x446: {  	v24 =	vld [tilespmem:s10+$0x19F00];
	v18 =	vmul.f32 v18, v11;
	v16 =	vadd.f32 v17, v16;
	v17 =	vunpack.i.u.bf16.f32 v25  }
0x447: {  	v14 =	vld.idx.msk [tilespmem:v19+s28+$0x0], $0xffff;
	v19 =	vunpack.i.l.bf16.f32 v25;
	v15 =	vadd.f32 v22, v15;
	v22 =	vmul.f32 v17, v12  }
0x448: {  	v17 =	vld [tilespmem:s10+$0x19F80];
	v19 =	vmul.f32 v19, v12;
	v18 =	vadd.f32 v18, v16  }
0x449: {  	v25 =	vunpack.i.u.bf16.f32 v23;
	v16 =	vld.idx.msk [tilespmem:v20+s28+$0x0], $0xffff;
	v20 =	vadd.f32 v22, v15  }
0x44a: {  	v22 =	vunpack.i.l.bf16.f32 v23;
	v23 =	vmul.f32 v25, v13;
	v25 =	vadd.f32 v19, v18;
	v18 =	vld [tilespmem:s10+$0x1A000]  }
0x44b: {  	v15 =	vld.idx.msk [tilespmem:v21+s28+$0x0], $0xffff;
	v22 =	vmul.f32 v22, v13;
	v19 =	vunpack.i.u.bf16.f32 v24  }
0x44c: {  	s1 =	simm.s32 $0x10;
	v20 =	vadd.f32 v23, v20;
	v23 =	vunpack.i.l.bf16.f32 v24;
	v21 =	vmul.f32 v19, v14  }
0x44d: {  	s2 =	simm.s32 $0x80;
	v19 =	vld [tilespmem:s1+$0x19880];
	v22 =	vadd.f32 v22, v25;
	v23 =	vmul.f32 v23, v14;
	v24 =	vunpack.i.u.bf16.f32 v17  }
.LBB2_21:
0x44e: {  	p0 =	sne.s32 s2, $0x1C0;
	v25 =	vld [tilespmem:s1+$0x19900];
	v20 =	vadd.f32 v21, v20;
	v17 =	vunpack.i.l.bf16.f32 v17;
	v21 =	vmul.f32 v24, v16  }
0x44f: {  	v22 =	vadd.f32 v23, v22;
	v17 =	vmul.f32 v17, v16;
	v23 =	vunpack.i.u.bf16.f32 v18  }
0x450: {  	v18 =	vunpack.i.l.bf16.f32 v18;
	v24 =	vld [tilespmem:s1+$0x19980];
	v20 =	vadd.f32 v21, v20;
	v21 =	vmul.f32 v23, v15  }
0x451: {  	v18 =	vmul.f32 v18, v15;
	v17 =	vadd.f32 v17, v22  }
0x452: {  	v22 =	vunpack.i.l.bf16.f32 v19;
	v23 =	vld [tilespmem:s1+$0x19A00];
	v20 =	vadd.f32 v21, v20  }
0x453: {  	v19 =	vunpack.i.u.bf16.f32 v19;
	v21 =	vunpack.i.u.bf16.f32 v25;
	v25 =	vunpack.i.l.bf16.f32 v25  }
0x454: {  	v19 =	vmul.f32 v19, v2;
	v17 =	vadd.f32 v18, v17;
	v21 =	vmul.f32 v21, v3;
	v26 =	vld [tilespmem:s1+$0x19A80];
	[tilespmem:s10+$0x1A800] =	vst v20  }
0x455: {  	v18 =	vmul.f32 v22, v2;
	v20 =	vmul.f32 v25, v3;
	v22 =	vunpack.i.u.bf16.f32 v24  }
0x456: {  	v19 =	vadd.f32 v21, v19;
	v21 =	vunpack.i.l.bf16.f32 v24;
	v22 =	vmul.f32 v22, v4;
	v24 =	vld [tilespmem:s1+$0x19B00];
	[tilespmem:s10+$0x1A600] =	vst v17;
	s10 =	smov.u32 s1  }
0x457: {  	v17 =	vadd.f32 v20, v18;
	v18 =	vmul.f32 v21, v4;
	v20 =	vunpack.i.u.bf16.f32 v23  }
0x458: {  	v21 =	vunpack.i.l.bf16.f32 v23;
	v19 =	vadd.f32 v22, v19;
	v20 =	vmul.f32 v20, v1;
	v22 =	vld [tilespmem:s10+$0x19B80]  }
0x459: {  	v17 =	vadd.f32 v18, v17;
	v18 =	vmul.f32 v21, v1;
	v21 =	vunpack.i.u.bf16.f32 v26  }
0x45a: {  	v19 =	vadd.f32 v20, v19;
	v20 =	vunpack.i.l.bf16.f32 v26;
	v21 =	vmul.f32 v21, v5;
	v23 =	vld [tilespmem:s10+$0x19C00]  }
0x45b: {  	v17 =	vadd.f32 v18, v17;
	v18 =	vmul.f32 v20, v5;
	v20 =	vunpack.i.u.bf16.f32 v24  }
0x45c: {  	v19 =	vadd.f32 v21, v19;
	v21 =	vunpack.i.l.bf16.f32 v24;
	v20 =	vmul.f32 v20, v6;
	v24 =	vld [tilespmem:s10+$0x19C80]  }
0x45d: {  	v17 =	vadd.f32 v18, v17;
	v18 =	vmul.f32 v21, v6;
	v21 =	vunpack.i.u.bf16.f32 v22  }
0x45e: {  	v19 =	vadd.f32 v20, v19;
	v20 =	vunpack.i.l.bf16.f32 v22;
	v21 =	vmul.f32 v21, v7;
	v22 =	vld [tilespmem:s10+$0x19D00]  }
0x45f: {  	v17 =	vadd.f32 v18, v17;
	v18 =	vmul.f32 v20, v7;
	v20 =	vunpack.i.u.bf16.f32 v23  }
0x460: {  	v19 =	vadd.f32 v21, v19;
	v21 =	vunpack.i.l.bf16.f32 v23;
	v20 =	vmul.f32 v20, v8;
	v23 =	vld [tilespmem:s10+$0x19D80]  }
0x461: {  	v17 =	vadd.f32 v18, v17;
	v18 =	vmul.f32 v21, v8;
	v21 =	vunpack.i.u.bf16.f32 v24  }
0x462: {  	v19 =	vadd.f32 v20, v19;
	v20 =	vunpack.i.l.bf16.f32 v24;
	v21 =	vmul.f32 v21, v9;
	v24 =	vld [tilespmem:s10+$0x19E00]  }
0x463: {  	v17 =	vadd.f32 v18, v17;
	v18 =	vmul.f32 v20, v9;
	v20 =	vunpack.i.u.bf16.f32 v22  }
0x464: {  	v19 =	vadd.f32 v21, v19;
	v21 =	vunpack.i.l.bf16.f32 v22;
	v20 =	vmul.f32 v20, v10;
	v22 =	vld [tilespmem:s10+$0x19E80]  }
0x465: {  	v17 =	vadd.f32 v18, v17;
	v18 =	vmul.f32 v21, v10;
	v21 =	vunpack.i.u.bf16.f32 v23  }
0x466: {  	v19 =	vadd.f32 v20, v19;
	v20 =	vunpack.i.l.bf16.f32 v23;
	v21 =	vmul.f32 v21, v11;
	v23 =	vld [tilespmem:s10+$0x19F00]  }
0x467: {  	v18 =	vadd.f32 v18, v17;
	v20 =	vmul.f32 v20, v11;
	v17 =	vunpack.i.u.bf16.f32 v24  }
0x468: {  	v19 =	vadd.f32 v21, v19;
	v21 =	vunpack.i.l.bf16.f32 v24;
	v24 =	vmul.f32 v17, v12;
	v17 =	vld [tilespmem:s10+$0x19F80]  }
.Ltmp12:
0x469: {  	v20 =	vadd.f32 v20, v18;
	v21 =	vmul.f32 v21, v12;
	v18 =	vunpack.i.u.bf16.f32 v22;
	(pc) =	sbr.rel @p0 .LBB2_21-.Ltmp12, $4  }
0x46a: {  	v22 =	vunpack.i.l.bf16.f32 v22;
	v19 =	vadd.f32 v24, v19;
	v24 =	vmul.f32 v18, v13;
	v18 =	vld [tilespmem:s10+$0x1A000]  }
0x46b: {  	v22 =	vmul.f32 v22, v13;
	v25 =	vadd.f32 v21, v20;
	v21 =	vunpack.i.u.bf16.f32 v23  }
0x46c: {  	s1 =	sshra.s32 s2, $0x2;
	v23 =	vunpack.i.l.bf16.f32 v23;
	v20 =	vadd.f32 v24, v19;
	v21 =	vmul.f32 v21, v14  }
0x46d: {  	s2 =	sadd.s32 $0x40, s2;
	v23 =	vmul.f32 v23, v14;
	v19 =	vld [tilespmem:s1+$0x19880];
	v22 =	vadd.f32 v22, v25;
	v24 =	vunpack.i.u.bf16.f32 v17  }
0x46e: {  	v25 =	vld [tilespmem:s1+$0x19900];
	v20 =	vadd.f32 v21, v20;
	v17 =	vunpack.i.l.bf16.f32 v17;
	v54 =	vmul.f32 v24, v16  }
0x46f: {  	v22 =	vadd.f32 v23, v22;
	v17 =	vmul.f32 v17, v16;
	v55 =	vunpack.i.u.bf16.f32 v18  }
0x470: {  	v56 =	vld [tilespmem:s1+$0x19980];
	v58 =	vunpack.i.l.bf16.f32 v18;
	v20 =	vadd.f32 v54, v20;
	v57 =	vmul.f32 v55, v15  }
0x471: {  	v18 =	vmul.f32 v58, v15  }
0x472: {  	v60 =	vld [tilespmem:s1+$0x19A00];
	v17 =	vadd.f32 v17, v22;
	v59 =	vunpack.i.l.bf16.f32 v19;
	v20 =	vadd.f32 v57, v20  }
0x473: {  	v61 =	vunpack.i.u.bf16.f32 v19;
	v62 =	vunpack.i.u.bf16.f32 v25;
	v25 =	vunpack.i.l.bf16.f32 v25  }
0x474: {  	v26 =	vld [tilespmem:s1+$0x19A80];
	v19 =	vmul.f32 v61, v2;
	v17 =	vadd.f32 v18, v17;
	v21 =	vmul.f32 v62, v3  }
0x475: {  	v2 =	vmul.f32 v59, v2;
	v63 =	vunpack.i.u.bf16.f32 v56;
	[tilespmem:s10+$0x1A800] =	vst v20;
	v3 =	vmul.f32 v25, v3  }
0x476: {  	v25 =	vunpack.i.l.bf16.f32 v56;
	v18 =	vmul.f32 v63, v4;
	v27 =	vld [tilespmem:s1+$0x19B00];
	v19 =	vadd.f32 v21, v19  }
0x477: {  	v28 =	vunpack.i.u.bf16.f32 v60;
	[tilespmem:s10+$0x1A600] =	vst v17;
	v2 =	vadd.f32 v3, v2;
	v3 =	vmul.f32 v25, v4  }
0x478: {  	v30 =	vunpack.i.l.bf16.f32 v60;
	v4 =	vmul.f32 v28, v1;
	v31 =	vld [tilespmem:s1+$0x19B80];
	v29 =	vadd.f32 v18, v19  }
0x479: {  	v1 =	vmul.f32 v30, v1;
	v2 =	vadd.f32 v3, v2;
	v3 =	vunpack.i.u.bf16.f32 v26  }
0x47a: {  	v32 =	vunpack.i.l.bf16.f32 v26;
	v33 =	vld [tilespmem:s1+$0x19C00];
	v3 =	vmul.f32 v3, v5;
	v4 =	vadd.f32 v4, v29  }
0x47b: {  	v1 =	vadd.f32 v1, v2;
	v2 =	vmul.f32 v32, v5;
	v34 =	vunpack.i.u.bf16.f32 v27  }
0x47c: {  	v36 =	vld [tilespmem:s1+$0x19C80];
	v35 =	vunpack.i.l.bf16.f32 v27;
	v5 =	vmul.f32 v34, v6;
	v3 =	vadd.f32 v3, v4  }
0x47d: {  	v37 =	vunpack.i.u.bf16.f32 v31;
	v1 =	vadd.f32 v2, v1;
	v2 =	vmul.f32 v35, v6  }
0x47e: {  	v39 =	vld [tilespmem:s1+$0x19D00];
	v38 =	vunpack.i.l.bf16.f32 v31;
	v4 =	vmul.f32 v37, v7;
	v3 =	vadd.f32 v5, v3  }
0x47f: {  	v40 =	vunpack.i.u.bf16.f32 v33;
	v1 =	vadd.f32 v2, v1;
	v2 =	vmul.f32 v38, v7  }
0x480: {  	v42 =	vld [tilespmem:s1+$0x19D80];
	v41 =	vunpack.i.l.bf16.f32 v33;
	v5 =	vmul.f32 v40, v8;
	v3 =	vadd.f32 v4, v3  }
0x481: {  	v43 =	vunpack.i.u.bf16.f32 v36;
	v1 =	vadd.f32 v2, v1;
	v2 =	vmul.f32 v41, v8  }
0x482: {  	v45 =	vld [tilespmem:s1+$0x19E00];
	v44 =	vunpack.i.l.bf16.f32 v36;
	v4 =	vmul.f32 v43, v9;
	v3 =	vadd.f32 v5, v3  }
0x483: {  	v46 =	vunpack.i.u.bf16.f32 v39;
	v1 =	vadd.f32 v2, v1;
	v2 =	vmul.f32 v44, v9  }
0x484: {  	v48 =	vld [tilespmem:s1+$0x19E80];
	v47 =	vunpack.i.l.bf16.f32 v39;
	v5 =	vmul.f32 v46, v10;
	v3 =	vadd.f32 v4, v3  }
0x485: {  	v49 =	vunpack.i.u.bf16.f32 v42;
	v1 =	vadd.f32 v2, v1;
	v2 =	vmul.f32 v47, v10  }
0x486: {  	v51 =	vld [tilespmem:s1+$0x19F00];
	v50 =	vunpack.i.l.bf16.f32 v42;
	v4 =	vmul.f32 v49, v11;
	v3 =	vadd.f32 v5, v3  }
0x487: {  	v52 =	vunpack.i.u.bf16.f32 v45;
	v1 =	vadd.f32 v2, v1;
	v2 =	vmul.f32 v50, v11  }
0x488: {  	v54 =	vld [tilespmem:s1+$0x19F80];
	v53 =	vunpack.i.l.bf16.f32 v45;
	v5 =	vmul.f32 v52, v12;
	v3 =	vadd.f32 v4, v3  }
0x489: {  	v55 =	vunpack.i.u.bf16.f32 v48;
	v1 =	vadd.f32 v2, v1;
	v2 =	vmul.f32 v53, v12  }
0x48a: {  	v57 =	vld [tilespmem:s1+$0x1A000];
	v56 =	vunpack.i.l.bf16.f32 v48;
	v4 =	vmul.f32 v55, v13;
	v3 =	vadd.f32 v5, v3  }
0x48b: {  	v58 =	vunpack.i.u.bf16.f32 v51;
	v1 =	vadd.f32 v2, v1;
	v2 =	vmul.f32 v56, v13  }
0x48c: {  	v59 =	vunpack.i.l.bf16.f32 v51;
	v5 =	vmul.f32 v58, v14;
	v3 =	vadd.f32 v4, v3  }
0x48d: {  	v60 =	vunpack.i.u.bf16.f32 v54;
	v1 =	vadd.f32 v2, v1;
	v2 =	vmul.f32 v59, v14  }
0x48e: {  	v61 =	vunpack.i.l.bf16.f32 v54;
	v4 =	vmul.f32 v60, v16;
	v3 =	vadd.f32 v5, v3  }
0x48f: {  	v62 =	vunpack.i.u.bf16.f32 v57;
	v1 =	vadd.f32 v2, v1;
	v2 =	vmul.f32 v61, v16  }
0x490: {  	s13 =	sadd.s32 $0x1, s13;
	v63 =	vunpack.i.l.bf16.f32 v57;
	v5 =	vmul.f32 v62, v15;
	v3 =	vadd.f32 v4, v3  }
0x491: {  	p0 =	sne.s32 s13, $0xA0;
	v1 =	vadd.f32 v2, v1;
	v2 =	vmul.f32 v63, v15  }
.Ltmp13:
0x492: {  	v3 =	vadd.f32 v5, v3;
	(pc) =	sbr.rel @p0 .LBB2_4-.Ltmp13, $4  }
.Ltmp14:
0x493: {  	v1 =	vadd.f32 v2, v1;
	(pc) =	sbr.rel @!p0 .LBB2_23-.Ltmp14, $4  }
0x494: {  	[tilespmem:s1+$0x1A800] =	vst v3  }
0x495: {  	s0 =	sadd.s32 s5, s17;
	s19 =	simm.s32 $0x1A480;
	[tilespmem:s1+$0x1A600] =	vst v1  }
0x496: {  	[hbm4b:s0+s30] =	stream.strided.scatter [tilespmem:s19], [sflag:$0x6], $0x400, s31, s30, $0x38;
	[tilespmem:$0x1FD80] =	vst v63  }
0x497: {  	_ = 	snop  }
.LBB2_5:
.Ltmp15:
0x498: {  	(pc) =	sbr.rel .LBB2_8-.Ltmp15, $2  }
0x499: {  	_ =	sdelay $0x2  }
0x49a: {  	s1 =	simm.s32 $0x0  }
.LBB2_24:
0x49b: {  	_ =	sfence.sel $0x180000  }
0x49c: {  	[bflag:$0x0] =	sbarrier.arrive $0xFFFF  }
0x49d: {  	_ =	strace $0x90000047  }
0x49e: {  	s0 =	stileid.u32;
	[bflag:$0x2] =	sbarrier.arrive $0xFFFF  }
0x49f: {  	p0 =	sne.s32 s0, $0x0;
	s0 =	rddreg [dreg:$0x3]  }
0x4a0: {  	s0 =	sadd.s32 @!p0 $0x100000, s0  }
0x4a1: {  	[sflag:s0] =	ssyncadd.tile.s32 @!p0 $0x1;
	_ =	shalt  }
.Lfunc_end2:
_tile_overlayer_lowered:
.L_overlay_start_2:
0x4a2: {  	(tag) =	ssettag $0x2  }
0x4a3: {  	s0 =	rddreg [dreg:$0x0];
	s2 =	stileid.u32  }
0x4a4: {  	s1 =	rddreg [dreg:$0x1];
	p0 =	sne.s32 s2, $0x0  }
0x4a5: {  	s3 =	rddreg [dreg:$0x2];
	[bflag:$0x3] =	sbarrier.arrive $0xFFFF;
	s2 =	simm.s32 @!p0 $0x1C07  }
0x4a6: {  	[timem:s3], [sflag:s2] =	dma.local @!p0 [hbm:s0], s1  }
0x4a7: {  	s0 =	simm.s32 @!p0 $0x7  }
0x4a8: {  	_ =	swait.ge @!p0 [sflag:s0], s1  }
0x4a9: {  	s1 =	ssub.s32 @!p0 $0x0, s1;
	[sflag:s0] =	ssyncset.done @!p0 $0x0  }
0x4aa: {  	[sflag:s0] =	ssyncadd.s32 @!p0 s1  }
0x4ab: {  	[bflag:$0x3] =	sbarrier.arrive $0xFFFF  }
0x4ac: {  	_ =	shalt  }

</sc_bundles>
